<compile_context>
chip_gen: v7x
topology: tpu7x:2x2x1
jax: 0.10.2.dev20260603
libtpu: 0.0.44.dev20260713+nightly
codegen_flags: <defaults>
</compile_context>

<pallas_src>
import functools

import jax
import jax.numpy as jnp
from jax import lax
from jax.experimental import pallas as pl
from jax.experimental.pallas import tpu as pltpu
from jax.experimental.pallas import tpu_sc as plsc

HIDDEN = 128
LANES = 16
NVREG = HIDDEN // LANES
NC, NS = 2, 16
NW = NC * NS


_GATHER_DNUMS = lax.GatherDimensionNumbers(
    offset_dims=(), collapsed_slice_dims=(0,), start_index_map=(0,))


def _permute(x, idx):
    return lax.gather(x, idx.reshape(LANES, 1), _GATHER_DNUMS, (1,),
                      mode=lax.GatherScatterMode.PROMISE_IN_BOUNDS)


def _hsum(x):
    lane = lax.iota(jnp.int32, LANES)
    for s in (8, 4, 2, 1):
        x = x + _permute(x, lane ^ s)
    return x


def _rsqrt(x):
    i = plsc.bitcast(x, jnp.int32)
    y = plsc.bitcast(jnp.int32(0x5F3759DF) - (i >> 1), jnp.float32)
    for _ in range(2):
        y = y * (1.5 - 0.5 * x * y * y)
    return y


def _tree_sum(vs):
    vs = list(vs)
    while len(vs) > 1:
        vs = [a + b for a, b in zip(vs[0::2], vs[1::2])]
    return vs[0]


def _normalize_row(ref, r):
    vs = [ref[r, pl.ds(j * LANES, LANES)] for j in range(NVREG)]
    mean = _hsum(_tree_sum(vs)) * (1.0 / HIDDEN)
    ds = [v - mean for v in vs]
    var = _hsum(_tree_sum([d * d for d in ds])) * (1.0 / (HIDDEN - 1))
    rstd = _rsqrt(var)
    for j in range(NVREG):
        ref[r, pl.ds(j * LANES, LANES)] = ds[j] * rstd


def _normalize_group(ref, r0, group):
    lane = lax.iota(jnp.int32, LANES)
    vs, s1, s2 = [], [], []
    for k in range(group):
        v = [ref[r0 + k, pl.ds(j * LANES, LANES)] for j in range(NVREG)]
        vs.append(v)
        s1.append(_hsum(_tree_sum(v)))
        s2.append(_hsum(_tree_sum([x * x for x in v])))
    means = [s * (1.0 / HIDDEN) for s in s1]
    varn = [
        (s2[k] - s1[k] * s1[k] * (1.0 / HIDDEN)) * (1.0 / (HIDDEN - 1))
        for k in range(group)
    ]
    pack = varn[0]
    for k in range(1, group):
        pack = jnp.where(lane == k, varn[k], pack)
    rstd_pack = _rsqrt(pack)
    for k in range(group):
        rstd = _permute(rstd_pack, jnp.full((LANES,), k, jnp.int32))
        for j in range(NVREG):
            ref[r0 + k, pl.ds(j * LANES, LANES)] = \
                (vs[k][j] - means[k]) * rstd


def _make_kernel(batch, seq, ws_rows):
    rows = batch * seq
    r_per_w = rows // NW
    chunk = 128
    n_chunks = r_per_w // chunk
    w_per_b = NW // batch
    ws_per_w = ws_rows // NW

    mesh = plsc.VectorSubcoreMesh(core_axis_name="c", subcore_axis_name="s",
                                  num_cores=NC, num_subcores=NS)

    @functools.partial(
        pl.kernel,
        out_type=(
            jax.ShapeDtypeStruct((batch, ws_rows, HIDDEN), jnp.float32),
            jax.ShapeDtypeStruct((batch, seq, HIDDEN), jnp.float32),
        ),
        mesh=mesh,
        compiler_params=pltpu.CompilerParams(needs_layout_passes=False),
        scratch_types=[
            pltpu.VMEM((n_chunks, chunk), jnp.int32),
            pltpu.VMEM((r_per_w, HIDDEN), jnp.float32),
            pltpu.VMEM((ws_per_w, HIDDEN), jnp.float32),
            [pltpu.SemaphoreType.DMA] * 4,
            pltpu.SemaphoreType.DMA,
        ],
    )
    def kern(ids_hbm, ws_hbm, table_hbm, ws_out, emb_out, idx_v, rows_v,
             ws_v, gsems, osem):
        wid = lax.axis_index("s") * NC + lax.axis_index("c")
        b = wid // w_per_b
        off = (wid % w_per_b) * r_per_w

        idx_copies = [
            pltpu.async_copy(ids_hbm.at[b, pl.ds(off + ci * chunk, chunk)],
                             idx_v.at[ci], gsems[2 + ci])
            for ci in range(n_chunks)
        ]
        sub = chunk // 2
        gathers = []
        for ci in range(n_chunks):
            idx_copies[ci].wait()
            for si in range(2):
                gathers.append(pltpu.async_copy(
                    table_hbm.at[idx_v.at[ci, pl.ds(si * sub, sub)]],
                    rows_v.at[pl.ds(ci * chunk + si * sub, sub)],
                    gsems[2 * ci + si]))

        wbase = wid * ws_per_w
        pltpu.sync_copy(ws_hbm.at[0, pl.ds(wbase, ws_per_w)], ws_v)
        for r in range(ws_per_w):
            _normalize_row(ws_v, r)
        ws_outs = [
            pltpu.async_copy(ws_v, ws_out.at[bb, pl.ds(wbase, ws_per_w)],
                             osem)
            for bb in range(batch)
        ]

        emb_outs = []
        unroll = 4
        for gi in range(2 * n_chunks):
            gathers[gi].wait()

            def body(r, _, base=gi * sub):
                _normalize_group(rows_v, base + r * unroll, unroll)
                return _

            lax.fori_loop(0, sub // unroll, body, None)
            emb_outs.append(pltpu.async_copy(
                rows_v.at[pl.ds(gi * sub, sub)],
                emb_out.at[b, pl.ds(off + gi * sub, sub)], osem))

        for c in ws_outs + emb_outs:
            c.wait()

    return kern


def kernel(input_ids, attention_mask, init_workspace, emb_table):
    del attention_mask
    bs, seq = input_ids.shape
    ws_rows = init_workspace.shape[1]
    ids = input_ids.astype(jnp.int32)
    kern = _make_kernel(bs, seq, ws_rows)
    ws_out, emb_out = kern(ids, init_workspace, emb_table)
    return ws_out, emb_out

# --- scband reference (transcript-rebuilt; emitter-appended) ---
"""Pipeline reference for scband-embeddings-2817498546300 (READ-ONLY COPY).

The authoritative reference and input builder live on the scoring server;
editing this copy changes nothing except your own understanding.
"""

import jax, jax.numpy as jnp
import numpy as np

VOCAB = 100000
HIDDEN = 128
WORKSPACE = 128
BATCH = 4
SEQ = 2048


def setup_inputs(seed: int = 0) -> dict:
    key = jax.random.key(seed)
    k1, k2, k3 = jax.random.split(key, 3)
    input_ids = jax.random.randint(k1, (BATCH, SEQ), 0, VOCAB, dtype=jnp.int64 if jax.config.jax_enable_x64 else jnp.int32)
    attention_mask = jnp.ones((BATCH, SEQ), dtype=bool)
    init_workspace = jax.random.normal(k2, (1, WORKSPACE, HIDDEN), dtype=jnp.float32)
    emb_table = jax.random.normal(k3, (VOCAB, HIDDEN), dtype=jnp.float32) * 0.02
    return {
        "input_ids": input_ids,
        "attention_mask": attention_mask,
        "init_workspace": init_workspace,
        "emb_table": emb_table,
    }


def reference(input_ids, attention_mask, init_workspace, emb_table):
    # VariationalNormalEpanechnikovDropout acts as identity at inference time.
    bs = input_ids.shape[0]
    workspace = jnp.tile(init_workspace, (bs, 1, 1))
    embeddings = jnp.take(emb_table, input_ids, axis=0)
    # normalize_embedding (normalize_mask=None path)
    mean_ws = jnp.mean(workspace, axis=-1, keepdims=True)
    std_ws = jnp.std(workspace, axis=-1, keepdims=True, ddof=1)
    mean_emb = jnp.mean(embeddings, axis=-1, keepdims=True)
    std_emb = jnp.std(embeddings, axis=-1, keepdims=True, ddof=1)
    workspace = (workspace - mean_ws) / std_ws
    embeddings = (embeddings - mean_emb) / std_emb
    return (workspace, embeddings)

if __name__ == "__main__":
    import jax
    _d = setup_inputs()
    print(jax.jit(kernel)(*tuple(_d.values())))

</pallas_src>

<mosaic_0001>
#map = affine_map<(d0, d1) -> (0, 0)>
#map1 = affine_map<(d0, d1) -> (0, 0, 0)>
module attributes {stable_mosaic.version = 14 : i64} {
  func.func @kern(%arg0: i32, %arg1: i32, %arg2: memref<4x2048xi32, #tpu.memory_space<hbm>>, %arg3: memref<1x128x128xf32, #tpu.memory_space<hbm>>, %arg4: memref<100000x128xf32, #tpu.memory_space<hbm>>, %arg5: memref<4x128x128xf32, #tpu.memory_space<hbm>>, %arg6: memref<4x2048x128xf32, #tpu.memory_space<hbm>>, %arg7: memref<2x128xi32, #tpu.memory_space<vmem>>, %arg8: memref<256x128xf32, #tpu.memory_space<vmem>>, %arg9: memref<4x128xf32, #tpu.memory_space<vmem>>, %arg10: memref<!tpu.dma_semaphore, #tpu.memory_space<semaphore_mem>>, %arg11: memref<!tpu.dma_semaphore, #tpu.memory_space<semaphore_mem>>, %arg12: memref<!tpu.dma_semaphore, #tpu.memory_space<semaphore_mem>>, %arg13: memref<!tpu.dma_semaphore, #tpu.memory_space<semaphore_mem>>, %arg14: memref<!tpu.dma_semaphore, #tpu.memory_space<semaphore_mem>>) attributes {dimension_semantics = [#tpu.dimension_semantics<core_parallel>, #tpu.dimension_semantics<subcore_parallel>], iteration_bounds = array<i64: 2, 16>, scalar_prefetch = 0 : i64, scratch_operands = 8 : i64, tpu.core_type = #tpu.core_type<sc_vector_subcore>, window_params = [{transform_indices = #map}, {transform_indices = #map1}, {transform_indices = #map}, {transform_indices = #map1}, {transform_indices = #map1}]} {
    %mul3A = arith.constant 2 : i32
    %mul3A_0 = arith.muli %arg1, %mul3A : i32
    %add3A = arith.addi %mul3A_0, %arg0 : i32
    %jit3A = arith.constant 8 : i32
    %div3A = arith.divsi %add3A, %jit3A : i32
    %sign3A = arith.constant 0 : i32
    %sign3A_1 = arith.cmpi sgt, %add3A, %sign3A : i32
    %sign3A_2 = arith.extui %sign3A_1 : i1 to i32
    %sign3A_3 = arith.constant 0 : i32
    %sign3A_4 = arith.cmpi slt, %add3A, %sign3A_3 : i32
    %sign3A_5 = arith.extui %sign3A_4 : i1 to i32
    %sign3A_6 = arith.subi %sign3A_2, %sign3A_5 : i32
    %sign3A_7 = arith.constant 0 : i32
    %sign3A_8 = arith.cmpi sgt, %jit3A, %sign3A_7 : i32
    %sign3A_9 = arith.extui %sign3A_8 : i1 to i32
    %sign3A_10 = arith.constant 0 : i32
    %sign3A_11 = arith.cmpi slt, %jit3A, %sign3A_10 : i32
    %sign3A_12 = arith.extui %sign3A_11 : i1 to i32
    %sign3A_13 = arith.subi %sign3A_9, %sign3A_12 : i32
    %ne3A = arith.cmpi ne, %sign3A_6, %sign3A_13 : i32
    %rem3A = arith.remsi %add3A, %jit3A : i32
    %ne3A_14 = arith.constant 0 : i32
    %ne3A_15 = arith.cmpi ne, %rem3A, %ne3A_14 : i32
    %and3A = arith.andi %ne3A, %ne3A_15 : i1
    %sub3A = arith.constant 1 : i32
    %sub3A_16 = arith.subi %div3A, %sub3A : i32
    %select_n3A = arith.select %and3A, %sub3A_16, %div3A : i32
    %jit3A_17 = arith.constant 8 : i32
    %eq3A = arith.constant 0 : i32
    %eq3A_18 = arith.cmpi eq, %jit3A_17, %eq3A : i32
    %jit3A_19 = arith.constant 1 : i32
    %select_n3A_20 = arith.select %eq3A_18, %jit3A_19, %jit3A_17 : i32
    %rem3A_21 = arith.remsi %add3A, %select_n3A_20 : i32
    %ne3A_22 = arith.constant 0 : i32
    %ne3A_23 = arith.cmpi ne, %rem3A_21, %ne3A_22 : i32
    %lt3A = arith.constant 0 : i32
    %lt3A_24 = arith.cmpi slt, %rem3A_21, %lt3A : i32
    %lt3A_25 = arith.constant 0 : i32
    %lt3A_26 = arith.cmpi slt, %select_n3A_20, %lt3A_25 : i32
    %ne3A_27 = arith.xori %lt3A_24, %lt3A_26 : i1
    %and3A_28 = arith.andi %ne3A_27, %ne3A_23 : i1
    %add3A_29 = arith.addi %rem3A_21, %select_n3A_20 : i32
    %select_n3A_30 = arith.select %and3A_28, %add3A_29, %rem3A_21 : i32
    %mul3A_31 = arith.constant 256 : i32
    %mul3A_32 = arith.muli %select_n3A_30, %mul3A_31 : i32
    %add3A_33 = arith.constant 0 : i32
    %add3A_34 = arith.addi %mul3A_32, %add3A_33 : i32
    %dma_start3A = arith.constant 0 : i32
    %dma_start3A_35 = arith.constant 0 : i32
    %dma_start3A_36 = tpu.memref_slice %arg7[%dma_start3A, %dma_start3A_35] : memref<2x128xi32, #tpu.memory_space<vmem>> -> memref<1x128xi32, #tpu.memory_space<vmem>>
    %dma_start3A_37 = tpu.memref_squeeze %dma_start3A_36 : memref<1x128xi32, #tpu.memory_space<vmem>> -> memref<128xi32, #tpu.memory_space<vmem>>
    %dma_start3A_38 = tpu.memref_slice %arg2[%select_n3A, %add3A_34] : memref<4x2048xi32, #tpu.memory_space<hbm>> -> memref<1x128xi32, #tpu.memory_space<hbm>>
    %dma_start3A_39 = tpu.memref_squeeze %dma_start3A_38 : memref<1x128xi32, #tpu.memory_space<hbm>> -> memref<128xi32, #tpu.memory_space<hbm>>
    %dma_start3A_40 = arith.constant 0 : i32
    %dma_start3A_41 = tpu.memref_slice %arg7[%dma_start3A, %dma_start3A_40] : memref<2x128xi32, #tpu.memory_space<vmem>> -> memref<1x128xi32, #tpu.memory_space<vmem>>
    %dma_start3A_42 = tpu.memref_squeeze %dma_start3A_41 : memref<1x128xi32, #tpu.memory_space<vmem>> -> memref<128xi32, #tpu.memory_space<vmem>>
    %dma_start3A_43 = tpu.memref_slice %arg2[%select_n3A, %add3A_34] : memref<4x2048xi32, #tpu.memory_space<hbm>> -> memref<1x128xi32, #tpu.memory_space<hbm>>
    %dma_start3A_44 = tpu.memref_squeeze %dma_start3A_43 : memref<1x128xi32, #tpu.memory_space<hbm>> -> memref<128xi32, #tpu.memory_space<hbm>>
    tpu.enqueue_dma source(%dma_start3A_44 : memref<128xi32, #tpu.memory_space<hbm>>) target(%dma_start3A_42 : memref<128xi32, #tpu.memory_space<vmem>>) target_semaphore(%arg12 : memref<!tpu.dma_semaphore, #tpu.memory_space<semaphore_mem>>)
    %add3A_45 = arith.constant 128 : i32
    %add3A_46 = arith.addi %mul3A_32, %add3A_45 : i32
    %dma_start3A_47 = arith.constant 1 : i32
    %dma_start3A_48 = arith.constant 0 : i32
    %dma_start3A_49 = tpu.memref_slice %arg7[%dma_start3A_47, %dma_start3A_48] : memref<2x128xi32, #tpu.memory_space<vmem>> -> memref<1x128xi32, #tpu.memory_space<vmem>>
    %dma_start3A_50 = tpu.memref_squeeze %dma_start3A_49 : memref<1x128xi32, #tpu.memory_space<vmem>> -> memref<128xi32, #tpu.memory_space<vmem>>
    %dma_start3A_51 = tpu.memref_slice %arg2[%select_n3A, %add3A_46] : memref<4x2048xi32, #tpu.memory_space<hbm>> -> memref<1x128xi32, #tpu.memory_space<hbm>>
    %dma_start3A_52 = tpu.memref_squeeze %dma_start3A_51 : memref<1x128xi32, #tpu.memory_space<hbm>> -> memref<128xi32, #tpu.memory_space<hbm>>
    %dma_start3A_53 = arith.constant 0 : i32
    %dma_start3A_54 = tpu.memref_slice %arg7[%dma_start3A_47, %dma_start3A_53] : memref<2x128xi32, #tpu.memory_space<vmem>> -> memref<1x128xi32, #tpu.memory_space<vmem>>
    %dma_start3A_55 = tpu.memref_squeeze %dma_start3A_54 : memref<1x128xi32, #tpu.memory_space<vmem>> -> memref<128xi32, #tpu.memory_space<vmem>>
    %dma_start3A_56 = tpu.memref_slice %arg2[%select_n3A, %add3A_46] : memref<4x2048xi32, #tpu.memory_space<hbm>> -> memref<1x128xi32, #tpu.memory_space<hbm>>
    %dma_start3A_57 = tpu.memref_squeeze %dma_start3A_56 : memref<1x128xi32, #tpu.memory_space<hbm>> -> memref<128xi32, #tpu.memory_space<hbm>>
    tpu.enqueue_dma source(%dma_start3A_57 : memref<128xi32, #tpu.memory_space<hbm>>) target(%dma_start3A_55 : memref<128xi32, #tpu.memory_space<vmem>>) target_semaphore(%arg13 : memref<!tpu.dma_semaphore, #tpu.memory_space<semaphore_mem>>)
    %dma_wait3A = arith.constant 0 : i32
    %dma_wait3A_58 = arith.constant 0 : i32
    %dma_wait3A_59 = tpu.memref_slice %arg7[%dma_wait3A, %dma_wait3A_58] : memref<2x128xi32, #tpu.memory_space<vmem>> -> memref<1x128xi32, #tpu.memory_space<vmem>>
    %dma_wait3A_60 = tpu.memref_squeeze %dma_wait3A_59 : memref<1x128xi32, #tpu.memory_space<vmem>> -> memref<128xi32, #tpu.memory_space<vmem>>
    %dma_wait3A_61 = tpu.memref_slice %arg2[%select_n3A, %add3A_34] : memref<4x2048xi32, #tpu.memory_space<hbm>> -> memref<1x128xi32, #tpu.memory_space<hbm>>
    %dma_wait3A_62 = tpu.memref_squeeze %dma_wait3A_61 : memref<1x128xi32, #tpu.memory_space<hbm>> -> memref<128xi32, #tpu.memory_space<hbm>>
    %dma_wait3A_63 = arith.constant 0 : i32
    %dma_wait3A_64 = tpu.memref_slice %arg7[%dma_wait3A, %dma_wait3A_63] : memref<2x128xi32, #tpu.memory_space<vmem>> -> memref<1x128xi32, #tpu.memory_space<vmem>>
    %dma_wait3A_65 = tpu.memref_squeeze %dma_wait3A_64 : memref<1x128xi32, #tpu.memory_space<vmem>> -> memref<128xi32, #tpu.memory_space<vmem>>
    %dma_wait3A_66 = tpu.memref_slice %arg2[%select_n3A, %add3A_34] : memref<4x2048xi32, #tpu.memory_space<hbm>> -> memref<1x128xi32, #tpu.memory_space<hbm>>
    %dma_wait3A_67 = tpu.memref_squeeze %dma_wait3A_66 : memref<1x128xi32, #tpu.memory_space<hbm>> -> memref<128xi32, #tpu.memory_space<hbm>>
    tpu.wait_dma2 semaphore(%arg12 : memref<!tpu.dma_semaphore, #tpu.memory_space<semaphore_mem>>) src(%dma_wait3A_67 : memref<128xi32, #tpu.memory_space<hbm>>) dst(%dma_wait3A_65 : memref<128xi32, #tpu.memory_space<vmem>>)
    %dma_start3A_68 = arith.constant 0 : i32
    %dma_start3A_69 = arith.constant 0 : i32
    %dma_start3A_70 = arith.constant 0 : i32
    %dma_start3A_71 = tpu.memref_slice %arg8[%dma_start3A_69, %dma_start3A_70] : memref<256x128xf32, #tpu.memory_space<vmem>> -> memref<64x128xf32, #tpu.memory_space<vmem>>
    %dma_start3A_72 = arith.constant 0 : i32
    %dma_start3A_73 = tpu.memref_slice %arg7[%dma_start3A_68, %dma_start3A_72] : memref<2x128xi32, #tpu.memory_space<vmem>> -> memref<1x64xi32, #tpu.memory_space<vmem>>
    %dma_start3A_74 = tpu.memref_squeeze %dma_start3A_73 : memref<1x64xi32, #tpu.memory_space<vmem>> -> memref<64xi32, #tpu.memory_space<vmem>>
    %dma_start3A_75 = arith.constant 0 : i32
    %dma_start3A_76 = arith.constant 0 : i32
    %dma_start3A_77 = tpu.memref_slice %arg4[%dma_start3A_75, %dma_start3A_76] : memref<100000x128xf32, #tpu.memory_space<hbm>> -> memref<100000x128xf32, #tpu.memory_space<hbm>>
    tpu.enqueue_indirect_dma source(%dma_start3A_77 : memref<100000x128xf32, #tpu.memory_space<hbm>>) target(%dma_start3A_71 : memref<64x128xf32, #tpu.memory_space<vmem>>) offsets(%dma_start3A_74 : memref<64xi32, #tpu.memory_space<vmem>>) semaphore(%arg10 : memref<!tpu.dma_semaphore, #tpu.memory_space<semaphore_mem>>)
    %dma_start3A_78 = arith.constant 0 : i32
    %dma_start3A_79 = arith.constant 64 : i32
    %dma_start3A_80 = arith.constant 0 : i32
    %dma_start3A_81 = tpu.memref_slice %arg8[%dma_start3A_79, %dma_start3A_80] : memref<256x128xf32, #tpu.memory_space<vmem>> -> memref<64x128xf32, #tpu.memory_space<vmem>>
    %dma_start3A_82 = arith.constant 64 : i32
    %dma_start3A_83 = tpu.memref_slice %arg7[%dma_start3A_78, %dma_start3A_82] : memref<2x128xi32, #tpu.memory_space<vmem>> -> memref<1x64xi32, #tpu.memory_space<vmem>>
    %dma_start3A_84 = tpu.memref_squeeze %dma_start3A_83 : memref<1x64xi32, #tpu.memory_space<vmem>> -> memref<64xi32, #tpu.memory_space<vmem>>
    %dma_start3A_85 = arith.constant 0 : i32
    %dma_start3A_86 = arith.constant 0 : i32
    %dma_start3A_87 = tpu.memref_slice %arg4[%dma_start3A_85, %dma_start3A_86] : memref<100000x128xf32, #tpu.memory_space<hbm>> -> memref<100000x128xf32, #tpu.memory_space<hbm>>
    tpu.enqueue_indirect_dma source(%dma_start3A_87 : memref<100000x128xf32, #tpu.memory_space<hbm>>) target(%dma_start3A_81 : memref<64x128xf32, #tpu.memory_space<vmem>>) offsets(%dma_start3A_84 : memref<64xi32, #tpu.memory_space<vmem>>) semaphore(%arg11 : memref<!tpu.dma_semaphore, #tpu.memory_space<semaphore_mem>>)
    %dma_wait3A_88 = arith.constant 1 : i32
    %dma_wait3A_89 = arith.constant 0 : i32
    %dma_wait3A_90 = tpu.memref_slice %arg7[%dma_wait3A_88, %dma_wait3A_89] : memref<2x128xi32, #tpu.memory_space<vmem>> -> memref<1x128xi32, #tpu.memory_space<vmem>>
    %dma_wait3A_91 = tpu.memref_squeeze %dma_wait3A_90 : memref<1x128xi32, #tpu.memory_space<vmem>> -> memref<128xi32, #tpu.memory_space<vmem>>
    %dma_wait3A_92 = tpu.memref_slice %arg2[%select_n3A, %add3A_46] : memref<4x2048xi32, #tpu.memory_space<hbm>> -> memref<1x128xi32, #tpu.memory_space<hbm>>
    %dma_wait3A_93 = tpu.memref_squeeze %dma_wait3A_92 : memref<1x128xi32, #tpu.memory_space<hbm>> -> memref<128xi32, #tpu.memory_space<hbm>>
    %dma_wait3A_94 = arith.constant 0 : i32
    %dma_wait3A_95 = tpu.memref_slice %arg7[%dma_wait3A_88, %dma_wait3A_94] : memref<2x128xi32, #tpu.memory_space<vmem>> -> memref<1x128xi32, #tpu.memory_space<vmem>>
    %dma_wait3A_96 = tpu.memref_squeeze %dma_wait3A_95 : memref<1x128xi32, #tpu.memory_space<vmem>> -> memref<128xi32, #tpu.memory_space<vmem>>
    %dma_wait3A_97 = tpu.memref_slice %arg2[%select_n3A, %add3A_46] : memref<4x2048xi32, #tpu.memory_space<hbm>> -> memref<1x128xi32, #tpu.memory_space<hbm>>
    %dma_wait3A_98 = tpu.memref_squeeze %dma_wait3A_97 : memref<1x128xi32, #tpu.memory_space<hbm>> -> memref<128xi32, #tpu.memory_space<hbm>>
    tpu.wait_dma2 semaphore(%arg13 : memref<!tpu.dma_semaphore, #tpu.memory_space<semaphore_mem>>) src(%dma_wait3A_98 : memref<128xi32, #tpu.memory_space<hbm>>) dst(%dma_wait3A_96 : memref<128xi32, #tpu.memory_space<vmem>>)
    %dma_start3A_99 = arith.constant 1 : i32
    %dma_start3A_100 = arith.constant 128 : i32
    %dma_start3A_101 = arith.constant 0 : i32
    %dma_start3A_102 = tpu.memref_slice %arg8[%dma_start3A_100, %dma_start3A_101] : memref<256x128xf32, #tpu.memory_space<vmem>> -> memref<64x128xf32, #tpu.memory_space<vmem>>
    %dma_start3A_103 = arith.constant 0 : i32
    %dma_start3A_104 = tpu.memref_slice %arg7[%dma_start3A_99, %dma_start3A_103] : memref<2x128xi32, #tpu.memory_space<vmem>> -> memref<1x64xi32, #tpu.memory_space<vmem>>
    %dma_start3A_105 = tpu.memref_squeeze %dma_start3A_104 : memref<1x64xi32, #tpu.memory_space<vmem>> -> memref<64xi32, #tpu.memory_space<vmem>>
    %dma_start3A_106 = arith.constant 0 : i32
    %dma_start3A_107 = arith.constant 0 : i32
    %dma_start3A_108 = tpu.memref_slice %arg4[%dma_start3A_106, %dma_start3A_107] : memref<100000x128xf32, #tpu.memory_space<hbm>> -> memref<100000x128xf32, #tpu.memory_space<hbm>>
    tpu.enqueue_indirect_dma source(%dma_start3A_108 : memref<100000x128xf32, #tpu.memory_space<hbm>>) target(%dma_start3A_102 : memref<64x128xf32, #tpu.memory_space<vmem>>) offsets(%dma_start3A_105 : memref<64xi32, #tpu.memory_space<vmem>>) semaphore(%arg12 : memref<!tpu.dma_semaphore, #tpu.memory_space<semaphore_mem>>)
    %dma_start3A_109 = arith.constant 1 : i32
    %dma_start3A_110 = arith.constant 192 : i32
    %dma_start3A_111 = arith.constant 0 : i32
    %dma_start3A_112 = tpu.memref_slice %arg8[%dma_start3A_110, %dma_start3A_111] : memref<256x128xf32, #tpu.memory_space<vmem>> -> memref<64x128xf32, #tpu.memory_space<vmem>>
    %dma_start3A_113 = arith.constant 64 : i32
    %dma_start3A_114 = tpu.memref_slice %arg7[%dma_start3A_109, %dma_start3A_113] : memref<2x128xi32, #tpu.memory_space<vmem>> -> memref<1x64xi32, #tpu.memory_space<vmem>>
    %dma_start3A_115 = tpu.memref_squeeze %dma_start3A_114 : memref<1x64xi32, #tpu.memory_space<vmem>> -> memref<64xi32, #tpu.memory_space<vmem>>
    %dma_start3A_116 = arith.constant 0 : i32
    %dma_start3A_117 = arith.constant 0 : i32
    %dma_start3A_118 = tpu.memref_slice %arg4[%dma_start3A_116, %dma_start3A_117] : memref<100000x128xf32, #tpu.memory_space<hbm>> -> memref<100000x128xf32, #tpu.memory_space<hbm>>
    tpu.enqueue_indirect_dma source(%dma_start3A_118 : memref<100000x128xf32, #tpu.memory_space<hbm>>) target(%dma_start3A_112 : memref<64x128xf32, #tpu.memory_space<vmem>>) offsets(%dma_start3A_115 : memref<64xi32, #tpu.memory_space<vmem>>) semaphore(%arg13 : memref<!tpu.dma_semaphore, #tpu.memory_space<semaphore_mem>>)
    %mul3A_119 = arith.constant 4 : i32
    %mul3A_120 = arith.muli %add3A, %mul3A_119 : i32
    %run_scoped3A = arith.constant 0 : i32
    "tpu.region"() ({
      %run_scoped3A_1100 = tpu.sem_alloc : memref<!tpu.dma_semaphore, #tpu.memory_space<semaphore_mem>>
      %dma_start3A_1101 = arith.constant 0 : i32
      %dma_start3A_1102 = tpu.memref_slice %arg3[%run_scoped3A, %mul3A_120, %dma_start3A_1101] : memref<1x128x128xf32, #tpu.memory_space<hbm>> -> memref<1x4x128xf32, #tpu.memory_space<hbm>>
      %dma_start3A_1103 = tpu.memref_squeeze %dma_start3A_1102 : memref<1x4x128xf32, #tpu.memory_space<hbm>> -> memref<4x128xf32, #tpu.memory_space<hbm>>
      %dma_start3A_1104 = arith.constant 0 : i32
      %dma_start3A_1105 = tpu.memref_slice %arg3[%run_scoped3A, %mul3A_120, %dma_start3A_1104] : memref<1x128x128xf32, #tpu.memory_space<hbm>> -> memref<1x4x128xf32, #tpu.memory_space<hbm>>
      %dma_start3A_1106 = tpu.memref_squeeze %dma_start3A_1105 : memref<1x4x128xf32, #tpu.memory_space<hbm>> -> memref<4x128xf32, #tpu.memory_space<hbm>>
      tpu.enqueue_dma source(%dma_start3A_1106 : memref<4x128xf32, #tpu.memory_space<hbm>>) target(%arg9 : memref<4x128xf32, #tpu.memory_space<vmem>>) target_semaphore(%run_scoped3A_1100 : memref<!tpu.dma_semaphore, #tpu.memory_space<semaphore_mem>>)
      %dma_wait3A_1107 = arith.constant 0 : i32
      %dma_wait3A_1108 = tpu.memref_slice %arg3[%run_scoped3A, %mul3A_120, %dma_wait3A_1107] : memref<1x128x128xf32, #tpu.memory_space<hbm>> -> memref<1x4x128xf32, #tpu.memory_space<hbm>>
      %dma_wait3A_1109 = tpu.memref_squeeze %dma_wait3A_1108 : memref<1x4x128xf32, #tpu.memory_space<hbm>> -> memref<4x128xf32, #tpu.memory_space<hbm>>
      %dma_wait3A_1110 = arith.constant 0 : i32
      %dma_wait3A_1111 = tpu.memref_slice %arg3[%run_scoped3A, %mul3A_120, %dma_wait3A_1110] : memref<1x128x128xf32, #tpu.memory_space<hbm>> -> memref<1x4x128xf32, #tpu.memory_space<hbm>>
      %dma_wait3A_1112 = tpu.memref_squeeze %dma_wait3A_1111 : memref<1x4x128xf32, #tpu.memory_space<hbm>> -> memref<4x128xf32, #tpu.memory_space<hbm>>
      tpu.wait_dma2 semaphore(%run_scoped3A_1100 : memref<!tpu.dma_semaphore, #tpu.memory_space<semaphore_mem>>) src(%dma_wait3A_1112 : memref<4x128xf32, #tpu.memory_space<hbm>>) dst(%arg9 : memref<4x128xf32, #tpu.memory_space<vmem>>)
      tpu.yield
    }) : () -> ()
    %get3A = arith.constant 0 : i32
    %get3A_121 = arith.index_cast %get3A : i32 to index
    %get3A_122 = arith.constant 0 : index
    %get3A_123 = tpu.vector_load %arg9[%get3A_121, %get3A_122] {strides = array<i32>} : memref<4x128xf32, #tpu.memory_space<vmem>>, vector<16xf32>,
    %get3A_124 = arith.constant 0 : i32
    %get3A_125 = arith.index_cast %get3A_124 : i32 to index
    %get3A_126 = arith.constant 16 : index
    %get3A_127 = tpu.vector_load %arg9[%get3A_125, %get3A_126] {strides = array<i32>} : memref<4x128xf32, #tpu.memory_space<vmem>>, vector<16xf32>,
    %get3A_128 = arith.constant 0 : i32
    %get3A_129 = arith.index_cast %get3A_128 : i32 to index
    %get3A_130 = arith.constant 32 : index
    %get3A_131 = tpu.vector_load %arg9[%get3A_129, %get3A_130] {strides = array<i32>} : memref<4x128xf32, #tpu.memory_space<vmem>>, vector<16xf32>,
    %get3A_132 = arith.constant 0 : i32
    %get3A_133 = arith.index_cast %get3A_132 : i32 to index
    %get3A_134 = arith.constant 48 : index
    %get3A_135 = tpu.vector_load %arg9[%get3A_133, %get3A_134] {strides = array<i32>} : memref<4x128xf32, #tpu.memory_space<vmem>>, vector<16xf32>,
    %get3A_136 = arith.constant 0 : i32
    %get3A_137 = arith.index_cast %get3A_136 : i32 to index
    %get3A_138 = arith.constant 64 : index
    %get3A_139 = tpu.vector_load %arg9[%get3A_137, %get3A_138] {strides = array<i32>} : memref<4x128xf32, #tpu.memory_space<vmem>>, vector<16xf32>,
    %get3A_140 = arith.constant 0 : i32
    %get3A_141 = arith.index_cast %get3A_140 : i32 to index
    %get3A_142 = arith.constant 80 : index
    %get3A_143 = tpu.vector_load %arg9[%get3A_141, %get3A_142] {strides = array<i32>} : memref<4x128xf32, #tpu.memory_space<vmem>>, vector<16xf32>,
    %get3A_144 = arith.constant 0 : i32
    %get3A_145 = arith.index_cast %get3A_144 : i32 to index
    %get3A_146 = arith.constant 96 : index
    %get3A_147 = tpu.vector_load %arg9[%get3A_145, %get3A_146] {strides = array<i32>} : memref<4x128xf32, #tpu.memory_space<vmem>>, vector<16xf32>,
    %get3A_148 = arith.constant 0 : i32
    %get3A_149 = arith.index_cast %get3A_148 : i32 to index
    %get3A_150 = arith.constant 112 : index
    %get3A_151 = tpu.vector_load %arg9[%get3A_149, %get3A_150] {strides = array<i32>} : memref<4x128xf32, #tpu.memory_space<vmem>>, vector<16xf32>,
    %add3A_152 = arith.addf %get3A_123, %get3A_127 : vector<16xf32>
    %add3A_153 = arith.addf %get3A_131, %get3A_135 : vector<16xf32>
    %add3A_154 = arith.addf %get3A_139, %get3A_143 : vector<16xf32>
    %add3A_155 = arith.addf %get3A_147, %get3A_151 : vector<16xf32>
    %add3A_156 = arith.addf %add3A_152, %add3A_153 : vector<16xf32>
    %add3A_157 = arith.addf %add3A_154, %add3A_155 : vector<16xf32>
    %add3A_158 = arith.addf %add3A_156, %add3A_157 : vector<16xf32>
    %iota3A = tpu.iota {dimensions = array<i32: 0>} : vector<16xi32>
    %xor3A = arith.constant 8 : i32
    %xor3A_159 = vector.broadcast %xor3A : i32 to vector<16xi32>
    %xor3A_160 = arith.xori %iota3A, %xor3A_159 : vector<16xi32>
    %reshape3A = vector.shape_cast %xor3A_160 : vector<16xi32> to vector<16x1xi32>
    %gather3A = vector.shape_cast %reshape3A : vector<16x1xi32> to vector<16xi32>
    %gather3A_161 = tpu.dynamic_gather %add3A_158[%gather3A] in [0] : vector<16xf32>, vector<16xi32> -> vector<16xf32>
    %add3A_162 = arith.addf %add3A_158, %gather3A_161 : vector<16xf32>
    %xor3A_163 = arith.constant 4 : i32
    %xor3A_164 = vector.broadcast %xor3A_163 : i32 to vector<16xi32>
    %xor3A_165 = arith.xori %iota3A, %xor3A_164 : vector<16xi32>
    %reshape3A_166 = vector.shape_cast %xor3A_165 : vector<16xi32> to vector<16x1xi32>
    %gather3A_167 = vector.shape_cast %reshape3A_166 : vector<16x1xi32> to vector<16xi32>
    %gather3A_168 = tpu.dynamic_gather %add3A_162[%gather3A_167] in [0] : vector<16xf32>, vector<16xi32> -> vector<16xf32>
    %add3A_169 = arith.addf %add3A_162, %gather3A_168 : vector<16xf32>
    %xor3A_170 = arith.constant 2 : i32
    %xor3A_171 = vector.broadcast %xor3A_170 : i32 to vector<16xi32>
    %xor3A_172 = arith.xori %iota3A, %xor3A_171 : vector<16xi32>
    %reshape3A_173 = vector.shape_cast %xor3A_172 : vector<16xi32> to vector<16x1xi32>
    %gather3A_174 = vector.shape_cast %reshape3A_173 : vector<16x1xi32> to vector<16xi32>
    %gather3A_175 = tpu.dynamic_gather %add3A_169[%gather3A_174] in [0] : vector<16xf32>, vector<16xi32> -> vector<16xf32>
    %add3A_176 = arith.addf %add3A_169, %gather3A_175 : vector<16xf32>
    %xor3A_177 = arith.constant 1 : i32
    %xor3A_178 = vector.broadcast %xor3A_177 : i32 to vector<16xi32>
    %xor3A_179 = arith.xori %iota3A, %xor3A_178 : vector<16xi32>
    %reshape3A_180 = vector.shape_cast %xor3A_179 : vector<16xi32> to vector<16x1xi32>
    %gather3A_181 = vector.shape_cast %reshape3A_180 : vector<16x1xi32> to vector<16xi32>
    %gather3A_182 = tpu.dynamic_gather %add3A_176[%gather3A_181] in [0] : vector<16xf32>, vector<16xi32> -> vector<16xf32>
    %add3A_183 = arith.addf %add3A_176, %gather3A_182 : vector<16xf32>
    %mul3A_184 = arith.constant 7.812500e-03 : f32
    %mul3A_185 = vector.broadcast %mul3A_184 : f32 to vector<16xf32>
    %mul3A_186 = arith.mulf %add3A_183, %mul3A_185 : vector<16xf32>
    %sub3A_187 = arith.subf %get3A_123, %mul3A_186 : vector<16xf32>
    %sub3A_188 = arith.subf %get3A_127, %mul3A_186 : vector<16xf32>
    %sub3A_189 = arith.subf %get3A_131, %mul3A_186 : vector<16xf32>
    %sub3A_190 = arith.subf %get3A_135, %mul3A_186 : vector<16xf32>
    %sub3A_191 = arith.subf %get3A_139, %mul3A_186 : vector<16xf32>
    %sub3A_192 = arith.subf %get3A_143, %mul3A_186 : vector<16xf32>
    %sub3A_193 = arith.subf %get3A_147, %mul3A_186 : vector<16xf32>
    %sub3A_194 = arith.subf %get3A_151, %mul3A_186 : vector<16xf32>
    %mul3A_195 = arith.mulf %sub3A_187, %sub3A_187 : vector<16xf32>
    %mul3A_196 = arith.mulf %sub3A_188, %sub3A_188 : vector<16xf32>
    %mul3A_197 = arith.mulf %sub3A_189, %sub3A_189 : vector<16xf32>
    %mul3A_198 = arith.mulf %sub3A_190, %sub3A_190 : vector<16xf32>
    %mul3A_199 = arith.mulf %sub3A_191, %sub3A_191 : vector<16xf32>
    %mul3A_200 = arith.mulf %sub3A_192, %sub3A_192 : vector<16xf32>
    %mul3A_201 = arith.mulf %sub3A_193, %sub3A_193 : vector<16xf32>
    %mul3A_202 = arith.mulf %sub3A_194, %sub3A_194 : vector<16xf32>
    %add3A_203 = arith.addf %mul3A_195, %mul3A_196 : vector<16xf32>
    %add3A_204 = arith.addf %mul3A_197, %mul3A_198 : vector<16xf32>
    %add3A_205 = arith.addf %mul3A_199, %mul3A_200 : vector<16xf32>
    %add3A_206 = arith.addf %mul3A_201, %mul3A_202 : vector<16xf32>
    %add3A_207 = arith.addf %add3A_203, %add3A_204 : vector<16xf32>
    %add3A_208 = arith.addf %add3A_205, %add3A_206 : vector<16xf32>
    %add3A_209 = arith.addf %add3A_207, %add3A_208 : vector<16xf32>
    %iota3A_210 = tpu.iota {dimensions = array<i32: 0>} : vector<16xi32>
    %xor3A_211 = arith.constant 8 : i32
    %xor3A_212 = vector.broadcast %xor3A_211 : i32 to vector<16xi32>
    %xor3A_213 = arith.xori %iota3A_210, %xor3A_212 : vector<16xi32>
    %reshape3A_214 = vector.shape_cast %xor3A_213 : vector<16xi32> to vector<16x1xi32>
    %gather3A_215 = vector.shape_cast %reshape3A_214 : vector<16x1xi32> to vector<16xi32>
    %gather3A_216 = tpu.dynamic_gather %add3A_209[%gather3A_215] in [0] : vector<16xf32>, vector<16xi32> -> vector<16xf32>
    %add3A_217 = arith.addf %add3A_209, %gather3A_216 : vector<16xf32>
    %xor3A_218 = arith.constant 4 : i32
    %xor3A_219 = vector.broadcast %xor3A_218 : i32 to vector<16xi32>
    %xor3A_220 = arith.xori %iota3A_210, %xor3A_219 : vector<16xi32>
    %reshape3A_221 = vector.shape_cast %xor3A_220 : vector<16xi32> to vector<16x1xi32>
    %gather3A_222 = vector.shape_cast %reshape3A_221 : vector<16x1xi32> to vector<16xi32>
    %gather3A_223 = tpu.dynamic_gather %add3A_217[%gather3A_222] in [0] : vector<16xf32>, vector<16xi32> -> vector<16xf32>
    %add3A_224 = arith.addf %add3A_217, %gather3A_223 : vector<16xf32>
    %xor3A_225 = arith.constant 2 : i32
    %xor3A_226 = vector.broadcast %xor3A_225 : i32 to vector<16xi32>
    %xor3A_227 = arith.xori %iota3A_210, %xor3A_226 : vector<16xi32>
    %reshape3A_228 = vector.shape_cast %xor3A_227 : vector<16xi32> to vector<16x1xi32>
    %gather3A_229 = vector.shape_cast %reshape3A_228 : vector<16x1xi32> to vector<16xi32>
    %gather3A_230 = tpu.dynamic_gather %add3A_224[%gather3A_229] in [0] : vector<16xf32>, vector<16xi32> -> vector<16xf32>
    %add3A_231 = arith.addf %add3A_224, %gather3A_230 : vector<16xf32>
    %xor3A_232 = arith.constant 1 : i32
    %xor3A_233 = vector.broadcast %xor3A_232 : i32 to vector<16xi32>
    %xor3A_234 = arith.xori %iota3A_210, %xor3A_233 : vector<16xi32>
    %reshape3A_235 = vector.shape_cast %xor3A_234 : vector<16xi32> to vector<16x1xi32>
    %gather3A_236 = vector.shape_cast %reshape3A_235 : vector<16x1xi32> to vector<16xi32>
    %gather3A_237 = tpu.dynamic_gather %add3A_231[%gather3A_236] in [0] : vector<16xf32>, vector<16xi32> -> vector<16xf32>
    %add3A_238 = arith.addf %add3A_231, %gather3A_237 : vector<16xf32>
    %mul3A_239 = arith.constant 0.00787401571 : f32
    %mul3A_240 = vector.broadcast %mul3A_239 : f32 to vector<16xf32>
    %mul3A_241 = arith.mulf %add3A_238, %mul3A_240 : vector<16xf32>
    %bitcast3A = vector.bitcast %mul3A_241 : vector<16xf32> to vector<16xi32>
    %shift_right_arithmetic3A = arith.constant 1 : i32
    %shift_right_arithmetic3A_242 = vector.broadcast %shift_right_arithmetic3A : i32 to vector<16xi32>
    %shift_right_arithmetic3A_243 = arith.shrsi %bitcast3A, %shift_right_arithmetic3A_242 : vector<16xi32>
    %sub3A_244 = arith.constant 1597463007 : i32
    %sub3A_245 = vector.broadcast %sub3A_244 : i32 to vector<16xi32>
    %sub3A_246 = arith.subi %sub3A_245, %shift_right_arithmetic3A_243 : vector<16xi32>
    %bitcast3A_247 = vector.bitcast %sub3A_246 : vector<16xi32> to vector<16xf32>
    %mul3A_248 = arith.constant 5.000000e-01 : f32
    %mul3A_249 = vector.broadcast %mul3A_248 : f32 to vector<16xf32>
    %mul3A_250 = arith.mulf %mul3A_249, %mul3A_241 : vector<16xf32>
    %mul3A_251 = arith.mulf %mul3A_250, %bitcast3A_247 : vector<16xf32>
    %mul3A_252 = arith.mulf %mul3A_251, %bitcast3A_247 : vector<16xf32>
    %sub3A_253 = arith.constant 1.500000e+00 : f32
    %sub3A_254 = vector.broadcast %sub3A_253 : f32 to vector<16xf32>
    %sub3A_255 = arith.subf %sub3A_254, %mul3A_252 : vector<16xf32>
    %mul3A_256 = arith.mulf %bitcast3A_247, %sub3A_255 : vector<16xf32>
    %mul3A_257 = arith.constant 5.000000e-01 : f32
    %mul3A_258 = vector.broadcast %mul3A_257 : f32 to vector<16xf32>
    %mul3A_259 = arith.mulf %mul3A_258, %mul3A_241 : vector<16xf32>
    %mul3A_260 = arith.mulf %mul3A_259, %mul3A_256 : vector<16xf32>
    %mul3A_261 = arith.mulf %mul3A_260, %mul3A_256 : vector<16xf32>
    %sub3A_262 = arith.constant 1.500000e+00 : f32
    %sub3A_263 = vector.broadcast %sub3A_262 : f32 to vector<16xf32>
    %sub3A_264 = arith.subf %sub3A_263, %mul3A_261 : vector<16xf32>
    %mul3A_265 = arith.mulf %mul3A_256, %sub3A_264 : vector<16xf32>
    %mul3A_266 = arith.mulf %sub3A_187, %mul3A_265 : vector<16xf32>
    %swap3A = arith.constant 0 : i32
    %swap3A_267 = arith.index_cast %swap3A : i32 to index
    %swap3A_268 = arith.constant 0 : index
    %swap3A_269 = tpu.vector_load %arg9[%swap3A_267, %swap3A_268] {strides = array<i32>} : memref<4x128xf32, #tpu.memory_space<vmem>>, vector<16xf32>,
    tpu.vector_store %arg9[%swap3A_267, %swap3A_268], %mul3A_266 {strides = array<i32>} : memref<4x128xf32, #tpu.memory_space<vmem>>, vector<16xf32>,
    %mul3A_270 = arith.mulf %sub3A_188, %mul3A_265 : vector<16xf32>
    %swap3A_271 = arith.constant 0 : i32
    %swap3A_272 = arith.index_cast %swap3A_271 : i32 to index
    %swap3A_273 = arith.constant 16 : index
    %swap3A_274 = tpu.vector_load %arg9[%swap3A_272, %swap3A_273] {strides = array<i32>} : memref<4x128xf32, #tpu.memory_space<vmem>>, vector<16xf32>,
    tpu.vector_store %arg9[%swap3A_272, %swap3A_273], %mul3A_270 {strides = array<i32>} : memref<4x128xf32, #tpu.memory_space<vmem>>, vector<16xf32>,
    %mul3A_275 = arith.mulf %sub3A_189, %mul3A_265 : vector<16xf32>
    %swap3A_276 = arith.constant 0 : i32
    %swap3A_277 = arith.index_cast %swap3A_276 : i32 to index
    %swap3A_278 = arith.constant 32 : index
    %swap3A_279 = tpu.vector_load %arg9[%swap3A_277, %swap3A_278] {strides = array<i32>} : memref<4x128xf32, #tpu.memory_space<vmem>>, vector<16xf32>,
    tpu.vector_store %arg9[%swap3A_277, %swap3A_278], %mul3A_275 {strides = array<i32>} : memref<4x128xf32, #tpu.memory_space<vmem>>, vector<16xf32>,
    %mul3A_280 = arith.mulf %sub3A_190, %mul3A_265 : vector<16xf32>
    %swap3A_281 = arith.constant 0 : i32
    %swap3A_282 = arith.index_cast %swap3A_281 : i32 to index
    %swap3A_283 = arith.constant 48 : index
    %swap3A_284 = tpu.vector_load %arg9[%swap3A_282, %swap3A_283] {strides = array<i32>} : memref<4x128xf32, #tpu.memory_space<vmem>>, vector<16xf32>,
    tpu.vector_store %arg9[%swap3A_282, %swap3A_283], %mul3A_280 {strides = array<i32>} : memref<4x128xf32, #tpu.memory_space<vmem>>, vector<16xf32>,
    %mul3A_285 = arith.mulf %sub3A_191, %mul3A_265 : vector<16xf32>
    %swap3A_286 = arith.constant 0 : i32
    %swap3A_287 = arith.index_cast %swap3A_286 : i32 to index
    %swap3A_288 = arith.constant 64 : index
    %swap3A_289 = tpu.vector_load %arg9[%swap3A_287, %swap3A_288] {strides = array<i32>} : memref<4x128xf32, #tpu.memory_space<vmem>>, vector<16xf32>,
    tpu.vector_store %arg9[%swap3A_287, %swap3A_288], %mul3A_285 {strides = array<i32>} : memref<4x128xf32, #tpu.memory_space<vmem>>, vector<16xf32>,
    %mul3A_290 = arith.mulf %sub3A_192, %mul3A_265 : vector<16xf32>
    %swap3A_291 = arith.constant 0 : i32
    %swap3A_292 = arith.index_cast %swap3A_291 : i32 to index
    %swap3A_293 = arith.constant 80 : index
    %swap3A_294 = tpu.vector_load %arg9[%swap3A_292, %swap3A_293] {strides = array<i32>} : memref<4x128xf32, #tpu.memory_space<vmem>>, vector<16xf32>,
    tpu.vector_store %arg9[%swap3A_292, %swap3A_293], %mul3A_290 {strides = array<i32>} : memref<4x128xf32, #tpu.memory_space<vmem>>, vector<16xf32>,
    %mul3A_295 = arith.mulf %sub3A_193, %mul3A_265 : vector<16xf32>
    %swap3A_296 = arith.constant 0 : i32
    %swap3A_297 = arith.index_cast %swap3A_296 : i32 to index
    %swap3A_298 = arith.constant 96 : index
    %swap3A_299 = tpu.vector_load %arg9[%swap3A_297, %swap3A_298] {strides = array<i32>} : memref<4x128xf32, #tpu.memory_space<vmem>>, vector<16xf32>,
    tpu.vector_store %arg9[%swap3A_297, %swap3A_298], %mul3A_295 {strides = array<i32>} : memref<4x128xf32, #tpu.memory_space<vmem>>, vector<16xf32>,
    %mul3A_300 = arith.mulf %sub3A_194, %mul3A_265 : vector<16xf32>
    %swap3A_301 = arith.constant 0 : i32
    %swap3A_302 = arith.index_cast %swap3A_301 : i32 to index
    %swap3A_303 = arith.constant 112 : index
    %swap3A_304 = tpu.vector_load %arg9[%swap3A_302, %swap3A_303] {strides = array<i32>} : memref<4x128xf32, #tpu.memory_space<vmem>>, vector<16xf32>,
    tpu.vector_store %arg9[%swap3A_302, %swap3A_303], %mul3A_300 {strides = array<i32>} : memref<4x128xf32, #tpu.memory_space<vmem>>, vector<16xf32>,
    %get3A_305 = arith.constant 1 : i32
    %get3A_306 = arith.index_cast %get3A_305 : i32 to index
    %get3A_307 = arith.constant 0 : index
    %get3A_308 = tpu.vector_load %arg9[%get3A_306, %get3A_307] {strides = array<i32>} : memref<4x128xf32, #tpu.memory_space<vmem>>, vector<16xf32>,
    %get3A_309 = arith.constant 1 : i32
    %get3A_310 = arith.index_cast %get3A_309 : i32 to index
    %get3A_311 = arith.constant 16 : index
    %get3A_312 = tpu.vector_load %arg9[%get3A_310, %get3A_311] {strides = array<i32>} : memref<4x128xf32, #tpu.memory_space<vmem>>, vector<16xf32>,
    %get3A_313 = arith.constant 1 : i32
    %get3A_314 = arith.index_cast %get3A_313 : i32 to index
    %get3A_315 = arith.constant 32 : index
    %get3A_316 = tpu.vector_load %arg9[%get3A_314, %get3A_315] {strides = array<i32>} : memref<4x128xf32, #tpu.memory_space<vmem>>, vector<16xf32>,
    %get3A_317 = arith.constant 1 : i32
    %get3A_318 = arith.index_cast %get3A_317 : i32 to index
    %get3A_319 = arith.constant 48 : index
    %get3A_320 = tpu.vector_load %arg9[%get3A_318, %get3A_319] {strides = array<i32>} : memref<4x128xf32, #tpu.memory_space<vmem>>, vector<16xf32>,
    %get3A_321 = arith.constant 1 : i32
    %get3A_322 = arith.index_cast %get3A_321 : i32 to index
    %get3A_323 = arith.constant 64 : index
    %get3A_324 = tpu.vector_load %arg9[%get3A_322, %get3A_323] {strides = array<i32>} : memref<4x128xf32, #tpu.memory_space<vmem>>, vector<16xf32>,
    %get3A_325 = arith.constant 1 : i32
    %get3A_326 = arith.index_cast %get3A_325 : i32 to index
    %get3A_327 = arith.constant 80 : index
    %get3A_328 = tpu.vector_load %arg9[%get3A_326, %get3A_327] {strides = array<i32>} : memref<4x128xf32, #tpu.memory_space<vmem>>, vector<16xf32>,
    %get3A_329 = arith.constant 1 : i32
    %get3A_330 = arith.index_cast %get3A_329 : i32 to index
    %get3A_331 = arith.constant 96 : index
    %get3A_332 = tpu.vector_load %arg9[%get3A_330, %get3A_331] {strides = array<i32>} : memref<4x128xf32, #tpu.memory_space<vmem>>, vector<16xf32>,
    %get3A_333 = arith.constant 1 : i32
    %get3A_334 = arith.index_cast %get3A_333 : i32 to index
    %get3A_335 = arith.constant 112 : index
    %get3A_336 = tpu.vector_load %arg9[%get3A_334, %get3A_335] {strides = array<i32>} : memref<4x128xf32, #tpu.memory_space<vmem>>, vector<16xf32>,
    %add3A_337 = arith.addf %get3A_308, %get3A_312 : vector<16xf32>
    %add3A_338 = arith.addf %get3A_316, %get3A_320 : vector<16xf32>
    %add3A_339 = arith.addf %get3A_324, %get3A_328 : vector<16xf32>
    %add3A_340 = arith.addf %get3A_332, %get3A_336 : vector<16xf32>
    %add3A_341 = arith.addf %add3A_337, %add3A_338 : vector<16xf32>
    %add3A_342 = arith.addf %add3A_339, %add3A_340 : vector<16xf32>
    %add3A_343 = arith.addf %add3A_341, %add3A_342 : vector<16xf32>
    %iota3A_344 = tpu.iota {dimensions = array<i32: 0>} : vector<16xi32>
    %xor3A_345 = arith.constant 8 : i32
    %xor3A_346 = vector.broadcast %xor3A_345 : i32 to vector<16xi32>
    %xor3A_347 = arith.xori %iota3A_344, %xor3A_346 : vector<16xi32>
    %reshape3A_348 = vector.shape_cast %xor3A_347 : vector<16xi32> to vector<16x1xi32>
    %gather3A_349 = vector.shape_cast %reshape3A_348 : vector<16x1xi32> to vector<16xi32>
    %gather3A_350 = tpu.dynamic_gather %add3A_343[%gather3A_349] in [0] : vector<16xf32>, vector<16xi32> -> vector<16xf32>
    %add3A_351 = arith.addf %add3A_343, %gather3A_350 : vector<16xf32>
    %xor3A_352 = arith.constant 4 : i32
    %xor3A_353 = vector.broadcast %xor3A_352 : i32 to vector<16xi32>
    %xor3A_354 = arith.xori %iota3A_344, %xor3A_353 : vector<16xi32>
    %reshape3A_355 = vector.shape_cast %xor3A_354 : vector<16xi32> to vector<16x1xi32>
    %gather3A_356 = vector.shape_cast %reshape3A_355 : vector<16x1xi32> to vector<16xi32>
    %gather3A_357 = tpu.dynamic_gather %add3A_351[%gather3A_356] in [0] : vector<16xf32>, vector<16xi32> -> vector<16xf32>
    %add3A_358 = arith.addf %add3A_351, %gather3A_357 : vector<16xf32>
    %xor3A_359 = arith.constant 2 : i32
    %xor3A_360 = vector.broadcast %xor3A_359 : i32 to vector<16xi32>
    %xor3A_361 = arith.xori %iota3A_344, %xor3A_360 : vector<16xi32>
    %reshape3A_362 = vector.shape_cast %xor3A_361 : vector<16xi32> to vector<16x1xi32>
    %gather3A_363 = vector.shape_cast %reshape3A_362 : vector<16x1xi32> to vector<16xi32>
    %gather3A_364 = tpu.dynamic_gather %add3A_358[%gather3A_363] in [0] : vector<16xf32>, vector<16xi32> -> vector<16xf32>
    %add3A_365 = arith.addf %add3A_358, %gather3A_364 : vector<16xf32>
    %xor3A_366 = arith.constant 1 : i32
    %xor3A_367 = vector.broadcast %xor3A_366 : i32 to vector<16xi32>
    %xor3A_368 = arith.xori %iota3A_344, %xor3A_367 : vector<16xi32>
    %reshape3A_369 = vector.shape_cast %xor3A_368 : vector<16xi32> to vector<16x1xi32>
    %gather3A_370 = vector.shape_cast %reshape3A_369 : vector<16x1xi32> to vector<16xi32>
    %gather3A_371 = tpu.dynamic_gather %add3A_365[%gather3A_370] in [0] : vector<16xf32>, vector<16xi32> -> vector<16xf32>
    %add3A_372 = arith.addf %add3A_365, %gather3A_371 : vector<16xf32>
    %mul3A_373 = arith.constant 7.812500e-03 : f32
    %mul3A_374 = vector.broadcast %mul3A_373 : f32 to vector<16xf32>
    %mul3A_375 = arith.mulf %add3A_372, %mul3A_374 : vector<16xf32>
    %sub3A_376 = arith.subf %get3A_308, %mul3A_375 : vector<16xf32>
    %sub3A_377 = arith.subf %get3A_312, %mul3A_375 : vector<16xf32>
    %sub3A_378 = arith.subf %get3A_316, %mul3A_375 : vector<16xf32>
    %sub3A_379 = arith.subf %get3A_320, %mul3A_375 : vector<16xf32>
    %sub3A_380 = arith.subf %get3A_324, %mul3A_375 : vector<16xf32>
    %sub3A_381 = arith.subf %get3A_328, %mul3A_375 : vector<16xf32>
    %sub3A_382 = arith.subf %get3A_332, %mul3A_375 : vector<16xf32>
    %sub3A_383 = arith.subf %get3A_336, %mul3A_375 : vector<16xf32>
    %mul3A_384 = arith.mulf %sub3A_376, %sub3A_376 : vector<16xf32>
    %mul3A_385 = arith.mulf %sub3A_377, %sub3A_377 : vector<16xf32>
    %mul3A_386 = arith.mulf %sub3A_378, %sub3A_378 : vector<16xf32>
    %mul3A_387 = arith.mulf %sub3A_379, %sub3A_379 : vector<16xf32>
    %mul3A_388 = arith.mulf %sub3A_380, %sub3A_380 : vector<16xf32>
    %mul3A_389 = arith.mulf %sub3A_381, %sub3A_381 : vector<16xf32>
    %mul3A_390 = arith.mulf %sub3A_382, %sub3A_382 : vector<16xf32>
    %mul3A_391 = arith.mulf %sub3A_383, %sub3A_383 : vector<16xf32>
    %add3A_392 = arith.addf %mul3A_384, %mul3A_385 : vector<16xf32>
    %add3A_393 = arith.addf %mul3A_386, %mul3A_387 : vector<16xf32>
    %add3A_394 = arith.addf %mul3A_388, %mul3A_389 : vector<16xf32>
    %add3A_395 = arith.addf %mul3A_390, %mul3A_391 : vector<16xf32>
    %add3A_396 = arith.addf %add3A_392, %add3A_393 : vector<16xf32>
    %add3A_397 = arith.addf %add3A_394, %add3A_395 : vector<16xf32>
    %add3A_398 = arith.addf %add3A_396, %add3A_397 : vector<16xf32>
    %iota3A_399 = tpu.iota {dimensions = array<i32: 0>} : vector<16xi32>
    %xor3A_400 = arith.constant 8 : i32
    %xor3A_401 = vector.broadcast %xor3A_400 : i32 to vector<16xi32>
    %xor3A_402 = arith.xori %iota3A_399, %xor3A_401 : vector<16xi32>
    %reshape3A_403 = vector.shape_cast %xor3A_402 : vector<16xi32> to vector<16x1xi32>
    %gather3A_404 = vector.shape_cast %reshape3A_403 : vector<16x1xi32> to vector<16xi32>
    %gather3A_405 = tpu.dynamic_gather %add3A_398[%gather3A_404] in [0] : vector<16xf32>, vector<16xi32> -> vector<16xf32>
    %add3A_406 = arith.addf %add3A_398, %gather3A_405 : vector<16xf32>
    %xor3A_407 = arith.constant 4 : i32
    %xor3A_408 = vector.broadcast %xor3A_407 : i32 to vector<16xi32>
    %xor3A_409 = arith.xori %iota3A_399, %xor3A_408 : vector<16xi32>
    %reshape3A_410 = vector.shape_cast %xor3A_409 : vector<16xi32> to vector<16x1xi32>
    %gather3A_411 = vector.shape_cast %reshape3A_410 : vector<16x1xi32> to vector<16xi32>
    %gather3A_412 = tpu.dynamic_gather %add3A_406[%gather3A_411] in [0] : vector<16xf32>, vector<16xi32> -> vector<16xf32>
    %add3A_413 = arith.addf %add3A_406, %gather3A_412 : vector<16xf32>
    %xor3A_414 = arith.constant 2 : i32
    %xor3A_415 = vector.broadcast %xor3A_414 : i32 to vector<16xi32>
    %xor3A_416 = arith.xori %iota3A_399, %xor3A_415 : vector<16xi32>
    %reshape3A_417 = vector.shape_cast %xor3A_416 : vector<16xi32> to vector<16x1xi32>
    %gather3A_418 = vector.shape_cast %reshape3A_417 : vector<16x1xi32> to vector<16xi32>
    %gather3A_419 = tpu.dynamic_gather %add3A_413[%gather3A_418] in [0] : vector<16xf32>, vector<16xi32> -> vector<16xf32>
    %add3A_420 = arith.addf %add3A_413, %gather3A_419 : vector<16xf32>
    %xor3A_421 = arith.constant 1 : i32
    %xor3A_422 = vector.broadcast %xor3A_421 : i32 to vector<16xi32>
    %xor3A_423 = arith.xori %iota3A_399, %xor3A_422 : vector<16xi32>
    %reshape3A_424 = vector.shape_cast %xor3A_423 : vector<16xi32> to vector<16x1xi32>
    %gather3A_425 = vector.shape_cast %reshape3A_424 : vector<16x1xi32> to vector<16xi32>
    %gather3A_426 = tpu.dynamic_gather %add3A_420[%gather3A_425] in [0] : vector<16xf32>, vector<16xi32> -> vector<16xf32>
    %add3A_427 = arith.addf %add3A_420, %gather3A_426 : vector<16xf32>
    %mul3A_428 = arith.constant 0.00787401571 : f32
    %mul3A_429 = vector.broadcast %mul3A_428 : f32 to vector<16xf32>
    %mul3A_430 = arith.mulf %add3A_427, %mul3A_429 : vector<16xf32>
    %bitcast3A_431 = vector.bitcast %mul3A_430 : vector<16xf32> to vector<16xi32>
    %shift_right_arithmetic3A_432 = arith.constant 1 : i32
    %shift_right_arithmetic3A_433 = vector.broadcast %shift_right_arithmetic3A_432 : i32 to vector<16xi32>
    %shift_right_arithmetic3A_434 = arith.shrsi %bitcast3A_431, %shift_right_arithmetic3A_433 : vector<16xi32>
    %sub3A_435 = arith.constant 1597463007 : i32
    %sub3A_436 = vector.broadcast %sub3A_435 : i32 to vector<16xi32>
    %sub3A_437 = arith.subi %sub3A_436, %shift_right_arithmetic3A_434 : vector<16xi32>
    %bitcast3A_438 = vector.bitcast %sub3A_437 : vector<16xi32> to vector<16xf32>
    %mul3A_439 = arith.constant 5.000000e-01 : f32
    %mul3A_440 = vector.broadcast %mul3A_439 : f32 to vector<16xf32>
    %mul3A_441 = arith.mulf %mul3A_440, %mul3A_430 : vector<16xf32>
    %mul3A_442 = arith.mulf %mul3A_441, %bitcast3A_438 : vector<16xf32>
    %mul3A_443 = arith.mulf %mul3A_442, %bitcast3A_438 : vector<16xf32>
    %sub3A_444 = arith.constant 1.500000e+00 : f32
    %sub3A_445 = vector.broadcast %sub3A_444 : f32 to vector<16xf32>
    %sub3A_446 = arith.subf %sub3A_445, %mul3A_443 : vector<16xf32>
    %mul3A_447 = arith.mulf %bitcast3A_438, %sub3A_446 : vector<16xf32>
    %mul3A_448 = arith.constant 5.000000e-01 : f32
    %mul3A_449 = vector.broadcast %mul3A_448 : f32 to vector<16xf32>
    %mul3A_450 = arith.mulf %mul3A_449, %mul3A_430 : vector<16xf32>
    %mul3A_451 = arith.mulf %mul3A_450, %mul3A_447 : vector<16xf32>
    %mul3A_452 = arith.mulf %mul3A_451, %mul3A_447 : vector<16xf32>
    %sub3A_453 = arith.constant 1.500000e+00 : f32
    %sub3A_454 = vector.broadcast %sub3A_453 : f32 to vector<16xf32>
    %sub3A_455 = arith.subf %sub3A_454, %mul3A_452 : vector<16xf32>
    %mul3A_456 = arith.mulf %mul3A_447, %sub3A_455 : vector<16xf32>
    %mul3A_457 = arith.mulf %sub3A_376, %mul3A_456 : vector<16xf32>
    %swap3A_458 = arith.constant 1 : i32
    %swap3A_459 = arith.index_cast %swap3A_458 : i32 to index
    %swap3A_460 = arith.constant 0 : index
    %swap3A_461 = tpu.vector_load %arg9[%swap3A_459, %swap3A_460] {strides = array<i32>} : memref<4x128xf32, #tpu.memory_space<vmem>>, vector<16xf32>,
    tpu.vector_store %arg9[%swap3A_459, %swap3A_460], %mul3A_457 {strides = array<i32>} : memref<4x128xf32, #tpu.memory_space<vmem>>, vector<16xf32>,
    %mul3A_462 = arith.mulf %sub3A_377, %mul3A_456 : vector<16xf32>
    %swap3A_463 = arith.constant 1 : i32
    %swap3A_464 = arith.index_cast %swap3A_463 : i32 to index
    %swap3A_465 = arith.constant 16 : index
    %swap3A_466 = tpu.vector_load %arg9[%swap3A_464, %swap3A_465] {strides = array<i32>} : memref<4x128xf32, #tpu.memory_space<vmem>>, vector<16xf32>,
    tpu.vector_store %arg9[%swap3A_464, %swap3A_465], %mul3A_462 {strides = array<i32>} : memref<4x128xf32, #tpu.memory_space<vmem>>, vector<16xf32>,
    %mul3A_467 = arith.mulf %sub3A_378, %mul3A_456 : vector<16xf32>
    %swap3A_468 = arith.constant 1 : i32
    %swap3A_469 = arith.index_cast %swap3A_468 : i32 to index
    %swap3A_470 = arith.constant 32 : index
    %swap3A_471 = tpu.vector_load %arg9[%swap3A_469, %swap3A_470] {strides = array<i32>} : memref<4x128xf32, #tpu.memory_space<vmem>>, vector<16xf32>,
    tpu.vector_store %arg9[%swap3A_469, %swap3A_470], %mul3A_467 {strides = array<i32>} : memref<4x128xf32, #tpu.memory_space<vmem>>, vector<16xf32>,
    %mul3A_472 = arith.mulf %sub3A_379, %mul3A_456 : vector<16xf32>
    %swap3A_473 = arith.constant 1 : i32
    %swap3A_474 = arith.index_cast %swap3A_473 : i32 to index
    %swap3A_475 = arith.constant 48 : index
    %swap3A_476 = tpu.vector_load %arg9[%swap3A_474, %swap3A_475] {strides = array<i32>} : memref<4x128xf32, #tpu.memory_space<vmem>>, vector<16xf32>,
    tpu.vector_store %arg9[%swap3A_474, %swap3A_475], %mul3A_472 {strides = array<i32>} : memref<4x128xf32, #tpu.memory_space<vmem>>, vector<16xf32>,
    %mul3A_477 = arith.mulf %sub3A_380, %mul3A_456 : vector<16xf32>
    %swap3A_478 = arith.constant 1 : i32
    %swap3A_479 = arith.index_cast %swap3A_478 : i32 to index
    %swap3A_480 = arith.constant 64 : index
    %swap3A_481 = tpu.vector_load %arg9[%swap3A_479, %swap3A_480] {strides = array<i32>} : memref<4x128xf32, #tpu.memory_space<vmem>>, vector<16xf32>,
    tpu.vector_store %arg9[%swap3A_479, %swap3A_480], %mul3A_477 {strides = array<i32>} : memref<4x128xf32, #tpu.memory_space<vmem>>, vector<16xf32>,
    %mul3A_482 = arith.mulf %sub3A_381, %mul3A_456 : vector<16xf32>
    %swap3A_483 = arith.constant 1 : i32
    %swap3A_484 = arith.index_cast %swap3A_483 : i32 to index
    %swap3A_485 = arith.constant 80 : index
    %swap3A_486 = tpu.vector_load %arg9[%swap3A_484, %swap3A_485] {strides = array<i32>} : memref<4x128xf32, #tpu.memory_space<vmem>>, vector<16xf32>,
    tpu.vector_store %arg9[%swap3A_484, %swap3A_485], %mul3A_482 {strides = array<i32>} : memref<4x128xf32, #tpu.memory_space<vmem>>, vector<16xf32>,
    %mul3A_487 = arith.mulf %sub3A_382, %mul3A_456 : vector<16xf32>
    %swap3A_488 = arith.constant 1 : i32
    %swap3A_489 = arith.index_cast %swap3A_488 : i32 to index
    %swap3A_490 = arith.constant 96 : index
    %swap3A_491 = tpu.vector_load %arg9[%swap3A_489, %swap3A_490] {strides = array<i32>} : memref<4x128xf32, #tpu.memory_space<vmem>>, vector<16xf32>,
    tpu.vector_store %arg9[%swap3A_489, %swap3A_490], %mul3A_487 {strides = array<i32>} : memref<4x128xf32, #tpu.memory_space<vmem>>, vector<16xf32>,
    %mul3A_492 = arith.mulf %sub3A_383, %mul3A_456 : vector<16xf32>
    %swap3A_493 = arith.constant 1 : i32
    %swap3A_494 = arith.index_cast %swap3A_493 : i32 to index
    %swap3A_495 = arith.constant 112 : index
    %swap3A_496 = tpu.vector_load %arg9[%swap3A_494, %swap3A_495] {strides = array<i32>} : memref<4x128xf32, #tpu.memory_space<vmem>>, vector<16xf32>,
    tpu.vector_store %arg9[%swap3A_494, %swap3A_495], %mul3A_492 {strides = array<i32>} : memref<4x128xf32, #tpu.memory_space<vmem>>, vector<16xf32>,
    %get3A_497 = arith.constant 2 : i32
    %get3A_498 = arith.index_cast %get3A_497 : i32 to index
    %get3A_499 = arith.constant 0 : index
    %get3A_500 = tpu.vector_load %arg9[%get3A_498, %get3A_499] {strides = array<i32>} : memref<4x128xf32, #tpu.memory_space<vmem>>, vector<16xf32>,
    %get3A_501 = arith.constant 2 : i32
    %get3A_502 = arith.index_cast %get3A_501 : i32 to index
    %get3A_503 = arith.constant 16 : index
    %get3A_504 = tpu.vector_load %arg9[%get3A_502, %get3A_503] {strides = array<i32>} : memref<4x128xf32, #tpu.memory_space<vmem>>, vector<16xf32>,
    %get3A_505 = arith.constant 2 : i32
    %get3A_506 = arith.index_cast %get3A_505 : i32 to index
    %get3A_507 = arith.constant 32 : index
    %get3A_508 = tpu.vector_load %arg9[%get3A_506, %get3A_507] {strides = array<i32>} : memref<4x128xf32, #tpu.memory_space<vmem>>, vector<16xf32>,
    %get3A_509 = arith.constant 2 : i32
    %get3A_510 = arith.index_cast %get3A_509 : i32 to index
    %get3A_511 = arith.constant 48 : index
    %get3A_512 = tpu.vector_load %arg9[%get3A_510, %get3A_511] {strides = array<i32>} : memref<4x128xf32, #tpu.memory_space<vmem>>, vector<16xf32>,
    %get3A_513 = arith.constant 2 : i32
    %get3A_514 = arith.index_cast %get3A_513 : i32 to index
    %get3A_515 = arith.constant 64 : index
    %get3A_516 = tpu.vector_load %arg9[%get3A_514, %get3A_515] {strides = array<i32>} : memref<4x128xf32, #tpu.memory_space<vmem>>, vector<16xf32>,
    %get3A_517 = arith.constant 2 : i32
    %get3A_518 = arith.index_cast %get3A_517 : i32 to index
    %get3A_519 = arith.constant 80 : index
    %get3A_520 = tpu.vector_load %arg9[%get3A_518, %get3A_519] {strides = array<i32>} : memref<4x128xf32, #tpu.memory_space<vmem>>, vector<16xf32>,
    %get3A_521 = arith.constant 2 : i32
    %get3A_522 = arith.index_cast %get3A_521 : i32 to index
    %get3A_523 = arith.constant 96 : index
    %get3A_524 = tpu.vector_load %arg9[%get3A_522, %get3A_523] {strides = array<i32>} : memref<4x128xf32, #tpu.memory_space<vmem>>, vector<16xf32>,
    %get3A_525 = arith.constant 2 : i32
    %get3A_526 = arith.index_cast %get3A_525 : i32 to index
    %get3A_527 = arith.constant 112 : index
    %get3A_528 = tpu.vector_load %arg9[%get3A_526, %get3A_527] {strides = array<i32>} : memref<4x128xf32, #tpu.memory_space<vmem>>, vector<16xf32>,
    %add3A_529 = arith.addf %get3A_500, %get3A_504 : vector<16xf32>
    %add3A_530 = arith.addf %get3A_508, %get3A_512 : vector<16xf32>
    %add3A_531 = arith.addf %get3A_516, %get3A_520 : vector<16xf32>
    %add3A_532 = arith.addf %get3A_524, %get3A_528 : vector<16xf32>
    %add3A_533 = arith.addf %add3A_529, %add3A_530 : vector<16xf32>
    %add3A_534 = arith.addf %add3A_531, %add3A_532 : vector<16xf32>
    %add3A_535 = arith.addf %add3A_533, %add3A_534 : vector<16xf32>
    %iota3A_536 = tpu.iota {dimensions = array<i32: 0>} : vector<16xi32>
    %xor3A_537 = arith.constant 8 : i32
    %xor3A_538 = vector.broadcast %xor3A_537 : i32 to vector<16xi32>
    %xor3A_539 = arith.xori %iota3A_536, %xor3A_538 : vector<16xi32>
    %reshape3A_540 = vector.shape_cast %xor3A_539 : vector<16xi32> to vector<16x1xi32>
    %gather3A_541 = vector.shape_cast %reshape3A_540 : vector<16x1xi32> to vector<16xi32>
    %gather3A_542 = tpu.dynamic_gather %add3A_535[%gather3A_541] in [0] : vector<16xf32>, vector<16xi32> -> vector<16xf32>
    %add3A_543 = arith.addf %add3A_535, %gather3A_542 : vector<16xf32>
    %xor3A_544 = arith.constant 4 : i32
    %xor3A_545 = vector.broadcast %xor3A_544 : i32 to vector<16xi32>
    %xor3A_546 = arith.xori %iota3A_536, %xor3A_545 : vector<16xi32>
    %reshape3A_547 = vector.shape_cast %xor3A_546 : vector<16xi32> to vector<16x1xi32>
    %gather3A_548 = vector.shape_cast %reshape3A_547 : vector<16x1xi32> to vector<16xi32>
    %gather3A_549 = tpu.dynamic_gather %add3A_543[%gather3A_548] in [0] : vector<16xf32>, vector<16xi32> -> vector<16xf32>
    %add3A_550 = arith.addf %add3A_543, %gather3A_549 : vector<16xf32>
    %xor3A_551 = arith.constant 2 : i32
    %xor3A_552 = vector.broadcast %xor3A_551 : i32 to vector<16xi32>
    %xor3A_553 = arith.xori %iota3A_536, %xor3A_552 : vector<16xi32>
    %reshape3A_554 = vector.shape_cast %xor3A_553 : vector<16xi32> to vector<16x1xi32>
    %gather3A_555 = vector.shape_cast %reshape3A_554 : vector<16x1xi32> to vector<16xi32>
    %gather3A_556 = tpu.dynamic_gather %add3A_550[%gather3A_555] in [0] : vector<16xf32>, vector<16xi32> -> vector<16xf32>
    %add3A_557 = arith.addf %add3A_550, %gather3A_556 : vector<16xf32>
    %xor3A_558 = arith.constant 1 : i32
    %xor3A_559 = vector.broadcast %xor3A_558 : i32 to vector<16xi32>
    %xor3A_560 = arith.xori %iota3A_536, %xor3A_559 : vector<16xi32>
    %reshape3A_561 = vector.shape_cast %xor3A_560 : vector<16xi32> to vector<16x1xi32>
    %gather3A_562 = vector.shape_cast %reshape3A_561 : vector<16x1xi32> to vector<16xi32>
    %gather3A_563 = tpu.dynamic_gather %add3A_557[%gather3A_562] in [0] : vector<16xf32>, vector<16xi32> -> vector<16xf32>
    %add3A_564 = arith.addf %add3A_557, %gather3A_563 : vector<16xf32>
    %mul3A_565 = arith.constant 7.812500e-03 : f32
    %mul3A_566 = vector.broadcast %mul3A_565 : f32 to vector<16xf32>
    %mul3A_567 = arith.mulf %add3A_564, %mul3A_566 : vector<16xf32>
    %sub3A_568 = arith.subf %get3A_500, %mul3A_567 : vector<16xf32>
    %sub3A_569 = arith.subf %get3A_504, %mul3A_567 : vector<16xf32>
    %sub3A_570 = arith.subf %get3A_508, %mul3A_567 : vector<16xf32>
    %sub3A_571 = arith.subf %get3A_512, %mul3A_567 : vector<16xf32>
    %sub3A_572 = arith.subf %get3A_516, %mul3A_567 : vector<16xf32>
    %sub3A_573 = arith.subf %get3A_520, %mul3A_567 : vector<16xf32>
    %sub3A_574 = arith.subf %get3A_524, %mul3A_567 : vector<16xf32>
    %sub3A_575 = arith.subf %get3A_528, %mul3A_567 : vector<16xf32>
    %mul3A_576 = arith.mulf %sub3A_568, %sub3A_568 : vector<16xf32>
    %mul3A_577 = arith.mulf %sub3A_569, %sub3A_569 : vector<16xf32>
    %mul3A_578 = arith.mulf %sub3A_570, %sub3A_570 : vector<16xf32>
    %mul3A_579 = arith.mulf %sub3A_571, %sub3A_571 : vector<16xf32>
    %mul3A_580 = arith.mulf %sub3A_572, %sub3A_572 : vector<16xf32>
    %mul3A_581 = arith.mulf %sub3A_573, %sub3A_573 : vector<16xf32>
    %mul3A_582 = arith.mulf %sub3A_574, %sub3A_574 : vector<16xf32>
    %mul3A_583 = arith.mulf %sub3A_575, %sub3A_575 : vector<16xf32>
    %add3A_584 = arith.addf %mul3A_576, %mul3A_577 : vector<16xf32>
    %add3A_585 = arith.addf %mul3A_578, %mul3A_579 : vector<16xf32>
    %add3A_586 = arith.addf %mul3A_580, %mul3A_581 : vector<16xf32>
    %add3A_587 = arith.addf %mul3A_582, %mul3A_583 : vector<16xf32>
    %add3A_588 = arith.addf %add3A_584, %add3A_585 : vector<16xf32>
    %add3A_589 = arith.addf %add3A_586, %add3A_587 : vector<16xf32>
    %add3A_590 = arith.addf %add3A_588, %add3A_589 : vector<16xf32>
    %iota3A_591 = tpu.iota {dimensions = array<i32: 0>} : vector<16xi32>
    %xor3A_592 = arith.constant 8 : i32
    %xor3A_593 = vector.broadcast %xor3A_592 : i32 to vector<16xi32>
    %xor3A_594 = arith.xori %iota3A_591, %xor3A_593 : vector<16xi32>
    %reshape3A_595 = vector.shape_cast %xor3A_594 : vector<16xi32> to vector<16x1xi32>
    %gather3A_596 = vector.shape_cast %reshape3A_595 : vector<16x1xi32> to vector<16xi32>
    %gather3A_597 = tpu.dynamic_gather %add3A_590[%gather3A_596] in [0] : vector<16xf32>, vector<16xi32> -> vector<16xf32>
    %add3A_598 = arith.addf %add3A_590, %gather3A_597 : vector<16xf32>
    %xor3A_599 = arith.constant 4 : i32
    %xor3A_600 = vector.broadcast %xor3A_599 : i32 to vector<16xi32>
    %xor3A_601 = arith.xori %iota3A_591, %xor3A_600 : vector<16xi32>
    %reshape3A_602 = vector.shape_cast %xor3A_601 : vector<16xi32> to vector<16x1xi32>
    %gather3A_603 = vector.shape_cast %reshape3A_602 : vector<16x1xi32> to vector<16xi32>
    %gather3A_604 = tpu.dynamic_gather %add3A_598[%gather3A_603] in [0] : vector<16xf32>, vector<16xi32> -> vector<16xf32>
    %add3A_605 = arith.addf %add3A_598, %gather3A_604 : vector<16xf32>
    %xor3A_606 = arith.constant 2 : i32
    %xor3A_607 = vector.broadcast %xor3A_606 : i32 to vector<16xi32>
    %xor3A_608 = arith.xori %iota3A_591, %xor3A_607 : vector<16xi32>
    %reshape3A_609 = vector.shape_cast %xor3A_608 : vector<16xi32> to vector<16x1xi32>
    %gather3A_610 = vector.shape_cast %reshape3A_609 : vector<16x1xi32> to vector<16xi32>
    %gather3A_611 = tpu.dynamic_gather %add3A_605[%gather3A_610] in [0] : vector<16xf32>, vector<16xi32> -> vector<16xf32>
    %add3A_612 = arith.addf %add3A_605, %gather3A_611 : vector<16xf32>
    %xor3A_613 = arith.constant 1 : i32
    %xor3A_614 = vector.broadcast %xor3A_613 : i32 to vector<16xi32>
    %xor3A_615 = arith.xori %iota3A_591, %xor3A_614 : vector<16xi32>
    %reshape3A_616 = vector.shape_cast %xor3A_615 : vector<16xi32> to vector<16x1xi32>
    %gather3A_617 = vector.shape_cast %reshape3A_616 : vector<16x1xi32> to vector<16xi32>
    %gather3A_618 = tpu.dynamic_gather %add3A_612[%gather3A_617] in [0] : vector<16xf32>, vector<16xi32> -> vector<16xf32>
    %add3A_619 = arith.addf %add3A_612, %gather3A_618 : vector<16xf32>
    %mul3A_620 = arith.constant 0.00787401571 : f32
    %mul3A_621 = vector.broadcast %mul3A_620 : f32 to vector<16xf32>
    %mul3A_622 = arith.mulf %add3A_619, %mul3A_621 : vector<16xf32>
    %bitcast3A_623 = vector.bitcast %mul3A_622 : vector<16xf32> to vector<16xi32>
    %shift_right_arithmetic3A_624 = arith.constant 1 : i32
    %shift_right_arithmetic3A_625 = vector.broadcast %shift_right_arithmetic3A_624 : i32 to vector<16xi32>
    %shift_right_arithmetic3A_626 = arith.shrsi %bitcast3A_623, %shift_right_arithmetic3A_625 : vector<16xi32>
    %sub3A_627 = arith.constant 1597463007 : i32
    %sub3A_628 = vector.broadcast %sub3A_627 : i32 to vector<16xi32>
    %sub3A_629 = arith.subi %sub3A_628, %shift_right_arithmetic3A_626 : vector<16xi32>
    %bitcast3A_630 = vector.bitcast %sub3A_629 : vector<16xi32> to vector<16xf32>
    %mul3A_631 = arith.constant 5.000000e-01 : f32
    %mul3A_632 = vector.broadcast %mul3A_631 : f32 to vector<16xf32>
    %mul3A_633 = arith.mulf %mul3A_632, %mul3A_622 : vector<16xf32>
    %mul3A_634 = arith.mulf %mul3A_633, %bitcast3A_630 : vector<16xf32>
    %mul3A_635 = arith.mulf %mul3A_634, %bitcast3A_630 : vector<16xf32>
    %sub3A_636 = arith.constant 1.500000e+00 : f32
    %sub3A_637 = vector.broadcast %sub3A_636 : f32 to vector<16xf32>
    %sub3A_638 = arith.subf %sub3A_637, %mul3A_635 : vector<16xf32>
    %mul3A_639 = arith.mulf %bitcast3A_630, %sub3A_638 : vector<16xf32>
    %mul3A_640 = arith.constant 5.000000e-01 : f32
    %mul3A_641 = vector.broadcast %mul3A_640 : f32 to vector<16xf32>
    %mul3A_642 = arith.mulf %mul3A_641, %mul3A_622 : vector<16xf32>
    %mul3A_643 = arith.mulf %mul3A_642, %mul3A_639 : vector<16xf32>
    %mul3A_644 = arith.mulf %mul3A_643, %mul3A_639 : vector<16xf32>
    %sub3A_645 = arith.constant 1.500000e+00 : f32
    %sub3A_646 = vector.broadcast %sub3A_645 : f32 to vector<16xf32>
    %sub3A_647 = arith.subf %sub3A_646, %mul3A_644 : vector<16xf32>
    %mul3A_648 = arith.mulf %mul3A_639, %sub3A_647 : vector<16xf32>
    %mul3A_649 = arith.mulf %sub3A_568, %mul3A_648 : vector<16xf32>
    %swap3A_650 = arith.constant 2 : i32
    %swap3A_651 = arith.index_cast %swap3A_650 : i32 to index
    %swap3A_652 = arith.constant 0 : index
    %swap3A_653 = tpu.vector_load %arg9[%swap3A_651, %swap3A_652] {strides = array<i32>} : memref<4x128xf32, #tpu.memory_space<vmem>>, vector<16xf32>,
    tpu.vector_store %arg9[%swap3A_651, %swap3A_652], %mul3A_649 {strides = array<i32>} : memref<4x128xf32, #tpu.memory_space<vmem>>, vector<16xf32>,
    %mul3A_654 = arith.mulf %sub3A_569, %mul3A_648 : vector<16xf32>
    %swap3A_655 = arith.constant 2 : i32
    %swap3A_656 = arith.index_cast %swap3A_655 : i32 to index
    %swap3A_657 = arith.constant 16 : index
    %swap3A_658 = tpu.vector_load %arg9[%swap3A_656, %swap3A_657] {strides = array<i32>} : memref<4x128xf32, #tpu.memory_space<vmem>>, vector<16xf32>,
    tpu.vector_store %arg9[%swap3A_656, %swap3A_657], %mul3A_654 {strides = array<i32>} : memref<4x128xf32, #tpu.memory_space<vmem>>, vector<16xf32>,
    %mul3A_659 = arith.mulf %sub3A_570, %mul3A_648 : vector<16xf32>
    %swap3A_660 = arith.constant 2 : i32
    %swap3A_661 = arith.index_cast %swap3A_660 : i32 to index
    %swap3A_662 = arith.constant 32 : index
    %swap3A_663 = tpu.vector_load %arg9[%swap3A_661, %swap3A_662] {strides = array<i32>} : memref<4x128xf32, #tpu.memory_space<vmem>>, vector<16xf32>,
    tpu.vector_store %arg9[%swap3A_661, %swap3A_662], %mul3A_659 {strides = array<i32>} : memref<4x128xf32, #tpu.memory_space<vmem>>, vector<16xf32>,
    %mul3A_664 = arith.mulf %sub3A_571, %mul3A_648 : vector<16xf32>
    %swap3A_665 = arith.constant 2 : i32
    %swap3A_666 = arith.index_cast %swap3A_665 : i32 to index
    %swap3A_667 = arith.constant 48 : index
    %swap3A_668 = tpu.vector_load %arg9[%swap3A_666, %swap3A_667] {strides = array<i32>} : memref<4x128xf32, #tpu.memory_space<vmem>>, vector<16xf32>,
    tpu.vector_store %arg9[%swap3A_666, %swap3A_667], %mul3A_664 {strides = array<i32>} : memref<4x128xf32, #tpu.memory_space<vmem>>, vector<16xf32>,
    %mul3A_669 = arith.mulf %sub3A_572, %mul3A_648 : vector<16xf32>
    %swap3A_670 = arith.constant 2 : i32
    %swap3A_671 = arith.index_cast %swap3A_670 : i32 to index
    %swap3A_672 = arith.constant 64 : index
    %swap3A_673 = tpu.vector_load %arg9[%swap3A_671, %swap3A_672] {strides = array<i32>} : memref<4x128xf32, #tpu.memory_space<vmem>>, vector<16xf32>,
    tpu.vector_store %arg9[%swap3A_671, %swap3A_672], %mul3A_669 {strides = array<i32>} : memref<4x128xf32, #tpu.memory_space<vmem>>, vector<16xf32>,
    %mul3A_674 = arith.mulf %sub3A_573, %mul3A_648 : vector<16xf32>
    %swap3A_675 = arith.constant 2 : i32
    %swap3A_676 = arith.index_cast %swap3A_675 : i32 to index
    %swap3A_677 = arith.constant 80 : index
    %swap3A_678 = tpu.vector_load %arg9[%swap3A_676, %swap3A_677] {strides = array<i32>} : memref<4x128xf32, #tpu.memory_space<vmem>>, vector<16xf32>,
    tpu.vector_store %arg9[%swap3A_676, %swap3A_677], %mul3A_674 {strides = array<i32>} : memref<4x128xf32, #tpu.memory_space<vmem>>, vector<16xf32>,
    %mul3A_679 = arith.mulf %sub3A_574, %mul3A_648 : vector<16xf32>
    %swap3A_680 = arith.constant 2 : i32
    %swap3A_681 = arith.index_cast %swap3A_680 : i32 to index
    %swap3A_682 = arith.constant 96 : index
    %swap3A_683 = tpu.vector_load %arg9[%swap3A_681, %swap3A_682] {strides = array<i32>} : memref<4x128xf32, #tpu.memory_space<vmem>>, vector<16xf32>,
    tpu.vector_store %arg9[%swap3A_681, %swap3A_682], %mul3A_679 {strides = array<i32>} : memref<4x128xf32, #tpu.memory_space<vmem>>, vector<16xf32>,
    %mul3A_684 = arith.mulf %sub3A_575, %mul3A_648 : vector<16xf32>
    %swap3A_685 = arith.constant 2 : i32
    %swap3A_686 = arith.index_cast %swap3A_685 : i32 to index
    %swap3A_687 = arith.constant 112 : index
    %swap3A_688 = tpu.vector_load %arg9[%swap3A_686, %swap3A_687] {strides = array<i32>} : memref<4x128xf32, #tpu.memory_space<vmem>>, vector<16xf32>,
    tpu.vector_store %arg9[%swap3A_686, %swap3A_687], %mul3A_684 {strides = array<i32>} : memref<4x128xf32, #tpu.memory_space<vmem>>, vector<16xf32>,
    %get3A_689 = arith.constant 3 : i32
    %get3A_690 = arith.index_cast %get3A_689 : i32 to index
    %get3A_691 = arith.constant 0 : index
    %get3A_692 = tpu.vector_load %arg9[%get3A_690, %get3A_691] {strides = array<i32>} : memref<4x128xf32, #tpu.memory_space<vmem>>, vector<16xf32>,
    %get3A_693 = arith.constant 3 : i32
    %get3A_694 = arith.index_cast %get3A_693 : i32 to index
    %get3A_695 = arith.constant 16 : index
    %get3A_696 = tpu.vector_load %arg9[%get3A_694, %get3A_695] {strides = array<i32>} : memref<4x128xf32, #tpu.memory_space<vmem>>, vector<16xf32>,
    %get3A_697 = arith.constant 3 : i32
    %get3A_698 = arith.index_cast %get3A_697 : i32 to index
    %get3A_699 = arith.constant 32 : index
    %get3A_700 = tpu.vector_load %arg9[%get3A_698, %get3A_699] {strides = array<i32>} : memref<4x128xf32, #tpu.memory_space<vmem>>, vector<16xf32>,
    %get3A_701 = arith.constant 3 : i32
    %get3A_702 = arith.index_cast %get3A_701 : i32 to index
    %get3A_703 = arith.constant 48 : index
    %get3A_704 = tpu.vector_load %arg9[%get3A_702, %get3A_703] {strides = array<i32>} : memref<4x128xf32, #tpu.memory_space<vmem>>, vector<16xf32>,
    %get3A_705 = arith.constant 3 : i32
    %get3A_706 = arith.index_cast %get3A_705 : i32 to index
    %get3A_707 = arith.constant 64 : index
    %get3A_708 = tpu.vector_load %arg9[%get3A_706, %get3A_707] {strides = array<i32>} : memref<4x128xf32, #tpu.memory_space<vmem>>, vector<16xf32>,
    %get3A_709 = arith.constant 3 : i32
    %get3A_710 = arith.index_cast %get3A_709 : i32 to index
    %get3A_711 = arith.constant 80 : index
    %get3A_712 = tpu.vector_load %arg9[%get3A_710, %get3A_711] {strides = array<i32>} : memref<4x128xf32, #tpu.memory_space<vmem>>, vector<16xf32>,
    %get3A_713 = arith.constant 3 : i32
    %get3A_714 = arith.index_cast %get3A_713 : i32 to index
    %get3A_715 = arith.constant 96 : index
    %get3A_716 = tpu.vector_load %arg9[%get3A_714, %get3A_715] {strides = array<i32>} : memref<4x128xf32, #tpu.memory_space<vmem>>, vector<16xf32>,
    %get3A_717 = arith.constant 3 : i32
    %get3A_718 = arith.index_cast %get3A_717 : i32 to index
    %get3A_719 = arith.constant 112 : index
    %get3A_720 = tpu.vector_load %arg9[%get3A_718, %get3A_719] {strides = array<i32>} : memref<4x128xf32, #tpu.memory_space<vmem>>, vector<16xf32>,
    %add3A_721 = arith.addf %get3A_692, %get3A_696 : vector<16xf32>
    %add3A_722 = arith.addf %get3A_700, %get3A_704 : vector<16xf32>
    %add3A_723 = arith.addf %get3A_708, %get3A_712 : vector<16xf32>
    %add3A_724 = arith.addf %get3A_716, %get3A_720 : vector<16xf32>
    %add3A_725 = arith.addf %add3A_721, %add3A_722 : vector<16xf32>
    %add3A_726 = arith.addf %add3A_723, %add3A_724 : vector<16xf32>
    %add3A_727 = arith.addf %add3A_725, %add3A_726 : vector<16xf32>
    %iota3A_728 = tpu.iota {dimensions = array<i32: 0>} : vector<16xi32>
    %xor3A_729 = arith.constant 8 : i32
    %xor3A_730 = vector.broadcast %xor3A_729 : i32 to vector<16xi32>
    %xor3A_731 = arith.xori %iota3A_728, %xor3A_730 : vector<16xi32>
    %reshape3A_732 = vector.shape_cast %xor3A_731 : vector<16xi32> to vector<16x1xi32>
    %gather3A_733 = vector.shape_cast %reshape3A_732 : vector<16x1xi32> to vector<16xi32>
    %gather3A_734 = tpu.dynamic_gather %add3A_727[%gather3A_733] in [0] : vector<16xf32>, vector<16xi32> -> vector<16xf32>
    %add3A_735 = arith.addf %add3A_727, %gather3A_734 : vector<16xf32>
    %xor3A_736 = arith.constant 4 : i32
    %xor3A_737 = vector.broadcast %xor3A_736 : i32 to vector<16xi32>
    %xor3A_738 = arith.xori %iota3A_728, %xor3A_737 : vector<16xi32>
    %reshape3A_739 = vector.shape_cast %xor3A_738 : vector<16xi32> to vector<16x1xi32>
    %gather3A_740 = vector.shape_cast %reshape3A_739 : vector<16x1xi32> to vector<16xi32>
    %gather3A_741 = tpu.dynamic_gather %add3A_735[%gather3A_740] in [0] : vector<16xf32>, vector<16xi32> -> vector<16xf32>
    %add3A_742 = arith.addf %add3A_735, %gather3A_741 : vector<16xf32>
    %xor3A_743 = arith.constant 2 : i32
    %xor3A_744 = vector.broadcast %xor3A_743 : i32 to vector<16xi32>
    %xor3A_745 = arith.xori %iota3A_728, %xor3A_744 : vector<16xi32>
    %reshape3A_746 = vector.shape_cast %xor3A_745 : vector<16xi32> to vector<16x1xi32>
    %gather3A_747 = vector.shape_cast %reshape3A_746 : vector<16x1xi32> to vector<16xi32>
    %gather3A_748 = tpu.dynamic_gather %add3A_742[%gather3A_747] in [0] : vector<16xf32>, vector<16xi32> -> vector<16xf32>
    %add3A_749 = arith.addf %add3A_742, %gather3A_748 : vector<16xf32>
    %xor3A_750 = arith.constant 1 : i32
    %xor3A_751 = vector.broadcast %xor3A_750 : i32 to vector<16xi32>
    %xor3A_752 = arith.xori %iota3A_728, %xor3A_751 : vector<16xi32>
    %reshape3A_753 = vector.shape_cast %xor3A_752 : vector<16xi32> to vector<16x1xi32>
    %gather3A_754 = vector.shape_cast %reshape3A_753 : vector<16x1xi32> to vector<16xi32>
    %gather3A_755 = tpu.dynamic_gather %add3A_749[%gather3A_754] in [0] : vector<16xf32>, vector<16xi32> -> vector<16xf32>
    %add3A_756 = arith.addf %add3A_749, %gather3A_755 : vector<16xf32>
    %mul3A_757 = arith.constant 7.812500e-03 : f32
    %mul3A_758 = vector.broadcast %mul3A_757 : f32 to vector<16xf32>
    %mul3A_759 = arith.mulf %add3A_756, %mul3A_758 : vector<16xf32>
    %sub3A_760 = arith.subf %get3A_692, %mul3A_759 : vector<16xf32>
    %sub3A_761 = arith.subf %get3A_696, %mul3A_759 : vector<16xf32>
    %sub3A_762 = arith.subf %get3A_700, %mul3A_759 : vector<16xf32>
    %sub3A_763 = arith.subf %get3A_704, %mul3A_759 : vector<16xf32>
    %sub3A_764 = arith.subf %get3A_708, %mul3A_759 : vector<16xf32>
    %sub3A_765 = arith.subf %get3A_712, %mul3A_759 : vector<16xf32>
    %sub3A_766 = arith.subf %get3A_716, %mul3A_759 : vector<16xf32>
    %sub3A_767 = arith.subf %get3A_720, %mul3A_759 : vector<16xf32>
    %mul3A_768 = arith.mulf %sub3A_760, %sub3A_760 : vector<16xf32>
    %mul3A_769 = arith.mulf %sub3A_761, %sub3A_761 : vector<16xf32>
    %mul3A_770 = arith.mulf %sub3A_762, %sub3A_762 : vector<16xf32>
    %mul3A_771 = arith.mulf %sub3A_763, %sub3A_763 : vector<16xf32>
    %mul3A_772 = arith.mulf %sub3A_764, %sub3A_764 : vector<16xf32>
    %mul3A_773 = arith.mulf %sub3A_765, %sub3A_765 : vector<16xf32>
    %mul3A_774 = arith.mulf %sub3A_766, %sub3A_766 : vector<16xf32>
    %mul3A_775 = arith.mulf %sub3A_767, %sub3A_767 : vector<16xf32>
    %add3A_776 = arith.addf %mul3A_768, %mul3A_769 : vector<16xf32>
    %add3A_777 = arith.addf %mul3A_770, %mul3A_771 : vector<16xf32>
    %add3A_778 = arith.addf %mul3A_772, %mul3A_773 : vector<16xf32>
    %add3A_779 = arith.addf %mul3A_774, %mul3A_775 : vector<16xf32>
    %add3A_780 = arith.addf %add3A_776, %add3A_777 : vector<16xf32>
    %add3A_781 = arith.addf %add3A_778, %add3A_779 : vector<16xf32>
    %add3A_782 = arith.addf %add3A_780, %add3A_781 : vector<16xf32>
    %iota3A_783 = tpu.iota {dimensions = array<i32: 0>} : vector<16xi32>
    %xor3A_784 = arith.constant 8 : i32
    %xor3A_785 = vector.broadcast %xor3A_784 : i32 to vector<16xi32>
    %xor3A_786 = arith.xori %iota3A_783, %xor3A_785 : vector<16xi32>
    %reshape3A_787 = vector.shape_cast %xor3A_786 : vector<16xi32> to vector<16x1xi32>
    %gather3A_788 = vector.shape_cast %reshape3A_787 : vector<16x1xi32> to vector<16xi32>
    %gather3A_789 = tpu.dynamic_gather %add3A_782[%gather3A_788] in [0] : vector<16xf32>, vector<16xi32> -> vector<16xf32>
    %add3A_790 = arith.addf %add3A_782, %gather3A_789 : vector<16xf32>
    %xor3A_791 = arith.constant 4 : i32
    %xor3A_792 = vector.broadcast %xor3A_791 : i32 to vector<16xi32>
    %xor3A_793 = arith.xori %iota3A_783, %xor3A_792 : vector<16xi32>
    %reshape3A_794 = vector.shape_cast %xor3A_793 : vector<16xi32> to vector<16x1xi32>
    %gather3A_795 = vector.shape_cast %reshape3A_794 : vector<16x1xi32> to vector<16xi32>
    %gather3A_796 = tpu.dynamic_gather %add3A_790[%gather3A_795] in [0] : vector<16xf32>, vector<16xi32> -> vector<16xf32>
    %add3A_797 = arith.addf %add3A_790, %gather3A_796 : vector<16xf32>
    %xor3A_798 = arith.constant 2 : i32
    %xor3A_799 = vector.broadcast %xor3A_798 : i32 to vector<16xi32>
    %xor3A_800 = arith.xori %iota3A_783, %xor3A_799 : vector<16xi32>
    %reshape3A_801 = vector.shape_cast %xor3A_800 : vector<16xi32> to vector<16x1xi32>
    %gather3A_802 = vector.shape_cast %reshape3A_801 : vector<16x1xi32> to vector<16xi32>
    %gather3A_803 = tpu.dynamic_gather %add3A_797[%gather3A_802] in [0] : vector<16xf32>, vector<16xi32> -> vector<16xf32>
    %add3A_804 = arith.addf %add3A_797, %gather3A_803 : vector<16xf32>
    %xor3A_805 = arith.constant 1 : i32
    %xor3A_806 = vector.broadcast %xor3A_805 : i32 to vector<16xi32>
    %xor3A_807 = arith.xori %iota3A_783, %xor3A_806 : vector<16xi32>
    %reshape3A_808 = vector.shape_cast %xor3A_807 : vector<16xi32> to vector<16x1xi32>
    %gather3A_809 = vector.shape_cast %reshape3A_808 : vector<16x1xi32> to vector<16xi32>
    %gather3A_810 = tpu.dynamic_gather %add3A_804[%gather3A_809] in [0] : vector<16xf32>, vector<16xi32> -> vector<16xf32>
    %add3A_811 = arith.addf %add3A_804, %gather3A_810 : vector<16xf32>
    %mul3A_812 = arith.constant 0.00787401571 : f32
    %mul3A_813 = vector.broadcast %mul3A_812 : f32 to vector<16xf32>
    %mul3A_814 = arith.mulf %add3A_811, %mul3A_813 : vector<16xf32>
    %bitcast3A_815 = vector.bitcast %mul3A_814 : vector<16xf32> to vector<16xi32>
    %shift_right_arithmetic3A_816 = arith.constant 1 : i32
    %shift_right_arithmetic3A_817 = vector.broadcast %shift_right_arithmetic3A_816 : i32 to vector<16xi32>
    %shift_right_arithmetic3A_818 = arith.shrsi %bitcast3A_815, %shift_right_arithmetic3A_817 : vector<16xi32>
    %sub3A_819 = arith.constant 1597463007 : i32
    %sub3A_820 = vector.broadcast %sub3A_819 : i32 to vector<16xi32>
    %sub3A_821 = arith.subi %sub3A_820, %shift_right_arithmetic3A_818 : vector<16xi32>
    %bitcast3A_822 = vector.bitcast %sub3A_821 : vector<16xi32> to vector<16xf32>
    %mul3A_823 = arith.constant 5.000000e-01 : f32
    %mul3A_824 = vector.broadcast %mul3A_823 : f32 to vector<16xf32>
    %mul3A_825 = arith.mulf %mul3A_824, %mul3A_814 : vector<16xf32>
    %mul3A_826 = arith.mulf %mul3A_825, %bitcast3A_822 : vector<16xf32>
    %mul3A_827 = arith.mulf %mul3A_826, %bitcast3A_822 : vector<16xf32>
    %sub3A_828 = arith.constant 1.500000e+00 : f32
    %sub3A_829 = vector.broadcast %sub3A_828 : f32 to vector<16xf32>
    %sub3A_830 = arith.subf %sub3A_829, %mul3A_827 : vector<16xf32>
    %mul3A_831 = arith.mulf %bitcast3A_822, %sub3A_830 : vector<16xf32>
    %mul3A_832 = arith.constant 5.000000e-01 : f32
    %mul3A_833 = vector.broadcast %mul3A_832 : f32 to vector<16xf32>
    %mul3A_834 = arith.mulf %mul3A_833, %mul3A_814 : vector<16xf32>
    %mul3A_835 = arith.mulf %mul3A_834, %mul3A_831 : vector<16xf32>
    %mul3A_836 = arith.mulf %mul3A_835, %mul3A_831 : vector<16xf32>
    %sub3A_837 = arith.constant 1.500000e+00 : f32
    %sub3A_838 = vector.broadcast %sub3A_837 : f32 to vector<16xf32>
    %sub3A_839 = arith.subf %sub3A_838, %mul3A_836 : vector<16xf32>
    %mul3A_840 = arith.mulf %mul3A_831, %sub3A_839 : vector<16xf32>
    %mul3A_841 = arith.mulf %sub3A_760, %mul3A_840 : vector<16xf32>
    %swap3A_842 = arith.constant 3 : i32
    %swap3A_843 = arith.index_cast %swap3A_842 : i32 to index
    %swap3A_844 = arith.constant 0 : index
    %swap3A_845 = tpu.vector_load %arg9[%swap3A_843, %swap3A_844] {strides = array<i32>} : memref<4x128xf32, #tpu.memory_space<vmem>>, vector<16xf32>,
    tpu.vector_store %arg9[%swap3A_843, %swap3A_844], %mul3A_841 {strides = array<i32>} : memref<4x128xf32, #tpu.memory_space<vmem>>, vector<16xf32>,
    %mul3A_846 = arith.mulf %sub3A_761, %mul3A_840 : vector<16xf32>
    %swap3A_847 = arith.constant 3 : i32
    %swap3A_848 = arith.index_cast %swap3A_847 : i32 to index
    %swap3A_849 = arith.constant 16 : index
    %swap3A_850 = tpu.vector_load %arg9[%swap3A_848, %swap3A_849] {strides = array<i32>} : memref<4x128xf32, #tpu.memory_space<vmem>>, vector<16xf32>,
    tpu.vector_store %arg9[%swap3A_848, %swap3A_849], %mul3A_846 {strides = array<i32>} : memref<4x128xf32, #tpu.memory_space<vmem>>, vector<16xf32>,
    %mul3A_851 = arith.mulf %sub3A_762, %mul3A_840 : vector<16xf32>
    %swap3A_852 = arith.constant 3 : i32
    %swap3A_853 = arith.index_cast %swap3A_852 : i32 to index
    %swap3A_854 = arith.constant 32 : index
    %swap3A_855 = tpu.vector_load %arg9[%swap3A_853, %swap3A_854] {strides = array<i32>} : memref<4x128xf32, #tpu.memory_space<vmem>>, vector<16xf32>,
    tpu.vector_store %arg9[%swap3A_853, %swap3A_854], %mul3A_851 {strides = array<i32>} : memref<4x128xf32, #tpu.memory_space<vmem>>, vector<16xf32>,
    %mul3A_856 = arith.mulf %sub3A_763, %mul3A_840 : vector<16xf32>
    %swap3A_857 = arith.constant 3 : i32
    %swap3A_858 = arith.index_cast %swap3A_857 : i32 to index
    %swap3A_859 = arith.constant 48 : index
    %swap3A_860 = tpu.vector_load %arg9[%swap3A_858, %swap3A_859] {strides = array<i32>} : memref<4x128xf32, #tpu.memory_space<vmem>>, vector<16xf32>,
    tpu.vector_store %arg9[%swap3A_858, %swap3A_859], %mul3A_856 {strides = array<i32>} : memref<4x128xf32, #tpu.memory_space<vmem>>, vector<16xf32>,
    %mul3A_861 = arith.mulf %sub3A_764, %mul3A_840 : vector<16xf32>
    %swap3A_862 = arith.constant 3 : i32
    %swap3A_863 = arith.index_cast %swap3A_862 : i32 to index
    %swap3A_864 = arith.constant 64 : index
    %swap3A_865 = tpu.vector_load %arg9[%swap3A_863, %swap3A_864] {strides = array<i32>} : memref<4x128xf32, #tpu.memory_space<vmem>>, vector<16xf32>,
    tpu.vector_store %arg9[%swap3A_863, %swap3A_864], %mul3A_861 {strides = array<i32>} : memref<4x128xf32, #tpu.memory_space<vmem>>, vector<16xf32>,
    %mul3A_866 = arith.mulf %sub3A_765, %mul3A_840 : vector<16xf32>
    %swap3A_867 = arith.constant 3 : i32
    %swap3A_868 = arith.index_cast %swap3A_867 : i32 to index
    %swap3A_869 = arith.constant 80 : index
    %swap3A_870 = tpu.vector_load %arg9[%swap3A_868, %swap3A_869] {strides = array<i32>} : memref<4x128xf32, #tpu.memory_space<vmem>>, vector<16xf32>,
    tpu.vector_store %arg9[%swap3A_868, %swap3A_869], %mul3A_866 {strides = array<i32>} : memref<4x128xf32, #tpu.memory_space<vmem>>, vector<16xf32>,
    %mul3A_871 = arith.mulf %sub3A_766, %mul3A_840 : vector<16xf32>
    %swap3A_872 = arith.constant 3 : i32
    %swap3A_873 = arith.index_cast %swap3A_872 : i32 to index
    %swap3A_874 = arith.constant 96 : index
    %swap3A_875 = tpu.vector_load %arg9[%swap3A_873, %swap3A_874] {strides = array<i32>} : memref<4x128xf32, #tpu.memory_space<vmem>>, vector<16xf32>,
    tpu.vector_store %arg9[%swap3A_873, %swap3A_874], %mul3A_871 {strides = array<i32>} : memref<4x128xf32, #tpu.memory_space<vmem>>, vector<16xf32>,
    %mul3A_876 = arith.mulf %sub3A_767, %mul3A_840 : vector<16xf32>
    %swap3A_877 = arith.constant 3 : i32
    %swap3A_878 = arith.index_cast %swap3A_877 : i32 to index
    %swap3A_879 = arith.constant 112 : index
    %swap3A_880 = tpu.vector_load %arg9[%swap3A_878, %swap3A_879] {strides = array<i32>} : memref<4x128xf32, #tpu.memory_space<vmem>>, vector<16xf32>,
    tpu.vector_store %arg9[%swap3A_878, %swap3A_879], %mul3A_876 {strides = array<i32>} : memref<4x128xf32, #tpu.memory_space<vmem>>, vector<16xf32>,
    %dma_start3A_881 = arith.constant 0 : i32
    %dma_start3A_882 = arith.constant 0 : i32
    %dma_start3A_883 = tpu.memref_slice %arg5[%dma_start3A_881, %mul3A_120, %dma_start3A_882] : memref<4x128x128xf32, #tpu.memory_space<hbm>> -> memref<1x4x128xf32, #tpu.memory_space<hbm>>
    %dma_start3A_884 = tpu.memref_squeeze %dma_start3A_883 : memref<1x4x128xf32, #tpu.memory_space<hbm>> -> memref<4x128xf32, #tpu.memory_space<hbm>>
    %dma_start3A_885 = arith.constant 0 : i32
    %dma_start3A_886 = tpu.memref_slice %arg5[%dma_start3A_881, %mul3A_120, %dma_start3A_885] : memref<4x128x128xf32, #tpu.memory_space<hbm>> -> memref<1x4x128xf32, #tpu.memory_space<hbm>>
    %dma_start3A_887 = tpu.memref_squeeze %dma_start3A_886 : memref<1x4x128xf32, #tpu.memory_space<hbm>> -> memref<4x128xf32, #tpu.memory_space<hbm>>
    tpu.enqueue_dma source(%arg9 : memref<4x128xf32, #tpu.memory_space<vmem>>) target(%dma_start3A_887 : memref<4x128xf32, #tpu.memory_space<hbm>>) target_semaphore(%arg14 : memref<!tpu.dma_semaphore, #tpu.memory_space<semaphore_mem>>)
    %dma_start3A_888 = arith.constant 1 : i32
    %dma_start3A_889 = arith.constant 0 : i32
    %dma_start3A_890 = tpu.memref_slice %arg5[%dma_start3A_888, %mul3A_120, %dma_start3A_889] : memref<4x128x128xf32, #tpu.memory_space<hbm>> -> memref<1x4x128xf32, #tpu.memory_space<hbm>>
    %dma_start3A_891 = tpu.memref_squeeze %dma_start3A_890 : memref<1x4x128xf32, #tpu.memory_space<hbm>> -> memref<4x128xf32, #tpu.memory_space<hbm>>
    %dma_start3A_892 = arith.constant 0 : i32
    %dma_start3A_893 = tpu.memref_slice %arg5[%dma_start3A_888, %mul3A_120, %dma_start3A_892] : memref<4x128x128xf32, #tpu.memory_space<hbm>> -> memref<1x4x128xf32, #tpu.memory_space<hbm>>
    %dma_start3A_894 = tpu.memref_squeeze %dma_start3A_893 : memref<1x4x128xf32, #tpu.memory_space<hbm>> -> memref<4x128xf32, #tpu.memory_space<hbm>>
    tpu.enqueue_dma source(%arg9 : memref<4x128xf32, #tpu.memory_space<vmem>>) target(%dma_start3A_894 : memref<4x128xf32, #tpu.memory_space<hbm>>) target_semaphore(%arg14 : memref<!tpu.dma_semaphore, #tpu.memory_space<semaphore_mem>>)
    %dma_start3A_895 = arith.constant 2 : i32
    %dma_start3A_896 = arith.constant 0 : i32
    %dma_start3A_897 = tpu.memref_slice %arg5[%dma_start3A_895, %mul3A_120, %dma_start3A_896] : memref<4x128x128xf32, #tpu.memory_space<hbm>> -> memref<1x4x128xf32, #tpu.memory_space<hbm>>
    %dma_start3A_898 = tpu.memref_squeeze %dma_start3A_897 : memref<1x4x128xf32, #tpu.memory_space<hbm>> -> memref<4x128xf32, #tpu.memory_space<hbm>>
    %dma_start3A_899 = arith.constant 0 : i32
    %dma_start3A_900 = tpu.memref_slice %arg5[%dma_start3A_895, %mul3A_120, %dma_start3A_899] : memref<4x128x128xf32, #tpu.memory_space<hbm>> -> memref<1x4x128xf32, #tpu.memory_space<hbm>>
    %dma_start3A_901 = tpu.memref_squeeze %dma_start3A_900 : memref<1x4x128xf32, #tpu.memory_space<hbm>> -> memref<4x128xf32, #tpu.memory_space<hbm>>
    tpu.enqueue_dma source(%arg9 : memref<4x128xf32, #tpu.memory_space<vmem>>) target(%dma_start3A_901 : memref<4x128xf32, #tpu.memory_space<hbm>>) target_semaphore(%arg14 : memref<!tpu.dma_semaphore, #tpu.memory_space<semaphore_mem>>)
    %dma_start3A_902 = arith.constant 3 : i32
    %dma_start3A_903 = arith.constant 0 : i32
    %dma_start3A_904 = tpu.memref_slice %arg5[%dma_start3A_902, %mul3A_120, %dma_start3A_903] : memref<4x128x128xf32, #tpu.memory_space<hbm>> -> memref<1x4x128xf32, #tpu.memory_space<hbm>>
    %dma_start3A_905 = tpu.memref_squeeze %dma_start3A_904 : memref<1x4x128xf32, #tpu.memory_space<hbm>> -> memref<4x128xf32, #tpu.memory_space<hbm>>
    %dma_start3A_906 = arith.constant 0 : i32
    %dma_start3A_907 = tpu.memref_slice %arg5[%dma_start3A_902, %mul3A_120, %dma_start3A_906] : memref<4x128x128xf32, #tpu.memory_space<hbm>> -> memref<1x4x128xf32, #tpu.memory_space<hbm>>
    %dma_start3A_908 = tpu.memref_squeeze %dma_start3A_907 : memref<1x4x128xf32, #tpu.memory_space<hbm>> -> memref<4x128xf32, #tpu.memory_space<hbm>>
    tpu.enqueue_dma source(%arg9 : memref<4x128xf32, #tpu.memory_space<vmem>>) target(%dma_start3A_908 : memref<4x128xf32, #tpu.memory_space<hbm>>) target_semaphore(%arg14 : memref<!tpu.dma_semaphore, #tpu.memory_space<semaphore_mem>>)
    %dma_wait3A_909 = arith.constant 0 : i32
    %dma_wait3A_910 = arith.constant 0 : i32
    %dma_wait3A_911 = arith.constant 0 : i32
    %dma_wait3A_912 = tpu.memref_slice %arg8[%dma_wait3A_910, %dma_wait3A_911] : memref<256x128xf32, #tpu.memory_space<vmem>> -> memref<64x128xf32, #tpu.memory_space<vmem>>
    %dma_wait3A_913 = arith.constant 0 : i32
    %dma_wait3A_914 = tpu.memref_slice %arg7[%dma_wait3A_909, %dma_wait3A_913] : memref<2x128xi32, #tpu.memory_space<vmem>> -> memref<1x64xi32, #tpu.memory_space<vmem>>
    %dma_wait3A_915 = tpu.memref_squeeze %dma_wait3A_914 : memref<1x64xi32, #tpu.memory_space<vmem>> -> memref<64xi32, #tpu.memory_space<vmem>>
    %dma_wait3A_916 = arith.constant 0 : i32
    %dma_wait3A_917 = arith.constant 0 : i32
    %dma_wait3A_918 = tpu.memref_slice %arg4[%dma_wait3A_916, %dma_wait3A_917] : memref<100000x128xf32, #tpu.memory_space<hbm>> -> memref<100000x128xf32, #tpu.memory_space<hbm>>
    tpu.wait_indirect_dma semaphore(%arg10 : memref<!tpu.dma_semaphore, #tpu.memory_space<semaphore_mem>>) src(%dma_wait3A_918 : memref<100000x128xf32, #tpu.memory_space<hbm>>) dst(%dma_wait3A_912 : memref<64x128xf32, #tpu.memory_space<vmem>>)
    %scan3A = arith.constant 0 : i32
    %scan3A_919 = arith.constant 16 : i32
    %scan3A_920 = arith.addi %scan3A, %scan3A_919 : i32
    %scan3A_921 = arith.constant 1 : i32
    scf.for %scan3A_1100 = %scan3A to %scan3A_920 step %scan3A_921  : i32 {
      %mul3A_1101 = arith.constant 4 : i32
      %mul3A_1102 = arith.muli %scan3A_1100, %mul3A_1101 : i32
      %add3A_1103 = arith.constant 0 : i32
      %add3A_1104 = arith.addi %add3A_1103, %mul3A_1102 : i32
      %iota3A_1105 = tpu.iota {dimensions = array<i32: 0>} : vector<16xi32>
      %add3A_1106 = arith.constant 0 : i32
      %add3A_1107 = arith.addi %add3A_1104, %add3A_1106 : i32
      %get3A_1108 = arith.index_cast %add3A_1107 : i32 to index
      %get3A_1109 = arith.constant 0 : index
      %get3A_1110 = tpu.vector_load %arg8[%get3A_1108, %get3A_1109] {strides = array<i32>} : memref<256x128xf32, #tpu.memory_space<vmem>>, vector<16xf32>,
      %add3A_1111 = arith.constant 0 : i32
      %add3A_1112 = arith.addi %add3A_1104, %add3A_1111 : i32
      %get3A_1113 = arith.index_cast %add3A_1112 : i32 to index
      %get3A_1114 = arith.constant 16 : index
      %get3A_1115 = tpu.vector_load %arg8[%get3A_1113, %get3A_1114] {strides = array<i32>} : memref<256x128xf32, #tpu.memory_space<vmem>>, vector<16xf32>,
      %add3A_1116 = arith.constant 0 : i32
      %add3A_1117 = arith.addi %add3A_1104, %add3A_1116 : i32
      %get3A_1118 = arith.index_cast %add3A_1117 : i32 to index
      %get3A_1119 = arith.constant 32 : index
      %get3A_1120 = tpu.vector_load %arg8[%get3A_1118, %get3A_1119] {strides = array<i32>} : memref<256x128xf32, #tpu.memory_space<vmem>>, vector<16xf32>,
      %add3A_1121 = arith.constant 0 : i32
      %add3A_1122 = arith.addi %add3A_1104, %add3A_1121 : i32
      %get3A_1123 = arith.index_cast %add3A_1122 : i32 to index
      %get3A_1124 = arith.constant 48 : index
      %get3A_1125 = tpu.vector_load %arg8[%get3A_1123, %get3A_1124] {strides = array<i32>} : memref<256x128xf32, #tpu.memory_space<vmem>>, vector<16xf32>,
      %add3A_1126 = arith.constant 0 : i32
      %add3A_1127 = arith.addi %add3A_1104, %add3A_1126 : i32
      %get3A_1128 = arith.index_cast %add3A_1127 : i32 to index
      %get3A_1129 = arith.constant 64 : index
      %get3A_1130 = tpu.vector_load %arg8[%get3A_1128, %get3A_1129] {strides = array<i32>} : memref<256x128xf32, #tpu.memory_space<vmem>>, vector<16xf32>,
      %add3A_1131 = arith.constant 0 : i32
      %add3A_1132 = arith.addi %add3A_1104, %add3A_1131 : i32
      %get3A_1133 = arith.index_cast %add3A_1132 : i32 to index
      %get3A_1134 = arith.constant 80 : index
      %get3A_1135 = tpu.vector_load %arg8[%get3A_1133, %get3A_1134] {strides = array<i32>} : memref<256x128xf32, #tpu.memory_space<vmem>>, vector<16xf32>,
      %add3A_1136 = arith.constant 0 : i32
      %add3A_1137 = arith.addi %add3A_1104, %add3A_1136 : i32
      %get3A_1138 = arith.index_cast %add3A_1137 : i32 to index
      %get3A_1139 = arith.constant 96 : index
      %get3A_1140 = tpu.vector_load %arg8[%get3A_1138, %get3A_1139] {strides = array<i32>} : memref<256x128xf32, #tpu.memory_space<vmem>>, vector<16xf32>,
      %add3A_1141 = arith.constant 0 : i32
      %add3A_1142 = arith.addi %add3A_1104, %add3A_1141 : i32
      %get3A_1143 = arith.index_cast %add3A_1142 : i32 to index
      %get3A_1144 = arith.constant 112 : index
      %get3A_1145 = tpu.vector_load %arg8[%get3A_1143, %get3A_1144] {strides = array<i32>} : memref<256x128xf32, #tpu.memory_space<vmem>>, vector<16xf32>,
      %add3A_1146 = arith.addf %get3A_1110, %get3A_1115 : vector<16xf32>
      %add3A_1147 = arith.addf %get3A_1120, %get3A_1125 : vector<16xf32>
      %add3A_1148 = arith.addf %get3A_1130, %get3A_1135 : vector<16xf32>
      %add3A_1149 = arith.addf %get3A_1140, %get3A_1145 : vector<16xf32>
      %add3A_1150 = arith.addf %add3A_1146, %add3A_1147 : vector<16xf32>
      %add3A_1151 = arith.addf %add3A_1148, %add3A_1149 : vector<16xf32>
      %add3A_1152 = arith.addf %add3A_1150, %add3A_1151 : vector<16xf32>
      %iota3A_1153 = tpu.iota {dimensions = array<i32: 0>} : vector<16xi32>
      %xor3A_1154 = arith.constant 8 : i32
      %xor3A_1155 = vector.broadcast %xor3A_1154 : i32 to vector<16xi32>
      %xor3A_1156 = arith.xori %iota3A_1153, %xor3A_1155 : vector<16xi32>
      %reshape3A_1157 = vector.shape_cast %xor3A_1156 : vector<16xi32> to vector<16x1xi32>
      %gather3A_1158 = vector.shape_cast %reshape3A_1157 : vector<16x1xi32> to vector<16xi32>
      %gather3A_1159 = tpu.dynamic_gather %add3A_1152[%gather3A_1158] in [0] : vector<16xf32>, vector<16xi32> -> vector<16xf32>
      %add3A_1160 = arith.addf %add3A_1152, %gather3A_1159 : vector<16xf32>
      %xor3A_1161 = arith.constant 4 : i32
      %xor3A_1162 = vector.broadcast %xor3A_1161 : i32 to vector<16xi32>
      %xor3A_1163 = arith.xori %iota3A_1153, %xor3A_1162 : vector<16xi32>
      %reshape3A_1164 = vector.shape_cast %xor3A_1163 : vector<16xi32> to vector<16x1xi32>
      %gather3A_1165 = vector.shape_cast %reshape3A_1164 : vector<16x1xi32> to vector<16xi32>
      %gather3A_1166 = tpu.dynamic_gather %add3A_1160[%gather3A_1165] in [0] : vector<16xf32>, vector<16xi32> -> vector<16xf32>
      %add3A_1167 = arith.addf %add3A_1160, %gather3A_1166 : vector<16xf32>
      %xor3A_1168 = arith.constant 2 : i32
      %xor3A_1169 = vector.broadcast %xor3A_1168 : i32 to vector<16xi32>
      %xor3A_1170 = arith.xori %iota3A_1153, %xor3A_1169 : vector<16xi32>
      %reshape3A_1171 = vector.shape_cast %xor3A_1170 : vector<16xi32> to vector<16x1xi32>
      %gather3A_1172 = vector.shape_cast %reshape3A_1171 : vector<16x1xi32> to vector<16xi32>
      %gather3A_1173 = tpu.dynamic_gather %add3A_1167[%gather3A_1172] in [0] : vector<16xf32>, vector<16xi32> -> vector<16xf32>
      %add3A_1174 = arith.addf %add3A_1167, %gather3A_1173 : vector<16xf32>
      %xor3A_1175 = arith.constant 1 : i32
      %xor3A_1176 = vector.broadcast %xor3A_1175 : i32 to vector<16xi32>
      %xor3A_1177 = arith.xori %iota3A_1153, %xor3A_1176 : vector<16xi32>
      %reshape3A_1178 = vector.shape_cast %xor3A_1177 : vector<16xi32> to vector<16x1xi32>
      %gather3A_1179 = vector.shape_cast %reshape3A_1178 : vector<16x1xi32> to vector<16xi32>
      %gather3A_1180 = tpu.dynamic_gather %add3A_1174[%gather3A_1179] in [0] : vector<16xf32>, vector<16xi32> -> vector<16xf32>
      %add3A_1181 = arith.addf %add3A_1174, %gather3A_1180 : vector<16xf32>
      %mul3A_1182 = arith.mulf %get3A_1110, %get3A_1110 : vector<16xf32>
      %mul3A_1183 = arith.mulf %get3A_1115, %get3A_1115 : vector<16xf32>
      %mul3A_1184 = arith.mulf %get3A_1120, %get3A_1120 : vector<16xf32>
      %mul3A_1185 = arith.mulf %get3A_1125, %get3A_1125 : vector<16xf32>
      %mul3A_1186 = arith.mulf %get3A_1130, %get3A_1130 : vector<16xf32>
      %mul3A_1187 = arith.mulf %get3A_1135, %get3A_1135 : vector<16xf32>
      %mul3A_1188 = arith.mulf %get3A_1140, %get3A_1140 : vector<16xf32>
      %mul3A_1189 = arith.mulf %get3A_1145, %get3A_1145 : vector<16xf32>
      %add3A_1190 = arith.addf %mul3A_1182, %mul3A_1183 : vector<16xf32>
      %add3A_1191 = arith.addf %mul3A_1184, %mul3A_1185 : vector<16xf32>
      %add3A_1192 = arith.addf %mul3A_1186, %mul3A_1187 : vector<16xf32>
      %add3A_1193 = arith.addf %mul3A_1188, %mul3A_1189 : vector<16xf32>
      %add3A_1194 = arith.addf %add3A_1190, %add3A_1191 : vector<16xf32>
      %add3A_1195 = arith.addf %add3A_1192, %add3A_1193 : vector<16xf32>
      %add3A_1196 = arith.addf %add3A_1194, %add3A_1195 : vector<16xf32>
      %iota3A_1197 = tpu.iota {dimensions = array<i32: 0>} : vector<16xi32>
      %xor3A_1198 = arith.constant 8 : i32
      %xor3A_1199 = vector.broadcast %xor3A_1198 : i32 to vector<16xi32>
      %xor3A_1200 = arith.xori %iota3A_1197, %xor3A_1199 : vector<16xi32>
      %reshape3A_1201 = vector.shape_cast %xor3A_1200 : vector<16xi32> to vector<16x1xi32>
      %gather3A_1202 = vector.shape_cast %reshape3A_1201 : vector<16x1xi32> to vector<16xi32>
      %gather3A_1203 = tpu.dynamic_gather %add3A_1196[%gather3A_1202] in [0] : vector<16xf32>, vector<16xi32> -> vector<16xf32>
      %add3A_1204 = arith.addf %add3A_1196, %gather3A_1203 : vector<16xf32>
      %xor3A_1205 = arith.constant 4 : i32
      %xor3A_1206 = vector.broadcast %xor3A_1205 : i32 to vector<16xi32>
      %xor3A_1207 = arith.xori %iota3A_1197, %xor3A_1206 : vector<16xi32>
      %reshape3A_1208 = vector.shape_cast %xor3A_1207 : vector<16xi32> to vector<16x1xi32>
      %gather3A_1209 = vector.shape_cast %reshape3A_1208 : vector<16x1xi32> to vector<16xi32>
      %gather3A_1210 = tpu.dynamic_gather %add3A_1204[%gather3A_1209] in [0] : vector<16xf32>, vector<16xi32> -> vector<16xf32>
      %add3A_1211 = arith.addf %add3A_1204, %gather3A_1210 : vector<16xf32>
      %xor3A_1212 = arith.constant 2 : i32
      %xor3A_1213 = vector.broadcast %xor3A_1212 : i32 to vector<16xi32>
      %xor3A_1214 = arith.xori %iota3A_1197, %xor3A_1213 : vector<16xi32>
      %reshape3A_1215 = vector.shape_cast %xor3A_1214 : vector<16xi32> to vector<16x1xi32>
      %gather3A_1216 = vector.shape_cast %reshape3A_1215 : vector<16x1xi32> to vector<16xi32>
      %gather3A_1217 = tpu.dynamic_gather %add3A_1211[%gather3A_1216] in [0] : vector<16xf32>, vector<16xi32> -> vector<16xf32>
      %add3A_1218 = arith.addf %add3A_1211, %gather3A_1217 : vector<16xf32>
      %xor3A_1219 = arith.constant 1 : i32
      %xor3A_1220 = vector.broadcast %xor3A_1219 : i32 to vector<16xi32>
      %xor3A_1221 = arith.xori %iota3A_1197, %xor3A_1220 : vector<16xi32>
      %reshape3A_1222 = vector.shape_cast %xor3A_1221 : vector<16xi32> to vector<16x1xi32>
      %gather3A_1223 = vector.shape_cast %reshape3A_1222 : vector<16x1xi32> to vector<16xi32>
      %gather3A_1224 = tpu.dynamic_gather %add3A_1218[%gather3A_1223] in [0] : vector<16xf32>, vector<16xi32> -> vector<16xf32>
      %add3A_1225 = arith.addf %add3A_1218, %gather3A_1224 : vector<16xf32>
      %add3A_1226 = arith.constant 1 : i32
      %add3A_1227 = arith.addi %add3A_1104, %add3A_1226 : i32
      %get3A_1228 = arith.index_cast %add3A_1227 : i32 to index
      %get3A_1229 = arith.constant 0 : index
      %get3A_1230 = tpu.vector_load %arg8[%get3A_1228, %get3A_1229] {strides = array<i32>} : memref<256x128xf32, #tpu.memory_space<vmem>>, vector<16xf32>,
      %add3A_1231 = arith.constant 1 : i32
      %add3A_1232 = arith.addi %add3A_1104, %add3A_1231 : i32
      %get3A_1233 = arith.index_cast %add3A_1232 : i32 to index
      %get3A_1234 = arith.constant 16 : index
      %get3A_1235 = tpu.vector_load %arg8[%get3A_1233, %get3A_1234] {strides = array<i32>} : memref<256x128xf32, #tpu.memory_space<vmem>>, vector<16xf32>,
      %add3A_1236 = arith.constant 1 : i32
      %add3A_1237 = arith.addi %add3A_1104, %add3A_1236 : i32
      %get3A_1238 = arith.index_cast %add3A_1237 : i32 to index
      %get3A_1239 = arith.constant 32 : index
      %get3A_1240 = tpu.vector_load %arg8[%get3A_1238, %get3A_1239] {strides = array<i32>} : memref<256x128xf32, #tpu.memory_space<vmem>>, vector<16xf32>,
      %add3A_1241 = arith.constant 1 : i32
      %add3A_1242 = arith.addi %add3A_1104, %add3A_1241 : i32
      %get3A_1243 = arith.index_cast %add3A_1242 : i32 to index
      %get3A_1244 = arith.constant 48 : index
      %get3A_1245 = tpu.vector_load %arg8[%get3A_1243, %get3A_1244] {strides = array<i32>} : memref<256x128xf32, #tpu.memory_space<vmem>>, vector<16xf32>,
      %add3A_1246 = arith.constant 1 : i32
      %add3A_1247 = arith.addi %add3A_1104, %add3A_1246 : i32
      %get3A_1248 = arith.index_cast %add3A_1247 : i32 to index
      %get3A_1249 = arith.constant 64 : index
      %get3A_1250 = tpu.vector_load %arg8[%get3A_1248, %get3A_1249] {strides = array<i32>} : memref<256x128xf32, #tpu.memory_space<vmem>>, vector<16xf32>,
      %add3A_1251 = arith.constant 1 : i32
      %add3A_1252 = arith.addi %add3A_1104, %add3A_1251 : i32
      %get3A_1253 = arith.index_cast %add3A_1252 : i32 to index
      %get3A_1254 = arith.constant 80 : index
      %get3A_1255 = tpu.vector_load %arg8[%get3A_1253, %get3A_1254] {strides = array<i32>} : memref<256x128xf32, #tpu.memory_space<vmem>>, vector<16xf32>,
      %add3A_1256 = arith.constant 1 : i32
      %add3A_1257 = arith.addi %add3A_1104, %add3A_1256 : i32
      %get3A_1258 = arith.index_cast %add3A_1257 : i32 to index
      %get3A_1259 = arith.constant 96 : index
      %get3A_1260 = tpu.vector_load %arg8[%get3A_1258, %get3A_1259] {strides = array<i32>} : memref<256x128xf32, #tpu.memory_space<vmem>>, vector<16xf32>,
      %add3A_1261 = arith.constant 1 : i32
      %add3A_1262 = arith.addi %add3A_1104, %add3A_1261 : i32
      %get3A_1263 = arith.index_cast %add3A_1262 : i32 to index
      %get3A_1264 = arith.constant 112 : index
      %get3A_1265 = tpu.vector_load %arg8[%get3A_1263, %get3A_1264] {strides = array<i32>} : memref<256x128xf32, #tpu.memory_space<vmem>>, vector<16xf32>,
      %add3A_1266 = arith.addf %get3A_1230, %get3A_1235 : vector<16xf32>
      %add3A_1267 = arith.addf %get3A_1240, %get3A_1245 : vector<16xf32>
      %add3A_1268 = arith.addf %get3A_1250, %get3A_1255 : vector<16xf32>
      %add3A_1269 = arith.addf %get3A_1260, %get3A_1265 : vector<16xf32>
      %add3A_1270 = arith.addf %add3A_1266, %add3A_1267 : vector<16xf32>
      %add3A_1271 = arith.addf %add3A_1268, %add3A_1269 : vector<16xf32>
      %add3A_1272 = arith.addf %add3A_1270, %add3A_1271 : vector<16xf32>
      %iota3A_1273 = tpu.iota {dimensions = array<i32: 0>} : vector<16xi32>
      %xor3A_1274 = arith.constant 8 : i32
      %xor3A_1275 = vector.broadcast %xor3A_1274 : i32 to vector<16xi32>
      %xor3A_1276 = arith.xori %iota3A_1273, %xor3A_1275 : vector<16xi32>
      %reshape3A_1277 = vector.shape_cast %xor3A_1276 : vector<16xi32> to vector<16x1xi32>
      %gather3A_1278 = vector.shape_cast %reshape3A_1277 : vector<16x1xi32> to vector<16xi32>
      %gather3A_1279 = tpu.dynamic_gather %add3A_1272[%gather3A_1278] in [0] : vector<16xf32>, vector<16xi32> -> vector<16xf32>
      %add3A_1280 = arith.addf %add3A_1272, %gather3A_1279 : vector<16xf32>
      %xor3A_1281 = arith.constant 4 : i32
      %xor3A_1282 = vector.broadcast %xor3A_1281 : i32 to vector<16xi32>
      %xor3A_1283 = arith.xori %iota3A_1273, %xor3A_1282 : vector<16xi32>
      %reshape3A_1284 = vector.shape_cast %xor3A_1283 : vector<16xi32> to vector<16x1xi32>
      %gather3A_1285 = vector.shape_cast %reshape3A_1284 : vector<16x1xi32> to vector<16xi32>
      %gather3A_1286 = tpu.dynamic_gather %add3A_1280[%gather3A_1285] in [0] : vector<16xf32>, vector<16xi32> -> vector<16xf32>
      %add3A_1287 = arith.addf %add3A_1280, %gather3A_1286 : vector<16xf32>
      %xor3A_1288 = arith.constant 2 : i32
      %xor3A_1289 = vector.broadcast %xor3A_1288 : i32 to vector<16xi32>
      %xor3A_1290 = arith.xori %iota3A_1273, %xor3A_1289 : vector<16xi32>
      %reshape3A_1291 = vector.shape_cast %xor3A_1290 : vector<16xi32> to vector<16x1xi32>
      %gather3A_1292 = vector.shape_cast %reshape3A_1291 : vector<16x1xi32> to vector<16xi32>
      %gather3A_1293 = tpu.dynamic_gather %add3A_1287[%gather3A_1292] in [0] : vector<16xf32>, vector<16xi32> -> vector<16xf32>
      %add3A_1294 = arith.addf %add3A_1287, %gather3A_1293 : vector<16xf32>
      %xor3A_1295 = arith.constant 1 : i32
      %xor3A_1296 = vector.broadcast %xor3A_1295 : i32 to vector<16xi32>
      %xor3A_1297 = arith.xori %iota3A_1273, %xor3A_1296 : vector<16xi32>
      %reshape3A_1298 = vector.shape_cast %xor3A_1297 : vector<16xi32> to vector<16x1xi32>
      %gather3A_1299 = vector.shape_cast %reshape3A_1298 : vector<16x1xi32> to vector<16xi32>
      %gather3A_1300 = tpu.dynamic_gather %add3A_1294[%gather3A_1299] in [0] : vector<16xf32>, vector<16xi32> -> vector<16xf32>
      %add3A_1301 = arith.addf %add3A_1294, %gather3A_1300 : vector<16xf32>
      %mul3A_1302 = arith.mulf %get3A_1230, %get3A_1230 : vector<16xf32>
      %mul3A_1303 = arith.mulf %get3A_1235, %get3A_1235 : vector<16xf32>
      %mul3A_1304 = arith.mulf %get3A_1240, %get3A_1240 : vector<16xf32>
      %mul3A_1305 = arith.mulf %get3A_1245, %get3A_1245 : vector<16xf32>
      %mul3A_1306 = arith.mulf %get3A_1250, %get3A_1250 : vector<16xf32>
      %mul3A_1307 = arith.mulf %get3A_1255, %get3A_1255 : vector<16xf32>
      %mul3A_1308 = arith.mulf %get3A_1260, %get3A_1260 : vector<16xf32>
      %mul3A_1309 = arith.mulf %get3A_1265, %get3A_1265 : vector<16xf32>
      %add3A_1310 = arith.addf %mul3A_1302, %mul3A_1303 : vector<16xf32>
      %add3A_1311 = arith.addf %mul3A_1304, %mul3A_1305 : vector<16xf32>
      %add3A_1312 = arith.addf %mul3A_1306, %mul3A_1307 : vector<16xf32>
      %add3A_1313 = arith.addf %mul3A_1308, %mul3A_1309 : vector<16xf32>
      %add3A_1314 = arith.addf %add3A_1310, %add3A_1311 : vector<16xf32>
      %add3A_1315 = arith.addf %add3A_1312, %add3A_1313 : vector<16xf32>
      %add3A_1316 = arith.addf %add3A_1314, %add3A_1315 : vector<16xf32>
      %iota3A_1317 = tpu.iota {dimensions = array<i32: 0>} : vector<16xi32>
      %xor3A_1318 = arith.constant 8 : i32
      %xor3A_1319 = vector.broadcast %xor3A_1318 : i32 to vector<16xi32>
      %xor3A_1320 = arith.xori %iota3A_1317, %xor3A_1319 : vector<16xi32>
      %reshape3A_1321 = vector.shape_cast %xor3A_1320 : vector<16xi32> to vector<16x1xi32>
      %gather3A_1322 = vector.shape_cast %reshape3A_1321 : vector<16x1xi32> to vector<16xi32>
      %gather3A_1323 = tpu.dynamic_gather %add3A_1316[%gather3A_1322] in [0] : vector<16xf32>, vector<16xi32> -> vector<16xf32>
      %add3A_1324 = arith.addf %add3A_1316, %gather3A_1323 : vector<16xf32>
      %xor3A_1325 = arith.constant 4 : i32
      %xor3A_1326 = vector.broadcast %xor3A_1325 : i32 to vector<16xi32>
      %xor3A_1327 = arith.xori %iota3A_1317, %xor3A_1326 : vector<16xi32>
      %reshape3A_1328 = vector.shape_cast %xor3A_1327 : vector<16xi32> to vector<16x1xi32>
      %gather3A_1329 = vector.shape_cast %reshape3A_1328 : vector<16x1xi32> to vector<16xi32>
      %gather3A_1330 = tpu.dynamic_gather %add3A_1324[%gather3A_1329] in [0] : vector<16xf32>, vector<16xi32> -> vector<16xf32>
      %add3A_1331 = arith.addf %add3A_1324, %gather3A_1330 : vector<16xf32>
      %xor3A_1332 = arith.constant 2 : i32
      %xor3A_1333 = vector.broadcast %xor3A_1332 : i32 to vector<16xi32>
      %xor3A_1334 = arith.xori %iota3A_1317, %xor3A_1333 : vector<16xi32>
      %reshape3A_1335 = vector.shape_cast %xor3A_1334 : vector<16xi32> to vector<16x1xi32>
      %gather3A_1336 = vector.shape_cast %reshape3A_1335 : vector<16x1xi32> to vector<16xi32>
      %gather3A_1337 = tpu.dynamic_gather %add3A_1331[%gather3A_1336] in [0] : vector<16xf32>, vector<16xi32> -> vector<16xf32>
      %add3A_1338 = arith.addf %add3A_1331, %gather3A_1337 : vector<16xf32>
      %xor3A_1339 = arith.constant 1 : i32
      %xor3A_1340 = vector.broadcast %xor3A_1339 : i32 to vector<16xi32>
      %xor3A_1341 = arith.xori %iota3A_1317, %xor3A_1340 : vector<16xi32>
      %reshape3A_1342 = vector.shape_cast %xor3A_1341 : vector<16xi32> to vector<16x1xi32>
      %gather3A_1343 = vector.shape_cast %reshape3A_1342 : vector<16x1xi32> to vector<16xi32>
      %gather3A_1344 = tpu.dynamic_gather %add3A_1338[%gather3A_1343] in [0] : vector<16xf32>, vector<16xi32> -> vector<16xf32>
      %add3A_1345 = arith.addf %add3A_1338, %gather3A_1344 : vector<16xf32>
      %add3A_1346 = arith.constant 2 : i32
      %add3A_1347 = arith.addi %add3A_1104, %add3A_1346 : i32
      %get3A_1348 = arith.index_cast %add3A_1347 : i32 to index
      %get3A_1349 = arith.constant 0 : index
      %get3A_1350 = tpu.vector_load %arg8[%get3A_1348, %get3A_1349] {strides = array<i32>} : memref<256x128xf32, #tpu.memory_space<vmem>>, vector<16xf32>,
      %add3A_1351 = arith.constant 2 : i32
      %add3A_1352 = arith.addi %add3A_1104, %add3A_1351 : i32
      %get3A_1353 = arith.index_cast %add3A_1352 : i32 to index
      %get3A_1354 = arith.constant 16 : index
      %get3A_1355 = tpu.vector_load %arg8[%get3A_1353, %get3A_1354] {strides = array<i32>} : memref<256x128xf32, #tpu.memory_space<vmem>>, vector<16xf32>,
      %add3A_1356 = arith.constant 2 : i32
      %add3A_1357 = arith.addi %add3A_1104, %add3A_1356 : i32
      %get3A_1358 = arith.index_cast %add3A_1357 : i32 to index
      %get3A_1359 = arith.constant 32 : index
      %get3A_1360 = tpu.vector_load %arg8[%get3A_1358, %get3A_1359] {strides = array<i32>} : memref<256x128xf32, #tpu.memory_space<vmem>>, vector<16xf32>,
      %add3A_1361 = arith.constant 2 : i32
      %add3A_1362 = arith.addi %add3A_1104, %add3A_1361 : i32
      %get3A_1363 = arith.index_cast %add3A_1362 : i32 to index
      %get3A_1364 = arith.constant 48 : index
      %get3A_1365 = tpu.vector_load %arg8[%get3A_1363, %get3A_1364] {strides = array<i32>} : memref<256x128xf32, #tpu.memory_space<vmem>>, vector<16xf32>,
      %add3A_1366 = arith.constant 2 : i32
      %add3A_1367 = arith.addi %add3A_1104, %add3A_1366 : i32
      %get3A_1368 = arith.index_cast %add3A_1367 : i32 to index
      %get3A_1369 = arith.constant 64 : index
      %get3A_1370 = tpu.vector_load %arg8[%get3A_1368, %get3A_1369] {strides = array<i32>} : memref<256x128xf32, #tpu.memory_space<vmem>>, vector<16xf32>,
      %add3A_1371 = arith.constant 2 : i32
      %add3A_1372 = arith.addi %add3A_1104, %add3A_1371 : i32
      %get3A_1373 = arith.index_cast %add3A_1372 : i32 to index
      %get3A_1374 = arith.constant 80 : index
      %get3A_1375 = tpu.vector_load %arg8[%get3A_1373, %get3A_1374] {strides = array<i32>} : memref<256x128xf32, #tpu.memory_space<vmem>>, vector<16xf32>,
      %add3A_1376 = arith.constant 2 : i32
      %add3A_1377 = arith.addi %add3A_1104, %add3A_1376 : i32
      %get3A_1378 = arith.index_cast %add3A_1377 : i32 to index
      %get3A_1379 = arith.constant 96 : index
      %get3A_1380 = tpu.vector_load %arg8[%get3A_1378, %get3A_1379] {strides = array<i32>} : memref<256x128xf32, #tpu.memory_space<vmem>>, vector<16xf32>,
      %add3A_1381 = arith.constant 2 : i32
      %add3A_1382 = arith.addi %add3A_1104, %add3A_1381 : i32
      %get3A_1383 = arith.index_cast %add3A_1382 : i32 to index
      %get3A_1384 = arith.constant 112 : index
      %get3A_1385 = tpu.vector_load %arg8[%get3A_1383, %get3A_1384] {strides = array<i32>} : memref<256x128xf32, #tpu.memory_space<vmem>>, vector<16xf32>,
      %add3A_1386 = arith.addf %get3A_1350, %get3A_1355 : vector<16xf32>
      %add3A_1387 = arith.addf %get3A_1360, %get3A_1365 : vector<16xf32>
      %add3A_1388 = arith.addf %get3A_1370, %get3A_1375 : vector<16xf32>
      %add3A_1389 = arith.addf %get3A_1380, %get3A_1385 : vector<16xf32>
      %add3A_1390 = arith.addf %add3A_1386, %add3A_1387 : vector<16xf32>
      %add3A_1391 = arith.addf %add3A_1388, %add3A_1389 : vector<16xf32>
      %add3A_1392 = arith.addf %add3A_1390, %add3A_1391 : vector<16xf32>
      %iota3A_1393 = tpu.iota {dimensions = array<i32: 0>} : vector<16xi32>
      %xor3A_1394 = arith.constant 8 : i32
      %xor3A_1395 = vector.broadcast %xor3A_1394 : i32 to vector<16xi32>
      %xor3A_1396 = arith.xori %iota3A_1393, %xor3A_1395 : vector<16xi32>
      %reshape3A_1397 = vector.shape_cast %xor3A_1396 : vector<16xi32> to vector<16x1xi32>
      %gather3A_1398 = vector.shape_cast %reshape3A_1397 : vector<16x1xi32> to vector<16xi32>
      %gather3A_1399 = tpu.dynamic_gather %add3A_1392[%gather3A_1398] in [0] : vector<16xf32>, vector<16xi32> -> vector<16xf32>
      %add3A_1400 = arith.addf %add3A_1392, %gather3A_1399 : vector<16xf32>
      %xor3A_1401 = arith.constant 4 : i32
      %xor3A_1402 = vector.broadcast %xor3A_1401 : i32 to vector<16xi32>
      %xor3A_1403 = arith.xori %iota3A_1393, %xor3A_1402 : vector<16xi32>
      %reshape3A_1404 = vector.shape_cast %xor3A_1403 : vector<16xi32> to vector<16x1xi32>
      %gather3A_1405 = vector.shape_cast %reshape3A_1404 : vector<16x1xi32> to vector<16xi32>
      %gather3A_1406 = tpu.dynamic_gather %add3A_1400[%gather3A_1405] in [0] : vector<16xf32>, vector<16xi32> -> vector<16xf32>
      %add3A_1407 = arith.addf %add3A_1400, %gather3A_1406 : vector<16xf32>
      %xor3A_1408 = arith.constant 2 : i32
      %xor3A_1409 = vector.broadcast %xor3A_1408 : i32 to vector<16xi32>
      %xor3A_1410 = arith.xori %iota3A_1393, %xor3A_1409 : vector<16xi32>
      %reshape3A_1411 = vector.shape_cast %xor3A_1410 : vector<16xi32> to vector<16x1xi32>
      %gather3A_1412 = vector.shape_cast %reshape3A_1411 : vector<16x1xi32> to vector<16xi32>
      %gather3A_1413 = tpu.dynamic_gather %add3A_1407[%gather3A_1412] in [0] : vector<16xf32>, vector<16xi32> -> vector<16xf32>
      %add3A_1414 = arith.addf %add3A_1407, %gather3A_1413 : vector<16xf32>
      %xor3A_1415 = arith.constant 1 : i32
      %xor3A_1416 = vector.broadcast %xor3A_1415 : i32 to vector<16xi32>
      %xor3A_1417 = arith.xori %iota3A_1393, %xor3A_1416 : vector<16xi32>
      %reshape3A_1418 = vector.shape_cast %xor3A_1417 : vector<16xi32> to vector<16x1xi32>
      %gather3A_1419 = vector.shape_cast %reshape3A_1418 : vector<16x1xi32> to vector<16xi32>
      %gather3A_1420 = tpu.dynamic_gather %add3A_1414[%gather3A_1419] in [0] : vector<16xf32>, vector<16xi32> -> vector<16xf32>
      %add3A_1421 = arith.addf %add3A_1414, %gather3A_1420 : vector<16xf32>
      %mul3A_1422 = arith.mulf %get3A_1350, %get3A_1350 : vector<16xf32>
      %mul3A_1423 = arith.mulf %get3A_1355, %get3A_1355 : vector<16xf32>
      %mul3A_1424 = arith.mulf %get3A_1360, %get3A_1360 : vector<16xf32>
      %mul3A_1425 = arith.mulf %get3A_1365, %get3A_1365 : vector<16xf32>
      %mul3A_1426 = arith.mulf %get3A_1370, %get3A_1370 : vector<16xf32>
      %mul3A_1427 = arith.mulf %get3A_1375, %get3A_1375 : vector<16xf32>
      %mul3A_1428 = arith.mulf %get3A_1380, %get3A_1380 : vector<16xf32>
      %mul3A_1429 = arith.mulf %get3A_1385, %get3A_1385 : vector<16xf32>
      %add3A_1430 = arith.addf %mul3A_1422, %mul3A_1423 : vector<16xf32>
      %add3A_1431 = arith.addf %mul3A_1424, %mul3A_1425 : vector<16xf32>
      %add3A_1432 = arith.addf %mul3A_1426, %mul3A_1427 : vector<16xf32>
      %add3A_1433 = arith.addf %mul3A_1428, %mul3A_1429 : vector<16xf32>
      %add3A_1434 = arith.addf %add3A_1430, %add3A_1431 : vector<16xf32>
      %add3A_1435 = arith.addf %add3A_1432, %add3A_1433 : vector<16xf32>
      %add3A_1436 = arith.addf %add3A_1434, %add3A_1435 : vector<16xf32>
      %iota3A_1437 = tpu.iota {dimensions = array<i32: 0>} : vector<16xi32>
      %xor3A_1438 = arith.constant 8 : i32
      %xor3A_1439 = vector.broadcast %xor3A_1438 : i32 to vector<16xi32>
      %xor3A_1440 = arith.xori %iota3A_1437, %xor3A_1439 : vector<16xi32>
      %reshape3A_1441 = vector.shape_cast %xor3A_1440 : vector<16xi32> to vector<16x1xi32>
      %gather3A_1442 = vector.shape_cast %reshape3A_1441 : vector<16x1xi32> to vector<16xi32>
      %gather3A_1443 = tpu.dynamic_gather %add3A_1436[%gather3A_1442] in [0] : vector<16xf32>, vector<16xi32> -> vector<16xf32>
      %add3A_1444 = arith.addf %add3A_1436, %gather3A_1443 : vector<16xf32>
      %xor3A_1445 = arith.constant 4 : i32
      %xor3A_1446 = vector.broadcast %xor3A_1445 : i32 to vector<16xi32>
      %xor3A_1447 = arith.xori %iota3A_1437, %xor3A_1446 : vector<16xi32>
      %reshape3A_1448 = vector.shape_cast %xor3A_1447 : vector<16xi32> to vector<16x1xi32>
      %gather3A_1449 = vector.shape_cast %reshape3A_1448 : vector<16x1xi32> to vector<16xi32>
      %gather3A_1450 = tpu.dynamic_gather %add3A_1444[%gather3A_1449] in [0] : vector<16xf32>, vector<16xi32> -> vector<16xf32>
      %add3A_1451 = arith.addf %add3A_1444, %gather3A_1450 : vector<16xf32>
      %xor3A_1452 = arith.constant 2 : i32
      %xor3A_1453 = vector.broadcast %xor3A_1452 : i32 to vector<16xi32>
      %xor3A_1454 = arith.xori %iota3A_1437, %xor3A_1453 : vector<16xi32>
      %reshape3A_1455 = vector.shape_cast %xor3A_1454 : vector<16xi32> to vector<16x1xi32>
      %gather3A_1456 = vector.shape_cast %reshape3A_1455 : vector<16x1xi32> to vector<16xi32>
      %gather3A_1457 = tpu.dynamic_gather %add3A_1451[%gather3A_1456] in [0] : vector<16xf32>, vector<16xi32> -> vector<16xf32>
      %add3A_1458 = arith.addf %add3A_1451, %gather3A_1457 : vector<16xf32>
      %xor3A_1459 = arith.constant 1 : i32
      %xor3A_1460 = vector.broadcast %xor3A_1459 : i32 to vector<16xi32>
      %xor3A_1461 = arith.xori %iota3A_1437, %xor3A_1460 : vector<16xi32>
      %reshape3A_1462 = vector.shape_cast %xor3A_1461 : vector<16xi32> to vector<16x1xi32>
      %gather3A_1463 = vector.shape_cast %reshape3A_1462 : vector<16x1xi32> to vector<16xi32>
      %gather3A_1464 = tpu.dynamic_gather %add3A_1458[%gather3A_1463] in [0] : vector<16xf32>, vector<16xi32> -> vector<16xf32>
      %add3A_1465 = arith.addf %add3A_1458, %gather3A_1464 : vector<16xf32>
      %add3A_1466 = arith.constant 3 : i32
      %add3A_1467 = arith.addi %add3A_1104, %add3A_1466 : i32
      %get3A_1468 = arith.index_cast %add3A_1467 : i32 to index
      %get3A_1469 = arith.constant 0 : index
      %get3A_1470 = tpu.vector_load %arg8[%get3A_1468, %get3A_1469] {strides = array<i32>} : memref<256x128xf32, #tpu.memory_space<vmem>>, vector<16xf32>,
      %add3A_1471 = arith.constant 3 : i32
      %add3A_1472 = arith.addi %add3A_1104, %add3A_1471 : i32
      %get3A_1473 = arith.index_cast %add3A_1472 : i32 to index
      %get3A_1474 = arith.constant 16 : index
      %get3A_1475 = tpu.vector_load %arg8[%get3A_1473, %get3A_1474] {strides = array<i32>} : memref<256x128xf32, #tpu.memory_space<vmem>>, vector<16xf32>,
      %add3A_1476 = arith.constant 3 : i32
      %add3A_1477 = arith.addi %add3A_1104, %add3A_1476 : i32
      %get3A_1478 = arith.index_cast %add3A_1477 : i32 to index
      %get3A_1479 = arith.constant 32 : index
      %get3A_1480 = tpu.vector_load %arg8[%get3A_1478, %get3A_1479] {strides = array<i32>} : memref<256x128xf32, #tpu.memory_space<vmem>>, vector<16xf32>,
      %add3A_1481 = arith.constant 3 : i32
      %add3A_1482 = arith.addi %add3A_1104, %add3A_1481 : i32
      %get3A_1483 = arith.index_cast %add3A_1482 : i32 to index
      %get3A_1484 = arith.constant 48 : index
      %get3A_1485 = tpu.vector_load %arg8[%get3A_1483, %get3A_1484] {strides = array<i32>} : memref<256x128xf32, #tpu.memory_space<vmem>>, vector<16xf32>,
      %add3A_1486 = arith.constant 3 : i32
      %add3A_1487 = arith.addi %add3A_1104, %add3A_1486 : i32
      %get3A_1488 = arith.index_cast %add3A_1487 : i32 to index
      %get3A_1489 = arith.constant 64 : index
      %get3A_1490 = tpu.vector_load %arg8[%get3A_1488, %get3A_1489] {strides = array<i32>} : memref<256x128xf32, #tpu.memory_space<vmem>>, vector<16xf32>,
      %add3A_1491 = arith.constant 3 : i32
      %add3A_1492 = arith.addi %add3A_1104, %add3A_1491 : i32
      %get3A_1493 = arith.index_cast %add3A_1492 : i32 to index
      %get3A_1494 = arith.constant 80 : index
      %get3A_1495 = tpu.vector_load %arg8[%get3A_1493, %get3A_1494] {strides = array<i32>} : memref<256x128xf32, #tpu.memory_space<vmem>>, vector<16xf32>,
      %add3A_1496 = arith.constant 3 : i32
      %add3A_1497 = arith.addi %add3A_1104, %add3A_1496 : i32
      %get3A_1498 = arith.index_cast %add3A_1497 : i32 to index
      %get3A_1499 = arith.constant 96 : index
      %get3A_1500 = tpu.vector_load %arg8[%get3A_1498, %get3A_1499] {strides = array<i32>} : memref<256x128xf32, #tpu.memory_space<vmem>>, vector<16xf32>,
      %add3A_1501 = arith.constant 3 : i32
      %add3A_1502 = arith.addi %add3A_1104, %add3A_1501 : i32
      %get3A_1503 = arith.index_cast %add3A_1502 : i32 to index
      %get3A_1504 = arith.constant 112 : index
      %get3A_1505 = tpu.vector_load %arg8[%get3A_1503, %get3A_1504] {strides = array<i32>} : memref<256x128xf32, #tpu.memory_space<vmem>>, vector<16xf32>,
      %add3A_1506 = arith.addf %get3A_1470, %get3A_1475 : vector<16xf32>
      %add3A_1507 = arith.addf %get3A_1480, %get3A_1485 : vector<16xf32>
      %add3A_1508 = arith.addf %get3A_1490, %get3A_1495 : vector<16xf32>
      %add3A_1509 = arith.addf %get3A_1500, %get3A_1505 : vector<16xf32>
      %add3A_1510 = arith.addf %add3A_1506, %add3A_1507 : vector<16xf32>
      %add3A_1511 = arith.addf %add3A_1508, %add3A_1509 : vector<16xf32>
      %add3A_1512 = arith.addf %add3A_1510, %add3A_1511 : vector<16xf32>
      %iota3A_1513 = tpu.iota {dimensions = array<i32: 0>} : vector<16xi32>
      %xor3A_1514 = arith.constant 8 : i32
      %xor3A_1515 = vector.broadcast %xor3A_1514 : i32 to vector<16xi32>
      %xor3A_1516 = arith.xori %iota3A_1513, %xor3A_1515 : vector<16xi32>
      %reshape3A_1517 = vector.shape_cast %xor3A_1516 : vector<16xi32> to vector<16x1xi32>
      %gather3A_1518 = vector.shape_cast %reshape3A_1517 : vector<16x1xi32> to vector<16xi32>
      %gather3A_1519 = tpu.dynamic_gather %add3A_1512[%gather3A_1518] in [0] : vector<16xf32>, vector<16xi32> -> vector<16xf32>
      %add3A_1520 = arith.addf %add3A_1512, %gather3A_1519 : vector<16xf32>
      %xor3A_1521 = arith.constant 4 : i32
      %xor3A_1522 = vector.broadcast %xor3A_1521 : i32 to vector<16xi32>
      %xor3A_1523 = arith.xori %iota3A_1513, %xor3A_1522 : vector<16xi32>
      %reshape3A_1524 = vector.shape_cast %xor3A_1523 : vector<16xi32> to vector<16x1xi32>
      %gather3A_1525 = vector.shape_cast %reshape3A_1524 : vector<16x1xi32> to vector<16xi32>
      %gather3A_1526 = tpu.dynamic_gather %add3A_1520[%gather3A_1525] in [0] : vector<16xf32>, vector<16xi32> -> vector<16xf32>
      %add3A_1527 = arith.addf %add3A_1520, %gather3A_1526 : vector<16xf32>
      %xor3A_1528 = arith.constant 2 : i32
      %xor3A_1529 = vector.broadcast %xor3A_1528 : i32 to vector<16xi32>
      %xor3A_1530 = arith.xori %iota3A_1513, %xor3A_1529 : vector<16xi32>
      %reshape3A_1531 = vector.shape_cast %xor3A_1530 : vector<16xi32> to vector<16x1xi32>
      %gather3A_1532 = vector.shape_cast %reshape3A_1531 : vector<16x1xi32> to vector<16xi32>
      %gather3A_1533 = tpu.dynamic_gather %add3A_1527[%gather3A_1532] in [0] : vector<16xf32>, vector<16xi32> -> vector<16xf32>
      %add3A_1534 = arith.addf %add3A_1527, %gather3A_1533 : vector<16xf32>
      %xor3A_1535 = arith.constant 1 : i32
      %xor3A_1536 = vector.broadcast %xor3A_1535 : i32 to vector<16xi32>
      %xor3A_1537 = arith.xori %iota3A_1513, %xor3A_1536 : vector<16xi32>
      %reshape3A_1538 = vector.shape_cast %xor3A_1537 : vector<16xi32> to vector<16x1xi32>
      %gather3A_1539 = vector.shape_cast %reshape3A_1538 : vector<16x1xi32> to vector<16xi32>
      %gather3A_1540 = tpu.dynamic_gather %add3A_1534[%gather3A_1539] in [0] : vector<16xf32>, vector<16xi32> -> vector<16xf32>
      %add3A_1541 = arith.addf %add3A_1534, %gather3A_1540 : vector<16xf32>
      %mul3A_1542 = arith.mulf %get3A_1470, %get3A_1470 : vector<16xf32>
      %mul3A_1543 = arith.mulf %get3A_1475, %get3A_1475 : vector<16xf32>
      %mul3A_1544 = arith.mulf %get3A_1480, %get3A_1480 : vector<16xf32>
      %mul3A_1545 = arith.mulf %get3A_1485, %get3A_1485 : vector<16xf32>
      %mul3A_1546 = arith.mulf %get3A_1490, %get3A_1490 : vector<16xf32>
      %mul3A_1547 = arith.mulf %get3A_1495, %get3A_1495 : vector<16xf32>
      %mul3A_1548 = arith.mulf %get3A_1500, %get3A_1500 : vector<16xf32>
      %mul3A_1549 = arith.mulf %get3A_1505, %get3A_1505 : vector<16xf32>
      %add3A_1550 = arith.addf %mul3A_1542, %mul3A_1543 : vector<16xf32>
      %add3A_1551 = arith.addf %mul3A_1544, %mul3A_1545 : vector<16xf32>
      %add3A_1552 = arith.addf %mul3A_1546, %mul3A_1547 : vector<16xf32>
      %add3A_1553 = arith.addf %mul3A_1548, %mul3A_1549 : vector<16xf32>
      %add3A_1554 = arith.addf %add3A_1550, %add3A_1551 : vector<16xf32>
      %add3A_1555 = arith.addf %add3A_1552, %add3A_1553 : vector<16xf32>
      %add3A_1556 = arith.addf %add3A_1554, %add3A_1555 : vector<16xf32>
      %iota3A_1557 = tpu.iota {dimensions = array<i32: 0>} : vector<16xi32>
      %xor3A_1558 = arith.constant 8 : i32
      %xor3A_1559 = vector.broadcast %xor3A_1558 : i32 to vector<16xi32>
      %xor3A_1560 = arith.xori %iota3A_1557, %xor3A_1559 : vector<16xi32>
      %reshape3A_1561 = vector.shape_cast %xor3A_1560 : vector<16xi32> to vector<16x1xi32>
      %gather3A_1562 = vector.shape_cast %reshape3A_1561 : vector<16x1xi32> to vector<16xi32>
      %gather3A_1563 = tpu.dynamic_gather %add3A_1556[%gather3A_1562] in [0] : vector<16xf32>, vector<16xi32> -> vector<16xf32>
      %add3A_1564 = arith.addf %add3A_1556, %gather3A_1563 : vector<16xf32>
      %xor3A_1565 = arith.constant 4 : i32
      %xor3A_1566 = vector.broadcast %xor3A_1565 : i32 to vector<16xi32>
      %xor3A_1567 = arith.xori %iota3A_1557, %xor3A_1566 : vector<16xi32>
      %reshape3A_1568 = vector.shape_cast %xor3A_1567 : vector<16xi32> to vector<16x1xi32>
      %gather3A_1569 = vector.shape_cast %reshape3A_1568 : vector<16x1xi32> to vector<16xi32>
      %gather3A_1570 = tpu.dynamic_gather %add3A_1564[%gather3A_1569] in [0] : vector<16xf32>, vector<16xi32> -> vector<16xf32>
      %add3A_1571 = arith.addf %add3A_1564, %gather3A_1570 : vector<16xf32>
      %xor3A_1572 = arith.constant 2 : i32
      %xor3A_1573 = vector.broadcast %xor3A_1572 : i32 to vector<16xi32>
      %xor3A_1574 = arith.xori %iota3A_1557, %xor3A_1573 : vector<16xi32>
      %reshape3A_1575 = vector.shape_cast %xor3A_1574 : vector<16xi32> to vector<16x1xi32>
      %gather3A_1576 = vector.shape_cast %reshape3A_1575 : vector<16x1xi32> to vector<16xi32>
      %gather3A_1577 = tpu.dynamic_gather %add3A_1571[%gather3A_1576] in [0] : vector<16xf32>, vector<16xi32> -> vector<16xf32>
      %add3A_1578 = arith.addf %add3A_1571, %gather3A_1577 : vector<16xf32>
      %xor3A_1579 = arith.constant 1 : i32
      %xor3A_1580 = vector.broadcast %xor3A_1579 : i32 to vector<16xi32>
      %xor3A_1581 = arith.xori %iota3A_1557, %xor3A_1580 : vector<16xi32>
      %reshape3A_1582 = vector.shape_cast %xor3A_1581 : vector<16xi32> to vector<16x1xi32>
      %gather3A_1583 = vector.shape_cast %reshape3A_1582 : vector<16x1xi32> to vector<16xi32>
      %gather3A_1584 = tpu.dynamic_gather %add3A_1578[%gather3A_1583] in [0] : vector<16xf32>, vector<16xi32> -> vector<16xf32>
      %add3A_1585 = arith.addf %add3A_1578, %gather3A_1584 : vector<16xf32>
      %mul3A_1586 = arith.constant 7.812500e-03 : f32
      %mul3A_1587 = vector.broadcast %mul3A_1586 : f32 to vector<16xf32>
      %mul3A_1588 = arith.mulf %add3A_1181, %mul3A_1587 : vector<16xf32>
      %mul3A_1589 = arith.constant 7.812500e-03 : f32
      %mul3A_1590 = vector.broadcast %mul3A_1589 : f32 to vector<16xf32>
      %mul3A_1591 = arith.mulf %add3A_1301, %mul3A_1590 : vector<16xf32>
      %mul3A_1592 = arith.constant 7.812500e-03 : f32
      %mul3A_1593 = vector.broadcast %mul3A_1592 : f32 to vector<16xf32>
      %mul3A_1594 = arith.mulf %add3A_1421, %mul3A_1593 : vector<16xf32>
      %mul3A_1595 = arith.constant 7.812500e-03 : f32
      %mul3A_1596 = vector.broadcast %mul3A_1595 : f32 to vector<16xf32>
      %mul3A_1597 = arith.mulf %add3A_1541, %mul3A_1596 : vector<16xf32>
      %mul3A_1598 = arith.mulf %add3A_1181, %add3A_1181 : vector<16xf32>
      %mul3A_1599 = arith.constant 7.812500e-03 : f32
      %mul3A_1600 = vector.broadcast %mul3A_1599 : f32 to vector<16xf32>
      %mul3A_1601 = arith.mulf %mul3A_1598, %mul3A_1600 : vector<16xf32>
      %sub3A_1602 = arith.subf %add3A_1225, %mul3A_1601 : vector<16xf32>
      %mul3A_1603 = arith.constant 0.00787401571 : f32
      %mul3A_1604 = vector.broadcast %mul3A_1603 : f32 to vector<16xf32>
      %mul3A_1605 = arith.mulf %sub3A_1602, %mul3A_1604 : vector<16xf32>
      %mul3A_1606 = arith.mulf %add3A_1301, %add3A_1301 : vector<16xf32>
      %mul3A_1607 = arith.constant 7.812500e-03 : f32
      %mul3A_1608 = vector.broadcast %mul3A_1607 : f32 to vector<16xf32>
      %mul3A_1609 = arith.mulf %mul3A_1606, %mul3A_1608 : vector<16xf32>
      %sub3A_1610 = arith.subf %add3A_1345, %mul3A_1609 : vector<16xf32>
      %mul3A_1611 = arith.constant 0.00787401571 : f32
      %mul3A_1612 = vector.broadcast %mul3A_1611 : f32 to vector<16xf32>
      %mul3A_1613 = arith.mulf %sub3A_1610, %mul3A_1612 : vector<16xf32>
      %mul3A_1614 = arith.mulf %add3A_1421, %add3A_1421 : vector<16xf32>
      %mul3A_1615 = arith.constant 7.812500e-03 : f32
      %mul3A_1616 = vector.broadcast %mul3A_1615 : f32 to vector<16xf32>
      %mul3A_1617 = arith.mulf %mul3A_1614, %mul3A_1616 : vector<16xf32>
      %sub3A_1618 = arith.subf %add3A_1465, %mul3A_1617 : vector<16xf32>
      %mul3A_1619 = arith.constant 0.00787401571 : f32
      %mul3A_1620 = vector.broadcast %mul3A_1619 : f32 to vector<16xf32>
      %mul3A_1621 = arith.mulf %sub3A_1618, %mul3A_1620 : vector<16xf32>
      %mul3A_1622 = arith.mulf %add3A_1541, %add3A_1541 : vector<16xf32>
      %mul3A_1623 = arith.constant 7.812500e-03 : f32
      %mul3A_1624 = vector.broadcast %mul3A_1623 : f32 to vector<16xf32>
      %mul3A_1625 = arith.mulf %mul3A_1622, %mul3A_1624 : vector<16xf32>
      %sub3A_1626 = arith.subf %add3A_1585, %mul3A_1625 : vector<16xf32>
      %mul3A_1627 = arith.constant 0.00787401571 : f32
      %mul3A_1628 = vector.broadcast %mul3A_1627 : f32 to vector<16xf32>
      %mul3A_1629 = arith.mulf %sub3A_1626, %mul3A_1628 : vector<16xf32>
      %eq3A_1630 = arith.constant 1 : i32
      %eq3A_1631 = vector.broadcast %eq3A_1630 : i32 to vector<16xi32>
      %eq3A_1632 = arith.cmpi eq, %iota3A_1105, %eq3A_1631 : vector<16xi32>
      %select_n3A_1633 = arith.select %eq3A_1632, %mul3A_1613, %mul3A_1605 : vector<16xi1>, vector<16xf32>
      %eq3A_1634 = arith.constant 2 : i32
      %eq3A_1635 = vector.broadcast %eq3A_1634 : i32 to vector<16xi32>
      %eq3A_1636 = arith.cmpi eq, %iota3A_1105, %eq3A_1635 : vector<16xi32>
      %select_n3A_1637 = arith.select %eq3A_1636, %mul3A_1621, %select_n3A_1633 : vector<16xi1>, vector<16xf32>
      %eq3A_1638 = arith.constant 3 : i32
      %eq3A_1639 = vector.broadcast %eq3A_1638 : i32 to vector<16xi32>
      %eq3A_1640 = arith.cmpi eq, %iota3A_1105, %eq3A_1639 : vector<16xi32>
      %select_n3A_1641 = arith.select %eq3A_1640, %mul3A_1629, %select_n3A_1637 : vector<16xi1>, vector<16xf32>
      %bitcast3A_1642 = vector.bitcast %select_n3A_1641 : vector<16xf32> to vector<16xi32>
      %shift_right_arithmetic3A_1643 = arith.constant 1 : i32
      %shift_right_arithmetic3A_1644 = vector.broadcast %shift_right_arithmetic3A_1643 : i32 to vector<16xi32>
      %shift_right_arithmetic3A_1645 = arith.shrsi %bitcast3A_1642, %shift_right_arithmetic3A_1644 : vector<16xi32>
      %sub3A_1646 = arith.constant 1597463007 : i32
      %sub3A_1647 = vector.broadcast %sub3A_1646 : i32 to vector<16xi32>
      %sub3A_1648 = arith.subi %sub3A_1647, %shift_right_arithmetic3A_1645 : vector<16xi32>
      %bitcast3A_1649 = vector.bitcast %sub3A_1648 : vector<16xi32> to vector<16xf32>
      %mul3A_1650 = arith.constant 5.000000e-01 : f32
      %mul3A_1651 = vector.broadcast %mul3A_1650 : f32 to vector<16xf32>
      %mul3A_1652 = arith.mulf %mul3A_1651, %select_n3A_1641 : vector<16xf32>
      %mul3A_1653 = arith.mulf %mul3A_1652, %bitcast3A_1649 : vector<16xf32>
      %mul3A_1654 = arith.mulf %mul3A_1653, %bitcast3A_1649 : vector<16xf32>
      %sub3A_1655 = arith.constant 1.500000e+00 : f32
      %sub3A_1656 = vector.broadcast %sub3A_1655 : f32 to vector<16xf32>
      %sub3A_1657 = arith.subf %sub3A_1656, %mul3A_1654 : vector<16xf32>
      %mul3A_1658 = arith.mulf %bitcast3A_1649, %sub3A_1657 : vector<16xf32>
      %mul3A_1659 = arith.constant 5.000000e-01 : f32
      %mul3A_1660 = vector.broadcast %mul3A_1659 : f32 to vector<16xf32>
      %mul3A_1661 = arith.mulf %mul3A_1660, %select_n3A_1641 : vector<16xf32>
      %mul3A_1662 = arith.mulf %mul3A_1661, %mul3A_1658 : vector<16xf32>
      %mul3A_1663 = arith.mulf %mul3A_1662, %mul3A_1658 : vector<16xf32>
      %sub3A_1664 = arith.constant 1.500000e+00 : f32
      %sub3A_1665 = vector.broadcast %sub3A_1664 : f32 to vector<16xf32>
      %sub3A_1666 = arith.subf %sub3A_1665, %mul3A_1663 : vector<16xf32>
      %mul3A_1667 = arith.mulf %mul3A_1658, %sub3A_1666 : vector<16xf32>
      %broadcast_in_dim3A = arith.constant 0 : i32
      %broadcast_in_dim3A_1668 = vector.broadcast %broadcast_in_dim3A : i32 to vector<16xi32>
      %reshape3A_1669 = vector.shape_cast %broadcast_in_dim3A_1668 : vector<16xi32> to vector<16x1xi32>
      %gather3A_1670 = vector.shape_cast %reshape3A_1669 : vector<16x1xi32> to vector<16xi32>
      %gather3A_1671 = tpu.dynamic_gather %mul3A_1667[%gather3A_1670] in [0] : vector<16xf32>, vector<16xi32> -> vector<16xf32>
      %sub3A_1672 = arith.subf %get3A_1110, %mul3A_1588 : vector<16xf32>
      %mul3A_1673 = arith.mulf %sub3A_1672, %gather3A_1671 : vector<16xf32>
      %add3A_1674 = arith.constant 0 : i32
      %add3A_1675 = arith.addi %add3A_1104, %add3A_1674 : i32
      %swap3A_1676 = arith.index_cast %add3A_1675 : i32 to index
      %swap3A_1677 = arith.constant 0 : index
      %swap3A_1678 = tpu.vector_load %arg8[%swap3A_1676, %swap3A_1677] {strides = array<i32>} : memref<256x128xf32, #tpu.memory_space<vmem>>, vector<16xf32>,
      tpu.vector_store %arg8[%swap3A_1676, %swap3A_1677], %mul3A_1673 {strides = array<i32>} : memref<256x128xf32, #tpu.memory_space<vmem>>, vector<16xf32>,
      %sub3A_1679 = arith.subf %get3A_1115, %mul3A_1588 : vector<16xf32>
      %mul3A_1680 = arith.mulf %sub3A_1679, %gather3A_1671 : vector<16xf32>
      %add3A_1681 = arith.constant 0 : i32
      %add3A_1682 = arith.addi %add3A_1104, %add3A_1681 : i32
      %swap3A_1683 = arith.index_cast %add3A_1682 : i32 to index
      %swap3A_1684 = arith.constant 16 : index
      %swap3A_1685 = tpu.vector_load %arg8[%swap3A_1683, %swap3A_1684] {strides = array<i32>} : memref<256x128xf32, #tpu.memory_space<vmem>>, vector<16xf32>,
      tpu.vector_store %arg8[%swap3A_1683, %swap3A_1684], %mul3A_1680 {strides = array<i32>} : memref<256x128xf32, #tpu.memory_space<vmem>>, vector<16xf32>,
      %sub3A_1686 = arith.subf %get3A_1120, %mul3A_1588 : vector<16xf32>
      %mul3A_1687 = arith.mulf %sub3A_1686, %gather3A_1671 : vector<16xf32>
      %add3A_1688 = arith.constant 0 : i32
      %add3A_1689 = arith.addi %add3A_1104, %add3A_1688 : i32
      %swap3A_1690 = arith.index_cast %add3A_1689 : i32 to index
      %swap3A_1691 = arith.constant 32 : index
      %swap3A_1692 = tpu.vector_load %arg8[%swap3A_1690, %swap3A_1691] {strides = array<i32>} : memref<256x128xf32, #tpu.memory_space<vmem>>, vector<16xf32>,
      tpu.vector_store %arg8[%swap3A_1690, %swap3A_1691], %mul3A_1687 {strides = array<i32>} : memref<256x128xf32, #tpu.memory_space<vmem>>, vector<16xf32>,
      %sub3A_1693 = arith.subf %get3A_1125, %mul3A_1588 : vector<16xf32>
      %mul3A_1694 = arith.mulf %sub3A_1693, %gather3A_1671 : vector<16xf32>
      %add3A_1695 = arith.constant 0 : i32
      %add3A_1696 = arith.addi %add3A_1104, %add3A_1695 : i32
      %swap3A_1697 = arith.index_cast %add3A_1696 : i32 to index
      %swap3A_1698 = arith.constant 48 : index
      %swap3A_1699 = tpu.vector_load %arg8[%swap3A_1697, %swap3A_1698] {strides = array<i32>} : memref<256x128xf32, #tpu.memory_space<vmem>>, vector<16xf32>,
      tpu.vector_store %arg8[%swap3A_1697, %swap3A_1698], %mul3A_1694 {strides = array<i32>} : memref<256x128xf32, #tpu.memory_space<vmem>>, vector<16xf32>,
      %sub3A_1700 = arith.subf %get3A_1130, %mul3A_1588 : vector<16xf32>
      %mul3A_1701 = arith.mulf %sub3A_1700, %gather3A_1671 : vector<16xf32>
      %add3A_1702 = arith.constant 0 : i32
      %add3A_1703 = arith.addi %add3A_1104, %add3A_1702 : i32
      %swap3A_1704 = arith.index_cast %add3A_1703 : i32 to index
      %swap3A_1705 = arith.constant 64 : index
      %swap3A_1706 = tpu.vector_load %arg8[%swap3A_1704, %swap3A_1705] {strides = array<i32>} : memref<256x128xf32, #tpu.memory_space<vmem>>, vector<16xf32>,
      tpu.vector_store %arg8[%swap3A_1704, %swap3A_1705], %mul3A_1701 {strides = array<i32>} : memref<256x128xf32, #tpu.memory_space<vmem>>, vector<16xf32>,
      %sub3A_1707 = arith.subf %get3A_1135, %mul3A_1588 : vector<16xf32>
      %mul3A_1708 = arith.mulf %sub3A_1707, %gather3A_1671 : vector<16xf32>
      %add3A_1709 = arith.constant 0 : i32
      %add3A_1710 = arith.addi %add3A_1104, %add3A_1709 : i32
      %swap3A_1711 = arith.index_cast %add3A_1710 : i32 to index
      %swap3A_1712 = arith.constant 80 : index
      %swap3A_1713 = tpu.vector_load %arg8[%swap3A_1711, %swap3A_1712] {strides = array<i32>} : memref<256x128xf32, #tpu.memory_space<vmem>>, vector<16xf32>,
      tpu.vector_store %arg8[%swap3A_1711, %swap3A_1712], %mul3A_1708 {strides = array<i32>} : memref<256x128xf32, #tpu.memory_space<vmem>>, vector<16xf32>,
      %sub3A_1714 = arith.subf %get3A_1140, %mul3A_1588 : vector<16xf32>
      %mul3A_1715 = arith.mulf %sub3A_1714, %gather3A_1671 : vector<16xf32>
      %add3A_1716 = arith.constant 0 : i32
      %add3A_1717 = arith.addi %add3A_1104, %add3A_1716 : i32
      %swap3A_1718 = arith.index_cast %add3A_1717 : i32 to index
      %swap3A_1719 = arith.constant 96 : index
      %swap3A_1720 = tpu.vector_load %arg8[%swap3A_1718, %swap3A_1719] {strides = array<i32>} : memref<256x128xf32, #tpu.memory_space<vmem>>, vector<16xf32>,
      tpu.vector_store %arg8[%swap3A_1718, %swap3A_1719], %mul3A_1715 {strides = array<i32>} : memref<256x128xf32, #tpu.memory_space<vmem>>, vector<16xf32>,
      %sub3A_1721 = arith.subf %get3A_1145, %mul3A_1588 : vector<16xf32>
      %mul3A_1722 = arith.mulf %sub3A_1721, %gather3A_1671 : vector<16xf32>
      %add3A_1723 = arith.constant 0 : i32
      %add3A_1724 = arith.addi %add3A_1104, %add3A_1723 : i32
      %swap3A_1725 = arith.index_cast %add3A_1724 : i32 to index
      %swap3A_1726 = arith.constant 112 : index
      %swap3A_1727 = tpu.vector_load %arg8[%swap3A_1725, %swap3A_1726] {strides = array<i32>} : memref<256x128xf32, #tpu.memory_space<vmem>>, vector<16xf32>,
      tpu.vector_store %arg8[%swap3A_1725, %swap3A_1726], %mul3A_1722 {strides = array<i32>} : memref<256x128xf32, #tpu.memory_space<vmem>>, vector<16xf32>,
      %broadcast_in_dim3A_1728 = arith.constant 1 : i32
      %broadcast_in_dim3A_1729 = vector.broadcast %broadcast_in_dim3A_1728 : i32 to vector<16xi32>
      %reshape3A_1730 = vector.shape_cast %broadcast_in_dim3A_1729 : vector<16xi32> to vector<16x1xi32>
      %gather3A_1731 = vector.shape_cast %reshape3A_1730 : vector<16x1xi32> to vector<16xi32>
      %gather3A_1732 = tpu.dynamic_gather %mul3A_1667[%gather3A_1731] in [0] : vector<16xf32>, vector<16xi32> -> vector<16xf32>
      %sub3A_1733 = arith.subf %get3A_1230, %mul3A_1591 : vector<16xf32>
      %mul3A_1734 = arith.mulf %sub3A_1733, %gather3A_1732 : vector<16xf32>
      %add3A_1735 = arith.constant 1 : i32
      %add3A_1736 = arith.addi %add3A_1104, %add3A_1735 : i32
      %swap3A_1737 = arith.index_cast %add3A_1736 : i32 to index
      %swap3A_1738 = arith.constant 0 : index
      %swap3A_1739 = tpu.vector_load %arg8[%swap3A_1737, %swap3A_1738] {strides = array<i32>} : memref<256x128xf32, #tpu.memory_space<vmem>>, vector<16xf32>,
      tpu.vector_store %arg8[%swap3A_1737, %swap3A_1738], %mul3A_1734 {strides = array<i32>} : memref<256x128xf32, #tpu.memory_space<vmem>>, vector<16xf32>,
      %sub3A_1740 = arith.subf %get3A_1235, %mul3A_1591 : vector<16xf32>
      %mul3A_1741 = arith.mulf %sub3A_1740, %gather3A_1732 : vector<16xf32>
      %add3A_1742 = arith.constant 1 : i32
      %add3A_1743 = arith.addi %add3A_1104, %add3A_1742 : i32
      %swap3A_1744 = arith.index_cast %add3A_1743 : i32 to index
      %swap3A_1745 = arith.constant 16 : index
      %swap3A_1746 = tpu.vector_load %arg8[%swap3A_1744, %swap3A_1745] {strides = array<i32>} : memref<256x128xf32, #tpu.memory_space<vmem>>, vector<16xf32>,
      tpu.vector_store %arg8[%swap3A_1744, %swap3A_1745], %mul3A_1741 {strides = array<i32>} : memref<256x128xf32, #tpu.memory_space<vmem>>, vector<16xf32>,
      %sub3A_1747 = arith.subf %get3A_1240, %mul3A_1591 : vector<16xf32>
      %mul3A_1748 = arith.mulf %sub3A_1747, %gather3A_1732 : vector<16xf32>
      %add3A_1749 = arith.constant 1 : i32
      %add3A_1750 = arith.addi %add3A_1104, %add3A_1749 : i32
      %swap3A_1751 = arith.index_cast %add3A_1750 : i32 to index
      %swap3A_1752 = arith.constant 32 : index
      %swap3A_1753 = tpu.vector_load %arg8[%swap3A_1751, %swap3A_1752] {strides = array<i32>} : memref<256x128xf32, #tpu.memory_space<vmem>>, vector<16xf32>,
      tpu.vector_store %arg8[%swap3A_1751, %swap3A_1752], %mul3A_1748 {strides = array<i32>} : memref<256x128xf32, #tpu.memory_space<vmem>>, vector<16xf32>,
      %sub3A_1754 = arith.subf %get3A_1245, %mul3A_1591 : vector<16xf32>
      %mul3A_1755 = arith.mulf %sub3A_1754, %gather3A_1732 : vector<16xf32>
      %add3A_1756 = arith.constant 1 : i32
      %add3A_1757 = arith.addi %add3A_1104, %add3A_1756 : i32
      %swap3A_1758 = arith.index_cast %add3A_1757 : i32 to index
      %swap3A_1759 = arith.constant 48 : index
      %swap3A_1760 = tpu.vector_load %arg8[%swap3A_1758, %swap3A_1759] {strides = array<i32>} : memref<256x128xf32, #tpu.memory_space<vmem>>, vector<16xf32>,
      tpu.vector_store %arg8[%swap3A_1758, %swap3A_1759], %mul3A_1755 {strides = array<i32>} : memref<256x128xf32, #tpu.memory_space<vmem>>, vector<16xf32>,
      %sub3A_1761 = arith.subf %get3A_1250, %mul3A_1591 : vector<16xf32>
      %mul3A_1762 = arith.mulf %sub3A_1761, %gather3A_1732 : vector<16xf32>
      %add3A_1763 = arith.constant 1 : i32
      %add3A_1764 = arith.addi %add3A_1104, %add3A_1763 : i32
      %swap3A_1765 = arith.index_cast %add3A_1764 : i32 to index
      %swap3A_1766 = arith.constant 64 : index
      %swap3A_1767 = tpu.vector_load %arg8[%swap3A_1765, %swap3A_1766] {strides = array<i32>} : memref<256x128xf32, #tpu.memory_space<vmem>>, vector<16xf32>,
      tpu.vector_store %arg8[%swap3A_1765, %swap3A_1766], %mul3A_1762 {strides = array<i32>} : memref<256x128xf32, #tpu.memory_space<vmem>>, vector<16xf32>,
      %sub3A_1768 = arith.subf %get3A_1255, %mul3A_1591 : vector<16xf32>
      %mul3A_1769 = arith.mulf %sub3A_1768, %gather3A_1732 : vector<16xf32>
      %add3A_1770 = arith.constant 1 : i32
      %add3A_1771 = arith.addi %add3A_1104, %add3A_1770 : i32
      %swap3A_1772 = arith.index_cast %add3A_1771 : i32 to index
      %swap3A_1773 = arith.constant 80 : index
      %swap3A_1774 = tpu.vector_load %arg8[%swap3A_1772, %swap3A_1773] {strides = array<i32>} : memref<256x128xf32, #tpu.memory_space<vmem>>, vector<16xf32>,
      tpu.vector_store %arg8[%swap3A_1772, %swap3A_1773], %mul3A_1769 {strides = array<i32>} : memref<256x128xf32, #tpu.memory_space<vmem>>, vector<16xf32>,
      %sub3A_1775 = arith.subf %get3A_1260, %mul3A_1591 : vector<16xf32>
      %mul3A_1776 = arith.mulf %sub3A_1775, %gather3A_1732 : vector<16xf32>
      %add3A_1777 = arith.constant 1 : i32
      %add3A_1778 = arith.addi %add3A_1104, %add3A_1777 : i32
      %swap3A_1779 = arith.index_cast %add3A_1778 : i32 to index
      %swap3A_1780 = arith.constant 96 : index
      %swap3A_1781 = tpu.vector_load %arg8[%swap3A_1779, %swap3A_1780] {strides = array<i32>} : memref<256x128xf32, #tpu.memory_space<vmem>>, vector<16xf32>,
      tpu.vector_store %arg8[%swap3A_1779, %swap3A_1780], %mul3A_1776 {strides = array<i32>} : memref<256x128xf32, #tpu.memory_space<vmem>>, vector<16xf32>,
      %sub3A_1782 = arith.subf %get3A_1265, %mul3A_1591 : vector<16xf32>
      %mul3A_1783 = arith.mulf %sub3A_1782, %gather3A_1732 : vector<16xf32>
      %add3A_1784 = arith.constant 1 : i32
      %add3A_1785 = arith.addi %add3A_1104, %add3A_1784 : i32
      %swap3A_1786 = arith.index_cast %add3A_1785 : i32 to index
      %swap3A_1787 = arith.constant 112 : index
      %swap3A_1788 = tpu.vector_load %arg8[%swap3A_1786, %swap3A_1787] {strides = array<i32>} : memref<256x128xf32, #tpu.memory_space<vmem>>, vector<16xf32>,
      tpu.vector_store %arg8[%swap3A_1786, %swap3A_1787], %mul3A_1783 {strides = array<i32>} : memref<256x128xf32, #tpu.memory_space<vmem>>, vector<16xf32>,
      %broadcast_in_dim3A_1789 = arith.constant 2 : i32
      %broadcast_in_dim3A_1790 = vector.broadcast %broadcast_in_dim3A_1789 : i32 to vector<16xi32>
      %reshape3A_1791 = vector.shape_cast %broadcast_in_dim3A_1790 : vector<16xi32> to vector<16x1xi32>
      %gather3A_1792 = vector.shape_cast %reshape3A_1791 : vector<16x1xi32> to vector<16xi32>
      %gather3A_1793 = tpu.dynamic_gather %mul3A_1667[%gather3A_1792] in [0] : vector<16xf32>, vector<16xi32> -> vector<16xf32>
      %sub3A_1794 = arith.subf %get3A_1350, %mul3A_1594 : vector<16xf32>
      %mul3A_1795 = arith.mulf %sub3A_1794, %gather3A_1793 : vector<16xf32>
      %add3A_1796 = arith.constant 2 : i32
      %add3A_1797 = arith.addi %add3A_1104, %add3A_1796 : i32
      %swap3A_1798 = arith.index_cast %add3A_1797 : i32 to index
      %swap3A_1799 = arith.constant 0 : index
      %swap3A_1800 = tpu.vector_load %arg8[%swap3A_1798, %swap3A_1799] {strides = array<i32>} : memref<256x128xf32, #tpu.memory_space<vmem>>, vector<16xf32>,
      tpu.vector_store %arg8[%swap3A_1798, %swap3A_1799], %mul3A_1795 {strides = array<i32>} : memref<256x128xf32, #tpu.memory_space<vmem>>, vector<16xf32>,
      %sub3A_1801 = arith.subf %get3A_1355, %mul3A_1594 : vector<16xf32>
      %mul3A_1802 = arith.mulf %sub3A_1801, %gather3A_1793 : vector<16xf32>
      %add3A_1803 = arith.constant 2 : i32
      %add3A_1804 = arith.addi %add3A_1104, %add3A_1803 : i32
      %swap3A_1805 = arith.index_cast %add3A_1804 : i32 to index
      %swap3A_1806 = arith.constant 16 : index
      %swap3A_1807 = tpu.vector_load %arg8[%swap3A_1805, %swap3A_1806] {strides = array<i32>} : memref<256x128xf32, #tpu.memory_space<vmem>>, vector<16xf32>,
      tpu.vector_store %arg8[%swap3A_1805, %swap3A_1806], %mul3A_1802 {strides = array<i32>} : memref<256x128xf32, #tpu.memory_space<vmem>>, vector<16xf32>,
      %sub3A_1808 = arith.subf %get3A_1360, %mul3A_1594 : vector<16xf32>
      %mul3A_1809 = arith.mulf %sub3A_1808, %gather3A_1793 : vector<16xf32>
      %add3A_1810 = arith.constant 2 : i32
      %add3A_1811 = arith.addi %add3A_1104, %add3A_1810 : i32
      %swap3A_1812 = arith.index_cast %add3A_1811 : i32 to index
      %swap3A_1813 = arith.constant 32 : index
      %swap3A_1814 = tpu.vector_load %arg8[%swap3A_1812, %swap3A_1813] {strides = array<i32>} : memref<256x128xf32, #tpu.memory_space<vmem>>, vector<16xf32>,
      tpu.vector_store %arg8[%swap3A_1812, %swap3A_1813], %mul3A_1809 {strides = array<i32>} : memref<256x128xf32, #tpu.memory_space<vmem>>, vector<16xf32>,
      %sub3A_1815 = arith.subf %get3A_1365, %mul3A_1594 : vector<16xf32>
      %mul3A_1816 = arith.mulf %sub3A_1815, %gather3A_1793 : vector<16xf32>
      %add3A_1817 = arith.constant 2 : i32
      %add3A_1818 = arith.addi %add3A_1104, %add3A_1817 : i32
      %swap3A_1819 = arith.index_cast %add3A_1818 : i32 to index
      %swap3A_1820 = arith.constant 48 : index
      %swap3A_1821 = tpu.vector_load %arg8[%swap3A_1819, %swap3A_1820] {strides = array<i32>} : memref<256x128xf32, #tpu.memory_space<vmem>>, vector<16xf32>,
      tpu.vector_store %arg8[%swap3A_1819, %swap3A_1820], %mul3A_1816 {strides = array<i32>} : memref<256x128xf32, #tpu.memory_space<vmem>>, vector<16xf32>,
      %sub3A_1822 = arith.subf %get3A_1370, %mul3A_1594 : vector<16xf32>
      %mul3A_1823 = arith.mulf %sub3A_1822, %gather3A_1793 : vector<16xf32>
      %add3A_1824 = arith.constant 2 : i32
      %add3A_1825 = arith.addi %add3A_1104, %add3A_1824 : i32
      %swap3A_1826 = arith.index_cast %add3A_1825 : i32 to index
      %swap3A_1827 = arith.constant 64 : index
      %swap3A_1828 = tpu.vector_load %arg8[%swap3A_1826, %swap3A_1827] {strides = array<i32>} : memref<256x128xf32, #tpu.memory_space<vmem>>, vector<16xf32>,
      tpu.vector_store %arg8[%swap3A_1826, %swap3A_1827], %mul3A_1823 {strides = array<i32>} : memref<256x128xf32, #tpu.memory_space<vmem>>, vector<16xf32>,
      %sub3A_1829 = arith.subf %get3A_1375, %mul3A_1594 : vector<16xf32>
      %mul3A_1830 = arith.mulf %sub3A_1829, %gather3A_1793 : vector<16xf32>
      %add3A_1831 = arith.constant 2 : i32
      %add3A_1832 = arith.addi %add3A_1104, %add3A_1831 : i32
      %swap3A_1833 = arith.index_cast %add3A_1832 : i32 to index
      %swap3A_1834 = arith.constant 80 : index
      %swap3A_1835 = tpu.vector_load %arg8[%swap3A_1833, %swap3A_1834] {strides = array<i32>} : memref<256x128xf32, #tpu.memory_space<vmem>>, vector<16xf32>,
      tpu.vector_store %arg8[%swap3A_1833, %swap3A_1834], %mul3A_1830 {strides = array<i32>} : memref<256x128xf32, #tpu.memory_space<vmem>>, vector<16xf32>,
      %sub3A_1836 = arith.subf %get3A_1380, %mul3A_1594 : vector<16xf32>
      %mul3A_1837 = arith.mulf %sub3A_1836, %gather3A_1793 : vector<16xf32>
      %add3A_1838 = arith.constant 2 : i32
      %add3A_1839 = arith.addi %add3A_1104, %add3A_1838 : i32
      %swap3A_1840 = arith.index_cast %add3A_1839 : i32 to index
      %swap3A_1841 = arith.constant 96 : index
      %swap3A_1842 = tpu.vector_load %arg8[%swap3A_1840, %swap3A_1841] {strides = array<i32>} : memref<256x128xf32, #tpu.memory_space<vmem>>, vector<16xf32>,
      tpu.vector_store %arg8[%swap3A_1840, %swap3A_1841], %mul3A_1837 {strides = array<i32>} : memref<256x128xf32, #tpu.memory_space<vmem>>, vector<16xf32>,
      %sub3A_1843 = arith.subf %get3A_1385, %mul3A_1594 : vector<16xf32>
      %mul3A_1844 = arith.mulf %sub3A_1843, %gather3A_1793 : vector<16xf32>
      %add3A_1845 = arith.constant 2 : i32
      %add3A_1846 = arith.addi %add3A_1104, %add3A_1845 : i32
      %swap3A_1847 = arith.index_cast %add3A_1846 : i32 to index
      %swap3A_1848 = arith.constant 112 : index
      %swap3A_1849 = tpu.vector_load %arg8[%swap3A_1847, %swap3A_1848] {strides = array<i32>} : memref<256x128xf32, #tpu.memory_space<vmem>>, vector<16xf32>,
      tpu.vector_store %arg8[%swap3A_1847, %swap3A_1848], %mul3A_1844 {strides = array<i32>} : memref<256x128xf32, #tpu.memory_space<vmem>>, vector<16xf32>,
      %broadcast_in_dim3A_1850 = arith.constant 3 : i32
      %broadcast_in_dim3A_1851 = vector.broadcast %broadcast_in_dim3A_1850 : i32 to vector<16xi32>
      %reshape3A_1852 = vector.shape_cast %broadcast_in_dim3A_1851 : vector<16xi32> to vector<16x1xi32>
      %gather3A_1853 = vector.shape_cast %reshape3A_1852 : vector<16x1xi32> to vector<16xi32>
      %gather3A_1854 = tpu.dynamic_gather %mul3A_1667[%gather3A_1853] in [0] : vector<16xf32>, vector<16xi32> -> vector<16xf32>
      %sub3A_1855 = arith.subf %get3A_1470, %mul3A_1597 : vector<16xf32>
      %mul3A_1856 = arith.mulf %sub3A_1855, %gather3A_1854 : vector<16xf32>
      %add3A_1857 = arith.constant 3 : i32
      %add3A_1858 = arith.addi %add3A_1104, %add3A_1857 : i32
      %swap3A_1859 = arith.index_cast %add3A_1858 : i32 to index
      %swap3A_1860 = arith.constant 0 : index
      %swap3A_1861 = tpu.vector_load %arg8[%swap3A_1859, %swap3A_1860] {strides = array<i32>} : memref<256x128xf32, #tpu.memory_space<vmem>>, vector<16xf32>,
      tpu.vector_store %arg8[%swap3A_1859, %swap3A_1860], %mul3A_1856 {strides = array<i32>} : memref<256x128xf32, #tpu.memory_space<vmem>>, vector<16xf32>,
      %sub3A_1862 = arith.subf %get3A_1475, %mul3A_1597 : vector<16xf32>
      %mul3A_1863 = arith.mulf %sub3A_1862, %gather3A_1854 : vector<16xf32>
      %add3A_1864 = arith.constant 3 : i32
      %add3A_1865 = arith.addi %add3A_1104, %add3A_1864 : i32
      %swap3A_1866 = arith.index_cast %add3A_1865 : i32 to index
      %swap3A_1867 = arith.constant 16 : index
      %swap3A_1868 = tpu.vector_load %arg8[%swap3A_1866, %swap3A_1867] {strides = array<i32>} : memref<256x128xf32, #tpu.memory_space<vmem>>, vector<16xf32>,
      tpu.vector_store %arg8[%swap3A_1866, %swap3A_1867], %mul3A_1863 {strides = array<i32>} : memref<256x128xf32, #tpu.memory_space<vmem>>, vector<16xf32>,
      %sub3A_1869 = arith.subf %get3A_1480, %mul3A_1597 : vector<16xf32>
      %mul3A_1870 = arith.mulf %sub3A_1869, %gather3A_1854 : vector<16xf32>
      %add3A_1871 = arith.constant 3 : i32
      %add3A_1872 = arith.addi %add3A_1104, %add3A_1871 : i32
      %swap3A_1873 = arith.index_cast %add3A_1872 : i32 to index
      %swap3A_1874 = arith.constant 32 : index
      %swap3A_1875 = tpu.vector_load %arg8[%swap3A_1873, %swap3A_1874] {strides = array<i32>} : memref<256x128xf32, #tpu.memory_space<vmem>>, vector<16xf32>,
      tpu.vector_store %arg8[%swap3A_1873, %swap3A_1874], %mul3A_1870 {strides = array<i32>} : memref<256x128xf32, #tpu.memory_space<vmem>>, vector<16xf32>,
      %sub3A_1876 = arith.subf %get3A_1485, %mul3A_1597 : vector<16xf32>
      %mul3A_1877 = arith.mulf %sub3A_1876, %gather3A_1854 : vector<16xf32>
      %add3A_1878 = arith.constant 3 : i32
      %add3A_1879 = arith.addi %add3A_1104, %add3A_1878 : i32
      %swap3A_1880 = arith.index_cast %add3A_1879 : i32 to index
      %swap3A_1881 = arith.constant 48 : index
      %swap3A_1882 = tpu.vector_load %arg8[%swap3A_1880, %swap3A_1881] {strides = array<i32>} : memref<256x128xf32, #tpu.memory_space<vmem>>, vector<16xf32>,
      tpu.vector_store %arg8[%swap3A_1880, %swap3A_1881], %mul3A_1877 {strides = array<i32>} : memref<256x128xf32, #tpu.memory_space<vmem>>, vector<16xf32>,
      %sub3A_1883 = arith.subf %get3A_1490, %mul3A_1597 : vector<16xf32>
      %mul3A_1884 = arith.mulf %sub3A_1883, %gather3A_1854 : vector<16xf32>
      %add3A_1885 = arith.constant 3 : i32
      %add3A_1886 = arith.addi %add3A_1104, %add3A_1885 : i32
      %swap3A_1887 = arith.index_cast %add3A_1886 : i32 to index
      %swap3A_1888 = arith.constant 64 : index
      %swap3A_1889 = tpu.vector_load %arg8[%swap3A_1887, %swap3A_1888] {strides = array<i32>} : memref<256x128xf32, #tpu.memory_space<vmem>>, vector<16xf32>,
      tpu.vector_store %arg8[%swap3A_1887, %swap3A_1888], %mul3A_1884 {strides = array<i32>} : memref<256x128xf32, #tpu.memory_space<vmem>>, vector<16xf32>,
      %sub3A_1890 = arith.subf %get3A_1495, %mul3A_1597 : vector<16xf32>
      %mul3A_1891 = arith.mulf %sub3A_1890, %gather3A_1854 : vector<16xf32>
      %add3A_1892 = arith.constant 3 : i32
      %add3A_1893 = arith.addi %add3A_1104, %add3A_1892 : i32
      %swap3A_1894 = arith.index_cast %add3A_1893 : i32 to index
      %swap3A_1895 = arith.constant 80 : index
      %swap3A_1896 = tpu.vector_load %arg8[%swap3A_1894, %swap3A_1895] {strides = array<i32>} : memref<256x128xf32, #tpu.memory_space<vmem>>, vector<16xf32>,
      tpu.vector_store %arg8[%swap3A_1894, %swap3A_1895], %mul3A_1891 {strides = array<i32>} : memref<256x128xf32, #tpu.memory_space<vmem>>, vector<16xf32>,
      %sub3A_1897 = arith.subf %get3A_1500, %mul3A_1597 : vector<16xf32>
      %mul3A_1898 = arith.mulf %sub3A_1897, %gather3A_1854 : vector<16xf32>
      %add3A_1899 = arith.constant 3 : i32
      %add3A_1900 = arith.addi %add3A_1104, %add3A_1899 : i32
      %swap3A_1901 = arith.index_cast %add3A_1900 : i32 to index
      %swap3A_1902 = arith.constant 96 : index
      %swap3A_1903 = tpu.vector_load %arg8[%swap3A_1901, %swap3A_1902] {strides = array<i32>} : memref<256x128xf32, #tpu.memory_space<vmem>>, vector<16xf32>,
      tpu.vector_store %arg8[%swap3A_1901, %swap3A_1902], %mul3A_1898 {strides = array<i32>} : memref<256x128xf32, #tpu.memory_space<vmem>>, vector<16xf32>,
      %sub3A_1904 = arith.subf %get3A_1505, %mul3A_1597 : vector<16xf32>
      %mul3A_1905 = arith.mulf %sub3A_1904, %gather3A_1854 : vector<16xf32>
      %add3A_1906 = arith.constant 3 : i32
      %add3A_1907 = arith.addi %add3A_1104, %add3A_1906 : i32
      %swap3A_1908 = arith.index_cast %add3A_1907 : i32 to index
      %swap3A_1909 = arith.constant 112 : index
      %swap3A_1910 = tpu.vector_load %arg8[%swap3A_1908, %swap3A_1909] {strides = array<i32>} : memref<256x128xf32, #tpu.memory_space<vmem>>, vector<16xf32>,
      tpu.vector_store %arg8[%swap3A_1908, %swap3A_1909], %mul3A_1905 {strides = array<i32>} : memref<256x128xf32, #tpu.memory_space<vmem>>, vector<16xf32>,
    }
    %scan3A_922 = arith.constant 16 : i32
    %add3A_923 = arith.constant 0 : i32
    %add3A_924 = arith.addi %mul3A_32, %add3A_923 : i32
    %dma_start3A_925 = arith.constant 0 : i32
    %dma_start3A_926 = arith.constant 0 : i32
    %dma_start3A_927 = tpu.memref_slice %arg8[%dma_start3A_925, %dma_start3A_926] : memref<256x128xf32, #tpu.memory_space<vmem>> -> memref<64x128xf32, #tpu.memory_space<vmem>>
    %dma_start3A_928 = arith.constant 0 : i32
    %dma_start3A_929 = tpu.memref_slice %arg6[%select_n3A, %add3A_924, %dma_start3A_928] : memref<4x2048x128xf32, #tpu.memory_space<hbm>> -> memref<1x64x128xf32, #tpu.memory_space<hbm>>
    %dma_start3A_930 = tpu.memref_squeeze %dma_start3A_929 : memref<1x64x128xf32, #tpu.memory_space<hbm>> -> memref<64x128xf32, #tpu.memory_space<hbm>>
    %dma_start3A_931 = arith.constant 0 : i32
    %dma_start3A_932 = tpu.memref_slice %arg6[%select_n3A, %add3A_924, %dma_start3A_931] : memref<4x2048x128xf32, #tpu.memory_space<hbm>> -> memref<1x64x128xf32, #tpu.memory_space<hbm>>
    %dma_start3A_933 = tpu.memref_squeeze %dma_start3A_932 : memref<1x64x128xf32, #tpu.memory_space<hbm>> -> memref<64x128xf32, #tpu.memory_space<hbm>>
    %dma_start3A_934 = arith.constant 0 : i32
    %dma_start3A_935 = arith.constant 0 : i32
    %dma_start3A_936 = tpu.memref_slice %arg8[%dma_start3A_934, %dma_start3A_935] : memref<256x128xf32, #tpu.memory_space<vmem>> -> memref<64x128xf32, #tpu.memory_space<vmem>>
    tpu.enqueue_dma source(%dma_start3A_936 : memref<64x128xf32, #tpu.memory_space<vmem>>) target(%dma_start3A_933 : memref<64x128xf32, #tpu.memory_space<hbm>>) target_semaphore(%arg14 : memref<!tpu.dma_semaphore, #tpu.memory_space<semaphore_mem>>)
    %dma_wait3A_937 = arith.constant 0 : i32
    %dma_wait3A_938 = arith.constant 64 : i32
    %dma_wait3A_939 = arith.constant 0 : i32
    %dma_wait3A_940 = tpu.memref_slice %arg8[%dma_wait3A_938, %dma_wait3A_939] : memref<256x128xf32, #tpu.memory_space<vmem>> -> memref<64x128xf32, #tpu.memory_space<vmem>>
    %dma_wait3A_941 = arith.constant 64 : i32
    %dma_wait3A_942 = tpu.memref_slice %arg7[%dma_wait3A_937, %dma_wait3A_941] : memref<2x128xi32, #tpu.memory_space<vmem>> -> memref<1x64xi32, #tpu.memory_space<vmem>>
    %dma_wait3A_943 = tpu.memref_squeeze %dma_wait3A_942 : memref<1x64xi32, #tpu.memory_space<vmem>> -> memref<64xi32, #tpu.memory_space<vmem>>
    %dma_wait3A_944 = arith.constant 0 : i32
    %dma_wait3A_945 = arith.constant 0 : i32
    %dma_wait3A_946 = tpu.memref_slice %arg4[%dma_wait3A_944, %dma_wait3A_945] : memref<100000x128xf32, #tpu.memory_space<hbm>> -> memref<100000x128xf32, #tpu.memory_space<hbm>>
    tpu.wait_indirect_dma semaphore(%arg11 : memref<!tpu.dma_semaphore, #tpu.memory_space<semaphore_mem>>) src(%dma_wait3A_946 : memref<100000x128xf32, #tpu.memory_space<hbm>>) dst(%dma_wait3A_940 : memref<64x128xf32, #tpu.memory_space<vmem>>)
    %scan3A_947 = arith.constant 0 : i32
    %scan3A_948 = arith.constant 16 : i32
    %scan3A_949 = arith.addi %scan3A_947, %scan3A_948 : i32
    %scan3A_950 = arith.constant 1 : i32
    scf.for %scan3A_1100 = %scan3A_947 to %scan3A_949 step %scan3A_950  : i32 {
      %mul3A_1101 = arith.constant 4 : i32
      %mul3A_1102 = arith.muli %scan3A_1100, %mul3A_1101 : i32
      %add3A_1103 = arith.constant 64 : i32
      %add3A_1104 = arith.addi %add3A_1103, %mul3A_1102 : i32
      %iota3A_1105 = tpu.iota {dimensions = array<i32: 0>} : vector<16xi32>
      %add3A_1106 = arith.constant 0 : i32
      %add3A_1107 = arith.addi %add3A_1104, %add3A_1106 : i32
      %get3A_1108 = arith.index_cast %add3A_1107 : i32 to index
      %get3A_1109 = arith.constant 0 : index
      %get3A_1110 = tpu.vector_load %arg8[%get3A_1108, %get3A_1109] {strides = array<i32>} : memref<256x128xf32, #tpu.memory_space<vmem>>, vector<16xf32>,
      %add3A_1111 = arith.constant 0 : i32
      %add3A_1112 = arith.addi %add3A_1104, %add3A_1111 : i32
      %get3A_1113 = arith.index_cast %add3A_1112 : i32 to index
      %get3A_1114 = arith.constant 16 : index
      %get3A_1115 = tpu.vector_load %arg8[%get3A_1113, %get3A_1114] {strides = array<i32>} : memref<256x128xf32, #tpu.memory_space<vmem>>, vector<16xf32>,
      %add3A_1116 = arith.constant 0 : i32
      %add3A_1117 = arith.addi %add3A_1104, %add3A_1116 : i32
      %get3A_1118 = arith.index_cast %add3A_1117 : i32 to index
      %get3A_1119 = arith.constant 32 : index
      %get3A_1120 = tpu.vector_load %arg8[%get3A_1118, %get3A_1119] {strides = array<i32>} : memref<256x128xf32, #tpu.memory_space<vmem>>, vector<16xf32>,
      %add3A_1121 = arith.constant 0 : i32
      %add3A_1122 = arith.addi %add3A_1104, %add3A_1121 : i32
      %get3A_1123 = arith.index_cast %add3A_1122 : i32 to index
      %get3A_1124 = arith.constant 48 : index
      %get3A_1125 = tpu.vector_load %arg8[%get3A_1123, %get3A_1124] {strides = array<i32>} : memref<256x128xf32, #tpu.memory_space<vmem>>, vector<16xf32>,
      %add3A_1126 = arith.constant 0 : i32
      %add3A_1127 = arith.addi %add3A_1104, %add3A_1126 : i32
      %get3A_1128 = arith.index_cast %add3A_1127 : i32 to index
      %get3A_1129 = arith.constant 64 : index
      %get3A_1130 = tpu.vector_load %arg8[%get3A_1128, %get3A_1129] {strides = array<i32>} : memref<256x128xf32, #tpu.memory_space<vmem>>, vector<16xf32>,
      %add3A_1131 = arith.constant 0 : i32
      %add3A_1132 = arith.addi %add3A_1104, %add3A_1131 : i32
      %get3A_1133 = arith.index_cast %add3A_1132 : i32 to index
      %get3A_1134 = arith.constant 80 : index
      %get3A_1135 = tpu.vector_load %arg8[%get3A_1133, %get3A_1134] {strides = array<i32>} : memref<256x128xf32, #tpu.memory_space<vmem>>, vector<16xf32>,
      %add3A_1136 = arith.constant 0 : i32
      %add3A_1137 = arith.addi %add3A_1104, %add3A_1136 : i32
      %get3A_1138 = arith.index_cast %add3A_1137 : i32 to index
      %get3A_1139 = arith.constant 96 : index
      %get3A_1140 = tpu.vector_load %arg8[%get3A_1138, %get3A_1139] {strides = array<i32>} : memref<256x128xf32, #tpu.memory_space<vmem>>, vector<16xf32>,
      %add3A_1141 = arith.constant 0 : i32
      %add3A_1142 = arith.addi %add3A_1104, %add3A_1141 : i32
      %get3A_1143 = arith.index_cast %add3A_1142 : i32 to index
      %get3A_1144 = arith.constant 112 : index
      %get3A_1145 = tpu.vector_load %arg8[%get3A_1143, %get3A_1144] {strides = array<i32>} : memref<256x128xf32, #tpu.memory_space<vmem>>, vector<16xf32>,
      %add3A_1146 = arith.addf %get3A_1110, %get3A_1115 : vector<16xf32>
      %add3A_1147 = arith.addf %get3A_1120, %get3A_1125 : vector<16xf32>
      %add3A_1148 = arith.addf %get3A_1130, %get3A_1135 : vector<16xf32>
      %add3A_1149 = arith.addf %get3A_1140, %get3A_1145 : vector<16xf32>
      %add3A_1150 = arith.addf %add3A_1146, %add3A_1147 : vector<16xf32>
      %add3A_1151 = arith.addf %add3A_1148, %add3A_1149 : vector<16xf32>
      %add3A_1152 = arith.addf %add3A_1150, %add3A_1151 : vector<16xf32>
      %iota3A_1153 = tpu.iota {dimensions = array<i32: 0>} : vector<16xi32>
      %xor3A_1154 = arith.constant 8 : i32
      %xor3A_1155 = vector.broadcast %xor3A_1154 : i32 to vector<16xi32>
      %xor3A_1156 = arith.xori %iota3A_1153, %xor3A_1155 : vector<16xi32>
      %reshape3A_1157 = vector.shape_cast %xor3A_1156 : vector<16xi32> to vector<16x1xi32>
      %gather3A_1158 = vector.shape_cast %reshape3A_1157 : vector<16x1xi32> to vector<16xi32>
      %gather3A_1159 = tpu.dynamic_gather %add3A_1152[%gather3A_1158] in [0] : vector<16xf32>, vector<16xi32> -> vector<16xf32>
      %add3A_1160 = arith.addf %add3A_1152, %gather3A_1159 : vector<16xf32>
      %xor3A_1161 = arith.constant 4 : i32
      %xor3A_1162 = vector.broadcast %xor3A_1161 : i32 to vector<16xi32>
      %xor3A_1163 = arith.xori %iota3A_1153, %xor3A_1162 : vector<16xi32>
      %reshape3A_1164 = vector.shape_cast %xor3A_1163 : vector<16xi32> to vector<16x1xi32>
      %gather3A_1165 = vector.shape_cast %reshape3A_1164 : vector<16x1xi32> to vector<16xi32>
      %gather3A_1166 = tpu.dynamic_gather %add3A_1160[%gather3A_1165] in [0] : vector<16xf32>, vector<16xi32> -> vector<16xf32>
      %add3A_1167 = arith.addf %add3A_1160, %gather3A_1166 : vector<16xf32>
      %xor3A_1168 = arith.constant 2 : i32
      %xor3A_1169 = vector.broadcast %xor3A_1168 : i32 to vector<16xi32>
      %xor3A_1170 = arith.xori %iota3A_1153, %xor3A_1169 : vector<16xi32>
      %reshape3A_1171 = vector.shape_cast %xor3A_1170 : vector<16xi32> to vector<16x1xi32>
      %gather3A_1172 = vector.shape_cast %reshape3A_1171 : vector<16x1xi32> to vector<16xi32>
      %gather3A_1173 = tpu.dynamic_gather %add3A_1167[%gather3A_1172] in [0] : vector<16xf32>, vector<16xi32> -> vector<16xf32>
      %add3A_1174 = arith.addf %add3A_1167, %gather3A_1173 : vector<16xf32>
      %xor3A_1175 = arith.constant 1 : i32
      %xor3A_1176 = vector.broadcast %xor3A_1175 : i32 to vector<16xi32>
      %xor3A_1177 = arith.xori %iota3A_1153, %xor3A_1176 : vector<16xi32>
      %reshape3A_1178 = vector.shape_cast %xor3A_1177 : vector<16xi32> to vector<16x1xi32>
      %gather3A_1179 = vector.shape_cast %reshape3A_1178 : vector<16x1xi32> to vector<16xi32>
      %gather3A_1180 = tpu.dynamic_gather %add3A_1174[%gather3A_1179] in [0] : vector<16xf32>, vector<16xi32> -> vector<16xf32>
      %add3A_1181 = arith.addf %add3A_1174, %gather3A_1180 : vector<16xf32>
      %mul3A_1182 = arith.mulf %get3A_1110, %get3A_1110 : vector<16xf32>
      %mul3A_1183 = arith.mulf %get3A_1115, %get3A_1115 : vector<16xf32>
      %mul3A_1184 = arith.mulf %get3A_1120, %get3A_1120 : vector<16xf32>
      %mul3A_1185 = arith.mulf %get3A_1125, %get3A_1125 : vector<16xf32>
      %mul3A_1186 = arith.mulf %get3A_1130, %get3A_1130 : vector<16xf32>
      %mul3A_1187 = arith.mulf %get3A_1135, %get3A_1135 : vector<16xf32>
      %mul3A_1188 = arith.mulf %get3A_1140, %get3A_1140 : vector<16xf32>
      %mul3A_1189 = arith.mulf %get3A_1145, %get3A_1145 : vector<16xf32>
      %add3A_1190 = arith.addf %mul3A_1182, %mul3A_1183 : vector<16xf32>
      %add3A_1191 = arith.addf %mul3A_1184, %mul3A_1185 : vector<16xf32>
      %add3A_1192 = arith.addf %mul3A_1186, %mul3A_1187 : vector<16xf32>
      %add3A_1193 = arith.addf %mul3A_1188, %mul3A_1189 : vector<16xf32>
      %add3A_1194 = arith.addf %add3A_1190, %add3A_1191 : vector<16xf32>
      %add3A_1195 = arith.addf %add3A_1192, %add3A_1193 : vector<16xf32>
      %add3A_1196 = arith.addf %add3A_1194, %add3A_1195 : vector<16xf32>
      %iota3A_1197 = tpu.iota {dimensions = array<i32: 0>} : vector<16xi32>
      %xor3A_1198 = arith.constant 8 : i32
      %xor3A_1199 = vector.broadcast %xor3A_1198 : i32 to vector<16xi32>
      %xor3A_1200 = arith.xori %iota3A_1197, %xor3A_1199 : vector<16xi32>
      %reshape3A_1201 = vector.shape_cast %xor3A_1200 : vector<16xi32> to vector<16x1xi32>
      %gather3A_1202 = vector.shape_cast %reshape3A_1201 : vector<16x1xi32> to vector<16xi32>
      %gather3A_1203 = tpu.dynamic_gather %add3A_1196[%gather3A_1202] in [0] : vector<16xf32>, vector<16xi32> -> vector<16xf32>
      %add3A_1204 = arith.addf %add3A_1196, %gather3A_1203 : vector<16xf32>
      %xor3A_1205 = arith.constant 4 : i32
      %xor3A_1206 = vector.broadcast %xor3A_1205 : i32 to vector<16xi32>
      %xor3A_1207 = arith.xori %iota3A_1197, %xor3A_1206 : vector<16xi32>
      %reshape3A_1208 = vector.shape_cast %xor3A_1207 : vector<16xi32> to vector<16x1xi32>
      %gather3A_1209 = vector.shape_cast %reshape3A_1208 : vector<16x1xi32> to vector<16xi32>
      %gather3A_1210 = tpu.dynamic_gather %add3A_1204[%gather3A_1209] in [0] : vector<16xf32>, vector<16xi32> -> vector<16xf32>
      %add3A_1211 = arith.addf %add3A_1204, %gather3A_1210 : vector<16xf32>
      %xor3A_1212 = arith.constant 2 : i32
      %xor3A_1213 = vector.broadcast %xor3A_1212 : i32 to vector<16xi32>
      %xor3A_1214 = arith.xori %iota3A_1197, %xor3A_1213 : vector<16xi32>
      %reshape3A_1215 = vector.shape_cast %xor3A_1214 : vector<16xi32> to vector<16x1xi32>
      %gather3A_1216 = vector.shape_cast %reshape3A_1215 : vector<16x1xi32> to vector<16xi32>
      %gather3A_1217 = tpu.dynamic_gather %add3A_1211[%gather3A_1216] in [0] : vector<16xf32>, vector<16xi32> -> vector<16xf32>
      %add3A_1218 = arith.addf %add3A_1211, %gather3A_1217 : vector<16xf32>
      %xor3A_1219 = arith.constant 1 : i32
      %xor3A_1220 = vector.broadcast %xor3A_1219 : i32 to vector<16xi32>
      %xor3A_1221 = arith.xori %iota3A_1197, %xor3A_1220 : vector<16xi32>
      %reshape3A_1222 = vector.shape_cast %xor3A_1221 : vector<16xi32> to vector<16x1xi32>
      %gather3A_1223 = vector.shape_cast %reshape3A_1222 : vector<16x1xi32> to vector<16xi32>
      %gather3A_1224 = tpu.dynamic_gather %add3A_1218[%gather3A_1223] in [0] : vector<16xf32>, vector<16xi32> -> vector<16xf32>
      %add3A_1225 = arith.addf %add3A_1218, %gather3A_1224 : vector<16xf32>
      %add3A_1226 = arith.constant 1 : i32
      %add3A_1227 = arith.addi %add3A_1104, %add3A_1226 : i32
      %get3A_1228 = arith.index_cast %add3A_1227 : i32 to index
      %get3A_1229 = arith.constant 0 : index
      %get3A_1230 = tpu.vector_load %arg8[%get3A_1228, %get3A_1229] {strides = array<i32>} : memref<256x128xf32, #tpu.memory_space<vmem>>, vector<16xf32>,
      %add3A_1231 = arith.constant 1 : i32
      %add3A_1232 = arith.addi %add3A_1104, %add3A_1231 : i32
      %get3A_1233 = arith.index_cast %add3A_1232 : i32 to index
      %get3A_1234 = arith.constant 16 : index
      %get3A_1235 = tpu.vector_load %arg8[%get3A_1233, %get3A_1234] {strides = array<i32>} : memref<256x128xf32, #tpu.memory_space<vmem>>, vector<16xf32>,
      %add3A_1236 = arith.constant 1 : i32
      %add3A_1237 = arith.addi %add3A_1104, %add3A_1236 : i32
      %get3A_1238 = arith.index_cast %add3A_1237 : i32 to index
      %get3A_1239 = arith.constant 32 : index
      %get3A_1240 = tpu.vector_load %arg8[%get3A_1238, %get3A_1239] {strides = array<i32>} : memref<256x128xf32, #tpu.memory_space<vmem>>, vector<16xf32>,
      %add3A_1241 = arith.constant 1 : i32
      %add3A_1242 = arith.addi %add3A_1104, %add3A_1241 : i32
      %get3A_1243 = arith.index_cast %add3A_1242 : i32 to index
      %get3A_1244 = arith.constant 48 : index
      %get3A_1245 = tpu.vector_load %arg8[%get3A_1243, %get3A_1244] {strides = array<i32>} : memref<256x128xf32, #tpu.memory_space<vmem>>, vector<16xf32>,
      %add3A_1246 = arith.constant 1 : i32
      %add3A_1247 = arith.addi %add3A_1104, %add3A_1246 : i32
      %get3A_1248 = arith.index_cast %add3A_1247 : i32 to index
      %get3A_1249 = arith.constant 64 : index
      %get3A_1250 = tpu.vector_load %arg8[%get3A_1248, %get3A_1249] {strides = array<i32>} : memref<256x128xf32, #tpu.memory_space<vmem>>, vector<16xf32>,
      %add3A_1251 = arith.constant 1 : i32
      %add3A_1252 = arith.addi %add3A_1104, %add3A_1251 : i32
      %get3A_1253 = arith.index_cast %add3A_1252 : i32 to index
      %get3A_1254 = arith.constant 80 : index
      %get3A_1255 = tpu.vector_load %arg8[%get3A_1253, %get3A_1254] {strides = array<i32>} : memref<256x128xf32, #tpu.memory_space<vmem>>, vector<16xf32>,
      %add3A_1256 = arith.constant 1 : i32
      %add3A_1257 = arith.addi %add3A_1104, %add3A_1256 : i32
      %get3A_1258 = arith.index_cast %add3A_1257 : i32 to index
      %get3A_1259 = arith.constant 96 : index
      %get3A_1260 = tpu.vector_load %arg8[%get3A_1258, %get3A_1259] {strides = array<i32>} : memref<256x128xf32, #tpu.memory_space<vmem>>, vector<16xf32>,
      %add3A_1261 = arith.constant 1 : i32
      %add3A_1262 = arith.addi %add3A_1104, %add3A_1261 : i32
      %get3A_1263 = arith.index_cast %add3A_1262 : i32 to index
      %get3A_1264 = arith.constant 112 : index
      %get3A_1265 = tpu.vector_load %arg8[%get3A_1263, %get3A_1264] {strides = array<i32>} : memref<256x128xf32, #tpu.memory_space<vmem>>, vector<16xf32>,
      %add3A_1266 = arith.addf %get3A_1230, %get3A_1235 : vector<16xf32>
      %add3A_1267 = arith.addf %get3A_1240, %get3A_1245 : vector<16xf32>
      %add3A_1268 = arith.addf %get3A_1250, %get3A_1255 : vector<16xf32>
      %add3A_1269 = arith.addf %get3A_1260, %get3A_1265 : vector<16xf32>
      %add3A_1270 = arith.addf %add3A_1266, %add3A_1267 : vector<16xf32>
      %add3A_1271 = arith.addf %add3A_1268, %add3A_1269 : vector<16xf32>
      %add3A_1272 = arith.addf %add3A_1270, %add3A_1271 : vector<16xf32>
      %iota3A_1273 = tpu.iota {dimensions = array<i32: 0>} : vector<16xi32>
      %xor3A_1274 = arith.constant 8 : i32
      %xor3A_1275 = vector.broadcast %xor3A_1274 : i32 to vector<16xi32>
      %xor3A_1276 = arith.xori %iota3A_1273, %xor3A_1275 : vector<16xi32>
      %reshape3A_1277 = vector.shape_cast %xor3A_1276 : vector<16xi32> to vector<16x1xi32>
      %gather3A_1278 = vector.shape_cast %reshape3A_1277 : vector<16x1xi32> to vector<16xi32>
      %gather3A_1279 = tpu.dynamic_gather %add3A_1272[%gather3A_1278] in [0] : vector<16xf32>, vector<16xi32> -> vector<16xf32>
      %add3A_1280 = arith.addf %add3A_1272, %gather3A_1279 : vector<16xf32>
      %xor3A_1281 = arith.constant 4 : i32
      %xor3A_1282 = vector.broadcast %xor3A_1281 : i32 to vector<16xi32>
      %xor3A_1283 = arith.xori %iota3A_1273, %xor3A_1282 : vector<16xi32>
      %reshape3A_1284 = vector.shape_cast %xor3A_1283 : vector<16xi32> to vector<16x1xi32>
      %gather3A_1285 = vector.shape_cast %reshape3A_1284 : vector<16x1xi32> to vector<16xi32>
      %gather3A_1286 = tpu.dynamic_gather %add3A_1280[%gather3A_1285] in [0] : vector<16xf32>, vector<16xi32> -> vector<16xf32>
      %add3A_1287 = arith.addf %add3A_1280, %gather3A_1286 : vector<16xf32>
      %xor3A_1288 = arith.constant 2 : i32
      %xor3A_1289 = vector.broadcast %xor3A_1288 : i32 to vector<16xi32>
      %xor3A_1290 = arith.xori %iota3A_1273, %xor3A_1289 : vector<16xi32>
      %reshape3A_1291 = vector.shape_cast %xor3A_1290 : vector<16xi32> to vector<16x1xi32>
      %gather3A_1292 = vector.shape_cast %reshape3A_1291 : vector<16x1xi32> to vector<16xi32>
      %gather3A_1293 = tpu.dynamic_gather %add3A_1287[%gather3A_1292] in [0] : vector<16xf32>, vector<16xi32> -> vector<16xf32>
      %add3A_1294 = arith.addf %add3A_1287, %gather3A_1293 : vector<16xf32>
      %xor3A_1295 = arith.constant 1 : i32
      %xor3A_1296 = vector.broadcast %xor3A_1295 : i32 to vector<16xi32>
      %xor3A_1297 = arith.xori %iota3A_1273, %xor3A_1296 : vector<16xi32>
      %reshape3A_1298 = vector.shape_cast %xor3A_1297 : vector<16xi32> to vector<16x1xi32>
      %gather3A_1299 = vector.shape_cast %reshape3A_1298 : vector<16x1xi32> to vector<16xi32>
      %gather3A_1300 = tpu.dynamic_gather %add3A_1294[%gather3A_1299] in [0] : vector<16xf32>, vector<16xi32> -> vector<16xf32>
      %add3A_1301 = arith.addf %add3A_1294, %gather3A_1300 : vector<16xf32>
      %mul3A_1302 = arith.mulf %get3A_1230, %get3A_1230 : vector<16xf32>
      %mul3A_1303 = arith.mulf %get3A_1235, %get3A_1235 : vector<16xf32>
      %mul3A_1304 = arith.mulf %get3A_1240, %get3A_1240 : vector<16xf32>
      %mul3A_1305 = arith.mulf %get3A_1245, %get3A_1245 : vector<16xf32>
      %mul3A_1306 = arith.mulf %get3A_1250, %get3A_1250 : vector<16xf32>
      %mul3A_1307 = arith.mulf %get3A_1255, %get3A_1255 : vector<16xf32>
      %mul3A_1308 = arith.mulf %get3A_1260, %get3A_1260 : vector<16xf32>
      %mul3A_1309 = arith.mulf %get3A_1265, %get3A_1265 : vector<16xf32>
      %add3A_1310 = arith.addf %mul3A_1302, %mul3A_1303 : vector<16xf32>
      %add3A_1311 = arith.addf %mul3A_1304, %mul3A_1305 : vector<16xf32>
      %add3A_1312 = arith.addf %mul3A_1306, %mul3A_1307 : vector<16xf32>
      %add3A_1313 = arith.addf %mul3A_1308, %mul3A_1309 : vector<16xf32>
      %add3A_1314 = arith.addf %add3A_1310, %add3A_1311 : vector<16xf32>
      %add3A_1315 = arith.addf %add3A_1312, %add3A_1313 : vector<16xf32>
      %add3A_1316 = arith.addf %add3A_1314, %add3A_1315 : vector<16xf32>
      %iota3A_1317 = tpu.iota {dimensions = array<i32: 0>} : vector<16xi32>
      %xor3A_1318 = arith.constant 8 : i32
      %xor3A_1319 = vector.broadcast %xor3A_1318 : i32 to vector<16xi32>
      %xor3A_1320 = arith.xori %iota3A_1317, %xor3A_1319 : vector<16xi32>
      %reshape3A_1321 = vector.shape_cast %xor3A_1320 : vector<16xi32> to vector<16x1xi32>
      %gather3A_1322 = vector.shape_cast %reshape3A_1321 : vector<16x1xi32> to vector<16xi32>
      %gather3A_1323 = tpu.dynamic_gather %add3A_1316[%gather3A_1322] in [0] : vector<16xf32>, vector<16xi32> -> vector<16xf32>
      %add3A_1324 = arith.addf %add3A_1316, %gather3A_1323 : vector<16xf32>
      %xor3A_1325 = arith.constant 4 : i32
      %xor3A_1326 = vector.broadcast %xor3A_1325 : i32 to vector<16xi32>
      %xor3A_1327 = arith.xori %iota3A_1317, %xor3A_1326 : vector<16xi32>
      %reshape3A_1328 = vector.shape_cast %xor3A_1327 : vector<16xi32> to vector<16x1xi32>
      %gather3A_1329 = vector.shape_cast %reshape3A_1328 : vector<16x1xi32> to vector<16xi32>
      %gather3A_1330 = tpu.dynamic_gather %add3A_1324[%gather3A_1329] in [0] : vector<16xf32>, vector<16xi32> -> vector<16xf32>
      %add3A_1331 = arith.addf %add3A_1324, %gather3A_1330 : vector<16xf32>
      %xor3A_1332 = arith.constant 2 : i32
      %xor3A_1333 = vector.broadcast %xor3A_1332 : i32 to vector<16xi32>
      %xor3A_1334 = arith.xori %iota3A_1317, %xor3A_1333 : vector<16xi32>
      %reshape3A_1335 = vector.shape_cast %xor3A_1334 : vector<16xi32> to vector<16x1xi32>
      %gather3A_1336 = vector.shape_cast %reshape3A_1335 : vector<16x1xi32> to vector<16xi32>
      %gather3A_1337 = tpu.dynamic_gather %add3A_1331[%gather3A_1336] in [0] : vector<16xf32>, vector<16xi32> -> vector<16xf32>
      %add3A_1338 = arith.addf %add3A_1331, %gather3A_1337 : vector<16xf32>
      %xor3A_1339 = arith.constant 1 : i32
      %xor3A_1340 = vector.broadcast %xor3A_1339 : i32 to vector<16xi32>
      %xor3A_1341 = arith.xori %iota3A_1317, %xor3A_1340 : vector<16xi32>
      %reshape3A_1342 = vector.shape_cast %xor3A_1341 : vector<16xi32> to vector<16x1xi32>
      %gather3A_1343 = vector.shape_cast %reshape3A_1342 : vector<16x1xi32> to vector<16xi32>
      %gather3A_1344 = tpu.dynamic_gather %add3A_1338[%gather3A_1343] in [0] : vector<16xf32>, vector<16xi32> -> vector<16xf32>
      %add3A_1345 = arith.addf %add3A_1338, %gather3A_1344 : vector<16xf32>
      %add3A_1346 = arith.constant 2 : i32
      %add3A_1347 = arith.addi %add3A_1104, %add3A_1346 : i32
      %get3A_1348 = arith.index_cast %add3A_1347 : i32 to index
      %get3A_1349 = arith.constant 0 : index
      %get3A_1350 = tpu.vector_load %arg8[%get3A_1348, %get3A_1349] {strides = array<i32>} : memref<256x128xf32, #tpu.memory_space<vmem>>, vector<16xf32>,
      %add3A_1351 = arith.constant 2 : i32
      %add3A_1352 = arith.addi %add3A_1104, %add3A_1351 : i32
      %get3A_1353 = arith.index_cast %add3A_1352 : i32 to index
      %get3A_1354 = arith.constant 16 : index
      %get3A_1355 = tpu.vector_load %arg8[%get3A_1353, %get3A_1354] {strides = array<i32>} : memref<256x128xf32, #tpu.memory_space<vmem>>, vector<16xf32>,
      %add3A_1356 = arith.constant 2 : i32
      %add3A_1357 = arith.addi %add3A_1104, %add3A_1356 : i32
      %get3A_1358 = arith.index_cast %add3A_1357 : i32 to index
      %get3A_1359 = arith.constant 32 : index
      %get3A_1360 = tpu.vector_load %arg8[%get3A_1358, %get3A_1359] {strides = array<i32>} : memref<256x128xf32, #tpu.memory_space<vmem>>, vector<16xf32>,
      %add3A_1361 = arith.constant 2 : i32
      %add3A_1362 = arith.addi %add3A_1104, %add3A_1361 : i32
      %get3A_1363 = arith.index_cast %add3A_1362 : i32 to index
      %get3A_1364 = arith.constant 48 : index
      %get3A_1365 = tpu.vector_load %arg8[%get3A_1363, %get3A_1364] {strides = array<i32>} : memref<256x128xf32, #tpu.memory_space<vmem>>, vector<16xf32>,
      %add3A_1366 = arith.constant 2 : i32
      %add3A_1367 = arith.addi %add3A_1104, %add3A_1366 : i32
      %get3A_1368 = arith.index_cast %add3A_1367 : i32 to index
      %get3A_1369 = arith.constant 64 : index
      %get3A_1370 = tpu.vector_load %arg8[%get3A_1368, %get3A_1369] {strides = array<i32>} : memref<256x128xf32, #tpu.memory_space<vmem>>, vector<16xf32>,
      %add3A_1371 = arith.constant 2 : i32
      %add3A_1372 = arith.addi %add3A_1104, %add3A_1371 : i32
      %get3A_1373 = arith.index_cast %add3A_1372 : i32 to index
      %get3A_1374 = arith.constant 80 : index
      %get3A_1375 = tpu.vector_load %arg8[%get3A_1373, %get3A_1374] {strides = array<i32>} : memref<256x128xf32, #tpu.memory_space<vmem>>, vector<16xf32>,
      %add3A_1376 = arith.constant 2 : i32
      %add3A_1377 = arith.addi %add3A_1104, %add3A_1376 : i32
      %get3A_1378 = arith.index_cast %add3A_1377 : i32 to index
      %get3A_1379 = arith.constant 96 : index
      %get3A_1380 = tpu.vector_load %arg8[%get3A_1378, %get3A_1379] {strides = array<i32>} : memref<256x128xf32, #tpu.memory_space<vmem>>, vector<16xf32>,
      %add3A_1381 = arith.constant 2 : i32
      %add3A_1382 = arith.addi %add3A_1104, %add3A_1381 : i32
      %get3A_1383 = arith.index_cast %add3A_1382 : i32 to index
      %get3A_1384 = arith.constant 112 : index
      %get3A_1385 = tpu.vector_load %arg8[%get3A_1383, %get3A_1384] {strides = array<i32>} : memref<256x128xf32, #tpu.memory_space<vmem>>, vector<16xf32>,
      %add3A_1386 = arith.addf %get3A_1350, %get3A_1355 : vector<16xf32>
      %add3A_1387 = arith.addf %get3A_1360, %get3A_1365 : vector<16xf32>
      %add3A_1388 = arith.addf %get3A_1370, %get3A_1375 : vector<16xf32>
      %add3A_1389 = arith.addf %get3A_1380, %get3A_1385 : vector<16xf32>
      %add3A_1390 = arith.addf %add3A_1386, %add3A_1387 : vector<16xf32>
      %add3A_1391 = arith.addf %add3A_1388, %add3A_1389 : vector<16xf32>
      %add3A_1392 = arith.addf %add3A_1390, %add3A_1391 : vector<16xf32>
      %iota3A_1393 = tpu.iota {dimensions = array<i32: 0>} : vector<16xi32>
      %xor3A_1394 = arith.constant 8 : i32
      %xor3A_1395 = vector.broadcast %xor3A_1394 : i32 to vector<16xi32>
      %xor3A_1396 = arith.xori %iota3A_1393, %xor3A_1395 : vector<16xi32>
      %reshape3A_1397 = vector.shape_cast %xor3A_1396 : vector<16xi32> to vector<16x1xi32>
      %gather3A_1398 = vector.shape_cast %reshape3A_1397 : vector<16x1xi32> to vector<16xi32>
      %gather3A_1399 = tpu.dynamic_gather %add3A_1392[%gather3A_1398] in [0] : vector<16xf32>, vector<16xi32> -> vector<16xf32>
      %add3A_1400 = arith.addf %add3A_1392, %gather3A_1399 : vector<16xf32>
      %xor3A_1401 = arith.constant 4 : i32
      %xor3A_1402 = vector.broadcast %xor3A_1401 : i32 to vector<16xi32>
      %xor3A_1403 = arith.xori %iota3A_1393, %xor3A_1402 : vector<16xi32>
      %reshape3A_1404 = vector.shape_cast %xor3A_1403 : vector<16xi32> to vector<16x1xi32>
      %gather3A_1405 = vector.shape_cast %reshape3A_1404 : vector<16x1xi32> to vector<16xi32>
      %gather3A_1406 = tpu.dynamic_gather %add3A_1400[%gather3A_1405] in [0] : vector<16xf32>, vector<16xi32> -> vector<16xf32>
      %add3A_1407 = arith.addf %add3A_1400, %gather3A_1406 : vector<16xf32>
      %xor3A_1408 = arith.constant 2 : i32
      %xor3A_1409 = vector.broadcast %xor3A_1408 : i32 to vector<16xi32>
      %xor3A_1410 = arith.xori %iota3A_1393, %xor3A_1409 : vector<16xi32>
      %reshape3A_1411 = vector.shape_cast %xor3A_1410 : vector<16xi32> to vector<16x1xi32>
      %gather3A_1412 = vector.shape_cast %reshape3A_1411 : vector<16x1xi32> to vector<16xi32>
      %gather3A_1413 = tpu.dynamic_gather %add3A_1407[%gather3A_1412] in [0] : vector<16xf32>, vector<16xi32> -> vector<16xf32>
      %add3A_1414 = arith.addf %add3A_1407, %gather3A_1413 : vector<16xf32>
      %xor3A_1415 = arith.constant 1 : i32
      %xor3A_1416 = vector.broadcast %xor3A_1415 : i32 to vector<16xi32>
      %xor3A_1417 = arith.xori %iota3A_1393, %xor3A_1416 : vector<16xi32>
      %reshape3A_1418 = vector.shape_cast %xor3A_1417 : vector<16xi32> to vector<16x1xi32>
      %gather3A_1419 = vector.shape_cast %reshape3A_1418 : vector<16x1xi32> to vector<16xi32>
      %gather3A_1420 = tpu.dynamic_gather %add3A_1414[%gather3A_1419] in [0] : vector<16xf32>, vector<16xi32> -> vector<16xf32>
      %add3A_1421 = arith.addf %add3A_1414, %gather3A_1420 : vector<16xf32>
      %mul3A_1422 = arith.mulf %get3A_1350, %get3A_1350 : vector<16xf32>
      %mul3A_1423 = arith.mulf %get3A_1355, %get3A_1355 : vector<16xf32>
      %mul3A_1424 = arith.mulf %get3A_1360, %get3A_1360 : vector<16xf32>
      %mul3A_1425 = arith.mulf %get3A_1365, %get3A_1365 : vector<16xf32>
      %mul3A_1426 = arith.mulf %get3A_1370, %get3A_1370 : vector<16xf32>
      %mul3A_1427 = arith.mulf %get3A_1375, %get3A_1375 : vector<16xf32>
      %mul3A_1428 = arith.mulf %get3A_1380, %get3A_1380 : vector<16xf32>
      %mul3A_1429 = arith.mulf %get3A_1385, %get3A_1385 : vector<16xf32>
      %add3A_1430 = arith.addf %mul3A_1422, %mul3A_1423 : vector<16xf32>
      %add3A_1431 = arith.addf %mul3A_1424, %mul3A_1425 : vector<16xf32>
      %add3A_1432 = arith.addf %mul3A_1426, %mul3A_1427 : vector<16xf32>
      %add3A_1433 = arith.addf %mul3A_1428, %mul3A_1429 : vector<16xf32>
      %add3A_1434 = arith.addf %add3A_1430, %add3A_1431 : vector<16xf32>
      %add3A_1435 = arith.addf %add3A_1432, %add3A_1433 : vector<16xf32>
      %add3A_1436 = arith.addf %add3A_1434, %add3A_1435 : vector<16xf32>
      %iota3A_1437 = tpu.iota {dimensions = array<i32: 0>} : vector<16xi32>
      %xor3A_1438 = arith.constant 8 : i32
      %xor3A_1439 = vector.broadcast %xor3A_1438 : i32 to vector<16xi32>
      %xor3A_1440 = arith.xori %iota3A_1437, %xor3A_1439 : vector<16xi32>
      %reshape3A_1441 = vector.shape_cast %xor3A_1440 : vector<16xi32> to vector<16x1xi32>
      %gather3A_1442 = vector.shape_cast %reshape3A_1441 : vector<16x1xi32> to vector<16xi32>
      %gather3A_1443 = tpu.dynamic_gather %add3A_1436[%gather3A_1442] in [0] : vector<16xf32>, vector<16xi32> -> vector<16xf32>
      %add3A_1444 = arith.addf %add3A_1436, %gather3A_1443 : vector<16xf32>
      %xor3A_1445 = arith.constant 4 : i32
      %xor3A_1446 = vector.broadcast %xor3A_1445 : i32 to vector<16xi32>
      %xor3A_1447 = arith.xori %iota3A_1437, %xor3A_1446 : vector<16xi32>
      %reshape3A_1448 = vector.shape_cast %xor3A_1447 : vector<16xi32> to vector<16x1xi32>
      %gather3A_1449 = vector.shape_cast %reshape3A_1448 : vector<16x1xi32> to vector<16xi32>
      %gather3A_1450 = tpu.dynamic_gather %add3A_1444[%gather3A_1449] in [0] : vector<16xf32>, vector<16xi32> -> vector<16xf32>
      %add3A_1451 = arith.addf %add3A_1444, %gather3A_1450 : vector<16xf32>
      %xor3A_1452 = arith.constant 2 : i32
      %xor3A_1453 = vector.broadcast %xor3A_1452 : i32 to vector<16xi32>
      %xor3A_1454 = arith.xori %iota3A_1437, %xor3A_1453 : vector<16xi32>
      %reshape3A_1455 = vector.shape_cast %xor3A_1454 : vector<16xi32> to vector<16x1xi32>
      %gather3A_1456 = vector.shape_cast %reshape3A_1455 : vector<16x1xi32> to vector<16xi32>
      %gather3A_1457 = tpu.dynamic_gather %add3A_1451[%gather3A_1456] in [0] : vector<16xf32>, vector<16xi32> -> vector<16xf32>
      %add3A_1458 = arith.addf %add3A_1451, %gather3A_1457 : vector<16xf32>
      %xor3A_1459 = arith.constant 1 : i32
      %xor3A_1460 = vector.broadcast %xor3A_1459 : i32 to vector<16xi32>
      %xor3A_1461 = arith.xori %iota3A_1437, %xor3A_1460 : vector<16xi32>
      %reshape3A_1462 = vector.shape_cast %xor3A_1461 : vector<16xi32> to vector<16x1xi32>
      %gather3A_1463 = vector.shape_cast %reshape3A_1462 : vector<16x1xi32> to vector<16xi32>
      %gather3A_1464 = tpu.dynamic_gather %add3A_1458[%gather3A_1463] in [0] : vector<16xf32>, vector<16xi32> -> vector<16xf32>
      %add3A_1465 = arith.addf %add3A_1458, %gather3A_1464 : vector<16xf32>
      %add3A_1466 = arith.constant 3 : i32
      %add3A_1467 = arith.addi %add3A_1104, %add3A_1466 : i32
      %get3A_1468 = arith.index_cast %add3A_1467 : i32 to index
      %get3A_1469 = arith.constant 0 : index
      %get3A_1470 = tpu.vector_load %arg8[%get3A_1468, %get3A_1469] {strides = array<i32>} : memref<256x128xf32, #tpu.memory_space<vmem>>, vector<16xf32>,
      %add3A_1471 = arith.constant 3 : i32
      %add3A_1472 = arith.addi %add3A_1104, %add3A_1471 : i32
      %get3A_1473 = arith.index_cast %add3A_1472 : i32 to index
      %get3A_1474 = arith.constant 16 : index
      %get3A_1475 = tpu.vector_load %arg8[%get3A_1473, %get3A_1474] {strides = array<i32>} : memref<256x128xf32, #tpu.memory_space<vmem>>, vector<16xf32>,
      %add3A_1476 = arith.constant 3 : i32
      %add3A_1477 = arith.addi %add3A_1104, %add3A_1476 : i32
      %get3A_1478 = arith.index_cast %add3A_1477 : i32 to index
      %get3A_1479 = arith.constant 32 : index
      %get3A_1480 = tpu.vector_load %arg8[%get3A_1478, %get3A_1479] {strides = array<i32>} : memref<256x128xf32, #tpu.memory_space<vmem>>, vector<16xf32>,
      %add3A_1481 = arith.constant 3 : i32
      %add3A_1482 = arith.addi %add3A_1104, %add3A_1481 : i32
      %get3A_1483 = arith.index_cast %add3A_1482 : i32 to index
      %get3A_1484 = arith.constant 48 : index
      %get3A_1485 = tpu.vector_load %arg8[%get3A_1483, %get3A_1484] {strides = array<i32>} : memref<256x128xf32, #tpu.memory_space<vmem>>, vector<16xf32>,
      %add3A_1486 = arith.constant 3 : i32
      %add3A_1487 = arith.addi %add3A_1104, %add3A_1486 : i32
      %get3A_1488 = arith.index_cast %add3A_1487 : i32 to index
      %get3A_1489 = arith.constant 64 : index
      %get3A_1490 = tpu.vector_load %arg8[%get3A_1488, %get3A_1489] {strides = array<i32>} : memref<256x128xf32, #tpu.memory_space<vmem>>, vector<16xf32>,
      %add3A_1491 = arith.constant 3 : i32
      %add3A_1492 = arith.addi %add3A_1104, %add3A_1491 : i32
      %get3A_1493 = arith.index_cast %add3A_1492 : i32 to index
      %get3A_1494 = arith.constant 80 : index
      %get3A_1495 = tpu.vector_load %arg8[%get3A_1493, %get3A_1494] {strides = array<i32>} : memref<256x128xf32, #tpu.memory_space<vmem>>, vector<16xf32>,
      %add3A_1496 = arith.constant 3 : i32
      %add3A_1497 = arith.addi %add3A_1104, %add3A_1496 : i32
      %get3A_1498 = arith.index_cast %add3A_1497 : i32 to index
      %get3A_1499 = arith.constant 96 : index
      %get3A_1500 = tpu.vector_load %arg8[%get3A_1498, %get3A_1499] {strides = array<i32>} : memref<256x128xf32, #tpu.memory_space<vmem>>, vector<16xf32>,
      %add3A_1501 = arith.constant 3 : i32
      %add3A_1502 = arith.addi %add3A_1104, %add3A_1501 : i32
      %get3A_1503 = arith.index_cast %add3A_1502 : i32 to index
      %get3A_1504 = arith.constant 112 : index
      %get3A_1505 = tpu.vector_load %arg8[%get3A_1503, %get3A_1504] {strides = array<i32>} : memref<256x128xf32, #tpu.memory_space<vmem>>, vector<16xf32>,
      %add3A_1506 = arith.addf %get3A_1470, %get3A_1475 : vector<16xf32>
      %add3A_1507 = arith.addf %get3A_1480, %get3A_1485 : vector<16xf32>
      %add3A_1508 = arith.addf %get3A_1490, %get3A_1495 : vector<16xf32>
      %add3A_1509 = arith.addf %get3A_1500, %get3A_1505 : vector<16xf32>
      %add3A_1510 = arith.addf %add3A_1506, %add3A_1507 : vector<16xf32>
      %add3A_1511 = arith.addf %add3A_1508, %add3A_1509 : vector<16xf32>
      %add3A_1512 = arith.addf %add3A_1510, %add3A_1511 : vector<16xf32>
      %iota3A_1513 = tpu.iota {dimensions = array<i32: 0>} : vector<16xi32>
      %xor3A_1514 = arith.constant 8 : i32
      %xor3A_1515 = vector.broadcast %xor3A_1514 : i32 to vector<16xi32>
      %xor3A_1516 = arith.xori %iota3A_1513, %xor3A_1515 : vector<16xi32>
      %reshape3A_1517 = vector.shape_cast %xor3A_1516 : vector<16xi32> to vector<16x1xi32>
      %gather3A_1518 = vector.shape_cast %reshape3A_1517 : vector<16x1xi32> to vector<16xi32>
      %gather3A_1519 = tpu.dynamic_gather %add3A_1512[%gather3A_1518] in [0] : vector<16xf32>, vector<16xi32> -> vector<16xf32>
      %add3A_1520 = arith.addf %add3A_1512, %gather3A_1519 : vector<16xf32>
      %xor3A_1521 = arith.constant 4 : i32
      %xor3A_1522 = vector.broadcast %xor3A_1521 : i32 to vector<16xi32>
      %xor3A_1523 = arith.xori %iota3A_1513, %xor3A_1522 : vector<16xi32>
      %reshape3A_1524 = vector.shape_cast %xor3A_1523 : vector<16xi32> to vector<16x1xi32>
      %gather3A_1525 = vector.shape_cast %reshape3A_1524 : vector<16x1xi32> to vector<16xi32>
      %gather3A_1526 = tpu.dynamic_gather %add3A_1520[%gather3A_1525] in [0] : vector<16xf32>, vector<16xi32> -> vector<16xf32>
      %add3A_1527 = arith.addf %add3A_1520, %gather3A_1526 : vector<16xf32>
      %xor3A_1528 = arith.constant 2 : i32
      %xor3A_1529 = vector.broadcast %xor3A_1528 : i32 to vector<16xi32>
      %xor3A_1530 = arith.xori %iota3A_1513, %xor3A_1529 : vector<16xi32>
      %reshape3A_1531 = vector.shape_cast %xor3A_1530 : vector<16xi32> to vector<16x1xi32>
      %gather3A_1532 = vector.shape_cast %reshape3A_1531 : vector<16x1xi32> to vector<16xi32>
      %gather3A_1533 = tpu.dynamic_gather %add3A_1527[%gather3A_1532] in [0] : vector<16xf32>, vector<16xi32> -> vector<16xf32>
      %add3A_1534 = arith.addf %add3A_1527, %gather3A_1533 : vector<16xf32>
      %xor3A_1535 = arith.constant 1 : i32
      %xor3A_1536 = vector.broadcast %xor3A_1535 : i32 to vector<16xi32>
      %xor3A_1537 = arith.xori %iota3A_1513, %xor3A_1536 : vector<16xi32>
      %reshape3A_1538 = vector.shape_cast %xor3A_1537 : vector<16xi32> to vector<16x1xi32>
      %gather3A_1539 = vector.shape_cast %reshape3A_1538 : vector<16x1xi32> to vector<16xi32>
      %gather3A_1540 = tpu.dynamic_gather %add3A_1534[%gather3A_1539] in [0] : vector<16xf32>, vector<16xi32> -> vector<16xf32>
      %add3A_1541 = arith.addf %add3A_1534, %gather3A_1540 : vector<16xf32>
      %mul3A_1542 = arith.mulf %get3A_1470, %get3A_1470 : vector<16xf32>
      %mul3A_1543 = arith.mulf %get3A_1475, %get3A_1475 : vector<16xf32>
      %mul3A_1544 = arith.mulf %get3A_1480, %get3A_1480 : vector<16xf32>
      %mul3A_1545 = arith.mulf %get3A_1485, %get3A_1485 : vector<16xf32>
      %mul3A_1546 = arith.mulf %get3A_1490, %get3A_1490 : vector<16xf32>
      %mul3A_1547 = arith.mulf %get3A_1495, %get3A_1495 : vector<16xf32>
      %mul3A_1548 = arith.mulf %get3A_1500, %get3A_1500 : vector<16xf32>
      %mul3A_1549 = arith.mulf %get3A_1505, %get3A_1505 : vector<16xf32>
      %add3A_1550 = arith.addf %mul3A_1542, %mul3A_1543 : vector<16xf32>
      %add3A_1551 = arith.addf %mul3A_1544, %mul3A_1545 : vector<16xf32>
      %add3A_1552 = arith.addf %mul3A_1546, %mul3A_1547 : vector<16xf32>
      %add3A_1553 = arith.addf %mul3A_1548, %mul3A_1549 : vector<16xf32>
      %add3A_1554 = arith.addf %add3A_1550, %add3A_1551 : vector<16xf32>
      %add3A_1555 = arith.addf %add3A_1552, %add3A_1553 : vector<16xf32>
      %add3A_1556 = arith.addf %add3A_1554, %add3A_1555 : vector<16xf32>
      %iota3A_1557 = tpu.iota {dimensions = array<i32: 0>} : vector<16xi32>
      %xor3A_1558 = arith.constant 8 : i32
      %xor3A_1559 = vector.broadcast %xor3A_1558 : i32 to vector<16xi32>
      %xor3A_1560 = arith.xori %iota3A_1557, %xor3A_1559 : vector<16xi32>
      %reshape3A_1561 = vector.shape_cast %xor3A_1560 : vector<16xi32> to vector<16x1xi32>
      %gather3A_1562 = vector.shape_cast %reshape3A_1561 : vector<16x1xi32> to vector<16xi32>
      %gather3A_1563 = tpu.dynamic_gather %add3A_1556[%gather3A_1562] in [0] : vector<16xf32>, vector<16xi32> -> vector<16xf32>
      %add3A_1564 = arith.addf %add3A_1556, %gather3A_1563 : vector<16xf32>
      %xor3A_1565 = arith.constant 4 : i32
      %xor3A_1566 = vector.broadcast %xor3A_1565 : i32 to vector<16xi32>
      %xor3A_1567 = arith.xori %iota3A_1557, %xor3A_1566 : vector<16xi32>
      %reshape3A_1568 = vector.shape_cast %xor3A_1567 : vector<16xi32> to vector<16x1xi32>
      %gather3A_1569 = vector.shape_cast %reshape3A_1568 : vector<16x1xi32> to vector<16xi32>
      %gather3A_1570 = tpu.dynamic_gather %add3A_1564[%gather3A_1569] in [0] : vector<16xf32>, vector<16xi32> -> vector<16xf32>
      %add3A_1571 = arith.addf %add3A_1564, %gather3A_1570 : vector<16xf32>
      %xor3A_1572 = arith.constant 2 : i32
      %xor3A_1573 = vector.broadcast %xor3A_1572 : i32 to vector<16xi32>
      %xor3A_1574 = arith.xori %iota3A_1557, %xor3A_1573 : vector<16xi32>
      %reshape3A_1575 = vector.shape_cast %xor3A_1574 : vector<16xi32> to vector<16x1xi32>
      %gather3A_1576 = vector.shape_cast %reshape3A_1575 : vector<16x1xi32> to vector<16xi32>
      %gather3A_1577 = tpu.dynamic_gather %add3A_1571[%gather3A_1576] in [0] : vector<16xf32>, vector<16xi32> -> vector<16xf32>
      %add3A_1578 = arith.addf %add3A_1571, %gather3A_1577 : vector<16xf32>
      %xor3A_1579 = arith.constant 1 : i32
      %xor3A_1580 = vector.broadcast %xor3A_1579 : i32 to vector<16xi32>
      %xor3A_1581 = arith.xori %iota3A_1557, %xor3A_1580 : vector<16xi32>
      %reshape3A_1582 = vector.shape_cast %xor3A_1581 : vector<16xi32> to vector<16x1xi32>
      %gather3A_1583 = vector.shape_cast %reshape3A_1582 : vector<16x1xi32> to vector<16xi32>
      %gather3A_1584 = tpu.dynamic_gather %add3A_1578[%gather3A_1583] in [0] : vector<16xf32>, vector<16xi32> -> vector<16xf32>
      %add3A_1585 = arith.addf %add3A_1578, %gather3A_1584 : vector<16xf32>
      %mul3A_1586 = arith.constant 7.812500e-03 : f32
      %mul3A_1587 = vector.broadcast %mul3A_1586 : f32 to vector<16xf32>
      %mul3A_1588 = arith.mulf %add3A_1181, %mul3A_1587 : vector<16xf32>
      %mul3A_1589 = arith.constant 7.812500e-03 : f32
      %mul3A_1590 = vector.broadcast %mul3A_1589 : f32 to vector<16xf32>
      %mul3A_1591 = arith.mulf %add3A_1301, %mul3A_1590 : vector<16xf32>
      %mul3A_1592 = arith.constant 7.812500e-03 : f32
      %mul3A_1593 = vector.broadcast %mul3A_1592 : f32 to vector<16xf32>
      %mul3A_1594 = arith.mulf %add3A_1421, %mul3A_1593 : vector<16xf32>
      %mul3A_1595 = arith.constant 7.812500e-03 : f32
      %mul3A_1596 = vector.broadcast %mul3A_1595 : f32 to vector<16xf32>
      %mul3A_1597 = arith.mulf %add3A_1541, %mul3A_1596 : vector<16xf32>
      %mul3A_1598 = arith.mulf %add3A_1181, %add3A_1181 : vector<16xf32>
      %mul3A_1599 = arith.constant 7.812500e-03 : f32
      %mul3A_1600 = vector.broadcast %mul3A_1599 : f32 to vector<16xf32>
      %mul3A_1601 = arith.mulf %mul3A_1598, %mul3A_1600 : vector<16xf32>
      %sub3A_1602 = arith.subf %add3A_1225, %mul3A_1601 : vector<16xf32>
      %mul3A_1603 = arith.constant 0.00787401571 : f32
      %mul3A_1604 = vector.broadcast %mul3A_1603 : f32 to vector<16xf32>
      %mul3A_1605 = arith.mulf %sub3A_1602, %mul3A_1604 : vector<16xf32>
      %mul3A_1606 = arith.mulf %add3A_1301, %add3A_1301 : vector<16xf32>
      %mul3A_1607 = arith.constant 7.812500e-03 : f32
      %mul3A_1608 = vector.broadcast %mul3A_1607 : f32 to vector<16xf32>
      %mul3A_1609 = arith.mulf %mul3A_1606, %mul3A_1608 : vector<16xf32>
      %sub3A_1610 = arith.subf %add3A_1345, %mul3A_1609 : vector<16xf32>
      %mul3A_1611 = arith.constant 0.00787401571 : f32
      %mul3A_1612 = vector.broadcast %mul3A_1611 : f32 to vector<16xf32>
      %mul3A_1613 = arith.mulf %sub3A_1610, %mul3A_1612 : vector<16xf32>
      %mul3A_1614 = arith.mulf %add3A_1421, %add3A_1421 : vector<16xf32>
      %mul3A_1615 = arith.constant 7.812500e-03 : f32
      %mul3A_1616 = vector.broadcast %mul3A_1615 : f32 to vector<16xf32>
      %mul3A_1617 = arith.mulf %mul3A_1614, %mul3A_1616 : vector<16xf32>
      %sub3A_1618 = arith.subf %add3A_1465, %mul3A_1617 : vector<16xf32>
      %mul3A_1619 = arith.constant 0.00787401571 : f32
      %mul3A_1620 = vector.broadcast %mul3A_1619 : f32 to vector<16xf32>
      %mul3A_1621 = arith.mulf %sub3A_1618, %mul3A_1620 : vector<16xf32>
      %mul3A_1622 = arith.mulf %add3A_1541, %add3A_1541 : vector<16xf32>
      %mul3A_1623 = arith.constant 7.812500e-03 : f32
      %mul3A_1624 = vector.broadcast %mul3A_1623 : f32 to vector<16xf32>
      %mul3A_1625 = arith.mulf %mul3A_1622, %mul3A_1624 : vector<16xf32>
      %sub3A_1626 = arith.subf %add3A_1585, %mul3A_1625 : vector<16xf32>
      %mul3A_1627 = arith.constant 0.00787401571 : f32
      %mul3A_1628 = vector.broadcast %mul3A_1627 : f32 to vector<16xf32>
      %mul3A_1629 = arith.mulf %sub3A_1626, %mul3A_1628 : vector<16xf32>
      %eq3A_1630 = arith.constant 1 : i32
      %eq3A_1631 = vector.broadcast %eq3A_1630 : i32 to vector<16xi32>
      %eq3A_1632 = arith.cmpi eq, %iota3A_1105, %eq3A_1631 : vector<16xi32>
      %select_n3A_1633 = arith.select %eq3A_1632, %mul3A_1613, %mul3A_1605 : vector<16xi1>, vector<16xf32>
      %eq3A_1634 = arith.constant 2 : i32
      %eq3A_1635 = vector.broadcast %eq3A_1634 : i32 to vector<16xi32>
      %eq3A_1636 = arith.cmpi eq, %iota3A_1105, %eq3A_1635 : vector<16xi32>
      %select_n3A_1637 = arith.select %eq3A_1636, %mul3A_1621, %select_n3A_1633 : vector<16xi1>, vector<16xf32>
      %eq3A_1638 = arith.constant 3 : i32
      %eq3A_1639 = vector.broadcast %eq3A_1638 : i32 to vector<16xi32>
      %eq3A_1640 = arith.cmpi eq, %iota3A_1105, %eq3A_1639 : vector<16xi32>
      %select_n3A_1641 = arith.select %eq3A_1640, %mul3A_1629, %select_n3A_1637 : vector<16xi1>, vector<16xf32>
      %bitcast3A_1642 = vector.bitcast %select_n3A_1641 : vector<16xf32> to vector<16xi32>
      %shift_right_arithmetic3A_1643 = arith.constant 1 : i32
      %shift_right_arithmetic3A_1644 = vector.broadcast %shift_right_arithmetic3A_1643 : i32 to vector<16xi32>
      %shift_right_arithmetic3A_1645 = arith.shrsi %bitcast3A_1642, %shift_right_arithmetic3A_1644 : vector<16xi32>
      %sub3A_1646 = arith.constant 1597463007 : i32
      %sub3A_1647 = vector.broadcast %sub3A_1646 : i32 to vector<16xi32>
      %sub3A_1648 = arith.subi %sub3A_1647, %shift_right_arithmetic3A_1645 : vector<16xi32>
      %bitcast3A_1649 = vector.bitcast %sub3A_1648 : vector<16xi32> to vector<16xf32>
      %mul3A_1650 = arith.constant 5.000000e-01 : f32
      %mul3A_1651 = vector.broadcast %mul3A_1650 : f32 to vector<16xf32>
      %mul3A_1652 = arith.mulf %mul3A_1651, %select_n3A_1641 : vector<16xf32>
      %mul3A_1653 = arith.mulf %mul3A_1652, %bitcast3A_1649 : vector<16xf32>
      %mul3A_1654 = arith.mulf %mul3A_1653, %bitcast3A_1649 : vector<16xf32>
      %sub3A_1655 = arith.constant 1.500000e+00 : f32
      %sub3A_1656 = vector.broadcast %sub3A_1655 : f32 to vector<16xf32>
      %sub3A_1657 = arith.subf %sub3A_1656, %mul3A_1654 : vector<16xf32>
      %mul3A_1658 = arith.mulf %bitcast3A_1649, %sub3A_1657 : vector<16xf32>
      %mul3A_1659 = arith.constant 5.000000e-01 : f32
      %mul3A_1660 = vector.broadcast %mul3A_1659 : f32 to vector<16xf32>
      %mul3A_1661 = arith.mulf %mul3A_1660, %select_n3A_1641 : vector<16xf32>
      %mul3A_1662 = arith.mulf %mul3A_1661, %mul3A_1658 : vector<16xf32>
      %mul3A_1663 = arith.mulf %mul3A_1662, %mul3A_1658 : vector<16xf32>
      %sub3A_1664 = arith.constant 1.500000e+00 : f32
      %sub3A_1665 = vector.broadcast %sub3A_1664 : f32 to vector<16xf32>
      %sub3A_1666 = arith.subf %sub3A_1665, %mul3A_1663 : vector<16xf32>
      %mul3A_1667 = arith.mulf %mul3A_1658, %sub3A_1666 : vector<16xf32>
      %broadcast_in_dim3A = arith.constant 0 : i32
      %broadcast_in_dim3A_1668 = vector.broadcast %broadcast_in_dim3A : i32 to vector<16xi32>
      %reshape3A_1669 = vector.shape_cast %broadcast_in_dim3A_1668 : vector<16xi32> to vector<16x1xi32>
      %gather3A_1670 = vector.shape_cast %reshape3A_1669 : vector<16x1xi32> to vector<16xi32>
      %gather3A_1671 = tpu.dynamic_gather %mul3A_1667[%gather3A_1670] in [0] : vector<16xf32>, vector<16xi32> -> vector<16xf32>
      %sub3A_1672 = arith.subf %get3A_1110, %mul3A_1588 : vector<16xf32>
      %mul3A_1673 = arith.mulf %sub3A_1672, %gather3A_1671 : vector<16xf32>
      %add3A_1674 = arith.constant 0 : i32
      %add3A_1675 = arith.addi %add3A_1104, %add3A_1674 : i32
      %swap3A_1676 = arith.index_cast %add3A_1675 : i32 to index
      %swap3A_1677 = arith.constant 0 : index
      %swap3A_1678 = tpu.vector_load %arg8[%swap3A_1676, %swap3A_1677] {strides = array<i32>} : memref<256x128xf32, #tpu.memory_space<vmem>>, vector<16xf32>,
      tpu.vector_store %arg8[%swap3A_1676, %swap3A_1677], %mul3A_1673 {strides = array<i32>} : memref<256x128xf32, #tpu.memory_space<vmem>>, vector<16xf32>,
      %sub3A_1679 = arith.subf %get3A_1115, %mul3A_1588 : vector<16xf32>
      %mul3A_1680 = arith.mulf %sub3A_1679, %gather3A_1671 : vector<16xf32>
      %add3A_1681 = arith.constant 0 : i32
      %add3A_1682 = arith.addi %add3A_1104, %add3A_1681 : i32
      %swap3A_1683 = arith.index_cast %add3A_1682 : i32 to index
      %swap3A_1684 = arith.constant 16 : index
      %swap3A_1685 = tpu.vector_load %arg8[%swap3A_1683, %swap3A_1684] {strides = array<i32>} : memref<256x128xf32, #tpu.memory_space<vmem>>, vector<16xf32>,
      tpu.vector_store %arg8[%swap3A_1683, %swap3A_1684], %mul3A_1680 {strides = array<i32>} : memref<256x128xf32, #tpu.memory_space<vmem>>, vector<16xf32>,
      %sub3A_1686 = arith.subf %get3A_1120, %mul3A_1588 : vector<16xf32>
      %mul3A_1687 = arith.mulf %sub3A_1686, %gather3A_1671 : vector<16xf32>
      %add3A_1688 = arith.constant 0 : i32
      %add3A_1689 = arith.addi %add3A_1104, %add3A_1688 : i32
      %swap3A_1690 = arith.index_cast %add3A_1689 : i32 to index
      %swap3A_1691 = arith.constant 32 : index
      %swap3A_1692 = tpu.vector_load %arg8[%swap3A_1690, %swap3A_1691] {strides = array<i32>} : memref<256x128xf32, #tpu.memory_space<vmem>>, vector<16xf32>,
      tpu.vector_store %arg8[%swap3A_1690, %swap3A_1691], %mul3A_1687 {strides = array<i32>} : memref<256x128xf32, #tpu.memory_space<vmem>>, vector<16xf32>,
      %sub3A_1693 = arith.subf %get3A_1125, %mul3A_1588 : vector<16xf32>
      %mul3A_1694 = arith.mulf %sub3A_1693, %gather3A_1671 : vector<16xf32>
      %add3A_1695 = arith.constant 0 : i32
      %add3A_1696 = arith.addi %add3A_1104, %add3A_1695 : i32
      %swap3A_1697 = arith.index_cast %add3A_1696 : i32 to index
      %swap3A_1698 = arith.constant 48 : index
      %swap3A_1699 = tpu.vector_load %arg8[%swap3A_1697, %swap3A_1698] {strides = array<i32>} : memref<256x128xf32, #tpu.memory_space<vmem>>, vector<16xf32>,
      tpu.vector_store %arg8[%swap3A_1697, %swap3A_1698], %mul3A_1694 {strides = array<i32>} : memref<256x128xf32, #tpu.memory_space<vmem>>, vector<16xf32>,
      %sub3A_1700 = arith.subf %get3A_1130, %mul3A_1588 : vector<16xf32>
      %mul3A_1701 = arith.mulf %sub3A_1700, %gather3A_1671 : vector<16xf32>
      %add3A_1702 = arith.constant 0 : i32
      %add3A_1703 = arith.addi %add3A_1104, %add3A_1702 : i32
      %swap3A_1704 = arith.index_cast %add3A_1703 : i32 to index
      %swap3A_1705 = arith.constant 64 : index
      %swap3A_1706 = tpu.vector_load %arg8[%swap3A_1704, %swap3A_1705] {strides = array<i32>} : memref<256x128xf32, #tpu.memory_space<vmem>>, vector<16xf32>,
      tpu.vector_store %arg8[%swap3A_1704, %swap3A_1705], %mul3A_1701 {strides = array<i32>} : memref<256x128xf32, #tpu.memory_space<vmem>>, vector<16xf32>,
      %sub3A_1707 = arith.subf %get3A_1135, %mul3A_1588 : vector<16xf32>
      %mul3A_1708 = arith.mulf %sub3A_1707, %gather3A_1671 : vector<16xf32>
      %add3A_1709 = arith.constant 0 : i32
      %add3A_1710 = arith.addi %add3A_1104, %add3A_1709 : i32
      %swap3A_1711 = arith.index_cast %add3A_1710 : i32 to index
      %swap3A_1712 = arith.constant 80 : index
      %swap3A_1713 = tpu.vector_load %arg8[%swap3A_1711, %swap3A_1712] {strides = array<i32>} : memref<256x128xf32, #tpu.memory_space<vmem>>, vector<16xf32>,
      tpu.vector_store %arg8[%swap3A_1711, %swap3A_1712], %mul3A_1708 {strides = array<i32>} : memref<256x128xf32, #tpu.memory_space<vmem>>, vector<16xf32>,
      %sub3A_1714 = arith.subf %get3A_1140, %mul3A_1588 : vector<16xf32>
      %mul3A_1715 = arith.mulf %sub3A_1714, %gather3A_1671 : vector<16xf32>
      %add3A_1716 = arith.constant 0 : i32
      %add3A_1717 = arith.addi %add3A_1104, %add3A_1716 : i32
      %swap3A_1718 = arith.index_cast %add3A_1717 : i32 to index
      %swap3A_1719 = arith.constant 96 : index
      %swap3A_1720 = tpu.vector_load %arg8[%swap3A_1718, %swap3A_1719] {strides = array<i32>} : memref<256x128xf32, #tpu.memory_space<vmem>>, vector<16xf32>,
      tpu.vector_store %arg8[%swap3A_1718, %swap3A_1719], %mul3A_1715 {strides = array<i32>} : memref<256x128xf32, #tpu.memory_space<vmem>>, vector<16xf32>,
      %sub3A_1721 = arith.subf %get3A_1145, %mul3A_1588 : vector<16xf32>
      %mul3A_1722 = arith.mulf %sub3A_1721, %gather3A_1671 : vector<16xf32>
      %add3A_1723 = arith.constant 0 : i32
      %add3A_1724 = arith.addi %add3A_1104, %add3A_1723 : i32
      %swap3A_1725 = arith.index_cast %add3A_1724 : i32 to index
      %swap3A_1726 = arith.constant 112 : index
      %swap3A_1727 = tpu.vector_load %arg8[%swap3A_1725, %swap3A_1726] {strides = array<i32>} : memref<256x128xf32, #tpu.memory_space<vmem>>, vector<16xf32>,
      tpu.vector_store %arg8[%swap3A_1725, %swap3A_1726], %mul3A_1722 {strides = array<i32>} : memref<256x128xf32, #tpu.memory_space<vmem>>, vector<16xf32>,
      %broadcast_in_dim3A_1728 = arith.constant 1 : i32
      %broadcast_in_dim3A_1729 = vector.broadcast %broadcast_in_dim3A_1728 : i32 to vector<16xi32>
      %reshape3A_1730 = vector.shape_cast %broadcast_in_dim3A_1729 : vector<16xi32> to vector<16x1xi32>
      %gather3A_1731 = vector.shape_cast %reshape3A_1730 : vector<16x1xi32> to vector<16xi32>
      %gather3A_1732 = tpu.dynamic_gather %mul3A_1667[%gather3A_1731] in [0] : vector<16xf32>, vector<16xi32> -> vector<16xf32>
      %sub3A_1733 = arith.subf %get3A_1230, %mul3A_1591 : vector<16xf32>
      %mul3A_1734 = arith.mulf %sub3A_1733, %gather3A_1732 : vector<16xf32>
      %add3A_1735 = arith.constant 1 : i32
      %add3A_1736 = arith.addi %add3A_1104, %add3A_1735 : i32
      %swap3A_1737 = arith.index_cast %add3A_1736 : i32 to index
      %swap3A_1738 = arith.constant 0 : index
      %swap3A_1739 = tpu.vector_load %arg8[%swap3A_1737, %swap3A_1738] {strides = array<i32>} : memref<256x128xf32, #tpu.memory_space<vmem>>, vector<16xf32>,
      tpu.vector_store %arg8[%swap3A_1737, %swap3A_1738], %mul3A_1734 {strides = array<i32>} : memref<256x128xf32, #tpu.memory_space<vmem>>, vector<16xf32>,
      %sub3A_1740 = arith.subf %get3A_1235, %mul3A_1591 : vector<16xf32>
      %mul3A_1741 = arith.mulf %sub3A_1740, %gather3A_1732 : vector<16xf32>
      %add3A_1742 = arith.constant 1 : i32
      %add3A_1743 = arith.addi %add3A_1104, %add3A_1742 : i32
      %swap3A_1744 = arith.index_cast %add3A_1743 : i32 to index
      %swap3A_1745 = arith.constant 16 : index
      %swap3A_1746 = tpu.vector_load %arg8[%swap3A_1744, %swap3A_1745] {strides = array<i32>} : memref<256x128xf32, #tpu.memory_space<vmem>>, vector<16xf32>,
      tpu.vector_store %arg8[%swap3A_1744, %swap3A_1745], %mul3A_1741 {strides = array<i32>} : memref<256x128xf32, #tpu.memory_space<vmem>>, vector<16xf32>,
      %sub3A_1747 = arith.subf %get3A_1240, %mul3A_1591 : vector<16xf32>
      %mul3A_1748 = arith.mulf %sub3A_1747, %gather3A_1732 : vector<16xf32>
      %add3A_1749 = arith.constant 1 : i32
      %add3A_1750 = arith.addi %add3A_1104, %add3A_1749 : i32
      %swap3A_1751 = arith.index_cast %add3A_1750 : i32 to index
      %swap3A_1752 = arith.constant 32 : index
      %swap3A_1753 = tpu.vector_load %arg8[%swap3A_1751, %swap3A_1752] {strides = array<i32>} : memref<256x128xf32, #tpu.memory_space<vmem>>, vector<16xf32>,
      tpu.vector_store %arg8[%swap3A_1751, %swap3A_1752], %mul3A_1748 {strides = array<i32>} : memref<256x128xf32, #tpu.memory_space<vmem>>, vector<16xf32>,
      %sub3A_1754 = arith.subf %get3A_1245, %mul3A_1591 : vector<16xf32>
      %mul3A_1755 = arith.mulf %sub3A_1754, %gather3A_1732 : vector<16xf32>
      %add3A_1756 = arith.constant 1 : i32
      %add3A_1757 = arith.addi %add3A_1104, %add3A_1756 : i32
      %swap3A_1758 = arith.index_cast %add3A_1757 : i32 to index
      %swap3A_1759 = arith.constant 48 : index
      %swap3A_1760 = tpu.vector_load %arg8[%swap3A_1758, %swap3A_1759] {strides = array<i32>} : memref<256x128xf32, #tpu.memory_space<vmem>>, vector<16xf32>,
      tpu.vector_store %arg8[%swap3A_1758, %swap3A_1759], %mul3A_1755 {strides = array<i32>} : memref<256x128xf32, #tpu.memory_space<vmem>>, vector<16xf32>,
      %sub3A_1761 = arith.subf %get3A_1250, %mul3A_1591 : vector<16xf32>
      %mul3A_1762 = arith.mulf %sub3A_1761, %gather3A_1732 : vector<16xf32>
      %add3A_1763 = arith.constant 1 : i32
      %add3A_1764 = arith.addi %add3A_1104, %add3A_1763 : i32
      %swap3A_1765 = arith.index_cast %add3A_1764 : i32 to index
      %swap3A_1766 = arith.constant 64 : index
      %swap3A_1767 = tpu.vector_load %arg8[%swap3A_1765, %swap3A_1766] {strides = array<i32>} : memref<256x128xf32, #tpu.memory_space<vmem>>, vector<16xf32>,
      tpu.vector_store %arg8[%swap3A_1765, %swap3A_1766], %mul3A_1762 {strides = array<i32>} : memref<256x128xf32, #tpu.memory_space<vmem>>, vector<16xf32>,
      %sub3A_1768 = arith.subf %get3A_1255, %mul3A_1591 : vector<16xf32>
      %mul3A_1769 = arith.mulf %sub3A_1768, %gather3A_1732 : vector<16xf32>
      %add3A_1770 = arith.constant 1 : i32
      %add3A_1771 = arith.addi %add3A_1104, %add3A_1770 : i32
      %swap3A_1772 = arith.index_cast %add3A_1771 : i32 to index
      %swap3A_1773 = arith.constant 80 : index
      %swap3A_1774 = tpu.vector_load %arg8[%swap3A_1772, %swap3A_1773] {strides = array<i32>} : memref<256x128xf32, #tpu.memory_space<vmem>>, vector<16xf32>,
      tpu.vector_store %arg8[%swap3A_1772, %swap3A_1773], %mul3A_1769 {strides = array<i32>} : memref<256x128xf32, #tpu.memory_space<vmem>>, vector<16xf32>,
      %sub3A_1775 = arith.subf %get3A_1260, %mul3A_1591 : vector<16xf32>
      %mul3A_1776 = arith.mulf %sub3A_1775, %gather3A_1732 : vector<16xf32>
      %add3A_1777 = arith.constant 1 : i32
      %add3A_1778 = arith.addi %add3A_1104, %add3A_1777 : i32
      %swap3A_1779 = arith.index_cast %add3A_1778 : i32 to index
      %swap3A_1780 = arith.constant 96 : index
      %swap3A_1781 = tpu.vector_load %arg8[%swap3A_1779, %swap3A_1780] {strides = array<i32>} : memref<256x128xf32, #tpu.memory_space<vmem>>, vector<16xf32>,
      tpu.vector_store %arg8[%swap3A_1779, %swap3A_1780], %mul3A_1776 {strides = array<i32>} : memref<256x128xf32, #tpu.memory_space<vmem>>, vector<16xf32>,
      %sub3A_1782 = arith.subf %get3A_1265, %mul3A_1591 : vector<16xf32>
      %mul3A_1783 = arith.mulf %sub3A_1782, %gather3A_1732 : vector<16xf32>
      %add3A_1784 = arith.constant 1 : i32
      %add3A_1785 = arith.addi %add3A_1104, %add3A_1784 : i32
      %swap3A_1786 = arith.index_cast %add3A_1785 : i32 to index
      %swap3A_1787 = arith.constant 112 : index
      %swap3A_1788 = tpu.vector_load %arg8[%swap3A_1786, %swap3A_1787] {strides = array<i32>} : memref<256x128xf32, #tpu.memory_space<vmem>>, vector<16xf32>,
      tpu.vector_store %arg8[%swap3A_1786, %swap3A_1787], %mul3A_1783 {strides = array<i32>} : memref<256x128xf32, #tpu.memory_space<vmem>>, vector<16xf32>,
      %broadcast_in_dim3A_1789 = arith.constant 2 : i32
      %broadcast_in_dim3A_1790 = vector.broadcast %broadcast_in_dim3A_1789 : i32 to vector<16xi32>
      %reshape3A_1791 = vector.shape_cast %broadcast_in_dim3A_1790 : vector<16xi32> to vector<16x1xi32>
      %gather3A_1792 = vector.shape_cast %reshape3A_1791 : vector<16x1xi32> to vector<16xi32>
      %gather3A_1793 = tpu.dynamic_gather %mul3A_1667[%gather3A_1792] in [0] : vector<16xf32>, vector<16xi32> -> vector<16xf32>
      %sub3A_1794 = arith.subf %get3A_1350, %mul3A_1594 : vector<16xf32>
      %mul3A_1795 = arith.mulf %sub3A_1794, %gather3A_1793 : vector<16xf32>
      %add3A_1796 = arith.constant 2 : i32
      %add3A_1797 = arith.addi %add3A_1104, %add3A_1796 : i32
      %swap3A_1798 = arith.index_cast %add3A_1797 : i32 to index
      %swap3A_1799 = arith.constant 0 : index
      %swap3A_1800 = tpu.vector_load %arg8[%swap3A_1798, %swap3A_1799] {strides = array<i32>} : memref<256x128xf32, #tpu.memory_space<vmem>>, vector<16xf32>,
      tpu.vector_store %arg8[%swap3A_1798, %swap3A_1799], %mul3A_1795 {strides = array<i32>} : memref<256x128xf32, #tpu.memory_space<vmem>>, vector<16xf32>,
      %sub3A_1801 = arith.subf %get3A_1355, %mul3A_1594 : vector<16xf32>
      %mul3A_1802 = arith.mulf %sub3A_1801, %gather3A_1793 : vector<16xf32>
      %add3A_1803 = arith.constant 2 : i32
      %add3A_1804 = arith.addi %add3A_1104, %add3A_1803 : i32
      %swap3A_1805 = arith.index_cast %add3A_1804 : i32 to index
      %swap3A_1806 = arith.constant 16 : index
      %swap3A_1807 = tpu.vector_load %arg8[%swap3A_1805, %swap3A_1806] {strides = array<i32>} : memref<256x128xf32, #tpu.memory_space<vmem>>, vector<16xf32>,
      tpu.vector_store %arg8[%swap3A_1805, %swap3A_1806], %mul3A_1802 {strides = array<i32>} : memref<256x128xf32, #tpu.memory_space<vmem>>, vector<16xf32>,
      %sub3A_1808 = arith.subf %get3A_1360, %mul3A_1594 : vector<16xf32>
      %mul3A_1809 = arith.mulf %sub3A_1808, %gather3A_1793 : vector<16xf32>
      %add3A_1810 = arith.constant 2 : i32
      %add3A_1811 = arith.addi %add3A_1104, %add3A_1810 : i32
      %swap3A_1812 = arith.index_cast %add3A_1811 : i32 to index
      %swap3A_1813 = arith.constant 32 : index
      %swap3A_1814 = tpu.vector_load %arg8[%swap3A_1812, %swap3A_1813] {strides = array<i32>} : memref<256x128xf32, #tpu.memory_space<vmem>>, vector<16xf32>,
      tpu.vector_store %arg8[%swap3A_1812, %swap3A_1813], %mul3A_1809 {strides = array<i32>} : memref<256x128xf32, #tpu.memory_space<vmem>>, vector<16xf32>,
      %sub3A_1815 = arith.subf %get3A_1365, %mul3A_1594 : vector<16xf32>
      %mul3A_1816 = arith.mulf %sub3A_1815, %gather3A_1793 : vector<16xf32>
      %add3A_1817 = arith.constant 2 : i32
      %add3A_1818 = arith.addi %add3A_1104, %add3A_1817 : i32
      %swap3A_1819 = arith.index_cast %add3A_1818 : i32 to index
      %swap3A_1820 = arith.constant 48 : index
      %swap3A_1821 = tpu.vector_load %arg8[%swap3A_1819, %swap3A_1820] {strides = array<i32>} : memref<256x128xf32, #tpu.memory_space<vmem>>, vector<16xf32>,
      tpu.vector_store %arg8[%swap3A_1819, %swap3A_1820], %mul3A_1816 {strides = array<i32>} : memref<256x128xf32, #tpu.memory_space<vmem>>, vector<16xf32>,
      %sub3A_1822 = arith.subf %get3A_1370, %mul3A_1594 : vector<16xf32>
      %mul3A_1823 = arith.mulf %sub3A_1822, %gather3A_1793 : vector<16xf32>
      %add3A_1824 = arith.constant 2 : i32
      %add3A_1825 = arith.addi %add3A_1104, %add3A_1824 : i32
      %swap3A_1826 = arith.index_cast %add3A_1825 : i32 to index
      %swap3A_1827 = arith.constant 64 : index
      %swap3A_1828 = tpu.vector_load %arg8[%swap3A_1826, %swap3A_1827] {strides = array<i32>} : memref<256x128xf32, #tpu.memory_space<vmem>>, vector<16xf32>,
      tpu.vector_store %arg8[%swap3A_1826, %swap3A_1827], %mul3A_1823 {strides = array<i32>} : memref<256x128xf32, #tpu.memory_space<vmem>>, vector<16xf32>,
      %sub3A_1829 = arith.subf %get3A_1375, %mul3A_1594 : vector<16xf32>
      %mul3A_1830 = arith.mulf %sub3A_1829, %gather3A_1793 : vector<16xf32>
      %add3A_1831 = arith.constant 2 : i32
      %add3A_1832 = arith.addi %add3A_1104, %add3A_1831 : i32
      %swap3A_1833 = arith.index_cast %add3A_1832 : i32 to index
      %swap3A_1834 = arith.constant 80 : index
      %swap3A_1835 = tpu.vector_load %arg8[%swap3A_1833, %swap3A_1834] {strides = array<i32>} : memref<256x128xf32, #tpu.memory_space<vmem>>, vector<16xf32>,
      tpu.vector_store %arg8[%swap3A_1833, %swap3A_1834], %mul3A_1830 {strides = array<i32>} : memref<256x128xf32, #tpu.memory_space<vmem>>, vector<16xf32>,
      %sub3A_1836 = arith.subf %get3A_1380, %mul3A_1594 : vector<16xf32>
      %mul3A_1837 = arith.mulf %sub3A_1836, %gather3A_1793 : vector<16xf32>
      %add3A_1838 = arith.constant 2 : i32
      %add3A_1839 = arith.addi %add3A_1104, %add3A_1838 : i32
      %swap3A_1840 = arith.index_cast %add3A_1839 : i32 to index
      %swap3A_1841 = arith.constant 96 : index
      %swap3A_1842 = tpu.vector_load %arg8[%swap3A_1840, %swap3A_1841] {strides = array<i32>} : memref<256x128xf32, #tpu.memory_space<vmem>>, vector<16xf32>,
      tpu.vector_store %arg8[%swap3A_1840, %swap3A_1841], %mul3A_1837 {strides = array<i32>} : memref<256x128xf32, #tpu.memory_space<vmem>>, vector<16xf32>,
      %sub3A_1843 = arith.subf %get3A_1385, %mul3A_1594 : vector<16xf32>
      %mul3A_1844 = arith.mulf %sub3A_1843, %gather3A_1793 : vector<16xf32>
      %add3A_1845 = arith.constant 2 : i32
      %add3A_1846 = arith.addi %add3A_1104, %add3A_1845 : i32
      %swap3A_1847 = arith.index_cast %add3A_1846 : i32 to index
      %swap3A_1848 = arith.constant 112 : index
      %swap3A_1849 = tpu.vector_load %arg8[%swap3A_1847, %swap3A_1848] {strides = array<i32>} : memref<256x128xf32, #tpu.memory_space<vmem>>, vector<16xf32>,
      tpu.vector_store %arg8[%swap3A_1847, %swap3A_1848], %mul3A_1844 {strides = array<i32>} : memref<256x128xf32, #tpu.memory_space<vmem>>, vector<16xf32>,
      %broadcast_in_dim3A_1850 = arith.constant 3 : i32
      %broadcast_in_dim3A_1851 = vector.broadcast %broadcast_in_dim3A_1850 : i32 to vector<16xi32>
      %reshape3A_1852 = vector.shape_cast %broadcast_in_dim3A_1851 : vector<16xi32> to vector<16x1xi32>
      %gather3A_1853 = vector.shape_cast %reshape3A_1852 : vector<16x1xi32> to vector<16xi32>
      %gather3A_1854 = tpu.dynamic_gather %mul3A_1667[%gather3A_1853] in [0] : vector<16xf32>, vector<16xi32> -> vector<16xf32>
      %sub3A_1855 = arith.subf %get3A_1470, %mul3A_1597 : vector<16xf32>
      %mul3A_1856 = arith.mulf %sub3A_1855, %gather3A_1854 : vector<16xf32>
      %add3A_1857 = arith.constant 3 : i32
      %add3A_1858 = arith.addi %add3A_1104, %add3A_1857 : i32
      %swap3A_1859 = arith.index_cast %add3A_1858 : i32 to index
      %swap3A_1860 = arith.constant 0 : index
      %swap3A_1861 = tpu.vector_load %arg8[%swap3A_1859, %swap3A_1860] {strides = array<i32>} : memref<256x128xf32, #tpu.memory_space<vmem>>, vector<16xf32>,
      tpu.vector_store %arg8[%swap3A_1859, %swap3A_1860], %mul3A_1856 {strides = array<i32>} : memref<256x128xf32, #tpu.memory_space<vmem>>, vector<16xf32>,
      %sub3A_1862 = arith.subf %get3A_1475, %mul3A_1597 : vector<16xf32>
      %mul3A_1863 = arith.mulf %sub3A_1862, %gather3A_1854 : vector<16xf32>
      %add3A_1864 = arith.constant 3 : i32
      %add3A_1865 = arith.addi %add3A_1104, %add3A_1864 : i32
      %swap3A_1866 = arith.index_cast %add3A_1865 : i32 to index
      %swap3A_1867 = arith.constant 16 : index
      %swap3A_1868 = tpu.vector_load %arg8[%swap3A_1866, %swap3A_1867] {strides = array<i32>} : memref<256x128xf32, #tpu.memory_space<vmem>>, vector<16xf32>,
      tpu.vector_store %arg8[%swap3A_1866, %swap3A_1867], %mul3A_1863 {strides = array<i32>} : memref<256x128xf32, #tpu.memory_space<vmem>>, vector<16xf32>,
      %sub3A_1869 = arith.subf %get3A_1480, %mul3A_1597 : vector<16xf32>
      %mul3A_1870 = arith.mulf %sub3A_1869, %gather3A_1854 : vector<16xf32>
      %add3A_1871 = arith.constant 3 : i32
      %add3A_1872 = arith.addi %add3A_1104, %add3A_1871 : i32
      %swap3A_1873 = arith.index_cast %add3A_1872 : i32 to index
      %swap3A_1874 = arith.constant 32 : index
      %swap3A_1875 = tpu.vector_load %arg8[%swap3A_1873, %swap3A_1874] {strides = array<i32>} : memref<256x128xf32, #tpu.memory_space<vmem>>, vector<16xf32>,
      tpu.vector_store %arg8[%swap3A_1873, %swap3A_1874], %mul3A_1870 {strides = array<i32>} : memref<256x128xf32, #tpu.memory_space<vmem>>, vector<16xf32>,
      %sub3A_1876 = arith.subf %get3A_1485, %mul3A_1597 : vector<16xf32>
      %mul3A_1877 = arith.mulf %sub3A_1876, %gather3A_1854 : vector<16xf32>
      %add3A_1878 = arith.constant 3 : i32
      %add3A_1879 = arith.addi %add3A_1104, %add3A_1878 : i32
      %swap3A_1880 = arith.index_cast %add3A_1879 : i32 to index
      %swap3A_1881 = arith.constant 48 : index
      %swap3A_1882 = tpu.vector_load %arg8[%swap3A_1880, %swap3A_1881] {strides = array<i32>} : memref<256x128xf32, #tpu.memory_space<vmem>>, vector<16xf32>,
      tpu.vector_store %arg8[%swap3A_1880, %swap3A_1881], %mul3A_1877 {strides = array<i32>} : memref<256x128xf32, #tpu.memory_space<vmem>>, vector<16xf32>,
      %sub3A_1883 = arith.subf %get3A_1490, %mul3A_1597 : vector<16xf32>
      %mul3A_1884 = arith.mulf %sub3A_1883, %gather3A_1854 : vector<16xf32>
      %add3A_1885 = arith.constant 3 : i32
      %add3A_1886 = arith.addi %add3A_1104, %add3A_1885 : i32
      %swap3A_1887 = arith.index_cast %add3A_1886 : i32 to index
      %swap3A_1888 = arith.constant 64 : index
      %swap3A_1889 = tpu.vector_load %arg8[%swap3A_1887, %swap3A_1888] {strides = array<i32>} : memref<256x128xf32, #tpu.memory_space<vmem>>, vector<16xf32>,
      tpu.vector_store %arg8[%swap3A_1887, %swap3A_1888], %mul3A_1884 {strides = array<i32>} : memref<256x128xf32, #tpu.memory_space<vmem>>, vector<16xf32>,
      %sub3A_1890 = arith.subf %get3A_1495, %mul3A_1597 : vector<16xf32>
      %mul3A_1891 = arith.mulf %sub3A_1890, %gather3A_1854 : vector<16xf32>
      %add3A_1892 = arith.constant 3 : i32
      %add3A_1893 = arith.addi %add3A_1104, %add3A_1892 : i32
      %swap3A_1894 = arith.index_cast %add3A_1893 : i32 to index
      %swap3A_1895 = arith.constant 80 : index
      %swap3A_1896 = tpu.vector_load %arg8[%swap3A_1894, %swap3A_1895] {strides = array<i32>} : memref<256x128xf32, #tpu.memory_space<vmem>>, vector<16xf32>,
      tpu.vector_store %arg8[%swap3A_1894, %swap3A_1895], %mul3A_1891 {strides = array<i32>} : memref<256x128xf32, #tpu.memory_space<vmem>>, vector<16xf32>,
      %sub3A_1897 = arith.subf %get3A_1500, %mul3A_1597 : vector<16xf32>
      %mul3A_1898 = arith.mulf %sub3A_1897, %gather3A_1854 : vector<16xf32>
      %add3A_1899 = arith.constant 3 : i32
      %add3A_1900 = arith.addi %add3A_1104, %add3A_1899 : i32
      %swap3A_1901 = arith.index_cast %add3A_1900 : i32 to index
      %swap3A_1902 = arith.constant 96 : index
      %swap3A_1903 = tpu.vector_load %arg8[%swap3A_1901, %swap3A_1902] {strides = array<i32>} : memref<256x128xf32, #tpu.memory_space<vmem>>, vector<16xf32>,
      tpu.vector_store %arg8[%swap3A_1901, %swap3A_1902], %mul3A_1898 {strides = array<i32>} : memref<256x128xf32, #tpu.memory_space<vmem>>, vector<16xf32>,
      %sub3A_1904 = arith.subf %get3A_1505, %mul3A_1597 : vector<16xf32>
      %mul3A_1905 = arith.mulf %sub3A_1904, %gather3A_1854 : vector<16xf32>
      %add3A_1906 = arith.constant 3 : i32
      %add3A_1907 = arith.addi %add3A_1104, %add3A_1906 : i32
      %swap3A_1908 = arith.index_cast %add3A_1907 : i32 to index
      %swap3A_1909 = arith.constant 112 : index
      %swap3A_1910 = tpu.vector_load %arg8[%swap3A_1908, %swap3A_1909] {strides = array<i32>} : memref<256x128xf32, #tpu.memory_space<vmem>>, vector<16xf32>,
      tpu.vector_store %arg8[%swap3A_1908, %swap3A_1909], %mul3A_1905 {strides = array<i32>} : memref<256x128xf32, #tpu.memory_space<vmem>>, vector<16xf32>,
    }
    %scan3A_951 = arith.constant 16 : i32
    %add3A_952 = arith.constant 64 : i32
    %add3A_953 = arith.addi %mul3A_32, %add3A_952 : i32
    %dma_start3A_954 = arith.constant 64 : i32
    %dma_start3A_955 = arith.constant 0 : i32
    %dma_start3A_956 = tpu.memref_slice %arg8[%dma_start3A_954, %dma_start3A_955] : memref<256x128xf32, #tpu.memory_space<vmem>> -> memref<64x128xf32, #tpu.memory_space<vmem>>
    %dma_start3A_957 = arith.constant 0 : i32
    %dma_start3A_958 = tpu.memref_slice %arg6[%select_n3A, %add3A_953, %dma_start3A_957] : memref<4x2048x128xf32, #tpu.memory_space<hbm>> -> memref<1x64x128xf32, #tpu.memory_space<hbm>>
    %dma_start3A_959 = tpu.memref_squeeze %dma_start3A_958 : memref<1x64x128xf32, #tpu.memory_space<hbm>> -> memref<64x128xf32, #tpu.memory_space<hbm>>
    %dma_start3A_960 = arith.constant 0 : i32
    %dma_start3A_961 = tpu.memref_slice %arg6[%select_n3A, %add3A_953, %dma_start3A_960] : memref<4x2048x128xf32, #tpu.memory_space<hbm>> -> memref<1x64x128xf32, #tpu.memory_space<hbm>>
    %dma_start3A_962 = tpu.memref_squeeze %dma_start3A_961 : memref<1x64x128xf32, #tpu.memory_space<hbm>> -> memref<64x128xf32, #tpu.memory_space<hbm>>
    %dma_start3A_963 = arith.constant 64 : i32
    %dma_start3A_964 = arith.constant 0 : i32
    %dma_start3A_965 = tpu.memref_slice %arg8[%dma_start3A_963, %dma_start3A_964] : memref<256x128xf32, #tpu.memory_space<vmem>> -> memref<64x128xf32, #tpu.memory_space<vmem>>
    tpu.enqueue_dma source(%dma_start3A_965 : memref<64x128xf32, #tpu.memory_space<vmem>>) target(%dma_start3A_962 : memref<64x128xf32, #tpu.memory_space<hbm>>) target_semaphore(%arg14 : memref<!tpu.dma_semaphore, #tpu.memory_space<semaphore_mem>>)
    %dma_wait3A_966 = arith.constant 1 : i32
    %dma_wait3A_967 = arith.constant 128 : i32
    %dma_wait3A_968 = arith.constant 0 : i32
    %dma_wait3A_969 = tpu.memref_slice %arg8[%dma_wait3A_967, %dma_wait3A_968] : memref<256x128xf32, #tpu.memory_space<vmem>> -> memref<64x128xf32, #tpu.memory_space<vmem>>
    %dma_wait3A_970 = arith.constant 0 : i32
    %dma_wait3A_971 = tpu.memref_slice %arg7[%dma_wait3A_966, %dma_wait3A_970] : memref<2x128xi32, #tpu.memory_space<vmem>> -> memref<1x64xi32, #tpu.memory_space<vmem>>
    %dma_wait3A_972 = tpu.memref_squeeze %dma_wait3A_971 : memref<1x64xi32, #tpu.memory_space<vmem>> -> memref<64xi32, #tpu.memory_space<vmem>>
    %dma_wait3A_973 = arith.constant 0 : i32
    %dma_wait3A_974 = arith.constant 0 : i32
    %dma_wait3A_975 = tpu.memref_slice %arg4[%dma_wait3A_973, %dma_wait3A_974] : memref<100000x128xf32, #tpu.memory_space<hbm>> -> memref<100000x128xf32, #tpu.memory_space<hbm>>
    tpu.wait_indirect_dma semaphore(%arg12 : memref<!tpu.dma_semaphore, #tpu.memory_space<semaphore_mem>>) src(%dma_wait3A_975 : memref<100000x128xf32, #tpu.memory_space<hbm>>) dst(%dma_wait3A_969 : memref<64x128xf32, #tpu.memory_space<vmem>>)
    %scan3A_976 = arith.constant 0 : i32
    %scan3A_977 = arith.constant 16 : i32
    %scan3A_978 = arith.addi %scan3A_976, %scan3A_977 : i32
    %scan3A_979 = arith.constant 1 : i32
    scf.for %scan3A_1100 = %scan3A_976 to %scan3A_978 step %scan3A_979  : i32 {
      %mul3A_1101 = arith.constant 4 : i32
      %mul3A_1102 = arith.muli %scan3A_1100, %mul3A_1101 : i32
      %add3A_1103 = arith.constant 128 : i32
      %add3A_1104 = arith.addi %add3A_1103, %mul3A_1102 : i32
      %iota3A_1105 = tpu.iota {dimensions = array<i32: 0>} : vector<16xi32>
      %add3A_1106 = arith.constant 0 : i32
      %add3A_1107 = arith.addi %add3A_1104, %add3A_1106 : i32
      %get3A_1108 = arith.index_cast %add3A_1107 : i32 to index
      %get3A_1109 = arith.constant 0 : index
      %get3A_1110 = tpu.vector_load %arg8[%get3A_1108, %get3A_1109] {strides = array<i32>} : memref<256x128xf32, #tpu.memory_space<vmem>>, vector<16xf32>,
      %add3A_1111 = arith.constant 0 : i32
      %add3A_1112 = arith.addi %add3A_1104, %add3A_1111 : i32
      %get3A_1113 = arith.index_cast %add3A_1112 : i32 to index
      %get3A_1114 = arith.constant 16 : index
      %get3A_1115 = tpu.vector_load %arg8[%get3A_1113, %get3A_1114] {strides = array<i32>} : memref<256x128xf32, #tpu.memory_space<vmem>>, vector<16xf32>,
      %add3A_1116 = arith.constant 0 : i32
      %add3A_1117 = arith.addi %add3A_1104, %add3A_1116 : i32
      %get3A_1118 = arith.index_cast %add3A_1117 : i32 to index
      %get3A_1119 = arith.constant 32 : index
      %get3A_1120 = tpu.vector_load %arg8[%get3A_1118, %get3A_1119] {strides = array<i32>} : memref<256x128xf32, #tpu.memory_space<vmem>>, vector<16xf32>,
      %add3A_1121 = arith.constant 0 : i32
      %add3A_1122 = arith.addi %add3A_1104, %add3A_1121 : i32
      %get3A_1123 = arith.index_cast %add3A_1122 : i32 to index
      %get3A_1124 = arith.constant 48 : index
      %get3A_1125 = tpu.vector_load %arg8[%get3A_1123, %get3A_1124] {strides = array<i32>} : memref<256x128xf32, #tpu.memory_space<vmem>>, vector<16xf32>,
      %add3A_1126 = arith.constant 0 : i32
      %add3A_1127 = arith.addi %add3A_1104, %add3A_1126 : i32
      %get3A_1128 = arith.index_cast %add3A_1127 : i32 to index
      %get3A_1129 = arith.constant 64 : index
      %get3A_1130 = tpu.vector_load %arg8[%get3A_1128, %get3A_1129] {strides = array<i32>} : memref<256x128xf32, #tpu.memory_space<vmem>>, vector<16xf32>,
      %add3A_1131 = arith.constant 0 : i32
      %add3A_1132 = arith.addi %add3A_1104, %add3A_1131 : i32
      %get3A_1133 = arith.index_cast %add3A_1132 : i32 to index
      %get3A_1134 = arith.constant 80 : index
      %get3A_1135 = tpu.vector_load %arg8[%get3A_1133, %get3A_1134] {strides = array<i32>} : memref<256x128xf32, #tpu.memory_space<vmem>>, vector<16xf32>,
      %add3A_1136 = arith.constant 0 : i32
      %add3A_1137 = arith.addi %add3A_1104, %add3A_1136 : i32
      %get3A_1138 = arith.index_cast %add3A_1137 : i32 to index
      %get3A_1139 = arith.constant 96 : index
      %get3A_1140 = tpu.vector_load %arg8[%get3A_1138, %get3A_1139] {strides = array<i32>} : memref<256x128xf32, #tpu.memory_space<vmem>>, vector<16xf32>,
      %add3A_1141 = arith.constant 0 : i32
      %add3A_1142 = arith.addi %add3A_1104, %add3A_1141 : i32
      %get3A_1143 = arith.index_cast %add3A_1142 : i32 to index
      %get3A_1144 = arith.constant 112 : index
      %get3A_1145 = tpu.vector_load %arg8[%get3A_1143, %get3A_1144] {strides = array<i32>} : memref<256x128xf32, #tpu.memory_space<vmem>>, vector<16xf32>,
      %add3A_1146 = arith.addf %get3A_1110, %get3A_1115 : vector<16xf32>
      %add3A_1147 = arith.addf %get3A_1120, %get3A_1125 : vector<16xf32>
      %add3A_1148 = arith.addf %get3A_1130, %get3A_1135 : vector<16xf32>
      %add3A_1149 = arith.addf %get3A_1140, %get3A_1145 : vector<16xf32>
      %add3A_1150 = arith.addf %add3A_1146, %add3A_1147 : vector<16xf32>
      %add3A_1151 = arith.addf %add3A_1148, %add3A_1149 : vector<16xf32>
      %add3A_1152 = arith.addf %add3A_1150, %add3A_1151 : vector<16xf32>
      %iota3A_1153 = tpu.iota {dimensions = array<i32: 0>} : vector<16xi32>
      %xor3A_1154 = arith.constant 8 : i32
      %xor3A_1155 = vector.broadcast %xor3A_1154 : i32 to vector<16xi32>
      %xor3A_1156 = arith.xori %iota3A_1153, %xor3A_1155 : vector<16xi32>
      %reshape3A_1157 = vector.shape_cast %xor3A_1156 : vector<16xi32> to vector<16x1xi32>
      %gather3A_1158 = vector.shape_cast %reshape3A_1157 : vector<16x1xi32> to vector<16xi32>
      %gather3A_1159 = tpu.dynamic_gather %add3A_1152[%gather3A_1158] in [0] : vector<16xf32>, vector<16xi32> -> vector<16xf32>
      %add3A_1160 = arith.addf %add3A_1152, %gather3A_1159 : vector<16xf32>
      %xor3A_1161 = arith.constant 4 : i32
      %xor3A_1162 = vector.broadcast %xor3A_1161 : i32 to vector<16xi32>
      %xor3A_1163 = arith.xori %iota3A_1153, %xor3A_1162 : vector<16xi32>
      %reshape3A_1164 = vector.shape_cast %xor3A_1163 : vector<16xi32> to vector<16x1xi32>
      %gather3A_1165 = vector.shape_cast %reshape3A_1164 : vector<16x1xi32> to vector<16xi32>
      %gather3A_1166 = tpu.dynamic_gather %add3A_1160[%gather3A_1165] in [0] : vector<16xf32>, vector<16xi32> -> vector<16xf32>
      %add3A_1167 = arith.addf %add3A_1160, %gather3A_1166 : vector<16xf32>
      %xor3A_1168 = arith.constant 2 : i32
      %xor3A_1169 = vector.broadcast %xor3A_1168 : i32 to vector<16xi32>
      %xor3A_1170 = arith.xori %iota3A_1153, %xor3A_1169 : vector<16xi32>
      %reshape3A_1171 = vector.shape_cast %xor3A_1170 : vector<16xi32> to vector<16x1xi32>
      %gather3A_1172 = vector.shape_cast %reshape3A_1171 : vector<16x1xi32> to vector<16xi32>
      %gather3A_1173 = tpu.dynamic_gather %add3A_1167[%gather3A_1172] in [0] : vector<16xf32>, vector<16xi32> -> vector<16xf32>
      %add3A_1174 = arith.addf %add3A_1167, %gather3A_1173 : vector<16xf32>
      %xor3A_1175 = arith.constant 1 : i32
      %xor3A_1176 = vector.broadcast %xor3A_1175 : i32 to vector<16xi32>
      %xor3A_1177 = arith.xori %iota3A_1153, %xor3A_1176 : vector<16xi32>
      %reshape3A_1178 = vector.shape_cast %xor3A_1177 : vector<16xi32> to vector<16x1xi32>
      %gather3A_1179 = vector.shape_cast %reshape3A_1178 : vector<16x1xi32> to vector<16xi32>
      %gather3A_1180 = tpu.dynamic_gather %add3A_1174[%gather3A_1179] in [0] : vector<16xf32>, vector<16xi32> -> vector<16xf32>
      %add3A_1181 = arith.addf %add3A_1174, %gather3A_1180 : vector<16xf32>
      %mul3A_1182 = arith.mulf %get3A_1110, %get3A_1110 : vector<16xf32>
      %mul3A_1183 = arith.mulf %get3A_1115, %get3A_1115 : vector<16xf32>
      %mul3A_1184 = arith.mulf %get3A_1120, %get3A_1120 : vector<16xf32>
      %mul3A_1185 = arith.mulf %get3A_1125, %get3A_1125 : vector<16xf32>
      %mul3A_1186 = arith.mulf %get3A_1130, %get3A_1130 : vector<16xf32>
      %mul3A_1187 = arith.mulf %get3A_1135, %get3A_1135 : vector<16xf32>
      %mul3A_1188 = arith.mulf %get3A_1140, %get3A_1140 : vector<16xf32>
      %mul3A_1189 = arith.mulf %get3A_1145, %get3A_1145 : vector<16xf32>
      %add3A_1190 = arith.addf %mul3A_1182, %mul3A_1183 : vector<16xf32>
      %add3A_1191 = arith.addf %mul3A_1184, %mul3A_1185 : vector<16xf32>
      %add3A_1192 = arith.addf %mul3A_1186, %mul3A_1187 : vector<16xf32>
      %add3A_1193 = arith.addf %mul3A_1188, %mul3A_1189 : vector<16xf32>
      %add3A_1194 = arith.addf %add3A_1190, %add3A_1191 : vector<16xf32>
      %add3A_1195 = arith.addf %add3A_1192, %add3A_1193 : vector<16xf32>
      %add3A_1196 = arith.addf %add3A_1194, %add3A_1195 : vector<16xf32>
      %iota3A_1197 = tpu.iota {dimensions = array<i32: 0>} : vector<16xi32>
      %xor3A_1198 = arith.constant 8 : i32
      %xor3A_1199 = vector.broadcast %xor3A_1198 : i32 to vector<16xi32>
      %xor3A_1200 = arith.xori %iota3A_1197, %xor3A_1199 : vector<16xi32>
      %reshape3A_1201 = vector.shape_cast %xor3A_1200 : vector<16xi32> to vector<16x1xi32>
      %gather3A_1202 = vector.shape_cast %reshape3A_1201 : vector<16x1xi32> to vector<16xi32>
      %gather3A_1203 = tpu.dynamic_gather %add3A_1196[%gather3A_1202] in [0] : vector<16xf32>, vector<16xi32> -> vector<16xf32>
      %add3A_1204 = arith.addf %add3A_1196, %gather3A_1203 : vector<16xf32>
      %xor3A_1205 = arith.constant 4 : i32
      %xor3A_1206 = vector.broadcast %xor3A_1205 : i32 to vector<16xi32>
      %xor3A_1207 = arith.xori %iota3A_1197, %xor3A_1206 : vector<16xi32>
      %reshape3A_1208 = vector.shape_cast %xor3A_1207 : vector<16xi32> to vector<16x1xi32>
      %gather3A_1209 = vector.shape_cast %reshape3A_1208 : vector<16x1xi32> to vector<16xi32>
      %gather3A_1210 = tpu.dynamic_gather %add3A_1204[%gather3A_1209] in [0] : vector<16xf32>, vector<16xi32> -> vector<16xf32>
      %add3A_1211 = arith.addf %add3A_1204, %gather3A_1210 : vector<16xf32>
      %xor3A_1212 = arith.constant 2 : i32
      %xor3A_1213 = vector.broadcast %xor3A_1212 : i32 to vector<16xi32>
      %xor3A_1214 = arith.xori %iota3A_1197, %xor3A_1213 : vector<16xi32>
      %reshape3A_1215 = vector.shape_cast %xor3A_1214 : vector<16xi32> to vector<16x1xi32>
      %gather3A_1216 = vector.shape_cast %reshape3A_1215 : vector<16x1xi32> to vector<16xi32>
      %gather3A_1217 = tpu.dynamic_gather %add3A_1211[%gather3A_1216] in [0] : vector<16xf32>, vector<16xi32> -> vector<16xf32>
      %add3A_1218 = arith.addf %add3A_1211, %gather3A_1217 : vector<16xf32>
      %xor3A_1219 = arith.constant 1 : i32
      %xor3A_1220 = vector.broadcast %xor3A_1219 : i32 to vector<16xi32>
      %xor3A_1221 = arith.xori %iota3A_1197, %xor3A_1220 : vector<16xi32>
      %reshape3A_1222 = vector.shape_cast %xor3A_1221 : vector<16xi32> to vector<16x1xi32>
      %gather3A_1223 = vector.shape_cast %reshape3A_1222 : vector<16x1xi32> to vector<16xi32>
      %gather3A_1224 = tpu.dynamic_gather %add3A_1218[%gather3A_1223] in [0] : vector<16xf32>, vector<16xi32> -> vector<16xf32>
      %add3A_1225 = arith.addf %add3A_1218, %gather3A_1224 : vector<16xf32>
      %add3A_1226 = arith.constant 1 : i32
      %add3A_1227 = arith.addi %add3A_1104, %add3A_1226 : i32
      %get3A_1228 = arith.index_cast %add3A_1227 : i32 to index
      %get3A_1229 = arith.constant 0 : index
      %get3A_1230 = tpu.vector_load %arg8[%get3A_1228, %get3A_1229] {strides = array<i32>} : memref<256x128xf32, #tpu.memory_space<vmem>>, vector<16xf32>,
      %add3A_1231 = arith.constant 1 : i32
      %add3A_1232 = arith.addi %add3A_1104, %add3A_1231 : i32
      %get3A_1233 = arith.index_cast %add3A_1232 : i32 to index
      %get3A_1234 = arith.constant 16 : index
      %get3A_1235 = tpu.vector_load %arg8[%get3A_1233, %get3A_1234] {strides = array<i32>} : memref<256x128xf32, #tpu.memory_space<vmem>>, vector<16xf32>,
      %add3A_1236 = arith.constant 1 : i32
      %add3A_1237 = arith.addi %add3A_1104, %add3A_1236 : i32
      %get3A_1238 = arith.index_cast %add3A_1237 : i32 to index
      %get3A_1239 = arith.constant 32 : index
      %get3A_1240 = tpu.vector_load %arg8[%get3A_1238, %get3A_1239] {strides = array<i32>} : memref<256x128xf32, #tpu.memory_space<vmem>>, vector<16xf32>,
      %add3A_1241 = arith.constant 1 : i32
      %add3A_1242 = arith.addi %add3A_1104, %add3A_1241 : i32
      %get3A_1243 = arith.index_cast %add3A_1242 : i32 to index
      %get3A_1244 = arith.constant 48 : index
      %get3A_1245 = tpu.vector_load %arg8[%get3A_1243, %get3A_1244] {strides = array<i32>} : memref<256x128xf32, #tpu.memory_space<vmem>>, vector<16xf32>,
      %add3A_1246 = arith.constant 1 : i32
      %add3A_1247 = arith.addi %add3A_1104, %add3A_1246 : i32
      %get3A_1248 = arith.index_cast %add3A_1247 : i32 to index
      %get3A_1249 = arith.constant 64 : index
      %get3A_1250 = tpu.vector_load %arg8[%get3A_1248, %get3A_1249] {strides = array<i32>} : memref<256x128xf32, #tpu.memory_space<vmem>>, vector<16xf32>,
      %add3A_1251 = arith.constant 1 : i32
      %add3A_1252 = arith.addi %add3A_1104, %add3A_1251 : i32
      %get3A_1253 = arith.index_cast %add3A_1252 : i32 to index
      %get3A_1254 = arith.constant 80 : index
      %get3A_1255 = tpu.vector_load %arg8[%get3A_1253, %get3A_1254] {strides = array<i32>} : memref<256x128xf32, #tpu.memory_space<vmem>>, vector<16xf32>,
      %add3A_1256 = arith.constant 1 : i32
      %add3A_1257 = arith.addi %add3A_1104, %add3A_1256 : i32
      %get3A_1258 = arith.index_cast %add3A_1257 : i32 to index
      %get3A_1259 = arith.constant 96 : index
      %get3A_1260 = tpu.vector_load %arg8[%get3A_1258, %get3A_1259] {strides = array<i32>} : memref<256x128xf32, #tpu.memory_space<vmem>>, vector<16xf32>,
      %add3A_1261 = arith.constant 1 : i32
      %add3A_1262 = arith.addi %add3A_1104, %add3A_1261 : i32
      %get3A_1263 = arith.index_cast %add3A_1262 : i32 to index
      %get3A_1264 = arith.constant 112 : index
      %get3A_1265 = tpu.vector_load %arg8[%get3A_1263, %get3A_1264] {strides = array<i32>} : memref<256x128xf32, #tpu.memory_space<vmem>>, vector<16xf32>,
      %add3A_1266 = arith.addf %get3A_1230, %get3A_1235 : vector<16xf32>
      %add3A_1267 = arith.addf %get3A_1240, %get3A_1245 : vector<16xf32>
      %add3A_1268 = arith.addf %get3A_1250, %get3A_1255 : vector<16xf32>
      %add3A_1269 = arith.addf %get3A_1260, %get3A_1265 : vector<16xf32>
      %add3A_1270 = arith.addf %add3A_1266, %add3A_1267 : vector<16xf32>
      %add3A_1271 = arith.addf %add3A_1268, %add3A_1269 : vector<16xf32>
      %add3A_1272 = arith.addf %add3A_1270, %add3A_1271 : vector<16xf32>
      %iota3A_1273 = tpu.iota {dimensions = array<i32: 0>} : vector<16xi32>
      %xor3A_1274 = arith.constant 8 : i32
      %xor3A_1275 = vector.broadcast %xor3A_1274 : i32 to vector<16xi32>
      %xor3A_1276 = arith.xori %iota3A_1273, %xor3A_1275 : vector<16xi32>
      %reshape3A_1277 = vector.shape_cast %xor3A_1276 : vector<16xi32> to vector<16x1xi32>
      %gather3A_1278 = vector.shape_cast %reshape3A_1277 : vector<16x1xi32> to vector<16xi32>
      %gather3A_1279 = tpu.dynamic_gather %add3A_1272[%gather3A_1278] in [0] : vector<16xf32>, vector<16xi32> -> vector<16xf32>
      %add3A_1280 = arith.addf %add3A_1272, %gather3A_1279 : vector<16xf32>
      %xor3A_1281 = arith.constant 4 : i32
      %xor3A_1282 = vector.broadcast %xor3A_1281 : i32 to vector<16xi32>
      %xor3A_1283 = arith.xori %iota3A_1273, %xor3A_1282 : vector<16xi32>
      %reshape3A_1284 = vector.shape_cast %xor3A_1283 : vector<16xi32> to vector<16x1xi32>
      %gather3A_1285 = vector.shape_cast %reshape3A_1284 : vector<16x1xi32> to vector<16xi32>
      %gather3A_1286 = tpu.dynamic_gather %add3A_1280[%gather3A_1285] in [0] : vector<16xf32>, vector<16xi32> -> vector<16xf32>
      %add3A_1287 = arith.addf %add3A_1280, %gather3A_1286 : vector<16xf32>
      %xor3A_1288 = arith.constant 2 : i32
      %xor3A_1289 = vector.broadcast %xor3A_1288 : i32 to vector<16xi32>
      %xor3A_1290 = arith.xori %iota3A_1273, %xor3A_1289 : vector<16xi32>
      %reshape3A_1291 = vector.shape_cast %xor3A_1290 : vector<16xi32> to vector<16x1xi32>
      %gather3A_1292 = vector.shape_cast %reshape3A_1291 : vector<16x1xi32> to vector<16xi32>
      %gather3A_1293 = tpu.dynamic_gather %add3A_1287[%gather3A_1292] in [0] : vector<16xf32>, vector<16xi32> -> vector<16xf32>
      %add3A_1294 = arith.addf %add3A_1287, %gather3A_1293 : vector<16xf32>
      %xor3A_1295 = arith.constant 1 : i32
      %xor3A_1296 = vector.broadcast %xor3A_1295 : i32 to vector<16xi32>
      %xor3A_1297 = arith.xori %iota3A_1273, %xor3A_1296 : vector<16xi32>
      %reshape3A_1298 = vector.shape_cast %xor3A_1297 : vector<16xi32> to vector<16x1xi32>
      %gather3A_1299 = vector.shape_cast %reshape3A_1298 : vector<16x1xi32> to vector<16xi32>
      %gather3A_1300 = tpu.dynamic_gather %add3A_1294[%gather3A_1299] in [0] : vector<16xf32>, vector<16xi32> -> vector<16xf32>
      %add3A_1301 = arith.addf %add3A_1294, %gather3A_1300 : vector<16xf32>
      %mul3A_1302 = arith.mulf %get3A_1230, %get3A_1230 : vector<16xf32>
      %mul3A_1303 = arith.mulf %get3A_1235, %get3A_1235 : vector<16xf32>
      %mul3A_1304 = arith.mulf %get3A_1240, %get3A_1240 : vector<16xf32>
      %mul3A_1305 = arith.mulf %get3A_1245, %get3A_1245 : vector<16xf32>
      %mul3A_1306 = arith.mulf %get3A_1250, %get3A_1250 : vector<16xf32>
      %mul3A_1307 = arith.mulf %get3A_1255, %get3A_1255 : vector<16xf32>
      %mul3A_1308 = arith.mulf %get3A_1260, %get3A_1260 : vector<16xf32>
      %mul3A_1309 = arith.mulf %get3A_1265, %get3A_1265 : vector<16xf32>
      %add3A_1310 = arith.addf %mul3A_1302, %mul3A_1303 : vector<16xf32>
      %add3A_1311 = arith.addf %mul3A_1304, %mul3A_1305 : vector<16xf32>
      %add3A_1312 = arith.addf %mul3A_1306, %mul3A_1307 : vector<16xf32>
      %add3A_1313 = arith.addf %mul3A_1308, %mul3A_1309 : vector<16xf32>
      %add3A_1314 = arith.addf %add3A_1310, %add3A_1311 : vector<16xf32>
      %add3A_1315 = arith.addf %add3A_1312, %add3A_1313 : vector<16xf32>
      %add3A_1316 = arith.addf %add3A_1314, %add3A_1315 : vector<16xf32>
      %iota3A_1317 = tpu.iota {dimensions = array<i32: 0>} : vector<16xi32>
      %xor3A_1318 = arith.constant 8 : i32
      %xor3A_1319 = vector.broadcast %xor3A_1318 : i32 to vector<16xi32>
      %xor3A_1320 = arith.xori %iota3A_1317, %xor3A_1319 : vector<16xi32>
      %reshape3A_1321 = vector.shape_cast %xor3A_1320 : vector<16xi32> to vector<16x1xi32>
      %gather3A_1322 = vector.shape_cast %reshape3A_1321 : vector<16x1xi32> to vector<16xi32>
      %gather3A_1323 = tpu.dynamic_gather %add3A_1316[%gather3A_1322] in [0] : vector<16xf32>, vector<16xi32> -> vector<16xf32>
      %add3A_1324 = arith.addf %add3A_1316, %gather3A_1323 : vector<16xf32>
      %xor3A_1325 = arith.constant 4 : i32
      %xor3A_1326 = vector.broadcast %xor3A_1325 : i32 to vector<16xi32>
      %xor3A_1327 = arith.xori %iota3A_1317, %xor3A_1326 : vector<16xi32>
      %reshape3A_1328 = vector.shape_cast %xor3A_1327 : vector<16xi32> to vector<16x1xi32>
      %gather3A_1329 = vector.shape_cast %reshape3A_1328 : vector<16x1xi32> to vector<16xi32>
      %gather3A_1330 = tpu.dynamic_gather %add3A_1324[%gather3A_1329] in [0] : vector<16xf32>, vector<16xi32> -> vector<16xf32>
      %add3A_1331 = arith.addf %add3A_1324, %gather3A_1330 : vector<16xf32>
      %xor3A_1332 = arith.constant 2 : i32
      %xor3A_1333 = vector.broadcast %xor3A_1332 : i32 to vector<16xi32>
      %xor3A_1334 = arith.xori %iota3A_1317, %xor3A_1333 : vector<16xi32>
      %reshape3A_1335 = vector.shape_cast %xor3A_1334 : vector<16xi32> to vector<16x1xi32>
      %gather3A_1336 = vector.shape_cast %reshape3A_1335 : vector<16x1xi32> to vector<16xi32>
      %gather3A_1337 = tpu.dynamic_gather %add3A_1331[%gather3A_1336] in [0] : vector<16xf32>, vector<16xi32> -> vector<16xf32>
      %add3A_1338 = arith.addf %add3A_1331, %gather3A_1337 : vector<16xf32>
      %xor3A_1339 = arith.constant 1 : i32
      %xor3A_1340 = vector.broadcast %xor3A_1339 : i32 to vector<16xi32>
      %xor3A_1341 = arith.xori %iota3A_1317, %xor3A_1340 : vector<16xi32>
      %reshape3A_1342 = vector.shape_cast %xor3A_1341 : vector<16xi32> to vector<16x1xi32>
      %gather3A_1343 = vector.shape_cast %reshape3A_1342 : vector<16x1xi32> to vector<16xi32>
      %gather3A_1344 = tpu.dynamic_gather %add3A_1338[%gather3A_1343] in [0] : vector<16xf32>, vector<16xi32> -> vector<16xf32>
      %add3A_1345 = arith.addf %add3A_1338, %gather3A_1344 : vector<16xf32>
      %add3A_1346 = arith.constant 2 : i32
      %add3A_1347 = arith.addi %add3A_1104, %add3A_1346 : i32
      %get3A_1348 = arith.index_cast %add3A_1347 : i32 to index
      %get3A_1349 = arith.constant 0 : index
      %get3A_1350 = tpu.vector_load %arg8[%get3A_1348, %get3A_1349] {strides = array<i32>} : memref<256x128xf32, #tpu.memory_space<vmem>>, vector<16xf32>,
      %add3A_1351 = arith.constant 2 : i32
      %add3A_1352 = arith.addi %add3A_1104, %add3A_1351 : i32
      %get3A_1353 = arith.index_cast %add3A_1352 : i32 to index
      %get3A_1354 = arith.constant 16 : index
      %get3A_1355 = tpu.vector_load %arg8[%get3A_1353, %get3A_1354] {strides = array<i32>} : memref<256x128xf32, #tpu.memory_space<vmem>>, vector<16xf32>,
      %add3A_1356 = arith.constant 2 : i32
      %add3A_1357 = arith.addi %add3A_1104, %add3A_1356 : i32
      %get3A_1358 = arith.index_cast %add3A_1357 : i32 to index
      %get3A_1359 = arith.constant 32 : index
      %get3A_1360 = tpu.vector_load %arg8[%get3A_1358, %get3A_1359] {strides = array<i32>} : memref<256x128xf32, #tpu.memory_space<vmem>>, vector<16xf32>,
      %add3A_1361 = arith.constant 2 : i32
      %add3A_1362 = arith.addi %add3A_1104, %add3A_1361 : i32
      %get3A_1363 = arith.index_cast %add3A_1362 : i32 to index
      %get3A_1364 = arith.constant 48 : index
      %get3A_1365 = tpu.vector_load %arg8[%get3A_1363, %get3A_1364] {strides = array<i32>} : memref<256x128xf32, #tpu.memory_space<vmem>>, vector<16xf32>,
      %add3A_1366 = arith.constant 2 : i32
      %add3A_1367 = arith.addi %add3A_1104, %add3A_1366 : i32
      %get3A_1368 = arith.index_cast %add3A_1367 : i32 to index
      %get3A_1369 = arith.constant 64 : index
      %get3A_1370 = tpu.vector_load %arg8[%get3A_1368, %get3A_1369] {strides = array<i32>} : memref<256x128xf32, #tpu.memory_space<vmem>>, vector<16xf32>,
      %add3A_1371 = arith.constant 2 : i32
      %add3A_1372 = arith.addi %add3A_1104, %add3A_1371 : i32
      %get3A_1373 = arith.index_cast %add3A_1372 : i32 to index
      %get3A_1374 = arith.constant 80 : index
      %get3A_1375 = tpu.vector_load %arg8[%get3A_1373, %get3A_1374] {strides = array<i32>} : memref<256x128xf32, #tpu.memory_space<vmem>>, vector<16xf32>,
      %add3A_1376 = arith.constant 2 : i32
      %add3A_1377 = arith.addi %add3A_1104, %add3A_1376 : i32
      %get3A_1378 = arith.index_cast %add3A_1377 : i32 to index
      %get3A_1379 = arith.constant 96 : index
      %get3A_1380 = tpu.vector_load %arg8[%get3A_1378, %get3A_1379] {strides = array<i32>} : memref<256x128xf32, #tpu.memory_space<vmem>>, vector<16xf32>,
      %add3A_1381 = arith.constant 2 : i32
      %add3A_1382 = arith.addi %add3A_1104, %add3A_1381 : i32
      %get3A_1383 = arith.index_cast %add3A_1382 : i32 to index
      %get3A_1384 = arith.constant 112 : index
      %get3A_1385 = tpu.vector_load %arg8[%get3A_1383, %get3A_1384] {strides = array<i32>} : memref<256x128xf32, #tpu.memory_space<vmem>>, vector<16xf32>,
      %add3A_1386 = arith.addf %get3A_1350, %get3A_1355 : vector<16xf32>
      %add3A_1387 = arith.addf %get3A_1360, %get3A_1365 : vector<16xf32>
      %add3A_1388 = arith.addf %get3A_1370, %get3A_1375 : vector<16xf32>
      %add3A_1389 = arith.addf %get3A_1380, %get3A_1385 : vector<16xf32>
      %add3A_1390 = arith.addf %add3A_1386, %add3A_1387 : vector<16xf32>
      %add3A_1391 = arith.addf %add3A_1388, %add3A_1389 : vector<16xf32>
      %add3A_1392 = arith.addf %add3A_1390, %add3A_1391 : vector<16xf32>
      %iota3A_1393 = tpu.iota {dimensions = array<i32: 0>} : vector<16xi32>
      %xor3A_1394 = arith.constant 8 : i32
      %xor3A_1395 = vector.broadcast %xor3A_1394 : i32 to vector<16xi32>
      %xor3A_1396 = arith.xori %iota3A_1393, %xor3A_1395 : vector<16xi32>
      %reshape3A_1397 = vector.shape_cast %xor3A_1396 : vector<16xi32> to vector<16x1xi32>
      %gather3A_1398 = vector.shape_cast %reshape3A_1397 : vector<16x1xi32> to vector<16xi32>
      %gather3A_1399 = tpu.dynamic_gather %add3A_1392[%gather3A_1398] in [0] : vector<16xf32>, vector<16xi32> -> vector<16xf32>
      %add3A_1400 = arith.addf %add3A_1392, %gather3A_1399 : vector<16xf32>
      %xor3A_1401 = arith.constant 4 : i32
      %xor3A_1402 = vector.broadcast %xor3A_1401 : i32 to vector<16xi32>
      %xor3A_1403 = arith.xori %iota3A_1393, %xor3A_1402 : vector<16xi32>
      %reshape3A_1404 = vector.shape_cast %xor3A_1403 : vector<16xi32> to vector<16x1xi32>
      %gather3A_1405 = vector.shape_cast %reshape3A_1404 : vector<16x1xi32> to vector<16xi32>
      %gather3A_1406 = tpu.dynamic_gather %add3A_1400[%gather3A_1405] in [0] : vector<16xf32>, vector<16xi32> -> vector<16xf32>
      %add3A_1407 = arith.addf %add3A_1400, %gather3A_1406 : vector<16xf32>
      %xor3A_1408 = arith.constant 2 : i32
      %xor3A_1409 = vector.broadcast %xor3A_1408 : i32 to vector<16xi32>
      %xor3A_1410 = arith.xori %iota3A_1393, %xor3A_1409 : vector<16xi32>
      %reshape3A_1411 = vector.shape_cast %xor3A_1410 : vector<16xi32> to vector<16x1xi32>
      %gather3A_1412 = vector.shape_cast %reshape3A_1411 : vector<16x1xi32> to vector<16xi32>
      %gather3A_1413 = tpu.dynamic_gather %add3A_1407[%gather3A_1412] in [0] : vector<16xf32>, vector<16xi32> -> vector<16xf32>
      %add3A_1414 = arith.addf %add3A_1407, %gather3A_1413 : vector<16xf32>
      %xor3A_1415 = arith.constant 1 : i32
      %xor3A_1416 = vector.broadcast %xor3A_1415 : i32 to vector<16xi32>
      %xor3A_1417 = arith.xori %iota3A_1393, %xor3A_1416 : vector<16xi32>
      %reshape3A_1418 = vector.shape_cast %xor3A_1417 : vector<16xi32> to vector<16x1xi32>
      %gather3A_1419 = vector.shape_cast %reshape3A_1418 : vector<16x1xi32> to vector<16xi32>
      %gather3A_1420 = tpu.dynamic_gather %add3A_1414[%gather3A_1419] in [0] : vector<16xf32>, vector<16xi32> -> vector<16xf32>
      %add3A_1421 = arith.addf %add3A_1414, %gather3A_1420 : vector<16xf32>
      %mul3A_1422 = arith.mulf %get3A_1350, %get3A_1350 : vector<16xf32>
      %mul3A_1423 = arith.mulf %get3A_1355, %get3A_1355 : vector<16xf32>
      %mul3A_1424 = arith.mulf %get3A_1360, %get3A_1360 : vector<16xf32>
      %mul3A_1425 = arith.mulf %get3A_1365, %get3A_1365 : vector<16xf32>
      %mul3A_1426 = arith.mulf %get3A_1370, %get3A_1370 : vector<16xf32>
      %mul3A_1427 = arith.mulf %get3A_1375, %get3A_1375 : vector<16xf32>
      %mul3A_1428 = arith.mulf %get3A_1380, %get3A_1380 : vector<16xf32>
      %mul3A_1429 = arith.mulf %get3A_1385, %get3A_1385 : vector<16xf32>
      %add3A_1430 = arith.addf %mul3A_1422, %mul3A_1423 : vector<16xf32>
      %add3A_1431 = arith.addf %mul3A_1424, %mul3A_1425 : vector<16xf32>
      %add3A_1432 = arith.addf %mul3A_1426, %mul3A_1427 : vector<16xf32>
      %add3A_1433 = arith.addf %mul3A_1428, %mul3A_1429 : vector<16xf32>
      %add3A_1434 = arith.addf %add3A_1430, %add3A_1431 : vector<16xf32>
      %add3A_1435 = arith.addf %add3A_1432, %add3A_1433 : vector<16xf32>
      %add3A_1436 = arith.addf %add3A_1434, %add3A_1435 : vector<16xf32>
      %iota3A_1437 = tpu.iota {dimensions = array<i32: 0>} : vector<16xi32>
      %xor3A_1438 = arith.constant 8 : i32
      %xor3A_1439 = vector.broadcast %xor3A_1438 : i32 to vector<16xi32>
      %xor3A_1440 = arith.xori %iota3A_1437, %xor3A_1439 : vector<16xi32>
      %reshape3A_1441 = vector.shape_cast %xor3A_1440 : vector<16xi32> to vector<16x1xi32>
      %gather3A_1442 = vector.shape_cast %reshape3A_1441 : vector<16x1xi32> to vector<16xi32>
      %gather3A_1443 = tpu.dynamic_gather %add3A_1436[%gather3A_1442] in [0] : vector<16xf32>, vector<16xi32> -> vector<16xf32>
      %add3A_1444 = arith.addf %add3A_1436, %gather3A_1443 : vector<16xf32>
      %xor3A_1445 = arith.constant 4 : i32
      %xor3A_1446 = vector.broadcast %xor3A_1445 : i32 to vector<16xi32>
      %xor3A_1447 = arith.xori %iota3A_1437, %xor3A_1446 : vector<16xi32>
      %reshape3A_1448 = vector.shape_cast %xor3A_1447 : vector<16xi32> to vector<16x1xi32>
      %gather3A_1449 = vector.shape_cast %reshape3A_1448 : vector<16x1xi32> to vector<16xi32>
      %gather3A_1450 = tpu.dynamic_gather %add3A_1444[%gather3A_1449] in [0] : vector<16xf32>, vector<16xi32> -> vector<16xf32>
      %add3A_1451 = arith.addf %add3A_1444, %gather3A_1450 : vector<16xf32>
      %xor3A_1452 = arith.constant 2 : i32
      %xor3A_1453 = vector.broadcast %xor3A_1452 : i32 to vector<16xi32>
      %xor3A_1454 = arith.xori %iota3A_1437, %xor3A_1453 : vector<16xi32>
      %reshape3A_1455 = vector.shape_cast %xor3A_1454 : vector<16xi32> to vector<16x1xi32>
      %gather3A_1456 = vector.shape_cast %reshape3A_1455 : vector<16x1xi32> to vector<16xi32>
      %gather3A_1457 = tpu.dynamic_gather %add3A_1451[%gather3A_1456] in [0] : vector<16xf32>, vector<16xi32> -> vector<16xf32>
      %add3A_1458 = arith.addf %add3A_1451, %gather3A_1457 : vector<16xf32>
      %xor3A_1459 = arith.constant 1 : i32
      %xor3A_1460 = vector.broadcast %xor3A_1459 : i32 to vector<16xi32>
      %xor3A_1461 = arith.xori %iota3A_1437, %xor3A_1460 : vector<16xi32>
      %reshape3A_1462 = vector.shape_cast %xor3A_1461 : vector<16xi32> to vector<16x1xi32>
      %gather3A_1463 = vector.shape_cast %reshape3A_1462 : vector<16x1xi32> to vector<16xi32>
      %gather3A_1464 = tpu.dynamic_gather %add3A_1458[%gather3A_1463] in [0] : vector<16xf32>, vector<16xi32> -> vector<16xf32>
      %add3A_1465 = arith.addf %add3A_1458, %gather3A_1464 : vector<16xf32>
      %add3A_1466 = arith.constant 3 : i32
      %add3A_1467 = arith.addi %add3A_1104, %add3A_1466 : i32
      %get3A_1468 = arith.index_cast %add3A_1467 : i32 to index
      %get3A_1469 = arith.constant 0 : index
      %get3A_1470 = tpu.vector_load %arg8[%get3A_1468, %get3A_1469] {strides = array<i32>} : memref<256x128xf32, #tpu.memory_space<vmem>>, vector<16xf32>,
      %add3A_1471 = arith.constant 3 : i32
      %add3A_1472 = arith.addi %add3A_1104, %add3A_1471 : i32
      %get3A_1473 = arith.index_cast %add3A_1472 : i32 to index
      %get3A_1474 = arith.constant 16 : index
      %get3A_1475 = tpu.vector_load %arg8[%get3A_1473, %get3A_1474] {strides = array<i32>} : memref<256x128xf32, #tpu.memory_space<vmem>>, vector<16xf32>,
      %add3A_1476 = arith.constant 3 : i32
      %add3A_1477 = arith.addi %add3A_1104, %add3A_1476 : i32
      %get3A_1478 = arith.index_cast %add3A_1477 : i32 to index
      %get3A_1479 = arith.constant 32 : index
      %get3A_1480 = tpu.vector_load %arg8[%get3A_1478, %get3A_1479] {strides = array<i32>} : memref<256x128xf32, #tpu.memory_space<vmem>>, vector<16xf32>,
      %add3A_1481 = arith.constant 3 : i32
      %add3A_1482 = arith.addi %add3A_1104, %add3A_1481 : i32
      %get3A_1483 = arith.index_cast %add3A_1482 : i32 to index
      %get3A_1484 = arith.constant 48 : index
      %get3A_1485 = tpu.vector_load %arg8[%get3A_1483, %get3A_1484] {strides = array<i32>} : memref<256x128xf32, #tpu.memory_space<vmem>>, vector<16xf32>,
      %add3A_1486 = arith.constant 3 : i32
      %add3A_1487 = arith.addi %add3A_1104, %add3A_1486 : i32
      %get3A_1488 = arith.index_cast %add3A_1487 : i32 to index
      %get3A_1489 = arith.constant 64 : index
      %get3A_1490 = tpu.vector_load %arg8[%get3A_1488, %get3A_1489] {strides = array<i32>} : memref<256x128xf32, #tpu.memory_space<vmem>>, vector<16xf32>,
      %add3A_1491 = arith.constant 3 : i32
      %add3A_1492 = arith.addi %add3A_1104, %add3A_1491 : i32
      %get3A_1493 = arith.index_cast %add3A_1492 : i32 to index
      %get3A_1494 = arith.constant 80 : index
      %get3A_1495 = tpu.vector_load %arg8[%get3A_1493, %get3A_1494] {strides = array<i32>} : memref<256x128xf32, #tpu.memory_space<vmem>>, vector<16xf32>,
      %add3A_1496 = arith.constant 3 : i32
      %add3A_1497 = arith.addi %add3A_1104, %add3A_1496 : i32
      %get3A_1498 = arith.index_cast %add3A_1497 : i32 to index
      %get3A_1499 = arith.constant 96 : index
      %get3A_1500 = tpu.vector_load %arg8[%get3A_1498, %get3A_1499] {strides = array<i32>} : memref<256x128xf32, #tpu.memory_space<vmem>>, vector<16xf32>,
      %add3A_1501 = arith.constant 3 : i32
      %add3A_1502 = arith.addi %add3A_1104, %add3A_1501 : i32
      %get3A_1503 = arith.index_cast %add3A_1502 : i32 to index
      %get3A_1504 = arith.constant 112 : index
      %get3A_1505 = tpu.vector_load %arg8[%get3A_1503, %get3A_1504] {strides = array<i32>} : memref<256x128xf32, #tpu.memory_space<vmem>>, vector<16xf32>,
      %add3A_1506 = arith.addf %get3A_1470, %get3A_1475 : vector<16xf32>
      %add3A_1507 = arith.addf %get3A_1480, %get3A_1485 : vector<16xf32>
      %add3A_1508 = arith.addf %get3A_1490, %get3A_1495 : vector<16xf32>
      %add3A_1509 = arith.addf %get3A_1500, %get3A_1505 : vector<16xf32>
      %add3A_1510 = arith.addf %add3A_1506, %add3A_1507 : vector<16xf32>
      %add3A_1511 = arith.addf %add3A_1508, %add3A_1509 : vector<16xf32>
      %add3A_1512 = arith.addf %add3A_1510, %add3A_1511 : vector<16xf32>
      %iota3A_1513 = tpu.iota {dimensions = array<i32: 0>} : vector<16xi32>
      %xor3A_1514 = arith.constant 8 : i32
      %xor3A_1515 = vector.broadcast %xor3A_1514 : i32 to vector<16xi32>
      %xor3A_1516 = arith.xori %iota3A_1513, %xor3A_1515 : vector<16xi32>
      %reshape3A_1517 = vector.shape_cast %xor3A_1516 : vector<16xi32> to vector<16x1xi32>
      %gather3A_1518 = vector.shape_cast %reshape3A_1517 : vector<16x1xi32> to vector<16xi32>
      %gather3A_1519 = tpu.dynamic_gather %add3A_1512[%gather3A_1518] in [0] : vector<16xf32>, vector<16xi32> -> vector<16xf32>
      %add3A_1520 = arith.addf %add3A_1512, %gather3A_1519 : vector<16xf32>
      %xor3A_1521 = arith.constant 4 : i32
      %xor3A_1522 = vector.broadcast %xor3A_1521 : i32 to vector<16xi32>
      %xor3A_1523 = arith.xori %iota3A_1513, %xor3A_1522 : vector<16xi32>
      %reshape3A_1524 = vector.shape_cast %xor3A_1523 : vector<16xi32> to vector<16x1xi32>
      %gather3A_1525 = vector.shape_cast %reshape3A_1524 : vector<16x1xi32> to vector<16xi32>
      %gather3A_1526 = tpu.dynamic_gather %add3A_1520[%gather3A_1525] in [0] : vector<16xf32>, vector<16xi32> -> vector<16xf32>
      %add3A_1527 = arith.addf %add3A_1520, %gather3A_1526 : vector<16xf32>
      %xor3A_1528 = arith.constant 2 : i32
      %xor3A_1529 = vector.broadcast %xor3A_1528 : i32 to vector<16xi32>
      %xor3A_1530 = arith.xori %iota3A_1513, %xor3A_1529 : vector<16xi32>
      %reshape3A_1531 = vector.shape_cast %xor3A_1530 : vector<16xi32> to vector<16x1xi32>
      %gather3A_1532 = vector.shape_cast %reshape3A_1531 : vector<16x1xi32> to vector<16xi32>
      %gather3A_1533 = tpu.dynamic_gather %add3A_1527[%gather3A_1532] in [0] : vector<16xf32>, vector<16xi32> -> vector<16xf32>
      %add3A_1534 = arith.addf %add3A_1527, %gather3A_1533 : vector<16xf32>
      %xor3A_1535 = arith.constant 1 : i32
      %xor3A_1536 = vector.broadcast %xor3A_1535 : i32 to vector<16xi32>
      %xor3A_1537 = arith.xori %iota3A_1513, %xor3A_1536 : vector<16xi32>
      %reshape3A_1538 = vector.shape_cast %xor3A_1537 : vector<16xi32> to vector<16x1xi32>
      %gather3A_1539 = vector.shape_cast %reshape3A_1538 : vector<16x1xi32> to vector<16xi32>
      %gather3A_1540 = tpu.dynamic_gather %add3A_1534[%gather3A_1539] in [0] : vector<16xf32>, vector<16xi32> -> vector<16xf32>
      %add3A_1541 = arith.addf %add3A_1534, %gather3A_1540 : vector<16xf32>
      %mul3A_1542 = arith.mulf %get3A_1470, %get3A_1470 : vector<16xf32>
      %mul3A_1543 = arith.mulf %get3A_1475, %get3A_1475 : vector<16xf32>
      %mul3A_1544 = arith.mulf %get3A_1480, %get3A_1480 : vector<16xf32>
      %mul3A_1545 = arith.mulf %get3A_1485, %get3A_1485 : vector<16xf32>
      %mul3A_1546 = arith.mulf %get3A_1490, %get3A_1490 : vector<16xf32>
      %mul3A_1547 = arith.mulf %get3A_1495, %get3A_1495 : vector<16xf32>
      %mul3A_1548 = arith.mulf %get3A_1500, %get3A_1500 : vector<16xf32>
      %mul3A_1549 = arith.mulf %get3A_1505, %get3A_1505 : vector<16xf32>
      %add3A_1550 = arith.addf %mul3A_1542, %mul3A_1543 : vector<16xf32>
      %add3A_1551 = arith.addf %mul3A_1544, %mul3A_1545 : vector<16xf32>
      %add3A_1552 = arith.addf %mul3A_1546, %mul3A_1547 : vector<16xf32>
      %add3A_1553 = arith.addf %mul3A_1548, %mul3A_1549 : vector<16xf32>
      %add3A_1554 = arith.addf %add3A_1550, %add3A_1551 : vector<16xf32>
      %add3A_1555 = arith.addf %add3A_1552, %add3A_1553 : vector<16xf32>
      %add3A_1556 = arith.addf %add3A_1554, %add3A_1555 : vector<16xf32>
      %iota3A_1557 = tpu.iota {dimensions = array<i32: 0>} : vector<16xi32>
      %xor3A_1558 = arith.constant 8 : i32
      %xor3A_1559 = vector.broadcast %xor3A_1558 : i32 to vector<16xi32>
      %xor3A_1560 = arith.xori %iota3A_1557, %xor3A_1559 : vector<16xi32>
      %reshape3A_1561 = vector.shape_cast %xor3A_1560 : vector<16xi32> to vector<16x1xi32>
      %gather3A_1562 = vector.shape_cast %reshape3A_1561 : vector<16x1xi32> to vector<16xi32>
      %gather3A_1563 = tpu.dynamic_gather %add3A_1556[%gather3A_1562] in [0] : vector<16xf32>, vector<16xi32> -> vector<16xf32>
      %add3A_1564 = arith.addf %add3A_1556, %gather3A_1563 : vector<16xf32>
      %xor3A_1565 = arith.constant 4 : i32
      %xor3A_1566 = vector.broadcast %xor3A_1565 : i32 to vector<16xi32>
      %xor3A_1567 = arith.xori %iota3A_1557, %xor3A_1566 : vector<16xi32>
      %reshape3A_1568 = vector.shape_cast %xor3A_1567 : vector<16xi32> to vector<16x1xi32>
      %gather3A_1569 = vector.shape_cast %reshape3A_1568 : vector<16x1xi32> to vector<16xi32>
      %gather3A_1570 = tpu.dynamic_gather %add3A_1564[%gather3A_1569] in [0] : vector<16xf32>, vector<16xi32> -> vector<16xf32>
      %add3A_1571 = arith.addf %add3A_1564, %gather3A_1570 : vector<16xf32>
      %xor3A_1572 = arith.constant 2 : i32
      %xor3A_1573 = vector.broadcast %xor3A_1572 : i32 to vector<16xi32>
      %xor3A_1574 = arith.xori %iota3A_1557, %xor3A_1573 : vector<16xi32>
      %reshape3A_1575 = vector.shape_cast %xor3A_1574 : vector<16xi32> to vector<16x1xi32>
      %gather3A_1576 = vector.shape_cast %reshape3A_1575 : vector<16x1xi32> to vector<16xi32>
      %gather3A_1577 = tpu.dynamic_gather %add3A_1571[%gather3A_1576] in [0] : vector<16xf32>, vector<16xi32> -> vector<16xf32>
      %add3A_1578 = arith.addf %add3A_1571, %gather3A_1577 : vector<16xf32>
      %xor3A_1579 = arith.constant 1 : i32
      %xor3A_1580 = vector.broadcast %xor3A_1579 : i32 to vector<16xi32>
      %xor3A_1581 = arith.xori %iota3A_1557, %xor3A_1580 : vector<16xi32>
      %reshape3A_1582 = vector.shape_cast %xor3A_1581 : vector<16xi32> to vector<16x1xi32>
      %gather3A_1583 = vector.shape_cast %reshape3A_1582 : vector<16x1xi32> to vector<16xi32>
      %gather3A_1584 = tpu.dynamic_gather %add3A_1578[%gather3A_1583] in [0] : vector<16xf32>, vector<16xi32> -> vector<16xf32>
      %add3A_1585 = arith.addf %add3A_1578, %gather3A_1584 : vector<16xf32>
      %mul3A_1586 = arith.constant 7.812500e-03 : f32
      %mul3A_1587 = vector.broadcast %mul3A_1586 : f32 to vector<16xf32>
      %mul3A_1588 = arith.mulf %add3A_1181, %mul3A_1587 : vector<16xf32>
      %mul3A_1589 = arith.constant 7.812500e-03 : f32
      %mul3A_1590 = vector.broadcast %mul3A_1589 : f32 to vector<16xf32>
      %mul3A_1591 = arith.mulf %add3A_1301, %mul3A_1590 : vector<16xf32>
      %mul3A_1592 = arith.constant 7.812500e-03 : f32
      %mul3A_1593 = vector.broadcast %mul3A_1592 : f32 to vector<16xf32>
      %mul3A_1594 = arith.mulf %add3A_1421, %mul3A_1593 : vector<16xf32>
      %mul3A_1595 = arith.constant 7.812500e-03 : f32
      %mul3A_1596 = vector.broadcast %mul3A_1595 : f32 to vector<16xf32>
      %mul3A_1597 = arith.mulf %add3A_1541, %mul3A_1596 : vector<16xf32>
      %mul3A_1598 = arith.mulf %add3A_1181, %add3A_1181 : vector<16xf32>
      %mul3A_1599 = arith.constant 7.812500e-03 : f32
      %mul3A_1600 = vector.broadcast %mul3A_1599 : f32 to vector<16xf32>
      %mul3A_1601 = arith.mulf %mul3A_1598, %mul3A_1600 : vector<16xf32>
      %sub3A_1602 = arith.subf %add3A_1225, %mul3A_1601 : vector<16xf32>
      %mul3A_1603 = arith.constant 0.00787401571 : f32
      %mul3A_1604 = vector.broadcast %mul3A_1603 : f32 to vector<16xf32>
      %mul3A_1605 = arith.mulf %sub3A_1602, %mul3A_1604 : vector<16xf32>
      %mul3A_1606 = arith.mulf %add3A_1301, %add3A_1301 : vector<16xf32>
      %mul3A_1607 = arith.constant 7.812500e-03 : f32
      %mul3A_1608 = vector.broadcast %mul3A_1607 : f32 to vector<16xf32>
      %mul3A_1609 = arith.mulf %mul3A_1606, %mul3A_1608 : vector<16xf32>
      %sub3A_1610 = arith.subf %add3A_1345, %mul3A_1609 : vector<16xf32>
      %mul3A_1611 = arith.constant 0.00787401571 : f32
      %mul3A_1612 = vector.broadcast %mul3A_1611 : f32 to vector<16xf32>
      %mul3A_1613 = arith.mulf %sub3A_1610, %mul3A_1612 : vector<16xf32>
      %mul3A_1614 = arith.mulf %add3A_1421, %add3A_1421 : vector<16xf32>
      %mul3A_1615 = arith.constant 7.812500e-03 : f32
      %mul3A_1616 = vector.broadcast %mul3A_1615 : f32 to vector<16xf32>
      %mul3A_1617 = arith.mulf %mul3A_1614, %mul3A_1616 : vector<16xf32>
      %sub3A_1618 = arith.subf %add3A_1465, %mul3A_1617 : vector<16xf32>
      %mul3A_1619 = arith.constant 0.00787401571 : f32
      %mul3A_1620 = vector.broadcast %mul3A_1619 : f32 to vector<16xf32>
      %mul3A_1621 = arith.mulf %sub3A_1618, %mul3A_1620 : vector<16xf32>
      %mul3A_1622 = arith.mulf %add3A_1541, %add3A_1541 : vector<16xf32>
      %mul3A_1623 = arith.constant 7.812500e-03 : f32
      %mul3A_1624 = vector.broadcast %mul3A_1623 : f32 to vector<16xf32>
      %mul3A_1625 = arith.mulf %mul3A_1622, %mul3A_1624 : vector<16xf32>
      %sub3A_1626 = arith.subf %add3A_1585, %mul3A_1625 : vector<16xf32>
      %mul3A_1627 = arith.constant 0.00787401571 : f32
      %mul3A_1628 = vector.broadcast %mul3A_1627 : f32 to vector<16xf32>
      %mul3A_1629 = arith.mulf %sub3A_1626, %mul3A_1628 : vector<16xf32>
      %eq3A_1630 = arith.constant 1 : i32
      %eq3A_1631 = vector.broadcast %eq3A_1630 : i32 to vector<16xi32>
      %eq3A_1632 = arith.cmpi eq, %iota3A_1105, %eq3A_1631 : vector<16xi32>
      %select_n3A_1633 = arith.select %eq3A_1632, %mul3A_1613, %mul3A_1605 : vector<16xi1>, vector<16xf32>
      %eq3A_1634 = arith.constant 2 : i32
      %eq3A_1635 = vector.broadcast %eq3A_1634 : i32 to vector<16xi32>
      %eq3A_1636 = arith.cmpi eq, %iota3A_1105, %eq3A_1635 : vector<16xi32>
      %select_n3A_1637 = arith.select %eq3A_1636, %mul3A_1621, %select_n3A_1633 : vector<16xi1>, vector<16xf32>
      %eq3A_1638 = arith.constant 3 : i32
      %eq3A_1639 = vector.broadcast %eq3A_1638 : i32 to vector<16xi32>
      %eq3A_1640 = arith.cmpi eq, %iota3A_1105, %eq3A_1639 : vector<16xi32>
      %select_n3A_1641 = arith.select %eq3A_1640, %mul3A_1629, %select_n3A_1637 : vector<16xi1>, vector<16xf32>
      %bitcast3A_1642 = vector.bitcast %select_n3A_1641 : vector<16xf32> to vector<16xi32>
      %shift_right_arithmetic3A_1643 = arith.constant 1 : i32
      %shift_right_arithmetic3A_1644 = vector.broadcast %shift_right_arithmetic3A_1643 : i32 to vector<16xi32>
      %shift_right_arithmetic3A_1645 = arith.shrsi %bitcast3A_1642, %shift_right_arithmetic3A_1644 : vector<16xi32>
      %sub3A_1646 = arith.constant 1597463007 : i32
      %sub3A_1647 = vector.broadcast %sub3A_1646 : i32 to vector<16xi32>
      %sub3A_1648 = arith.subi %sub3A_1647, %shift_right_arithmetic3A_1645 : vector<16xi32>
      %bitcast3A_1649 = vector.bitcast %sub3A_1648 : vector<16xi32> to vector<16xf32>
      %mul3A_1650 = arith.constant 5.000000e-01 : f32
      %mul3A_1651 = vector.broadcast %mul3A_1650 : f32 to vector<16xf32>
      %mul3A_1652 = arith.mulf %mul3A_1651, %select_n3A_1641 : vector<16xf32>
      %mul3A_1653 = arith.mulf %mul3A_1652, %bitcast3A_1649 : vector<16xf32>
      %mul3A_1654 = arith.mulf %mul3A_1653, %bitcast3A_1649 : vector<16xf32>
      %sub3A_1655 = arith.constant 1.500000e+00 : f32
      %sub3A_1656 = vector.broadcast %sub3A_1655 : f32 to vector<16xf32>
      %sub3A_1657 = arith.subf %sub3A_1656, %mul3A_1654 : vector<16xf32>
      %mul3A_1658 = arith.mulf %bitcast3A_1649, %sub3A_1657 : vector<16xf32>
      %mul3A_1659 = arith.constant 5.000000e-01 : f32
      %mul3A_1660 = vector.broadcast %mul3A_1659 : f32 to vector<16xf32>
      %mul3A_1661 = arith.mulf %mul3A_1660, %select_n3A_1641 : vector<16xf32>
      %mul3A_1662 = arith.mulf %mul3A_1661, %mul3A_1658 : vector<16xf32>
      %mul3A_1663 = arith.mulf %mul3A_1662, %mul3A_1658 : vector<16xf32>
      %sub3A_1664 = arith.constant 1.500000e+00 : f32
      %sub3A_1665 = vector.broadcast %sub3A_1664 : f32 to vector<16xf32>
      %sub3A_1666 = arith.subf %sub3A_1665, %mul3A_1663 : vector<16xf32>
      %mul3A_1667 = arith.mulf %mul3A_1658, %sub3A_1666 : vector<16xf32>
      %broadcast_in_dim3A = arith.constant 0 : i32
      %broadcast_in_dim3A_1668 = vector.broadcast %broadcast_in_dim3A : i32 to vector<16xi32>
      %reshape3A_1669 = vector.shape_cast %broadcast_in_dim3A_1668 : vector<16xi32> to vector<16x1xi32>
      %gather3A_1670 = vector.shape_cast %reshape3A_1669 : vector<16x1xi32> to vector<16xi32>
      %gather3A_1671 = tpu.dynamic_gather %mul3A_1667[%gather3A_1670] in [0] : vector<16xf32>, vector<16xi32> -> vector<16xf32>
      %sub3A_1672 = arith.subf %get3A_1110, %mul3A_1588 : vector<16xf32>
      %mul3A_1673 = arith.mulf %sub3A_1672, %gather3A_1671 : vector<16xf32>
      %add3A_1674 = arith.constant 0 : i32
      %add3A_1675 = arith.addi %add3A_1104, %add3A_1674 : i32
      %swap3A_1676 = arith.index_cast %add3A_1675 : i32 to index
      %swap3A_1677 = arith.constant 0 : index
      %swap3A_1678 = tpu.vector_load %arg8[%swap3A_1676, %swap3A_1677] {strides = array<i32>} : memref<256x128xf32, #tpu.memory_space<vmem>>, vector<16xf32>,
      tpu.vector_store %arg8[%swap3A_1676, %swap3A_1677], %mul3A_1673 {strides = array<i32>} : memref<256x128xf32, #tpu.memory_space<vmem>>, vector<16xf32>,
      %sub3A_1679 = arith.subf %get3A_1115, %mul3A_1588 : vector<16xf32>
      %mul3A_1680 = arith.mulf %sub3A_1679, %gather3A_1671 : vector<16xf32>
      %add3A_1681 = arith.constant 0 : i32
      %add3A_1682 = arith.addi %add3A_1104, %add3A_1681 : i32
      %swap3A_1683 = arith.index_cast %add3A_1682 : i32 to index
      %swap3A_1684 = arith.constant 16 : index
      %swap3A_1685 = tpu.vector_load %arg8[%swap3A_1683, %swap3A_1684] {strides = array<i32>} : memref<256x128xf32, #tpu.memory_space<vmem>>, vector<16xf32>,
      tpu.vector_store %arg8[%swap3A_1683, %swap3A_1684], %mul3A_1680 {strides = array<i32>} : memref<256x128xf32, #tpu.memory_space<vmem>>, vector<16xf32>,
      %sub3A_1686 = arith.subf %get3A_1120, %mul3A_1588 : vector<16xf32>
      %mul3A_1687 = arith.mulf %sub3A_1686, %gather3A_1671 : vector<16xf32>
      %add3A_1688 = arith.constant 0 : i32
      %add3A_1689 = arith.addi %add3A_1104, %add3A_1688 : i32
      %swap3A_1690 = arith.index_cast %add3A_1689 : i32 to index
      %swap3A_1691 = arith.constant 32 : index
      %swap3A_1692 = tpu.vector_load %arg8[%swap3A_1690, %swap3A_1691] {strides = array<i32>} : memref<256x128xf32, #tpu.memory_space<vmem>>, vector<16xf32>,
      tpu.vector_store %arg8[%swap3A_1690, %swap3A_1691], %mul3A_1687 {strides = array<i32>} : memref<256x128xf32, #tpu.memory_space<vmem>>, vector<16xf32>,
      %sub3A_1693 = arith.subf %get3A_1125, %mul3A_1588 : vector<16xf32>
      %mul3A_1694 = arith.mulf %sub3A_1693, %gather3A_1671 : vector<16xf32>
      %add3A_1695 = arith.constant 0 : i32
      %add3A_1696 = arith.addi %add3A_1104, %add3A_1695 : i32
      %swap3A_1697 = arith.index_cast %add3A_1696 : i32 to index
      %swap3A_1698 = arith.constant 48 : index
      %swap3A_1699 = tpu.vector_load %arg8[%swap3A_1697, %swap3A_1698] {strides = array<i32>} : memref<256x128xf32, #tpu.memory_space<vmem>>, vector<16xf32>,
      tpu.vector_store %arg8[%swap3A_1697, %swap3A_1698], %mul3A_1694 {strides = array<i32>} : memref<256x128xf32, #tpu.memory_space<vmem>>, vector<16xf32>,
      %sub3A_1700 = arith.subf %get3A_1130, %mul3A_1588 : vector<16xf32>
      %mul3A_1701 = arith.mulf %sub3A_1700, %gather3A_1671 : vector<16xf32>
      %add3A_1702 = arith.constant 0 : i32
      %add3A_1703 = arith.addi %add3A_1104, %add3A_1702 : i32
      %swap3A_1704 = arith.index_cast %add3A_1703 : i32 to index
      %swap3A_1705 = arith.constant 64 : index
      %swap3A_1706 = tpu.vector_load %arg8[%swap3A_1704, %swap3A_1705] {strides = array<i32>} : memref<256x128xf32, #tpu.memory_space<vmem>>, vector<16xf32>,
      tpu.vector_store %arg8[%swap3A_1704, %swap3A_1705], %mul3A_1701 {strides = array<i32>} : memref<256x128xf32, #tpu.memory_space<vmem>>, vector<16xf32>,
      %sub3A_1707 = arith.subf %get3A_1135, %mul3A_1588 : vector<16xf32>
      %mul3A_1708 = arith.mulf %sub3A_1707, %gather3A_1671 : vector<16xf32>
      %add3A_1709 = arith.constant 0 : i32
      %add3A_1710 = arith.addi %add3A_1104, %add3A_1709 : i32
      %swap3A_1711 = arith.index_cast %add3A_1710 : i32 to index
      %swap3A_1712 = arith.constant 80 : index
      %swap3A_1713 = tpu.vector_load %arg8[%swap3A_1711, %swap3A_1712] {strides = array<i32>} : memref<256x128xf32, #tpu.memory_space<vmem>>, vector<16xf32>,
      tpu.vector_store %arg8[%swap3A_1711, %swap3A_1712], %mul3A_1708 {strides = array<i32>} : memref<256x128xf32, #tpu.memory_space<vmem>>, vector<16xf32>,
      %sub3A_1714 = arith.subf %get3A_1140, %mul3A_1588 : vector<16xf32>
      %mul3A_1715 = arith.mulf %sub3A_1714, %gather3A_1671 : vector<16xf32>
      %add3A_1716 = arith.constant 0 : i32
      %add3A_1717 = arith.addi %add3A_1104, %add3A_1716 : i32
      %swap3A_1718 = arith.index_cast %add3A_1717 : i32 to index
      %swap3A_1719 = arith.constant 96 : index
      %swap3A_1720 = tpu.vector_load %arg8[%swap3A_1718, %swap3A_1719] {strides = array<i32>} : memref<256x128xf32, #tpu.memory_space<vmem>>, vector<16xf32>,
      tpu.vector_store %arg8[%swap3A_1718, %swap3A_1719], %mul3A_1715 {strides = array<i32>} : memref<256x128xf32, #tpu.memory_space<vmem>>, vector<16xf32>,
      %sub3A_1721 = arith.subf %get3A_1145, %mul3A_1588 : vector<16xf32>
      %mul3A_1722 = arith.mulf %sub3A_1721, %gather3A_1671 : vector<16xf32>
      %add3A_1723 = arith.constant 0 : i32
      %add3A_1724 = arith.addi %add3A_1104, %add3A_1723 : i32
      %swap3A_1725 = arith.index_cast %add3A_1724 : i32 to index
      %swap3A_1726 = arith.constant 112 : index
      %swap3A_1727 = tpu.vector_load %arg8[%swap3A_1725, %swap3A_1726] {strides = array<i32>} : memref<256x128xf32, #tpu.memory_space<vmem>>, vector<16xf32>,
      tpu.vector_store %arg8[%swap3A_1725, %swap3A_1726], %mul3A_1722 {strides = array<i32>} : memref<256x128xf32, #tpu.memory_space<vmem>>, vector<16xf32>,
      %broadcast_in_dim3A_1728 = arith.constant 1 : i32
      %broadcast_in_dim3A_1729 = vector.broadcast %broadcast_in_dim3A_1728 : i32 to vector<16xi32>
      %reshape3A_1730 = vector.shape_cast %broadcast_in_dim3A_1729 : vector<16xi32> to vector<16x1xi32>
      %gather3A_1731 = vector.shape_cast %reshape3A_1730 : vector<16x1xi32> to vector<16xi32>
      %gather3A_1732 = tpu.dynamic_gather %mul3A_1667[%gather3A_1731] in [0] : vector<16xf32>, vector<16xi32> -> vector<16xf32>
      %sub3A_1733 = arith.subf %get3A_1230, %mul3A_1591 : vector<16xf32>
      %mul3A_1734 = arith.mulf %sub3A_1733, %gather3A_1732 : vector<16xf32>
      %add3A_1735 = arith.constant 1 : i32
      %add3A_1736 = arith.addi %add3A_1104, %add3A_1735 : i32
      %swap3A_1737 = arith.index_cast %add3A_1736 : i32 to index
      %swap3A_1738 = arith.constant 0 : index
      %swap3A_1739 = tpu.vector_load %arg8[%swap3A_1737, %swap3A_1738] {strides = array<i32>} : memref<256x128xf32, #tpu.memory_space<vmem>>, vector<16xf32>,
      tpu.vector_store %arg8[%swap3A_1737, %swap3A_1738], %mul3A_1734 {strides = array<i32>} : memref<256x128xf32, #tpu.memory_space<vmem>>, vector<16xf32>,
      %sub3A_1740 = arith.subf %get3A_1235, %mul3A_1591 : vector<16xf32>
      %mul3A_1741 = arith.mulf %sub3A_1740, %gather3A_1732 : vector<16xf32>
      %add3A_1742 = arith.constant 1 : i32
      %add3A_1743 = arith.addi %add3A_1104, %add3A_1742 : i32
      %swap3A_1744 = arith.index_cast %add3A_1743 : i32 to index
      %swap3A_1745 = arith.constant 16 : index
      %swap3A_1746 = tpu.vector_load %arg8[%swap3A_1744, %swap3A_1745] {strides = array<i32>} : memref<256x128xf32, #tpu.memory_space<vmem>>, vector<16xf32>,
      tpu.vector_store %arg8[%swap3A_1744, %swap3A_1745], %mul3A_1741 {strides = array<i32>} : memref<256x128xf32, #tpu.memory_space<vmem>>, vector<16xf32>,
      %sub3A_1747 = arith.subf %get3A_1240, %mul3A_1591 : vector<16xf32>
      %mul3A_1748 = arith.mulf %sub3A_1747, %gather3A_1732 : vector<16xf32>
      %add3A_1749 = arith.constant 1 : i32
      %add3A_1750 = arith.addi %add3A_1104, %add3A_1749 : i32
      %swap3A_1751 = arith.index_cast %add3A_1750 : i32 to index
      %swap3A_1752 = arith.constant 32 : index
      %swap3A_1753 = tpu.vector_load %arg8[%swap3A_1751, %swap3A_1752] {strides = array<i32>} : memref<256x128xf32, #tpu.memory_space<vmem>>, vector<16xf32>,
      tpu.vector_store %arg8[%swap3A_1751, %swap3A_1752], %mul3A_1748 {strides = array<i32>} : memref<256x128xf32, #tpu.memory_space<vmem>>, vector<16xf32>,
      %sub3A_1754 = arith.subf %get3A_1245, %mul3A_1591 : vector<16xf32>
      %mul3A_1755 = arith.mulf %sub3A_1754, %gather3A_1732 : vector<16xf32>
      %add3A_1756 = arith.constant 1 : i32
      %add3A_1757 = arith.addi %add3A_1104, %add3A_1756 : i32
      %swap3A_1758 = arith.index_cast %add3A_1757 : i32 to index
      %swap3A_1759 = arith.constant 48 : index
      %swap3A_1760 = tpu.vector_load %arg8[%swap3A_1758, %swap3A_1759] {strides = array<i32>} : memref<256x128xf32, #tpu.memory_space<vmem>>, vector<16xf32>,
      tpu.vector_store %arg8[%swap3A_1758, %swap3A_1759], %mul3A_1755 {strides = array<i32>} : memref<256x128xf32, #tpu.memory_space<vmem>>, vector<16xf32>,
      %sub3A_1761 = arith.subf %get3A_1250, %mul3A_1591 : vector<16xf32>
      %mul3A_1762 = arith.mulf %sub3A_1761, %gather3A_1732 : vector<16xf32>
      %add3A_1763 = arith.constant 1 : i32
      %add3A_1764 = arith.addi %add3A_1104, %add3A_1763 : i32
      %swap3A_1765 = arith.index_cast %add3A_1764 : i32 to index
      %swap3A_1766 = arith.constant 64 : index
      %swap3A_1767 = tpu.vector_load %arg8[%swap3A_1765, %swap3A_1766] {strides = array<i32>} : memref<256x128xf32, #tpu.memory_space<vmem>>, vector<16xf32>,
      tpu.vector_store %arg8[%swap3A_1765, %swap3A_1766], %mul3A_1762 {strides = array<i32>} : memref<256x128xf32, #tpu.memory_space<vmem>>, vector<16xf32>,
      %sub3A_1768 = arith.subf %get3A_1255, %mul3A_1591 : vector<16xf32>
      %mul3A_1769 = arith.mulf %sub3A_1768, %gather3A_1732 : vector<16xf32>
      %add3A_1770 = arith.constant 1 : i32
      %add3A_1771 = arith.addi %add3A_1104, %add3A_1770 : i32
      %swap3A_1772 = arith.index_cast %add3A_1771 : i32 to index
      %swap3A_1773 = arith.constant 80 : index
      %swap3A_1774 = tpu.vector_load %arg8[%swap3A_1772, %swap3A_1773] {strides = array<i32>} : memref<256x128xf32, #tpu.memory_space<vmem>>, vector<16xf32>,
      tpu.vector_store %arg8[%swap3A_1772, %swap3A_1773], %mul3A_1769 {strides = array<i32>} : memref<256x128xf32, #tpu.memory_space<vmem>>, vector<16xf32>,
      %sub3A_1775 = arith.subf %get3A_1260, %mul3A_1591 : vector<16xf32>
      %mul3A_1776 = arith.mulf %sub3A_1775, %gather3A_1732 : vector<16xf32>
      %add3A_1777 = arith.constant 1 : i32
      %add3A_1778 = arith.addi %add3A_1104, %add3A_1777 : i32
      %swap3A_1779 = arith.index_cast %add3A_1778 : i32 to index
      %swap3A_1780 = arith.constant 96 : index
      %swap3A_1781 = tpu.vector_load %arg8[%swap3A_1779, %swap3A_1780] {strides = array<i32>} : memref<256x128xf32, #tpu.memory_space<vmem>>, vector<16xf32>,
      tpu.vector_store %arg8[%swap3A_1779, %swap3A_1780], %mul3A_1776 {strides = array<i32>} : memref<256x128xf32, #tpu.memory_space<vmem>>, vector<16xf32>,
      %sub3A_1782 = arith.subf %get3A_1265, %mul3A_1591 : vector<16xf32>
      %mul3A_1783 = arith.mulf %sub3A_1782, %gather3A_1732 : vector<16xf32>
      %add3A_1784 = arith.constant 1 : i32
      %add3A_1785 = arith.addi %add3A_1104, %add3A_1784 : i32
      %swap3A_1786 = arith.index_cast %add3A_1785 : i32 to index
      %swap3A_1787 = arith.constant 112 : index
      %swap3A_1788 = tpu.vector_load %arg8[%swap3A_1786, %swap3A_1787] {strides = array<i32>} : memref<256x128xf32, #tpu.memory_space<vmem>>, vector<16xf32>,
      tpu.vector_store %arg8[%swap3A_1786, %swap3A_1787], %mul3A_1783 {strides = array<i32>} : memref<256x128xf32, #tpu.memory_space<vmem>>, vector<16xf32>,
      %broadcast_in_dim3A_1789 = arith.constant 2 : i32
      %broadcast_in_dim3A_1790 = vector.broadcast %broadcast_in_dim3A_1789 : i32 to vector<16xi32>
      %reshape3A_1791 = vector.shape_cast %broadcast_in_dim3A_1790 : vector<16xi32> to vector<16x1xi32>
      %gather3A_1792 = vector.shape_cast %reshape3A_1791 : vector<16x1xi32> to vector<16xi32>
      %gather3A_1793 = tpu.dynamic_gather %mul3A_1667[%gather3A_1792] in [0] : vector<16xf32>, vector<16xi32> -> vector<16xf32>
      %sub3A_1794 = arith.subf %get3A_1350, %mul3A_1594 : vector<16xf32>
      %mul3A_1795 = arith.mulf %sub3A_1794, %gather3A_1793 : vector<16xf32>
      %add3A_1796 = arith.constant 2 : i32
      %add3A_1797 = arith.addi %add3A_1104, %add3A_1796 : i32
      %swap3A_1798 = arith.index_cast %add3A_1797 : i32 to index
      %swap3A_1799 = arith.constant 0 : index
      %swap3A_1800 = tpu.vector_load %arg8[%swap3A_1798, %swap3A_1799] {strides = array<i32>} : memref<256x128xf32, #tpu.memory_space<vmem>>, vector<16xf32>,
      tpu.vector_store %arg8[%swap3A_1798, %swap3A_1799], %mul3A_1795 {strides = array<i32>} : memref<256x128xf32, #tpu.memory_space<vmem>>, vector<16xf32>,
      %sub3A_1801 = arith.subf %get3A_1355, %mul3A_1594 : vector<16xf32>
      %mul3A_1802 = arith.mulf %sub3A_1801, %gather3A_1793 : vector<16xf32>
      %add3A_1803 = arith.constant 2 : i32
      %add3A_1804 = arith.addi %add3A_1104, %add3A_1803 : i32
      %swap3A_1805 = arith.index_cast %add3A_1804 : i32 to index
      %swap3A_1806 = arith.constant 16 : index
      %swap3A_1807 = tpu.vector_load %arg8[%swap3A_1805, %swap3A_1806] {strides = array<i32>} : memref<256x128xf32, #tpu.memory_space<vmem>>, vector<16xf32>,
      tpu.vector_store %arg8[%swap3A_1805, %swap3A_1806], %mul3A_1802 {strides = array<i32>} : memref<256x128xf32, #tpu.memory_space<vmem>>, vector<16xf32>,
      %sub3A_1808 = arith.subf %get3A_1360, %mul3A_1594 : vector<16xf32>
      %mul3A_1809 = arith.mulf %sub3A_1808, %gather3A_1793 : vector<16xf32>
      %add3A_1810 = arith.constant 2 : i32
      %add3A_1811 = arith.addi %add3A_1104, %add3A_1810 : i32
      %swap3A_1812 = arith.index_cast %add3A_1811 : i32 to index
      %swap3A_1813 = arith.constant 32 : index
      %swap3A_1814 = tpu.vector_load %arg8[%swap3A_1812, %swap3A_1813] {strides = array<i32>} : memref<256x128xf32, #tpu.memory_space<vmem>>, vector<16xf32>,
      tpu.vector_store %arg8[%swap3A_1812, %swap3A_1813], %mul3A_1809 {strides = array<i32>} : memref<256x128xf32, #tpu.memory_space<vmem>>, vector<16xf32>,
      %sub3A_1815 = arith.subf %get3A_1365, %mul3A_1594 : vector<16xf32>
      %mul3A_1816 = arith.mulf %sub3A_1815, %gather3A_1793 : vector<16xf32>
      %add3A_1817 = arith.constant 2 : i32
      %add3A_1818 = arith.addi %add3A_1104, %add3A_1817 : i32
      %swap3A_1819 = arith.index_cast %add3A_1818 : i32 to index
      %swap3A_1820 = arith.constant 48 : index
      %swap3A_1821 = tpu.vector_load %arg8[%swap3A_1819, %swap3A_1820] {strides = array<i32>} : memref<256x128xf32, #tpu.memory_space<vmem>>, vector<16xf32>,
      tpu.vector_store %arg8[%swap3A_1819, %swap3A_1820], %mul3A_1816 {strides = array<i32>} : memref<256x128xf32, #tpu.memory_space<vmem>>, vector<16xf32>,
      %sub3A_1822 = arith.subf %get3A_1370, %mul3A_1594 : vector<16xf32>
      %mul3A_1823 = arith.mulf %sub3A_1822, %gather3A_1793 : vector<16xf32>
      %add3A_1824 = arith.constant 2 : i32
      %add3A_1825 = arith.addi %add3A_1104, %add3A_1824 : i32
      %swap3A_1826 = arith.index_cast %add3A_1825 : i32 to index
      %swap3A_1827 = arith.constant 64 : index
      %swap3A_1828 = tpu.vector_load %arg8[%swap3A_1826, %swap3A_1827] {strides = array<i32>} : memref<256x128xf32, #tpu.memory_space<vmem>>, vector<16xf32>,
      tpu.vector_store %arg8[%swap3A_1826, %swap3A_1827], %mul3A_1823 {strides = array<i32>} : memref<256x128xf32, #tpu.memory_space<vmem>>, vector<16xf32>,
      %sub3A_1829 = arith.subf %get3A_1375, %mul3A_1594 : vector<16xf32>
      %mul3A_1830 = arith.mulf %sub3A_1829, %gather3A_1793 : vector<16xf32>
      %add3A_1831 = arith.constant 2 : i32
      %add3A_1832 = arith.addi %add3A_1104, %add3A_1831 : i32
      %swap3A_1833 = arith.index_cast %add3A_1832 : i32 to index
      %swap3A_1834 = arith.constant 80 : index
      %swap3A_1835 = tpu.vector_load %arg8[%swap3A_1833, %swap3A_1834] {strides = array<i32>} : memref<256x128xf32, #tpu.memory_space<vmem>>, vector<16xf32>,
      tpu.vector_store %arg8[%swap3A_1833, %swap3A_1834], %mul3A_1830 {strides = array<i32>} : memref<256x128xf32, #tpu.memory_space<vmem>>, vector<16xf32>,
      %sub3A_1836 = arith.subf %get3A_1380, %mul3A_1594 : vector<16xf32>
      %mul3A_1837 = arith.mulf %sub3A_1836, %gather3A_1793 : vector<16xf32>
      %add3A_1838 = arith.constant 2 : i32
      %add3A_1839 = arith.addi %add3A_1104, %add3A_1838 : i32
      %swap3A_1840 = arith.index_cast %add3A_1839 : i32 to index
      %swap3A_1841 = arith.constant 96 : index
      %swap3A_1842 = tpu.vector_load %arg8[%swap3A_1840, %swap3A_1841] {strides = array<i32>} : memref<256x128xf32, #tpu.memory_space<vmem>>, vector<16xf32>,
      tpu.vector_store %arg8[%swap3A_1840, %swap3A_1841], %mul3A_1837 {strides = array<i32>} : memref<256x128xf32, #tpu.memory_space<vmem>>, vector<16xf32>,
      %sub3A_1843 = arith.subf %get3A_1385, %mul3A_1594 : vector<16xf32>
      %mul3A_1844 = arith.mulf %sub3A_1843, %gather3A_1793 : vector<16xf32>
      %add3A_1845 = arith.constant 2 : i32
      %add3A_1846 = arith.addi %add3A_1104, %add3A_1845 : i32
      %swap3A_1847 = arith.index_cast %add3A_1846 : i32 to index
      %swap3A_1848 = arith.constant 112 : index
      %swap3A_1849 = tpu.vector_load %arg8[%swap3A_1847, %swap3A_1848] {strides = array<i32>} : memref<256x128xf32, #tpu.memory_space<vmem>>, vector<16xf32>,
      tpu.vector_store %arg8[%swap3A_1847, %swap3A_1848], %mul3A_1844 {strides = array<i32>} : memref<256x128xf32, #tpu.memory_space<vmem>>, vector<16xf32>,
      %broadcast_in_dim3A_1850 = arith.constant 3 : i32
      %broadcast_in_dim3A_1851 = vector.broadcast %broadcast_in_dim3A_1850 : i32 to vector<16xi32>
      %reshape3A_1852 = vector.shape_cast %broadcast_in_dim3A_1851 : vector<16xi32> to vector<16x1xi32>
      %gather3A_1853 = vector.shape_cast %reshape3A_1852 : vector<16x1xi32> to vector<16xi32>
      %gather3A_1854 = tpu.dynamic_gather %mul3A_1667[%gather3A_1853] in [0] : vector<16xf32>, vector<16xi32> -> vector<16xf32>
      %sub3A_1855 = arith.subf %get3A_1470, %mul3A_1597 : vector<16xf32>
      %mul3A_1856 = arith.mulf %sub3A_1855, %gather3A_1854 : vector<16xf32>
      %add3A_1857 = arith.constant 3 : i32
      %add3A_1858 = arith.addi %add3A_1104, %add3A_1857 : i32
      %swap3A_1859 = arith.index_cast %add3A_1858 : i32 to index
      %swap3A_1860 = arith.constant 0 : index
      %swap3A_1861 = tpu.vector_load %arg8[%swap3A_1859, %swap3A_1860] {strides = array<i32>} : memref<256x128xf32, #tpu.memory_space<vmem>>, vector<16xf32>,
      tpu.vector_store %arg8[%swap3A_1859, %swap3A_1860], %mul3A_1856 {strides = array<i32>} : memref<256x128xf32, #tpu.memory_space<vmem>>, vector<16xf32>,
      %sub3A_1862 = arith.subf %get3A_1475, %mul3A_1597 : vector<16xf32>
      %mul3A_1863 = arith.mulf %sub3A_1862, %gather3A_1854 : vector<16xf32>
      %add3A_1864 = arith.constant 3 : i32
      %add3A_1865 = arith.addi %add3A_1104, %add3A_1864 : i32
      %swap3A_1866 = arith.index_cast %add3A_1865 : i32 to index
      %swap3A_1867 = arith.constant 16 : index
      %swap3A_1868 = tpu.vector_load %arg8[%swap3A_1866, %swap3A_1867] {strides = array<i32>} : memref<256x128xf32, #tpu.memory_space<vmem>>, vector<16xf32>,
      tpu.vector_store %arg8[%swap3A_1866, %swap3A_1867], %mul3A_1863 {strides = array<i32>} : memref<256x128xf32, #tpu.memory_space<vmem>>, vector<16xf32>,
      %sub3A_1869 = arith.subf %get3A_1480, %mul3A_1597 : vector<16xf32>
      %mul3A_1870 = arith.mulf %sub3A_1869, %gather3A_1854 : vector<16xf32>
      %add3A_1871 = arith.constant 3 : i32
      %add3A_1872 = arith.addi %add3A_1104, %add3A_1871 : i32
      %swap3A_1873 = arith.index_cast %add3A_1872 : i32 to index
      %swap3A_1874 = arith.constant 32 : index
      %swap3A_1875 = tpu.vector_load %arg8[%swap3A_1873, %swap3A_1874] {strides = array<i32>} : memref<256x128xf32, #tpu.memory_space<vmem>>, vector<16xf32>,
      tpu.vector_store %arg8[%swap3A_1873, %swap3A_1874], %mul3A_1870 {strides = array<i32>} : memref<256x128xf32, #tpu.memory_space<vmem>>, vector<16xf32>,
      %sub3A_1876 = arith.subf %get3A_1485, %mul3A_1597 : vector<16xf32>
      %mul3A_1877 = arith.mulf %sub3A_1876, %gather3A_1854 : vector<16xf32>
      %add3A_1878 = arith.constant 3 : i32
      %add3A_1879 = arith.addi %add3A_1104, %add3A_1878 : i32
      %swap3A_1880 = arith.index_cast %add3A_1879 : i32 to index
      %swap3A_1881 = arith.constant 48 : index
      %swap3A_1882 = tpu.vector_load %arg8[%swap3A_1880, %swap3A_1881] {strides = array<i32>} : memref<256x128xf32, #tpu.memory_space<vmem>>, vector<16xf32>,
      tpu.vector_store %arg8[%swap3A_1880, %swap3A_1881], %mul3A_1877 {strides = array<i32>} : memref<256x128xf32, #tpu.memory_space<vmem>>, vector<16xf32>,
      %sub3A_1883 = arith.subf %get3A_1490, %mul3A_1597 : vector<16xf32>
      %mul3A_1884 = arith.mulf %sub3A_1883, %gather3A_1854 : vector<16xf32>
      %add3A_1885 = arith.constant 3 : i32
      %add3A_1886 = arith.addi %add3A_1104, %add3A_1885 : i32
      %swap3A_1887 = arith.index_cast %add3A_1886 : i32 to index
      %swap3A_1888 = arith.constant 64 : index
      %swap3A_1889 = tpu.vector_load %arg8[%swap3A_1887, %swap3A_1888] {strides = array<i32>} : memref<256x128xf32, #tpu.memory_space<vmem>>, vector<16xf32>,
      tpu.vector_store %arg8[%swap3A_1887, %swap3A_1888], %mul3A_1884 {strides = array<i32>} : memref<256x128xf32, #tpu.memory_space<vmem>>, vector<16xf32>,
      %sub3A_1890 = arith.subf %get3A_1495, %mul3A_1597 : vector<16xf32>
      %mul3A_1891 = arith.mulf %sub3A_1890, %gather3A_1854 : vector<16xf32>
      %add3A_1892 = arith.constant 3 : i32
      %add3A_1893 = arith.addi %add3A_1104, %add3A_1892 : i32
      %swap3A_1894 = arith.index_cast %add3A_1893 : i32 to index
      %swap3A_1895 = arith.constant 80 : index
      %swap3A_1896 = tpu.vector_load %arg8[%swap3A_1894, %swap3A_1895] {strides = array<i32>} : memref<256x128xf32, #tpu.memory_space<vmem>>, vector<16xf32>,
      tpu.vector_store %arg8[%swap3A_1894, %swap3A_1895], %mul3A_1891 {strides = array<i32>} : memref<256x128xf32, #tpu.memory_space<vmem>>, vector<16xf32>,
      %sub3A_1897 = arith.subf %get3A_1500, %mul3A_1597 : vector<16xf32>
      %mul3A_1898 = arith.mulf %sub3A_1897, %gather3A_1854 : vector<16xf32>
      %add3A_1899 = arith.constant 3 : i32
      %add3A_1900 = arith.addi %add3A_1104, %add3A_1899 : i32
      %swap3A_1901 = arith.index_cast %add3A_1900 : i32 to index
      %swap3A_1902 = arith.constant 96 : index
      %swap3A_1903 = tpu.vector_load %arg8[%swap3A_1901, %swap3A_1902] {strides = array<i32>} : memref<256x128xf32, #tpu.memory_space<vmem>>, vector<16xf32>,
      tpu.vector_store %arg8[%swap3A_1901, %swap3A_1902], %mul3A_1898 {strides = array<i32>} : memref<256x128xf32, #tpu.memory_space<vmem>>, vector<16xf32>,
      %sub3A_1904 = arith.subf %get3A_1505, %mul3A_1597 : vector<16xf32>
      %mul3A_1905 = arith.mulf %sub3A_1904, %gather3A_1854 : vector<16xf32>
      %add3A_1906 = arith.constant 3 : i32
      %add3A_1907 = arith.addi %add3A_1104, %add3A_1906 : i32
      %swap3A_1908 = arith.index_cast %add3A_1907 : i32 to index
      %swap3A_1909 = arith.constant 112 : index
      %swap3A_1910 = tpu.vector_load %arg8[%swap3A_1908, %swap3A_1909] {strides = array<i32>} : memref<256x128xf32, #tpu.memory_space<vmem>>, vector<16xf32>,
      tpu.vector_store %arg8[%swap3A_1908, %swap3A_1909], %mul3A_1905 {strides = array<i32>} : memref<256x128xf32, #tpu.memory_space<vmem>>, vector<16xf32>,
    }
    %scan3A_980 = arith.constant 16 : i32
    %add3A_981 = arith.constant 128 : i32
    %add3A_982 = arith.addi %mul3A_32, %add3A_981 : i32
    %dma_start3A_983 = arith.constant 128 : i32
    %dma_start3A_984 = arith.constant 0 : i32
    %dma_start3A_985 = tpu.memref_slice %arg8[%dma_start3A_983, %dma_start3A_984] : memref<256x128xf32, #tpu.memory_space<vmem>> -> memref<64x128xf32, #tpu.memory_space<vmem>>
    %dma_start3A_986 = arith.constant 0 : i32
    %dma_start3A_987 = tpu.memref_slice %arg6[%select_n3A, %add3A_982, %dma_start3A_986] : memref<4x2048x128xf32, #tpu.memory_space<hbm>> -> memref<1x64x128xf32, #tpu.memory_space<hbm>>
    %dma_start3A_988 = tpu.memref_squeeze %dma_start3A_987 : memref<1x64x128xf32, #tpu.memory_space<hbm>> -> memref<64x128xf32, #tpu.memory_space<hbm>>
    %dma_start3A_989 = arith.constant 0 : i32
    %dma_start3A_990 = tpu.memref_slice %arg6[%select_n3A, %add3A_982, %dma_start3A_989] : memref<4x2048x128xf32, #tpu.memory_space<hbm>> -> memref<1x64x128xf32, #tpu.memory_space<hbm>>
    %dma_start3A_991 = tpu.memref_squeeze %dma_start3A_990 : memref<1x64x128xf32, #tpu.memory_space<hbm>> -> memref<64x128xf32, #tpu.memory_space<hbm>>
    %dma_start3A_992 = arith.constant 128 : i32
    %dma_start3A_993 = arith.constant 0 : i32
    %dma_start3A_994 = tpu.memref_slice %arg8[%dma_start3A_992, %dma_start3A_993] : memref<256x128xf32, #tpu.memory_space<vmem>> -> memref<64x128xf32, #tpu.memory_space<vmem>>
    tpu.enqueue_dma source(%dma_start3A_994 : memref<64x128xf32, #tpu.memory_space<vmem>>) target(%dma_start3A_991 : memref<64x128xf32, #tpu.memory_space<hbm>>) target_semaphore(%arg14 : memref<!tpu.dma_semaphore, #tpu.memory_space<semaphore_mem>>)
    %dma_wait3A_995 = arith.constant 1 : i32
    %dma_wait3A_996 = arith.constant 192 : i32
    %dma_wait3A_997 = arith.constant 0 : i32
    %dma_wait3A_998 = tpu.memref_slice %arg8[%dma_wait3A_996, %dma_wait3A_997] : memref<256x128xf32, #tpu.memory_space<vmem>> -> memref<64x128xf32, #tpu.memory_space<vmem>>
    %dma_wait3A_999 = arith.constant 64 : i32
    %dma_wait3A_1000 = tpu.memref_slice %arg7[%dma_wait3A_995, %dma_wait3A_999] : memref<2x128xi32, #tpu.memory_space<vmem>> -> memref<1x64xi32, #tpu.memory_space<vmem>>
    %dma_wait3A_1001 = tpu.memref_squeeze %dma_wait3A_1000 : memref<1x64xi32, #tpu.memory_space<vmem>> -> memref<64xi32, #tpu.memory_space<vmem>>
    %dma_wait3A_1002 = arith.constant 0 : i32
    %dma_wait3A_1003 = arith.constant 0 : i32
    %dma_wait3A_1004 = tpu.memref_slice %arg4[%dma_wait3A_1002, %dma_wait3A_1003] : memref<100000x128xf32, #tpu.memory_space<hbm>> -> memref<100000x128xf32, #tpu.memory_space<hbm>>
    tpu.wait_indirect_dma semaphore(%arg13 : memref<!tpu.dma_semaphore, #tpu.memory_space<semaphore_mem>>) src(%dma_wait3A_1004 : memref<100000x128xf32, #tpu.memory_space<hbm>>) dst(%dma_wait3A_998 : memref<64x128xf32, #tpu.memory_space<vmem>>)
    %scan3A_1005 = arith.constant 0 : i32
    %scan3A_1006 = arith.constant 16 : i32
    %scan3A_1007 = arith.addi %scan3A_1005, %scan3A_1006 : i32
    %scan3A_1008 = arith.constant 1 : i32
    scf.for %scan3A_1100 = %scan3A_1005 to %scan3A_1007 step %scan3A_1008  : i32 {
      %mul3A_1101 = arith.constant 4 : i32
      %mul3A_1102 = arith.muli %scan3A_1100, %mul3A_1101 : i32
      %add3A_1103 = arith.constant 192 : i32
      %add3A_1104 = arith.addi %add3A_1103, %mul3A_1102 : i32
      %iota3A_1105 = tpu.iota {dimensions = array<i32: 0>} : vector<16xi32>
      %add3A_1106 = arith.constant 0 : i32
      %add3A_1107 = arith.addi %add3A_1104, %add3A_1106 : i32
      %get3A_1108 = arith.index_cast %add3A_1107 : i32 to index
      %get3A_1109 = arith.constant 0 : index
      %get3A_1110 = tpu.vector_load %arg8[%get3A_1108, %get3A_1109] {strides = array<i32>} : memref<256x128xf32, #tpu.memory_space<vmem>>, vector<16xf32>,
      %add3A_1111 = arith.constant 0 : i32
      %add3A_1112 = arith.addi %add3A_1104, %add3A_1111 : i32
      %get3A_1113 = arith.index_cast %add3A_1112 : i32 to index
      %get3A_1114 = arith.constant 16 : index
      %get3A_1115 = tpu.vector_load %arg8[%get3A_1113, %get3A_1114] {strides = array<i32>} : memref<256x128xf32, #tpu.memory_space<vmem>>, vector<16xf32>,
      %add3A_1116 = arith.constant 0 : i32
      %add3A_1117 = arith.addi %add3A_1104, %add3A_1116 : i32
      %get3A_1118 = arith.index_cast %add3A_1117 : i32 to index
      %get3A_1119 = arith.constant 32 : index
      %get3A_1120 = tpu.vector_load %arg8[%get3A_1118, %get3A_1119] {strides = array<i32>} : memref<256x128xf32, #tpu.memory_space<vmem>>, vector<16xf32>,
      %add3A_1121 = arith.constant 0 : i32
      %add3A_1122 = arith.addi %add3A_1104, %add3A_1121 : i32
      %get3A_1123 = arith.index_cast %add3A_1122 : i32 to index
      %get3A_1124 = arith.constant 48 : index
      %get3A_1125 = tpu.vector_load %arg8[%get3A_1123, %get3A_1124] {strides = array<i32>} : memref<256x128xf32, #tpu.memory_space<vmem>>, vector<16xf32>,
      %add3A_1126 = arith.constant 0 : i32
      %add3A_1127 = arith.addi %add3A_1104, %add3A_1126 : i32
      %get3A_1128 = arith.index_cast %add3A_1127 : i32 to index
      %get3A_1129 = arith.constant 64 : index
      %get3A_1130 = tpu.vector_load %arg8[%get3A_1128, %get3A_1129] {strides = array<i32>} : memref<256x128xf32, #tpu.memory_space<vmem>>, vector<16xf32>,
      %add3A_1131 = arith.constant 0 : i32
      %add3A_1132 = arith.addi %add3A_1104, %add3A_1131 : i32
      %get3A_1133 = arith.index_cast %add3A_1132 : i32 to index
      %get3A_1134 = arith.constant 80 : index
      %get3A_1135 = tpu.vector_load %arg8[%get3A_1133, %get3A_1134] {strides = array<i32>} : memref<256x128xf32, #tpu.memory_space<vmem>>, vector<16xf32>,
      %add3A_1136 = arith.constant 0 : i32
      %add3A_1137 = arith.addi %add3A_1104, %add3A_1136 : i32
      %get3A_1138 = arith.index_cast %add3A_1137 : i32 to index
      %get3A_1139 = arith.constant 96 : index
      %get3A_1140 = tpu.vector_load %arg8[%get3A_1138, %get3A_1139] {strides = array<i32>} : memref<256x128xf32, #tpu.memory_space<vmem>>, vector<16xf32>,
      %add3A_1141 = arith.constant 0 : i32
      %add3A_1142 = arith.addi %add3A_1104, %add3A_1141 : i32
      %get3A_1143 = arith.index_cast %add3A_1142 : i32 to index
      %get3A_1144 = arith.constant 112 : index
      %get3A_1145 = tpu.vector_load %arg8[%get3A_1143, %get3A_1144] {strides = array<i32>} : memref<256x128xf32, #tpu.memory_space<vmem>>, vector<16xf32>,
      %add3A_1146 = arith.addf %get3A_1110, %get3A_1115 : vector<16xf32>
      %add3A_1147 = arith.addf %get3A_1120, %get3A_1125 : vector<16xf32>
      %add3A_1148 = arith.addf %get3A_1130, %get3A_1135 : vector<16xf32>
      %add3A_1149 = arith.addf %get3A_1140, %get3A_1145 : vector<16xf32>
      %add3A_1150 = arith.addf %add3A_1146, %add3A_1147 : vector<16xf32>
      %add3A_1151 = arith.addf %add3A_1148, %add3A_1149 : vector<16xf32>
      %add3A_1152 = arith.addf %add3A_1150, %add3A_1151 : vector<16xf32>
      %iota3A_1153 = tpu.iota {dimensions = array<i32: 0>} : vector<16xi32>
      %xor3A_1154 = arith.constant 8 : i32
      %xor3A_1155 = vector.broadcast %xor3A_1154 : i32 to vector<16xi32>
      %xor3A_1156 = arith.xori %iota3A_1153, %xor3A_1155 : vector<16xi32>
      %reshape3A_1157 = vector.shape_cast %xor3A_1156 : vector<16xi32> to vector<16x1xi32>
      %gather3A_1158 = vector.shape_cast %reshape3A_1157 : vector<16x1xi32> to vector<16xi32>
      %gather3A_1159 = tpu.dynamic_gather %add3A_1152[%gather3A_1158] in [0] : vector<16xf32>, vector<16xi32> -> vector<16xf32>
      %add3A_1160 = arith.addf %add3A_1152, %gather3A_1159 : vector<16xf32>
      %xor3A_1161 = arith.constant 4 : i32
      %xor3A_1162 = vector.broadcast %xor3A_1161 : i32 to vector<16xi32>
      %xor3A_1163 = arith.xori %iota3A_1153, %xor3A_1162 : vector<16xi32>
      %reshape3A_1164 = vector.shape_cast %xor3A_1163 : vector<16xi32> to vector<16x1xi32>
      %gather3A_1165 = vector.shape_cast %reshape3A_1164 : vector<16x1xi32> to vector<16xi32>
      %gather3A_1166 = tpu.dynamic_gather %add3A_1160[%gather3A_1165] in [0] : vector<16xf32>, vector<16xi32> -> vector<16xf32>
      %add3A_1167 = arith.addf %add3A_1160, %gather3A_1166 : vector<16xf32>
      %xor3A_1168 = arith.constant 2 : i32
      %xor3A_1169 = vector.broadcast %xor3A_1168 : i32 to vector<16xi32>
      %xor3A_1170 = arith.xori %iota3A_1153, %xor3A_1169 : vector<16xi32>
      %reshape3A_1171 = vector.shape_cast %xor3A_1170 : vector<16xi32> to vector<16x1xi32>
      %gather3A_1172 = vector.shape_cast %reshape3A_1171 : vector<16x1xi32> to vector<16xi32>
      %gather3A_1173 = tpu.dynamic_gather %add3A_1167[%gather3A_1172] in [0] : vector<16xf32>, vector<16xi32> -> vector<16xf32>
      %add3A_1174 = arith.addf %add3A_1167, %gather3A_1173 : vector<16xf32>
      %xor3A_1175 = arith.constant 1 : i32
      %xor3A_1176 = vector.broadcast %xor3A_1175 : i32 to vector<16xi32>
      %xor3A_1177 = arith.xori %iota3A_1153, %xor3A_1176 : vector<16xi32>
      %reshape3A_1178 = vector.shape_cast %xor3A_1177 : vector<16xi32> to vector<16x1xi32>
      %gather3A_1179 = vector.shape_cast %reshape3A_1178 : vector<16x1xi32> to vector<16xi32>
      %gather3A_1180 = tpu.dynamic_gather %add3A_1174[%gather3A_1179] in [0] : vector<16xf32>, vector<16xi32> -> vector<16xf32>
      %add3A_1181 = arith.addf %add3A_1174, %gather3A_1180 : vector<16xf32>
      %mul3A_1182 = arith.mulf %get3A_1110, %get3A_1110 : vector<16xf32>
      %mul3A_1183 = arith.mulf %get3A_1115, %get3A_1115 : vector<16xf32>
      %mul3A_1184 = arith.mulf %get3A_1120, %get3A_1120 : vector<16xf32>
      %mul3A_1185 = arith.mulf %get3A_1125, %get3A_1125 : vector<16xf32>
      %mul3A_1186 = arith.mulf %get3A_1130, %get3A_1130 : vector<16xf32>
      %mul3A_1187 = arith.mulf %get3A_1135, %get3A_1135 : vector<16xf32>
      %mul3A_1188 = arith.mulf %get3A_1140, %get3A_1140 : vector<16xf32>
      %mul3A_1189 = arith.mulf %get3A_1145, %get3A_1145 : vector<16xf32>
      %add3A_1190 = arith.addf %mul3A_1182, %mul3A_1183 : vector<16xf32>
      %add3A_1191 = arith.addf %mul3A_1184, %mul3A_1185 : vector<16xf32>
      %add3A_1192 = arith.addf %mul3A_1186, %mul3A_1187 : vector<16xf32>
      %add3A_1193 = arith.addf %mul3A_1188, %mul3A_1189 : vector<16xf32>
      %add3A_1194 = arith.addf %add3A_1190, %add3A_1191 : vector<16xf32>
      %add3A_1195 = arith.addf %add3A_1192, %add3A_1193 : vector<16xf32>
      %add3A_1196 = arith.addf %add3A_1194, %add3A_1195 : vector<16xf32>
      %iota3A_1197 = tpu.iota {dimensions = array<i32: 0>} : vector<16xi32>
      %xor3A_1198 = arith.constant 8 : i32
      %xor3A_1199 = vector.broadcast %xor3A_1198 : i32 to vector<16xi32>
      %xor3A_1200 = arith.xori %iota3A_1197, %xor3A_1199 : vector<16xi32>
      %reshape3A_1201 = vector.shape_cast %xor3A_1200 : vector<16xi32> to vector<16x1xi32>
      %gather3A_1202 = vector.shape_cast %reshape3A_1201 : vector<16x1xi32> to vector<16xi32>
      %gather3A_1203 = tpu.dynamic_gather %add3A_1196[%gather3A_1202] in [0] : vector<16xf32>, vector<16xi32> -> vector<16xf32>
      %add3A_1204 = arith.addf %add3A_1196, %gather3A_1203 : vector<16xf32>
      %xor3A_1205 = arith.constant 4 : i32
      %xor3A_1206 = vector.broadcast %xor3A_1205 : i32 to vector<16xi32>
      %xor3A_1207 = arith.xori %iota3A_1197, %xor3A_1206 : vector<16xi32>
      %reshape3A_1208 = vector.shape_cast %xor3A_1207 : vector<16xi32> to vector<16x1xi32>
      %gather3A_1209 = vector.shape_cast %reshape3A_1208 : vector<16x1xi32> to vector<16xi32>
      %gather3A_1210 = tpu.dynamic_gather %add3A_1204[%gather3A_1209] in [0] : vector<16xf32>, vector<16xi32> -> vector<16xf32>
      %add3A_1211 = arith.addf %add3A_1204, %gather3A_1210 : vector<16xf32>
      %xor3A_1212 = arith.constant 2 : i32
      %xor3A_1213 = vector.broadcast %xor3A_1212 : i32 to vector<16xi32>
      %xor3A_1214 = arith.xori %iota3A_1197, %xor3A_1213 : vector<16xi32>
      %reshape3A_1215 = vector.shape_cast %xor3A_1214 : vector<16xi32> to vector<16x1xi32>
      %gather3A_1216 = vector.shape_cast %reshape3A_1215 : vector<16x1xi32> to vector<16xi32>
      %gather3A_1217 = tpu.dynamic_gather %add3A_1211[%gather3A_1216] in [0] : vector<16xf32>, vector<16xi32> -> vector<16xf32>
      %add3A_1218 = arith.addf %add3A_1211, %gather3A_1217 : vector<16xf32>
      %xor3A_1219 = arith.constant 1 : i32
      %xor3A_1220 = vector.broadcast %xor3A_1219 : i32 to vector<16xi32>
      %xor3A_1221 = arith.xori %iota3A_1197, %xor3A_1220 : vector<16xi32>
      %reshape3A_1222 = vector.shape_cast %xor3A_1221 : vector<16xi32> to vector<16x1xi32>
      %gather3A_1223 = vector.shape_cast %reshape3A_1222 : vector<16x1xi32> to vector<16xi32>
      %gather3A_1224 = tpu.dynamic_gather %add3A_1218[%gather3A_1223] in [0] : vector<16xf32>, vector<16xi32> -> vector<16xf32>
      %add3A_1225 = arith.addf %add3A_1218, %gather3A_1224 : vector<16xf32>
      %add3A_1226 = arith.constant 1 : i32
      %add3A_1227 = arith.addi %add3A_1104, %add3A_1226 : i32
      %get3A_1228 = arith.index_cast %add3A_1227 : i32 to index
      %get3A_1229 = arith.constant 0 : index
      %get3A_1230 = tpu.vector_load %arg8[%get3A_1228, %get3A_1229] {strides = array<i32>} : memref<256x128xf32, #tpu.memory_space<vmem>>, vector<16xf32>,
      %add3A_1231 = arith.constant 1 : i32
      %add3A_1232 = arith.addi %add3A_1104, %add3A_1231 : i32
      %get3A_1233 = arith.index_cast %add3A_1232 : i32 to index
      %get3A_1234 = arith.constant 16 : index
      %get3A_1235 = tpu.vector_load %arg8[%get3A_1233, %get3A_1234] {strides = array<i32>} : memref<256x128xf32, #tpu.memory_space<vmem>>, vector<16xf32>,
      %add3A_1236 = arith.constant 1 : i32
      %add3A_1237 = arith.addi %add3A_1104, %add3A_1236 : i32
      %get3A_1238 = arith.index_cast %add3A_1237 : i32 to index
      %get3A_1239 = arith.constant 32 : index
      %get3A_1240 = tpu.vector_load %arg8[%get3A_1238, %get3A_1239] {strides = array<i32>} : memref<256x128xf32, #tpu.memory_space<vmem>>, vector<16xf32>,
      %add3A_1241 = arith.constant 1 : i32
      %add3A_1242 = arith.addi %add3A_1104, %add3A_1241 : i32
      %get3A_1243 = arith.index_cast %add3A_1242 : i32 to index
      %get3A_1244 = arith.constant 48 : index
      %get3A_1245 = tpu.vector_load %arg8[%get3A_1243, %get3A_1244] {strides = array<i32>} : memref<256x128xf32, #tpu.memory_space<vmem>>, vector<16xf32>,
      %add3A_1246 = arith.constant 1 : i32
      %add3A_1247 = arith.addi %add3A_1104, %add3A_1246 : i32
      %get3A_1248 = arith.index_cast %add3A_1247 : i32 to index
      %get3A_1249 = arith.constant 64 : index
      %get3A_1250 = tpu.vector_load %arg8[%get3A_1248, %get3A_1249] {strides = array<i32>} : memref<256x128xf32, #tpu.memory_space<vmem>>, vector<16xf32>,
      %add3A_1251 = arith.constant 1 : i32
      %add3A_1252 = arith.addi %add3A_1104, %add3A_1251 : i32
      %get3A_1253 = arith.index_cast %add3A_1252 : i32 to index
      %get3A_1254 = arith.constant 80 : index
      %get3A_1255 = tpu.vector_load %arg8[%get3A_1253, %get3A_1254] {strides = array<i32>} : memref<256x128xf32, #tpu.memory_space<vmem>>, vector<16xf32>,
      %add3A_1256 = arith.constant 1 : i32
      %add3A_1257 = arith.addi %add3A_1104, %add3A_1256 : i32
      %get3A_1258 = arith.index_cast %add3A_1257 : i32 to index
      %get3A_1259 = arith.constant 96 : index
      %get3A_1260 = tpu.vector_load %arg8[%get3A_1258, %get3A_1259] {strides = array<i32>} : memref<256x128xf32, #tpu.memory_space<vmem>>, vector<16xf32>,
      %add3A_1261 = arith.constant 1 : i32
      %add3A_1262 = arith.addi %add3A_1104, %add3A_1261 : i32
      %get3A_1263 = arith.index_cast %add3A_1262 : i32 to index
      %get3A_1264 = arith.constant 112 : index
      %get3A_1265 = tpu.vector_load %arg8[%get3A_1263, %get3A_1264] {strides = array<i32>} : memref<256x128xf32, #tpu.memory_space<vmem>>, vector<16xf32>,
      %add3A_1266 = arith.addf %get3A_1230, %get3A_1235 : vector<16xf32>
      %add3A_1267 = arith.addf %get3A_1240, %get3A_1245 : vector<16xf32>
      %add3A_1268 = arith.addf %get3A_1250, %get3A_1255 : vector<16xf32>
      %add3A_1269 = arith.addf %get3A_1260, %get3A_1265 : vector<16xf32>
      %add3A_1270 = arith.addf %add3A_1266, %add3A_1267 : vector<16xf32>
      %add3A_1271 = arith.addf %add3A_1268, %add3A_1269 : vector<16xf32>
      %add3A_1272 = arith.addf %add3A_1270, %add3A_1271 : vector<16xf32>
      %iota3A_1273 = tpu.iota {dimensions = array<i32: 0>} : vector<16xi32>
      %xor3A_1274 = arith.constant 8 : i32
      %xor3A_1275 = vector.broadcast %xor3A_1274 : i32 to vector<16xi32>
      %xor3A_1276 = arith.xori %iota3A_1273, %xor3A_1275 : vector<16xi32>
      %reshape3A_1277 = vector.shape_cast %xor3A_1276 : vector<16xi32> to vector<16x1xi32>
      %gather3A_1278 = vector.shape_cast %reshape3A_1277 : vector<16x1xi32> to vector<16xi32>
      %gather3A_1279 = tpu.dynamic_gather %add3A_1272[%gather3A_1278] in [0] : vector<16xf32>, vector<16xi32> -> vector<16xf32>
      %add3A_1280 = arith.addf %add3A_1272, %gather3A_1279 : vector<16xf32>
      %xor3A_1281 = arith.constant 4 : i32
      %xor3A_1282 = vector.broadcast %xor3A_1281 : i32 to vector<16xi32>
      %xor3A_1283 = arith.xori %iota3A_1273, %xor3A_1282 : vector<16xi32>
      %reshape3A_1284 = vector.shape_cast %xor3A_1283 : vector<16xi32> to vector<16x1xi32>
      %gather3A_1285 = vector.shape_cast %reshape3A_1284 : vector<16x1xi32> to vector<16xi32>
      %gather3A_1286 = tpu.dynamic_gather %add3A_1280[%gather3A_1285] in [0] : vector<16xf32>, vector<16xi32> -> vector<16xf32>
      %add3A_1287 = arith.addf %add3A_1280, %gather3A_1286 : vector<16xf32>
      %xor3A_1288 = arith.constant 2 : i32
      %xor3A_1289 = vector.broadcast %xor3A_1288 : i32 to vector<16xi32>
      %xor3A_1290 = arith.xori %iota3A_1273, %xor3A_1289 : vector<16xi32>
      %reshape3A_1291 = vector.shape_cast %xor3A_1290 : vector<16xi32> to vector<16x1xi32>
      %gather3A_1292 = vector.shape_cast %reshape3A_1291 : vector<16x1xi32> to vector<16xi32>
      %gather3A_1293 = tpu.dynamic_gather %add3A_1287[%gather3A_1292] in [0] : vector<16xf32>, vector<16xi32> -> vector<16xf32>
      %add3A_1294 = arith.addf %add3A_1287, %gather3A_1293 : vector<16xf32>
      %xor3A_1295 = arith.constant 1 : i32
      %xor3A_1296 = vector.broadcast %xor3A_1295 : i32 to vector<16xi32>
      %xor3A_1297 = arith.xori %iota3A_1273, %xor3A_1296 : vector<16xi32>
      %reshape3A_1298 = vector.shape_cast %xor3A_1297 : vector<16xi32> to vector<16x1xi32>
      %gather3A_1299 = vector.shape_cast %reshape3A_1298 : vector<16x1xi32> to vector<16xi32>
      %gather3A_1300 = tpu.dynamic_gather %add3A_1294[%gather3A_1299] in [0] : vector<16xf32>, vector<16xi32> -> vector<16xf32>
      %add3A_1301 = arith.addf %add3A_1294, %gather3A_1300 : vector<16xf32>
      %mul3A_1302 = arith.mulf %get3A_1230, %get3A_1230 : vector<16xf32>
      %mul3A_1303 = arith.mulf %get3A_1235, %get3A_1235 : vector<16xf32>
      %mul3A_1304 = arith.mulf %get3A_1240, %get3A_1240 : vector<16xf32>
      %mul3A_1305 = arith.mulf %get3A_1245, %get3A_1245 : vector<16xf32>
      %mul3A_1306 = arith.mulf %get3A_1250, %get3A_1250 : vector<16xf32>
      %mul3A_1307 = arith.mulf %get3A_1255, %get3A_1255 : vector<16xf32>
      %mul3A_1308 = arith.mulf %get3A_1260, %get3A_1260 : vector<16xf32>
      %mul3A_1309 = arith.mulf %get3A_1265, %get3A_1265 : vector<16xf32>
      %add3A_1310 = arith.addf %mul3A_1302, %mul3A_1303 : vector<16xf32>
      %add3A_1311 = arith.addf %mul3A_1304, %mul3A_1305 : vector<16xf32>
      %add3A_1312 = arith.addf %mul3A_1306, %mul3A_1307 : vector<16xf32>
      %add3A_1313 = arith.addf %mul3A_1308, %mul3A_1309 : vector<16xf32>
      %add3A_1314 = arith.addf %add3A_1310, %add3A_1311 : vector<16xf32>
      %add3A_1315 = arith.addf %add3A_1312, %add3A_1313 : vector<16xf32>
      %add3A_1316 = arith.addf %add3A_1314, %add3A_1315 : vector<16xf32>
      %iota3A_1317 = tpu.iota {dimensions = array<i32: 0>} : vector<16xi32>
      %xor3A_1318 = arith.constant 8 : i32
      %xor3A_1319 = vector.broadcast %xor3A_1318 : i32 to vector<16xi32>
      %xor3A_1320 = arith.xori %iota3A_1317, %xor3A_1319 : vector<16xi32>
      %reshape3A_1321 = vector.shape_cast %xor3A_1320 : vector<16xi32> to vector<16x1xi32>
      %gather3A_1322 = vector.shape_cast %reshape3A_1321 : vector<16x1xi32> to vector<16xi32>
      %gather3A_1323 = tpu.dynamic_gather %add3A_1316[%gather3A_1322] in [0] : vector<16xf32>, vector<16xi32> -> vector<16xf32>
      %add3A_1324 = arith.addf %add3A_1316, %gather3A_1323 : vector<16xf32>
      %xor3A_1325 = arith.constant 4 : i32
      %xor3A_1326 = vector.broadcast %xor3A_1325 : i32 to vector<16xi32>
      %xor3A_1327 = arith.xori %iota3A_1317, %xor3A_1326 : vector<16xi32>
      %reshape3A_1328 = vector.shape_cast %xor3A_1327 : vector<16xi32> to vector<16x1xi32>
      %gather3A_1329 = vector.shape_cast %reshape3A_1328 : vector<16x1xi32> to vector<16xi32>
      %gather3A_1330 = tpu.dynamic_gather %add3A_1324[%gather3A_1329] in [0] : vector<16xf32>, vector<16xi32> -> vector<16xf32>
      %add3A_1331 = arith.addf %add3A_1324, %gather3A_1330 : vector<16xf32>
      %xor3A_1332 = arith.constant 2 : i32
      %xor3A_1333 = vector.broadcast %xor3A_1332 : i32 to vector<16xi32>
      %xor3A_1334 = arith.xori %iota3A_1317, %xor3A_1333 : vector<16xi32>
      %reshape3A_1335 = vector.shape_cast %xor3A_1334 : vector<16xi32> to vector<16x1xi32>
      %gather3A_1336 = vector.shape_cast %reshape3A_1335 : vector<16x1xi32> to vector<16xi32>
      %gather3A_1337 = tpu.dynamic_gather %add3A_1331[%gather3A_1336] in [0] : vector<16xf32>, vector<16xi32> -> vector<16xf32>
      %add3A_1338 = arith.addf %add3A_1331, %gather3A_1337 : vector<16xf32>
      %xor3A_1339 = arith.constant 1 : i32
      %xor3A_1340 = vector.broadcast %xor3A_1339 : i32 to vector<16xi32>
      %xor3A_1341 = arith.xori %iota3A_1317, %xor3A_1340 : vector<16xi32>
      %reshape3A_1342 = vector.shape_cast %xor3A_1341 : vector<16xi32> to vector<16x1xi32>
      %gather3A_1343 = vector.shape_cast %reshape3A_1342 : vector<16x1xi32> to vector<16xi32>
      %gather3A_1344 = tpu.dynamic_gather %add3A_1338[%gather3A_1343] in [0] : vector<16xf32>, vector<16xi32> -> vector<16xf32>
      %add3A_1345 = arith.addf %add3A_1338, %gather3A_1344 : vector<16xf32>
      %add3A_1346 = arith.constant 2 : i32
      %add3A_1347 = arith.addi %add3A_1104, %add3A_1346 : i32
      %get3A_1348 = arith.index_cast %add3A_1347 : i32 to index
      %get3A_1349 = arith.constant 0 : index
      %get3A_1350 = tpu.vector_load %arg8[%get3A_1348, %get3A_1349] {strides = array<i32>} : memref<256x128xf32, #tpu.memory_space<vmem>>, vector<16xf32>,
      %add3A_1351 = arith.constant 2 : i32
      %add3A_1352 = arith.addi %add3A_1104, %add3A_1351 : i32
      %get3A_1353 = arith.index_cast %add3A_1352 : i32 to index
      %get3A_1354 = arith.constant 16 : index
      %get3A_1355 = tpu.vector_load %arg8[%get3A_1353, %get3A_1354] {strides = array<i32>} : memref<256x128xf32, #tpu.memory_space<vmem>>, vector<16xf32>,
      %add3A_1356 = arith.constant 2 : i32
      %add3A_1357 = arith.addi %add3A_1104, %add3A_1356 : i32
      %get3A_1358 = arith.index_cast %add3A_1357 : i32 to index
      %get3A_1359 = arith.constant 32 : index
      %get3A_1360 = tpu.vector_load %arg8[%get3A_1358, %get3A_1359] {strides = array<i32>} : memref<256x128xf32, #tpu.memory_space<vmem>>, vector<16xf32>,
      %add3A_1361 = arith.constant 2 : i32
      %add3A_1362 = arith.addi %add3A_1104, %add3A_1361 : i32
      %get3A_1363 = arith.index_cast %add3A_1362 : i32 to index
      %get3A_1364 = arith.constant 48 : index
      %get3A_1365 = tpu.vector_load %arg8[%get3A_1363, %get3A_1364] {strides = array<i32>} : memref<256x128xf32, #tpu.memory_space<vmem>>, vector<16xf32>,
      %add3A_1366 = arith.constant 2 : i32
      %add3A_1367 = arith.addi %add3A_1104, %add3A_1366 : i32
      %get3A_1368 = arith.index_cast %add3A_1367 : i32 to index
      %get3A_1369 = arith.constant 64 : index
      %get3A_1370 = tpu.vector_load %arg8[%get3A_1368, %get3A_1369] {strides = array<i32>} : memref<256x128xf32, #tpu.memory_space<vmem>>, vector<16xf32>,
      %add3A_1371 = arith.constant 2 : i32
      %add3A_1372 = arith.addi %add3A_1104, %add3A_1371 : i32
      %get3A_1373 = arith.index_cast %add3A_1372 : i32 to index
      %get3A_1374 = arith.constant 80 : index
      %get3A_1375 = tpu.vector_load %arg8[%get3A_1373, %get3A_1374] {strides = array<i32>} : memref<256x128xf32, #tpu.memory_space<vmem>>, vector<16xf32>,
      %add3A_1376 = arith.constant 2 : i32
      %add3A_1377 = arith.addi %add3A_1104, %add3A_1376 : i32
      %get3A_1378 = arith.index_cast %add3A_1377 : i32 to index
      %get3A_1379 = arith.constant 96 : index
      %get3A_1380 = tpu.vector_load %arg8[%get3A_1378, %get3A_1379] {strides = array<i32>} : memref<256x128xf32, #tpu.memory_space<vmem>>, vector<16xf32>,
      %add3A_1381 = arith.constant 2 : i32
      %add3A_1382 = arith.addi %add3A_1104, %add3A_1381 : i32
      %get3A_1383 = arith.index_cast %add3A_1382 : i32 to index
      %get3A_1384 = arith.constant 112 : index
      %get3A_1385 = tpu.vector_load %arg8[%get3A_1383, %get3A_1384] {strides = array<i32>} : memref<256x128xf32, #tpu.memory_space<vmem>>, vector<16xf32>,
      %add3A_1386 = arith.addf %get3A_1350, %get3A_1355 : vector<16xf32>
      %add3A_1387 = arith.addf %get3A_1360, %get3A_1365 : vector<16xf32>
      %add3A_1388 = arith.addf %get3A_1370, %get3A_1375 : vector<16xf32>
      %add3A_1389 = arith.addf %get3A_1380, %get3A_1385 : vector<16xf32>
      %add3A_1390 = arith.addf %add3A_1386, %add3A_1387 : vector<16xf32>
      %add3A_1391 = arith.addf %add3A_1388, %add3A_1389 : vector<16xf32>
      %add3A_1392 = arith.addf %add3A_1390, %add3A_1391 : vector<16xf32>
      %iota3A_1393 = tpu.iota {dimensions = array<i32: 0>} : vector<16xi32>
      %xor3A_1394 = arith.constant 8 : i32
      %xor3A_1395 = vector.broadcast %xor3A_1394 : i32 to vector<16xi32>
      %xor3A_1396 = arith.xori %iota3A_1393, %xor3A_1395 : vector<16xi32>
      %reshape3A_1397 = vector.shape_cast %xor3A_1396 : vector<16xi32> to vector<16x1xi32>
      %gather3A_1398 = vector.shape_cast %reshape3A_1397 : vector<16x1xi32> to vector<16xi32>
      %gather3A_1399 = tpu.dynamic_gather %add3A_1392[%gather3A_1398] in [0] : vector<16xf32>, vector<16xi32> -> vector<16xf32>
      %add3A_1400 = arith.addf %add3A_1392, %gather3A_1399 : vector<16xf32>
      %xor3A_1401 = arith.constant 4 : i32
      %xor3A_1402 = vector.broadcast %xor3A_1401 : i32 to vector<16xi32>
      %xor3A_1403 = arith.xori %iota3A_1393, %xor3A_1402 : vector<16xi32>
      %reshape3A_1404 = vector.shape_cast %xor3A_1403 : vector<16xi32> to vector<16x1xi32>
      %gather3A_1405 = vector.shape_cast %reshape3A_1404 : vector<16x1xi32> to vector<16xi32>
      %gather3A_1406 = tpu.dynamic_gather %add3A_1400[%gather3A_1405] in [0] : vector<16xf32>, vector<16xi32> -> vector<16xf32>
      %add3A_1407 = arith.addf %add3A_1400, %gather3A_1406 : vector<16xf32>
      %xor3A_1408 = arith.constant 2 : i32
      %xor3A_1409 = vector.broadcast %xor3A_1408 : i32 to vector<16xi32>
      %xor3A_1410 = arith.xori %iota3A_1393, %xor3A_1409 : vector<16xi32>
      %reshape3A_1411 = vector.shape_cast %xor3A_1410 : vector<16xi32> to vector<16x1xi32>
      %gather3A_1412 = vector.shape_cast %reshape3A_1411 : vector<16x1xi32> to vector<16xi32>
      %gather3A_1413 = tpu.dynamic_gather %add3A_1407[%gather3A_1412] in [0] : vector<16xf32>, vector<16xi32> -> vector<16xf32>
      %add3A_1414 = arith.addf %add3A_1407, %gather3A_1413 : vector<16xf32>
      %xor3A_1415 = arith.constant 1 : i32
      %xor3A_1416 = vector.broadcast %xor3A_1415 : i32 to vector<16xi32>
      %xor3A_1417 = arith.xori %iota3A_1393, %xor3A_1416 : vector<16xi32>
      %reshape3A_1418 = vector.shape_cast %xor3A_1417 : vector<16xi32> to vector<16x1xi32>
      %gather3A_1419 = vector.shape_cast %reshape3A_1418 : vector<16x1xi32> to vector<16xi32>
      %gather3A_1420 = tpu.dynamic_gather %add3A_1414[%gather3A_1419] in [0] : vector<16xf32>, vector<16xi32> -> vector<16xf32>
      %add3A_1421 = arith.addf %add3A_1414, %gather3A_1420 : vector<16xf32>
      %mul3A_1422 = arith.mulf %get3A_1350, %get3A_1350 : vector<16xf32>
      %mul3A_1423 = arith.mulf %get3A_1355, %get3A_1355 : vector<16xf32>
      %mul3A_1424 = arith.mulf %get3A_1360, %get3A_1360 : vector<16xf32>
      %mul3A_1425 = arith.mulf %get3A_1365, %get3A_1365 : vector<16xf32>
      %mul3A_1426 = arith.mulf %get3A_1370, %get3A_1370 : vector<16xf32>
      %mul3A_1427 = arith.mulf %get3A_1375, %get3A_1375 : vector<16xf32>
      %mul3A_1428 = arith.mulf %get3A_1380, %get3A_1380 : vector<16xf32>
      %mul3A_1429 = arith.mulf %get3A_1385, %get3A_1385 : vector<16xf32>
      %add3A_1430 = arith.addf %mul3A_1422, %mul3A_1423 : vector<16xf32>
      %add3A_1431 = arith.addf %mul3A_1424, %mul3A_1425 : vector<16xf32>
      %add3A_1432 = arith.addf %mul3A_1426, %mul3A_1427 : vector<16xf32>
      %add3A_1433 = arith.addf %mul3A_1428, %mul3A_1429 : vector<16xf32>
      %add3A_1434 = arith.addf %add3A_1430, %add3A_1431 : vector<16xf32>
      %add3A_1435 = arith.addf %add3A_1432, %add3A_1433 : vector<16xf32>
      %add3A_1436 = arith.addf %add3A_1434, %add3A_1435 : vector<16xf32>
      %iota3A_1437 = tpu.iota {dimensions = array<i32: 0>} : vector<16xi32>
      %xor3A_1438 = arith.constant 8 : i32
      %xor3A_1439 = vector.broadcast %xor3A_1438 : i32 to vector<16xi32>
      %xor3A_1440 = arith.xori %iota3A_1437, %xor3A_1439 : vector<16xi32>
      %reshape3A_1441 = vector.shape_cast %xor3A_1440 : vector<16xi32> to vector<16x1xi32>
      %gather3A_1442 = vector.shape_cast %reshape3A_1441 : vector<16x1xi32> to vector<16xi32>
      %gather3A_1443 = tpu.dynamic_gather %add3A_1436[%gather3A_1442] in [0] : vector<16xf32>, vector<16xi32> -> vector<16xf32>
      %add3A_1444 = arith.addf %add3A_1436, %gather3A_1443 : vector<16xf32>
      %xor3A_1445 = arith.constant 4 : i32
      %xor3A_1446 = vector.broadcast %xor3A_1445 : i32 to vector<16xi32>
      %xor3A_1447 = arith.xori %iota3A_1437, %xor3A_1446 : vector<16xi32>
      %reshape3A_1448 = vector.shape_cast %xor3A_1447 : vector<16xi32> to vector<16x1xi32>
      %gather3A_1449 = vector.shape_cast %reshape3A_1448 : vector<16x1xi32> to vector<16xi32>
      %gather3A_1450 = tpu.dynamic_gather %add3A_1444[%gather3A_1449] in [0] : vector<16xf32>, vector<16xi32> -> vector<16xf32>
      %add3A_1451 = arith.addf %add3A_1444, %gather3A_1450 : vector<16xf32>
      %xor3A_1452 = arith.constant 2 : i32
      %xor3A_1453 = vector.broadcast %xor3A_1452 : i32 to vector<16xi32>
      %xor3A_1454 = arith.xori %iota3A_1437, %xor3A_1453 : vector<16xi32>
      %reshape3A_1455 = vector.shape_cast %xor3A_1454 : vector<16xi32> to vector<16x1xi32>
      %gather3A_1456 = vector.shape_cast %reshape3A_1455 : vector<16x1xi32> to vector<16xi32>
      %gather3A_1457 = tpu.dynamic_gather %add3A_1451[%gather3A_1456] in [0] : vector<16xf32>, vector<16xi32> -> vector<16xf32>
      %add3A_1458 = arith.addf %add3A_1451, %gather3A_1457 : vector<16xf32>
      %xor3A_1459 = arith.constant 1 : i32
      %xor3A_1460 = vector.broadcast %xor3A_1459 : i32 to vector<16xi32>
      %xor3A_1461 = arith.xori %iota3A_1437, %xor3A_1460 : vector<16xi32>
      %reshape3A_1462 = vector.shape_cast %xor3A_1461 : vector<16xi32> to vector<16x1xi32>
      %gather3A_1463 = vector.shape_cast %reshape3A_1462 : vector<16x1xi32> to vector<16xi32>
      %gather3A_1464 = tpu.dynamic_gather %add3A_1458[%gather3A_1463] in [0] : vector<16xf32>, vector<16xi32> -> vector<16xf32>
      %add3A_1465 = arith.addf %add3A_1458, %gather3A_1464 : vector<16xf32>
      %add3A_1466 = arith.constant 3 : i32
      %add3A_1467 = arith.addi %add3A_1104, %add3A_1466 : i32
      %get3A_1468 = arith.index_cast %add3A_1467 : i32 to index
      %get3A_1469 = arith.constant 0 : index
      %get3A_1470 = tpu.vector_load %arg8[%get3A_1468, %get3A_1469] {strides = array<i32>} : memref<256x128xf32, #tpu.memory_space<vmem>>, vector<16xf32>,
      %add3A_1471 = arith.constant 3 : i32
      %add3A_1472 = arith.addi %add3A_1104, %add3A_1471 : i32
      %get3A_1473 = arith.index_cast %add3A_1472 : i32 to index
      %get3A_1474 = arith.constant 16 : index
      %get3A_1475 = tpu.vector_load %arg8[%get3A_1473, %get3A_1474] {strides = array<i32>} : memref<256x128xf32, #tpu.memory_space<vmem>>, vector<16xf32>,
      %add3A_1476 = arith.constant 3 : i32
      %add3A_1477 = arith.addi %add3A_1104, %add3A_1476 : i32
      %get3A_1478 = arith.index_cast %add3A_1477 : i32 to index
      %get3A_1479 = arith.constant 32 : index
      %get3A_1480 = tpu.vector_load %arg8[%get3A_1478, %get3A_1479] {strides = array<i32>} : memref<256x128xf32, #tpu.memory_space<vmem>>, vector<16xf32>,
      %add3A_1481 = arith.constant 3 : i32
      %add3A_1482 = arith.addi %add3A_1104, %add3A_1481 : i32
      %get3A_1483 = arith.index_cast %add3A_1482 : i32 to index
      %get3A_1484 = arith.constant 48 : index
      %get3A_1485 = tpu.vector_load %arg8[%get3A_1483, %get3A_1484] {strides = array<i32>} : memref<256x128xf32, #tpu.memory_space<vmem>>, vector<16xf32>,
      %add3A_1486 = arith.constant 3 : i32
      %add3A_1487 = arith.addi %add3A_1104, %add3A_1486 : i32
      %get3A_1488 = arith.index_cast %add3A_1487 : i32 to index
      %get3A_1489 = arith.constant 64 : index
      %get3A_1490 = tpu.vector_load %arg8[%get3A_1488, %get3A_1489] {strides = array<i32>} : memref<256x128xf32, #tpu.memory_space<vmem>>, vector<16xf32>,
      %add3A_1491 = arith.constant 3 : i32
      %add3A_1492 = arith.addi %add3A_1104, %add3A_1491 : i32
      %get3A_1493 = arith.index_cast %add3A_1492 : i32 to index
      %get3A_1494 = arith.constant 80 : index
      %get3A_1495 = tpu.vector_load %arg8[%get3A_1493, %get3A_1494] {strides = array<i32>} : memref<256x128xf32, #tpu.memory_space<vmem>>, vector<16xf32>,
      %add3A_1496 = arith.constant 3 : i32
      %add3A_1497 = arith.addi %add3A_1104, %add3A_1496 : i32
      %get3A_1498 = arith.index_cast %add3A_1497 : i32 to index
      %get3A_1499 = arith.constant 96 : index
      %get3A_1500 = tpu.vector_load %arg8[%get3A_1498, %get3A_1499] {strides = array<i32>} : memref<256x128xf32, #tpu.memory_space<vmem>>, vector<16xf32>,
      %add3A_1501 = arith.constant 3 : i32
      %add3A_1502 = arith.addi %add3A_1104, %add3A_1501 : i32
      %get3A_1503 = arith.index_cast %add3A_1502 : i32 to index
      %get3A_1504 = arith.constant 112 : index
      %get3A_1505 = tpu.vector_load %arg8[%get3A_1503, %get3A_1504] {strides = array<i32>} : memref<256x128xf32, #tpu.memory_space<vmem>>, vector<16xf32>,
      %add3A_1506 = arith.addf %get3A_1470, %get3A_1475 : vector<16xf32>
      %add3A_1507 = arith.addf %get3A_1480, %get3A_1485 : vector<16xf32>
      %add3A_1508 = arith.addf %get3A_1490, %get3A_1495 : vector<16xf32>
      %add3A_1509 = arith.addf %get3A_1500, %get3A_1505 : vector<16xf32>
      %add3A_1510 = arith.addf %add3A_1506, %add3A_1507 : vector<16xf32>
      %add3A_1511 = arith.addf %add3A_1508, %add3A_1509 : vector<16xf32>
      %add3A_1512 = arith.addf %add3A_1510, %add3A_1511 : vector<16xf32>
      %iota3A_1513 = tpu.iota {dimensions = array<i32: 0>} : vector<16xi32>
      %xor3A_1514 = arith.constant 8 : i32
      %xor3A_1515 = vector.broadcast %xor3A_1514 : i32 to vector<16xi32>
      %xor3A_1516 = arith.xori %iota3A_1513, %xor3A_1515 : vector<16xi32>
      %reshape3A_1517 = vector.shape_cast %xor3A_1516 : vector<16xi32> to vector<16x1xi32>
      %gather3A_1518 = vector.shape_cast %reshape3A_1517 : vector<16x1xi32> to vector<16xi32>
      %gather3A_1519 = tpu.dynamic_gather %add3A_1512[%gather3A_1518] in [0] : vector<16xf32>, vector<16xi32> -> vector<16xf32>
      %add3A_1520 = arith.addf %add3A_1512, %gather3A_1519 : vector<16xf32>
      %xor3A_1521 = arith.constant 4 : i32
      %xor3A_1522 = vector.broadcast %xor3A_1521 : i32 to vector<16xi32>
      %xor3A_1523 = arith.xori %iota3A_1513, %xor3A_1522 : vector<16xi32>
      %reshape3A_1524 = vector.shape_cast %xor3A_1523 : vector<16xi32> to vector<16x1xi32>
      %gather3A_1525 = vector.shape_cast %reshape3A_1524 : vector<16x1xi32> to vector<16xi32>
      %gather3A_1526 = tpu.dynamic_gather %add3A_1520[%gather3A_1525] in [0] : vector<16xf32>, vector<16xi32> -> vector<16xf32>
      %add3A_1527 = arith.addf %add3A_1520, %gather3A_1526 : vector<16xf32>
      %xor3A_1528 = arith.constant 2 : i32
      %xor3A_1529 = vector.broadcast %xor3A_1528 : i32 to vector<16xi32>
      %xor3A_1530 = arith.xori %iota3A_1513, %xor3A_1529 : vector<16xi32>
      %reshape3A_1531 = vector.shape_cast %xor3A_1530 : vector<16xi32> to vector<16x1xi32>
      %gather3A_1532 = vector.shape_cast %reshape3A_1531 : vector<16x1xi32> to vector<16xi32>
      %gather3A_1533 = tpu.dynamic_gather %add3A_1527[%gather3A_1532] in [0] : vector<16xf32>, vector<16xi32> -> vector<16xf32>
      %add3A_1534 = arith.addf %add3A_1527, %gather3A_1533 : vector<16xf32>
      %xor3A_1535 = arith.constant 1 : i32
      %xor3A_1536 = vector.broadcast %xor3A_1535 : i32 to vector<16xi32>
      %xor3A_1537 = arith.xori %iota3A_1513, %xor3A_1536 : vector<16xi32>
      %reshape3A_1538 = vector.shape_cast %xor3A_1537 : vector<16xi32> to vector<16x1xi32>
      %gather3A_1539 = vector.shape_cast %reshape3A_1538 : vector<16x1xi32> to vector<16xi32>
      %gather3A_1540 = tpu.dynamic_gather %add3A_1534[%gather3A_1539] in [0] : vector<16xf32>, vector<16xi32> -> vector<16xf32>
      %add3A_1541 = arith.addf %add3A_1534, %gather3A_1540 : vector<16xf32>
      %mul3A_1542 = arith.mulf %get3A_1470, %get3A_1470 : vector<16xf32>
      %mul3A_1543 = arith.mulf %get3A_1475, %get3A_1475 : vector<16xf32>
      %mul3A_1544 = arith.mulf %get3A_1480, %get3A_1480 : vector<16xf32>
      %mul3A_1545 = arith.mulf %get3A_1485, %get3A_1485 : vector<16xf32>
      %mul3A_1546 = arith.mulf %get3A_1490, %get3A_1490 : vector<16xf32>
      %mul3A_1547 = arith.mulf %get3A_1495, %get3A_1495 : vector<16xf32>
      %mul3A_1548 = arith.mulf %get3A_1500, %get3A_1500 : vector<16xf32>
      %mul3A_1549 = arith.mulf %get3A_1505, %get3A_1505 : vector<16xf32>
      %add3A_1550 = arith.addf %mul3A_1542, %mul3A_1543 : vector<16xf32>
      %add3A_1551 = arith.addf %mul3A_1544, %mul3A_1545 : vector<16xf32>
      %add3A_1552 = arith.addf %mul3A_1546, %mul3A_1547 : vector<16xf32>
      %add3A_1553 = arith.addf %mul3A_1548, %mul3A_1549 : vector<16xf32>
      %add3A_1554 = arith.addf %add3A_1550, %add3A_1551 : vector<16xf32>
      %add3A_1555 = arith.addf %add3A_1552, %add3A_1553 : vector<16xf32>
      %add3A_1556 = arith.addf %add3A_1554, %add3A_1555 : vector<16xf32>
      %iota3A_1557 = tpu.iota {dimensions = array<i32: 0>} : vector<16xi32>
      %xor3A_1558 = arith.constant 8 : i32
      %xor3A_1559 = vector.broadcast %xor3A_1558 : i32 to vector<16xi32>
      %xor3A_1560 = arith.xori %iota3A_1557, %xor3A_1559 : vector<16xi32>
      %reshape3A_1561 = vector.shape_cast %xor3A_1560 : vector<16xi32> to vector<16x1xi32>
      %gather3A_1562 = vector.shape_cast %reshape3A_1561 : vector<16x1xi32> to vector<16xi32>
      %gather3A_1563 = tpu.dynamic_gather %add3A_1556[%gather3A_1562] in [0] : vector<16xf32>, vector<16xi32> -> vector<16xf32>
      %add3A_1564 = arith.addf %add3A_1556, %gather3A_1563 : vector<16xf32>
      %xor3A_1565 = arith.constant 4 : i32
      %xor3A_1566 = vector.broadcast %xor3A_1565 : i32 to vector<16xi32>
      %xor3A_1567 = arith.xori %iota3A_1557, %xor3A_1566 : vector<16xi32>
      %reshape3A_1568 = vector.shape_cast %xor3A_1567 : vector<16xi32> to vector<16x1xi32>
      %gather3A_1569 = vector.shape_cast %reshape3A_1568 : vector<16x1xi32> to vector<16xi32>
      %gather3A_1570 = tpu.dynamic_gather %add3A_1564[%gather3A_1569] in [0] : vector<16xf32>, vector<16xi32> -> vector<16xf32>
      %add3A_1571 = arith.addf %add3A_1564, %gather3A_1570 : vector<16xf32>
      %xor3A_1572 = arith.constant 2 : i32
      %xor3A_1573 = vector.broadcast %xor3A_1572 : i32 to vector<16xi32>
      %xor3A_1574 = arith.xori %iota3A_1557, %xor3A_1573 : vector<16xi32>
      %reshape3A_1575 = vector.shape_cast %xor3A_1574 : vector<16xi32> to vector<16x1xi32>
      %gather3A_1576 = vector.shape_cast %reshape3A_1575 : vector<16x1xi32> to vector<16xi32>
      %gather3A_1577 = tpu.dynamic_gather %add3A_1571[%gather3A_1576] in [0] : vector<16xf32>, vector<16xi32> -> vector<16xf32>
      %add3A_1578 = arith.addf %add3A_1571, %gather3A_1577 : vector<16xf32>
      %xor3A_1579 = arith.constant 1 : i32
      %xor3A_1580 = vector.broadcast %xor3A_1579 : i32 to vector<16xi32>
      %xor3A_1581 = arith.xori %iota3A_1557, %xor3A_1580 : vector<16xi32>
      %reshape3A_1582 = vector.shape_cast %xor3A_1581 : vector<16xi32> to vector<16x1xi32>
      %gather3A_1583 = vector.shape_cast %reshape3A_1582 : vector<16x1xi32> to vector<16xi32>
      %gather3A_1584 = tpu.dynamic_gather %add3A_1578[%gather3A_1583] in [0] : vector<16xf32>, vector<16xi32> -> vector<16xf32>
      %add3A_1585 = arith.addf %add3A_1578, %gather3A_1584 : vector<16xf32>
      %mul3A_1586 = arith.constant 7.812500e-03 : f32
      %mul3A_1587 = vector.broadcast %mul3A_1586 : f32 to vector<16xf32>
      %mul3A_1588 = arith.mulf %add3A_1181, %mul3A_1587 : vector<16xf32>
      %mul3A_1589 = arith.constant 7.812500e-03 : f32
      %mul3A_1590 = vector.broadcast %mul3A_1589 : f32 to vector<16xf32>
      %mul3A_1591 = arith.mulf %add3A_1301, %mul3A_1590 : vector<16xf32>
      %mul3A_1592 = arith.constant 7.812500e-03 : f32
      %mul3A_1593 = vector.broadcast %mul3A_1592 : f32 to vector<16xf32>
      %mul3A_1594 = arith.mulf %add3A_1421, %mul3A_1593 : vector<16xf32>
      %mul3A_1595 = arith.constant 7.812500e-03 : f32
      %mul3A_1596 = vector.broadcast %mul3A_1595 : f32 to vector<16xf32>
      %mul3A_1597 = arith.mulf %add3A_1541, %mul3A_1596 : vector<16xf32>
      %mul3A_1598 = arith.mulf %add3A_1181, %add3A_1181 : vector<16xf32>
      %mul3A_1599 = arith.constant 7.812500e-03 : f32
      %mul3A_1600 = vector.broadcast %mul3A_1599 : f32 to vector<16xf32>
      %mul3A_1601 = arith.mulf %mul3A_1598, %mul3A_1600 : vector<16xf32>
      %sub3A_1602 = arith.subf %add3A_1225, %mul3A_1601 : vector<16xf32>
      %mul3A_1603 = arith.constant 0.00787401571 : f32
      %mul3A_1604 = vector.broadcast %mul3A_1603 : f32 to vector<16xf32>
      %mul3A_1605 = arith.mulf %sub3A_1602, %mul3A_1604 : vector<16xf32>
      %mul3A_1606 = arith.mulf %add3A_1301, %add3A_1301 : vector<16xf32>
      %mul3A_1607 = arith.constant 7.812500e-03 : f32
      %mul3A_1608 = vector.broadcast %mul3A_1607 : f32 to vector<16xf32>
      %mul3A_1609 = arith.mulf %mul3A_1606, %mul3A_1608 : vector<16xf32>
      %sub3A_1610 = arith.subf %add3A_1345, %mul3A_1609 : vector<16xf32>
      %mul3A_1611 = arith.constant 0.00787401571 : f32
      %mul3A_1612 = vector.broadcast %mul3A_1611 : f32 to vector<16xf32>
      %mul3A_1613 = arith.mulf %sub3A_1610, %mul3A_1612 : vector<16xf32>
      %mul3A_1614 = arith.mulf %add3A_1421, %add3A_1421 : vector<16xf32>
      %mul3A_1615 = arith.constant 7.812500e-03 : f32
      %mul3A_1616 = vector.broadcast %mul3A_1615 : f32 to vector<16xf32>
      %mul3A_1617 = arith.mulf %mul3A_1614, %mul3A_1616 : vector<16xf32>
      %sub3A_1618 = arith.subf %add3A_1465, %mul3A_1617 : vector<16xf32>
      %mul3A_1619 = arith.constant 0.00787401571 : f32
      %mul3A_1620 = vector.broadcast %mul3A_1619 : f32 to vector<16xf32>
      %mul3A_1621 = arith.mulf %sub3A_1618, %mul3A_1620 : vector<16xf32>
      %mul3A_1622 = arith.mulf %add3A_1541, %add3A_1541 : vector<16xf32>
      %mul3A_1623 = arith.constant 7.812500e-03 : f32
      %mul3A_1624 = vector.broadcast %mul3A_1623 : f32 to vector<16xf32>
      %mul3A_1625 = arith.mulf %mul3A_1622, %mul3A_1624 : vector<16xf32>
      %sub3A_1626 = arith.subf %add3A_1585, %mul3A_1625 : vector<16xf32>
      %mul3A_1627 = arith.constant 0.00787401571 : f32
      %mul3A_1628 = vector.broadcast %mul3A_1627 : f32 to vector<16xf32>
      %mul3A_1629 = arith.mulf %sub3A_1626, %mul3A_1628 : vector<16xf32>
      %eq3A_1630 = arith.constant 1 : i32
      %eq3A_1631 = vector.broadcast %eq3A_1630 : i32 to vector<16xi32>
      %eq3A_1632 = arith.cmpi eq, %iota3A_1105, %eq3A_1631 : vector<16xi32>
      %select_n3A_1633 = arith.select %eq3A_1632, %mul3A_1613, %mul3A_1605 : vector<16xi1>, vector<16xf32>
      %eq3A_1634 = arith.constant 2 : i32
      %eq3A_1635 = vector.broadcast %eq3A_1634 : i32 to vector<16xi32>
      %eq3A_1636 = arith.cmpi eq, %iota3A_1105, %eq3A_1635 : vector<16xi32>
      %select_n3A_1637 = arith.select %eq3A_1636, %mul3A_1621, %select_n3A_1633 : vector<16xi1>, vector<16xf32>
      %eq3A_1638 = arith.constant 3 : i32
      %eq3A_1639 = vector.broadcast %eq3A_1638 : i32 to vector<16xi32>
      %eq3A_1640 = arith.cmpi eq, %iota3A_1105, %eq3A_1639 : vector<16xi32>
      %select_n3A_1641 = arith.select %eq3A_1640, %mul3A_1629, %select_n3A_1637 : vector<16xi1>, vector<16xf32>
      %bitcast3A_1642 = vector.bitcast %select_n3A_1641 : vector<16xf32> to vector<16xi32>
      %shift_right_arithmetic3A_1643 = arith.constant 1 : i32
      %shift_right_arithmetic3A_1644 = vector.broadcast %shift_right_arithmetic3A_1643 : i32 to vector<16xi32>
      %shift_right_arithmetic3A_1645 = arith.shrsi %bitcast3A_1642, %shift_right_arithmetic3A_1644 : vector<16xi32>
      %sub3A_1646 = arith.constant 1597463007 : i32
      %sub3A_1647 = vector.broadcast %sub3A_1646 : i32 to vector<16xi32>
      %sub3A_1648 = arith.subi %sub3A_1647, %shift_right_arithmetic3A_1645 : vector<16xi32>
      %bitcast3A_1649 = vector.bitcast %sub3A_1648 : vector<16xi32> to vector<16xf32>
      %mul3A_1650 = arith.constant 5.000000e-01 : f32
      %mul3A_1651 = vector.broadcast %mul3A_1650 : f32 to vector<16xf32>
      %mul3A_1652 = arith.mulf %mul3A_1651, %select_n3A_1641 : vector<16xf32>
      %mul3A_1653 = arith.mulf %mul3A_1652, %bitcast3A_1649 : vector<16xf32>
      %mul3A_1654 = arith.mulf %mul3A_1653, %bitcast3A_1649 : vector<16xf32>
      %sub3A_1655 = arith.constant 1.500000e+00 : f32
      %sub3A_1656 = vector.broadcast %sub3A_1655 : f32 to vector<16xf32>
      %sub3A_1657 = arith.subf %sub3A_1656, %mul3A_1654 : vector<16xf32>
      %mul3A_1658 = arith.mulf %bitcast3A_1649, %sub3A_1657 : vector<16xf32>
      %mul3A_1659 = arith.constant 5.000000e-01 : f32
      %mul3A_1660 = vector.broadcast %mul3A_1659 : f32 to vector<16xf32>
      %mul3A_1661 = arith.mulf %mul3A_1660, %select_n3A_1641 : vector<16xf32>
      %mul3A_1662 = arith.mulf %mul3A_1661, %mul3A_1658 : vector<16xf32>
      %mul3A_1663 = arith.mulf %mul3A_1662, %mul3A_1658 : vector<16xf32>
      %sub3A_1664 = arith.constant 1.500000e+00 : f32
      %sub3A_1665 = vector.broadcast %sub3A_1664 : f32 to vector<16xf32>
      %sub3A_1666 = arith.subf %sub3A_1665, %mul3A_1663 : vector<16xf32>
      %mul3A_1667 = arith.mulf %mul3A_1658, %sub3A_1666 : vector<16xf32>
      %broadcast_in_dim3A = arith.constant 0 : i32
      %broadcast_in_dim3A_1668 = vector.broadcast %broadcast_in_dim3A : i32 to vector<16xi32>
      %reshape3A_1669 = vector.shape_cast %broadcast_in_dim3A_1668 : vector<16xi32> to vector<16x1xi32>
      %gather3A_1670 = vector.shape_cast %reshape3A_1669 : vector<16x1xi32> to vector<16xi32>
      %gather3A_1671 = tpu.dynamic_gather %mul3A_1667[%gather3A_1670] in [0] : vector<16xf32>, vector<16xi32> -> vector<16xf32>
      %sub3A_1672 = arith.subf %get3A_1110, %mul3A_1588 : vector<16xf32>
      %mul3A_1673 = arith.mulf %sub3A_1672, %gather3A_1671 : vector<16xf32>
      %add3A_1674 = arith.constant 0 : i32
      %add3A_1675 = arith.addi %add3A_1104, %add3A_1674 : i32
      %swap3A_1676 = arith.index_cast %add3A_1675 : i32 to index
      %swap3A_1677 = arith.constant 0 : index
      %swap3A_1678 = tpu.vector_load %arg8[%swap3A_1676, %swap3A_1677] {strides = array<i32>} : memref<256x128xf32, #tpu.memory_space<vmem>>, vector<16xf32>,
      tpu.vector_store %arg8[%swap3A_1676, %swap3A_1677], %mul3A_1673 {strides = array<i32>} : memref<256x128xf32, #tpu.memory_space<vmem>>, vector<16xf32>,
      %sub3A_1679 = arith.subf %get3A_1115, %mul3A_1588 : vector<16xf32>
      %mul3A_1680 = arith.mulf %sub3A_1679, %gather3A_1671 : vector<16xf32>
      %add3A_1681 = arith.constant 0 : i32
      %add3A_1682 = arith.addi %add3A_1104, %add3A_1681 : i32
      %swap3A_1683 = arith.index_cast %add3A_1682 : i32 to index
      %swap3A_1684 = arith.constant 16 : index
      %swap3A_1685 = tpu.vector_load %arg8[%swap3A_1683, %swap3A_1684] {strides = array<i32>} : memref<256x128xf32, #tpu.memory_space<vmem>>, vector<16xf32>,
      tpu.vector_store %arg8[%swap3A_1683, %swap3A_1684], %mul3A_1680 {strides = array<i32>} : memref<256x128xf32, #tpu.memory_space<vmem>>, vector<16xf32>,
      %sub3A_1686 = arith.subf %get3A_1120, %mul3A_1588 : vector<16xf32>
      %mul3A_1687 = arith.mulf %sub3A_1686, %gather3A_1671 : vector<16xf32>
      %add3A_1688 = arith.constant 0 : i32
      %add3A_1689 = arith.addi %add3A_1104, %add3A_1688 : i32
      %swap3A_1690 = arith.index_cast %add3A_1689 : i32 to index
      %swap3A_1691 = arith.constant 32 : index
      %swap3A_1692 = tpu.vector_load %arg8[%swap3A_1690, %swap3A_1691] {strides = array<i32>} : memref<256x128xf32, #tpu.memory_space<vmem>>, vector<16xf32>,
      tpu.vector_store %arg8[%swap3A_1690, %swap3A_1691], %mul3A_1687 {strides = array<i32>} : memref<256x128xf32, #tpu.memory_space<vmem>>, vector<16xf32>,
      %sub3A_1693 = arith.subf %get3A_1125, %mul3A_1588 : vector<16xf32>
      %mul3A_1694 = arith.mulf %sub3A_1693, %gather3A_1671 : vector<16xf32>
      %add3A_1695 = arith.constant 0 : i32
      %add3A_1696 = arith.addi %add3A_1104, %add3A_1695 : i32
      %swap3A_1697 = arith.index_cast %add3A_1696 : i32 to index
      %swap3A_1698 = arith.constant 48 : index
      %swap3A_1699 = tpu.vector_load %arg8[%swap3A_1697, %swap3A_1698] {strides = array<i32>} : memref<256x128xf32, #tpu.memory_space<vmem>>, vector<16xf32>,
      tpu.vector_store %arg8[%swap3A_1697, %swap3A_1698], %mul3A_1694 {strides = array<i32>} : memref<256x128xf32, #tpu.memory_space<vmem>>, vector<16xf32>,
      %sub3A_1700 = arith.subf %get3A_1130, %mul3A_1588 : vector<16xf32>
      %mul3A_1701 = arith.mulf %sub3A_1700, %gather3A_1671 : vector<16xf32>
      %add3A_1702 = arith.constant 0 : i32
      %add3A_1703 = arith.addi %add3A_1104, %add3A_1702 : i32
      %swap3A_1704 = arith.index_cast %add3A_1703 : i32 to index
      %swap3A_1705 = arith.constant 64 : index
      %swap3A_1706 = tpu.vector_load %arg8[%swap3A_1704, %swap3A_1705] {strides = array<i32>} : memref<256x128xf32, #tpu.memory_space<vmem>>, vector<16xf32>,
      tpu.vector_store %arg8[%swap3A_1704, %swap3A_1705], %mul3A_1701 {strides = array<i32>} : memref<256x128xf32, #tpu.memory_space<vmem>>, vector<16xf32>,
      %sub3A_1707 = arith.subf %get3A_1135, %mul3A_1588 : vector<16xf32>
      %mul3A_1708 = arith.mulf %sub3A_1707, %gather3A_1671 : vector<16xf32>
      %add3A_1709 = arith.constant 0 : i32
      %add3A_1710 = arith.addi %add3A_1104, %add3A_1709 : i32
      %swap3A_1711 = arith.index_cast %add3A_1710 : i32 to index
      %swap3A_1712 = arith.constant 80 : index
      %swap3A_1713 = tpu.vector_load %arg8[%swap3A_1711, %swap3A_1712] {strides = array<i32>} : memref<256x128xf32, #tpu.memory_space<vmem>>, vector<16xf32>,
      tpu.vector_store %arg8[%swap3A_1711, %swap3A_1712], %mul3A_1708 {strides = array<i32>} : memref<256x128xf32, #tpu.memory_space<vmem>>, vector<16xf32>,
      %sub3A_1714 = arith.subf %get3A_1140, %mul3A_1588 : vector<16xf32>
      %mul3A_1715 = arith.mulf %sub3A_1714, %gather3A_1671 : vector<16xf32>
      %add3A_1716 = arith.constant 0 : i32
      %add3A_1717 = arith.addi %add3A_1104, %add3A_1716 : i32
      %swap3A_1718 = arith.index_cast %add3A_1717 : i32 to index
      %swap3A_1719 = arith.constant 96 : index
      %swap3A_1720 = tpu.vector_load %arg8[%swap3A_1718, %swap3A_1719] {strides = array<i32>} : memref<256x128xf32, #tpu.memory_space<vmem>>, vector<16xf32>,
      tpu.vector_store %arg8[%swap3A_1718, %swap3A_1719], %mul3A_1715 {strides = array<i32>} : memref<256x128xf32, #tpu.memory_space<vmem>>, vector<16xf32>,
      %sub3A_1721 = arith.subf %get3A_1145, %mul3A_1588 : vector<16xf32>
      %mul3A_1722 = arith.mulf %sub3A_1721, %gather3A_1671 : vector<16xf32>
      %add3A_1723 = arith.constant 0 : i32
      %add3A_1724 = arith.addi %add3A_1104, %add3A_1723 : i32
      %swap3A_1725 = arith.index_cast %add3A_1724 : i32 to index
      %swap3A_1726 = arith.constant 112 : index
      %swap3A_1727 = tpu.vector_load %arg8[%swap3A_1725, %swap3A_1726] {strides = array<i32>} : memref<256x128xf32, #tpu.memory_space<vmem>>, vector<16xf32>,
      tpu.vector_store %arg8[%swap3A_1725, %swap3A_1726], %mul3A_1722 {strides = array<i32>} : memref<256x128xf32, #tpu.memory_space<vmem>>, vector<16xf32>,
      %broadcast_in_dim3A_1728 = arith.constant 1 : i32
      %broadcast_in_dim3A_1729 = vector.broadcast %broadcast_in_dim3A_1728 : i32 to vector<16xi32>
      %reshape3A_1730 = vector.shape_cast %broadcast_in_dim3A_1729 : vector<16xi32> to vector<16x1xi32>
      %gather3A_1731 = vector.shape_cast %reshape3A_1730 : vector<16x1xi32> to vector<16xi32>
      %gather3A_1732 = tpu.dynamic_gather %mul3A_1667[%gather3A_1731] in [0] : vector<16xf32>, vector<16xi32> -> vector<16xf32>
      %sub3A_1733 = arith.subf %get3A_1230, %mul3A_1591 : vector<16xf32>
      %mul3A_1734 = arith.mulf %sub3A_1733, %gather3A_1732 : vector<16xf32>
      %add3A_1735 = arith.constant 1 : i32
      %add3A_1736 = arith.addi %add3A_1104, %add3A_1735 : i32
      %swap3A_1737 = arith.index_cast %add3A_1736 : i32 to index
      %swap3A_1738 = arith.constant 0 : index
      %swap3A_1739 = tpu.vector_load %arg8[%swap3A_1737, %swap3A_1738] {strides = array<i32>} : memref<256x128xf32, #tpu.memory_space<vmem>>, vector<16xf32>,
      tpu.vector_store %arg8[%swap3A_1737, %swap3A_1738], %mul3A_1734 {strides = array<i32>} : memref<256x128xf32, #tpu.memory_space<vmem>>, vector<16xf32>,
      %sub3A_1740 = arith.subf %get3A_1235, %mul3A_1591 : vector<16xf32>
      %mul3A_1741 = arith.mulf %sub3A_1740, %gather3A_1732 : vector<16xf32>
      %add3A_1742 = arith.constant 1 : i32
      %add3A_1743 = arith.addi %add3A_1104, %add3A_1742 : i32
      %swap3A_1744 = arith.index_cast %add3A_1743 : i32 to index
      %swap3A_1745 = arith.constant 16 : index
      %swap3A_1746 = tpu.vector_load %arg8[%swap3A_1744, %swap3A_1745] {strides = array<i32>} : memref<256x128xf32, #tpu.memory_space<vmem>>, vector<16xf32>,
      tpu.vector_store %arg8[%swap3A_1744, %swap3A_1745], %mul3A_1741 {strides = array<i32>} : memref<256x128xf32, #tpu.memory_space<vmem>>, vector<16xf32>,
      %sub3A_1747 = arith.subf %get3A_1240, %mul3A_1591 : vector<16xf32>
      %mul3A_1748 = arith.mulf %sub3A_1747, %gather3A_1732 : vector<16xf32>
      %add3A_1749 = arith.constant 1 : i32
      %add3A_1750 = arith.addi %add3A_1104, %add3A_1749 : i32
      %swap3A_1751 = arith.index_cast %add3A_1750 : i32 to index
      %swap3A_1752 = arith.constant 32 : index
      %swap3A_1753 = tpu.vector_load %arg8[%swap3A_1751, %swap3A_1752] {strides = array<i32>} : memref<256x128xf32, #tpu.memory_space<vmem>>, vector<16xf32>,
      tpu.vector_store %arg8[%swap3A_1751, %swap3A_1752], %mul3A_1748 {strides = array<i32>} : memref<256x128xf32, #tpu.memory_space<vmem>>, vector<16xf32>,
      %sub3A_1754 = arith.subf %get3A_1245, %mul3A_1591 : vector<16xf32>
      %mul3A_1755 = arith.mulf %sub3A_1754, %gather3A_1732 : vector<16xf32>
      %add3A_1756 = arith.constant 1 : i32
      %add3A_1757 = arith.addi %add3A_1104, %add3A_1756 : i32
      %swap3A_1758 = arith.index_cast %add3A_1757 : i32 to index
      %swap3A_1759 = arith.constant 48 : index
      %swap3A_1760 = tpu.vector_load %arg8[%swap3A_1758, %swap3A_1759] {strides = array<i32>} : memref<256x128xf32, #tpu.memory_space<vmem>>, vector<16xf32>,
      tpu.vector_store %arg8[%swap3A_1758, %swap3A_1759], %mul3A_1755 {strides = array<i32>} : memref<256x128xf32, #tpu.memory_space<vmem>>, vector<16xf32>,
      %sub3A_1761 = arith.subf %get3A_1250, %mul3A_1591 : vector<16xf32>
      %mul3A_1762 = arith.mulf %sub3A_1761, %gather3A_1732 : vector<16xf32>
      %add3A_1763 = arith.constant 1 : i32
      %add3A_1764 = arith.addi %add3A_1104, %add3A_1763 : i32
      %swap3A_1765 = arith.index_cast %add3A_1764 : i32 to index
      %swap3A_1766 = arith.constant 64 : index
      %swap3A_1767 = tpu.vector_load %arg8[%swap3A_1765, %swap3A_1766] {strides = array<i32>} : memref<256x128xf32, #tpu.memory_space<vmem>>, vector<16xf32>,
      tpu.vector_store %arg8[%swap3A_1765, %swap3A_1766], %mul3A_1762 {strides = array<i32>} : memref<256x128xf32, #tpu.memory_space<vmem>>, vector<16xf32>,
      %sub3A_1768 = arith.subf %get3A_1255, %mul3A_1591 : vector<16xf32>
      %mul3A_1769 = arith.mulf %sub3A_1768, %gather3A_1732 : vector<16xf32>
      %add3A_1770 = arith.constant 1 : i32
      %add3A_1771 = arith.addi %add3A_1104, %add3A_1770 : i32
      %swap3A_1772 = arith.index_cast %add3A_1771 : i32 to index
      %swap3A_1773 = arith.constant 80 : index
      %swap3A_1774 = tpu.vector_load %arg8[%swap3A_1772, %swap3A_1773] {strides = array<i32>} : memref<256x128xf32, #tpu.memory_space<vmem>>, vector<16xf32>,
      tpu.vector_store %arg8[%swap3A_1772, %swap3A_1773], %mul3A_1769 {strides = array<i32>} : memref<256x128xf32, #tpu.memory_space<vmem>>, vector<16xf32>,
      %sub3A_1775 = arith.subf %get3A_1260, %mul3A_1591 : vector<16xf32>
      %mul3A_1776 = arith.mulf %sub3A_1775, %gather3A_1732 : vector<16xf32>
      %add3A_1777 = arith.constant 1 : i32
      %add3A_1778 = arith.addi %add3A_1104, %add3A_1777 : i32
      %swap3A_1779 = arith.index_cast %add3A_1778 : i32 to index
      %swap3A_1780 = arith.constant 96 : index
      %swap3A_1781 = tpu.vector_load %arg8[%swap3A_1779, %swap3A_1780] {strides = array<i32>} : memref<256x128xf32, #tpu.memory_space<vmem>>, vector<16xf32>,
      tpu.vector_store %arg8[%swap3A_1779, %swap3A_1780], %mul3A_1776 {strides = array<i32>} : memref<256x128xf32, #tpu.memory_space<vmem>>, vector<16xf32>,
      %sub3A_1782 = arith.subf %get3A_1265, %mul3A_1591 : vector<16xf32>
      %mul3A_1783 = arith.mulf %sub3A_1782, %gather3A_1732 : vector<16xf32>
      %add3A_1784 = arith.constant 1 : i32
      %add3A_1785 = arith.addi %add3A_1104, %add3A_1784 : i32
      %swap3A_1786 = arith.index_cast %add3A_1785 : i32 to index
      %swap3A_1787 = arith.constant 112 : index
      %swap3A_1788 = tpu.vector_load %arg8[%swap3A_1786, %swap3A_1787] {strides = array<i32>} : memref<256x128xf32, #tpu.memory_space<vmem>>, vector<16xf32>,
      tpu.vector_store %arg8[%swap3A_1786, %swap3A_1787], %mul3A_1783 {strides = array<i32>} : memref<256x128xf32, #tpu.memory_space<vmem>>, vector<16xf32>,
      %broadcast_in_dim3A_1789 = arith.constant 2 : i32
      %broadcast_in_dim3A_1790 = vector.broadcast %broadcast_in_dim3A_1789 : i32 to vector<16xi32>
      %reshape3A_1791 = vector.shape_cast %broadcast_in_dim3A_1790 : vector<16xi32> to vector<16x1xi32>
      %gather3A_1792 = vector.shape_cast %reshape3A_1791 : vector<16x1xi32> to vector<16xi32>
      %gather3A_1793 = tpu.dynamic_gather %mul3A_1667[%gather3A_1792] in [0] : vector<16xf32>, vector<16xi32> -> vector<16xf32>
      %sub3A_1794 = arith.subf %get3A_1350, %mul3A_1594 : vector<16xf32>
      %mul3A_1795 = arith.mulf %sub3A_1794, %gather3A_1793 : vector<16xf32>
      %add3A_1796 = arith.constant 2 : i32
      %add3A_1797 = arith.addi %add3A_1104, %add3A_1796 : i32
      %swap3A_1798 = arith.index_cast %add3A_1797 : i32 to index
      %swap3A_1799 = arith.constant 0 : index
      %swap3A_1800 = tpu.vector_load %arg8[%swap3A_1798, %swap3A_1799] {strides = array<i32>} : memref<256x128xf32, #tpu.memory_space<vmem>>, vector<16xf32>,
      tpu.vector_store %arg8[%swap3A_1798, %swap3A_1799], %mul3A_1795 {strides = array<i32>} : memref<256x128xf32, #tpu.memory_space<vmem>>, vector<16xf32>,
      %sub3A_1801 = arith.subf %get3A_1355, %mul3A_1594 : vector<16xf32>
      %mul3A_1802 = arith.mulf %sub3A_1801, %gather3A_1793 : vector<16xf32>
      %add3A_1803 = arith.constant 2 : i32
      %add3A_1804 = arith.addi %add3A_1104, %add3A_1803 : i32
      %swap3A_1805 = arith.index_cast %add3A_1804 : i32 to index
      %swap3A_1806 = arith.constant 16 : index
      %swap3A_1807 = tpu.vector_load %arg8[%swap3A_1805, %swap3A_1806] {strides = array<i32>} : memref<256x128xf32, #tpu.memory_space<vmem>>, vector<16xf32>,
      tpu.vector_store %arg8[%swap3A_1805, %swap3A_1806], %mul3A_1802 {strides = array<i32>} : memref<256x128xf32, #tpu.memory_space<vmem>>, vector<16xf32>,
      %sub3A_1808 = arith.subf %get3A_1360, %mul3A_1594 : vector<16xf32>
      %mul3A_1809 = arith.mulf %sub3A_1808, %gather3A_1793 : vector<16xf32>
      %add3A_1810 = arith.constant 2 : i32
      %add3A_1811 = arith.addi %add3A_1104, %add3A_1810 : i32
      %swap3A_1812 = arith.index_cast %add3A_1811 : i32 to index
      %swap3A_1813 = arith.constant 32 : index
      %swap3A_1814 = tpu.vector_load %arg8[%swap3A_1812, %swap3A_1813] {strides = array<i32>} : memref<256x128xf32, #tpu.memory_space<vmem>>, vector<16xf32>,
      tpu.vector_store %arg8[%swap3A_1812, %swap3A_1813], %mul3A_1809 {strides = array<i32>} : memref<256x128xf32, #tpu.memory_space<vmem>>, vector<16xf32>,
      %sub3A_1815 = arith.subf %get3A_1365, %mul3A_1594 : vector<16xf32>
      %mul3A_1816 = arith.mulf %sub3A_1815, %gather3A_1793 : vector<16xf32>
      %add3A_1817 = arith.constant 2 : i32
      %add3A_1818 = arith.addi %add3A_1104, %add3A_1817 : i32
      %swap3A_1819 = arith.index_cast %add3A_1818 : i32 to index
      %swap3A_1820 = arith.constant 48 : index
      %swap3A_1821 = tpu.vector_load %arg8[%swap3A_1819, %swap3A_1820] {strides = array<i32>} : memref<256x128xf32, #tpu.memory_space<vmem>>, vector<16xf32>,
      tpu.vector_store %arg8[%swap3A_1819, %swap3A_1820], %mul3A_1816 {strides = array<i32>} : memref<256x128xf32, #tpu.memory_space<vmem>>, vector<16xf32>,
      %sub3A_1822 = arith.subf %get3A_1370, %mul3A_1594 : vector<16xf32>
      %mul3A_1823 = arith.mulf %sub3A_1822, %gather3A_1793 : vector<16xf32>
      %add3A_1824 = arith.constant 2 : i32
      %add3A_1825 = arith.addi %add3A_1104, %add3A_1824 : i32
      %swap3A_1826 = arith.index_cast %add3A_1825 : i32 to index
      %swap3A_1827 = arith.constant 64 : index
      %swap3A_1828 = tpu.vector_load %arg8[%swap3A_1826, %swap3A_1827] {strides = array<i32>} : memref<256x128xf32, #tpu.memory_space<vmem>>, vector<16xf32>,
      tpu.vector_store %arg8[%swap3A_1826, %swap3A_1827], %mul3A_1823 {strides = array<i32>} : memref<256x128xf32, #tpu.memory_space<vmem>>, vector<16xf32>,
      %sub3A_1829 = arith.subf %get3A_1375, %mul3A_1594 : vector<16xf32>
      %mul3A_1830 = arith.mulf %sub3A_1829, %gather3A_1793 : vector<16xf32>
      %add3A_1831 = arith.constant 2 : i32
      %add3A_1832 = arith.addi %add3A_1104, %add3A_1831 : i32
      %swap3A_1833 = arith.index_cast %add3A_1832 : i32 to index
      %swap3A_1834 = arith.constant 80 : index
      %swap3A_1835 = tpu.vector_load %arg8[%swap3A_1833, %swap3A_1834] {strides = array<i32>} : memref<256x128xf32, #tpu.memory_space<vmem>>, vector<16xf32>,
      tpu.vector_store %arg8[%swap3A_1833, %swap3A_1834], %mul3A_1830 {strides = array<i32>} : memref<256x128xf32, #tpu.memory_space<vmem>>, vector<16xf32>,
      %sub3A_1836 = arith.subf %get3A_1380, %mul3A_1594 : vector<16xf32>
      %mul3A_1837 = arith.mulf %sub3A_1836, %gather3A_1793 : vector<16xf32>
      %add3A_1838 = arith.constant 2 : i32
      %add3A_1839 = arith.addi %add3A_1104, %add3A_1838 : i32
      %swap3A_1840 = arith.index_cast %add3A_1839 : i32 to index
      %swap3A_1841 = arith.constant 96 : index
      %swap3A_1842 = tpu.vector_load %arg8[%swap3A_1840, %swap3A_1841] {strides = array<i32>} : memref<256x128xf32, #tpu.memory_space<vmem>>, vector<16xf32>,
      tpu.vector_store %arg8[%swap3A_1840, %swap3A_1841], %mul3A_1837 {strides = array<i32>} : memref<256x128xf32, #tpu.memory_space<vmem>>, vector<16xf32>,
      %sub3A_1843 = arith.subf %get3A_1385, %mul3A_1594 : vector<16xf32>
      %mul3A_1844 = arith.mulf %sub3A_1843, %gather3A_1793 : vector<16xf32>
      %add3A_1845 = arith.constant 2 : i32
      %add3A_1846 = arith.addi %add3A_1104, %add3A_1845 : i32
      %swap3A_1847 = arith.index_cast %add3A_1846 : i32 to index
      %swap3A_1848 = arith.constant 112 : index
      %swap3A_1849 = tpu.vector_load %arg8[%swap3A_1847, %swap3A_1848] {strides = array<i32>} : memref<256x128xf32, #tpu.memory_space<vmem>>, vector<16xf32>,
      tpu.vector_store %arg8[%swap3A_1847, %swap3A_1848], %mul3A_1844 {strides = array<i32>} : memref<256x128xf32, #tpu.memory_space<vmem>>, vector<16xf32>,
      %broadcast_in_dim3A_1850 = arith.constant 3 : i32
      %broadcast_in_dim3A_1851 = vector.broadcast %broadcast_in_dim3A_1850 : i32 to vector<16xi32>
      %reshape3A_1852 = vector.shape_cast %broadcast_in_dim3A_1851 : vector<16xi32> to vector<16x1xi32>
      %gather3A_1853 = vector.shape_cast %reshape3A_1852 : vector<16x1xi32> to vector<16xi32>
      %gather3A_1854 = tpu.dynamic_gather %mul3A_1667[%gather3A_1853] in [0] : vector<16xf32>, vector<16xi32> -> vector<16xf32>
      %sub3A_1855 = arith.subf %get3A_1470, %mul3A_1597 : vector<16xf32>
      %mul3A_1856 = arith.mulf %sub3A_1855, %gather3A_1854 : vector<16xf32>
      %add3A_1857 = arith.constant 3 : i32
      %add3A_1858 = arith.addi %add3A_1104, %add3A_1857 : i32
      %swap3A_1859 = arith.index_cast %add3A_1858 : i32 to index
      %swap3A_1860 = arith.constant 0 : index
      %swap3A_1861 = tpu.vector_load %arg8[%swap3A_1859, %swap3A_1860] {strides = array<i32>} : memref<256x128xf32, #tpu.memory_space<vmem>>, vector<16xf32>,
      tpu.vector_store %arg8[%swap3A_1859, %swap3A_1860], %mul3A_1856 {strides = array<i32>} : memref<256x128xf32, #tpu.memory_space<vmem>>, vector<16xf32>,
      %sub3A_1862 = arith.subf %get3A_1475, %mul3A_1597 : vector<16xf32>
      %mul3A_1863 = arith.mulf %sub3A_1862, %gather3A_1854 : vector<16xf32>
      %add3A_1864 = arith.constant 3 : i32
      %add3A_1865 = arith.addi %add3A_1104, %add3A_1864 : i32
      %swap3A_1866 = arith.index_cast %add3A_1865 : i32 to index
      %swap3A_1867 = arith.constant 16 : index
      %swap3A_1868 = tpu.vector_load %arg8[%swap3A_1866, %swap3A_1867] {strides = array<i32>} : memref<256x128xf32, #tpu.memory_space<vmem>>, vector<16xf32>,
      tpu.vector_store %arg8[%swap3A_1866, %swap3A_1867], %mul3A_1863 {strides = array<i32>} : memref<256x128xf32, #tpu.memory_space<vmem>>, vector<16xf32>,
      %sub3A_1869 = arith.subf %get3A_1480, %mul3A_1597 : vector<16xf32>
      %mul3A_1870 = arith.mulf %sub3A_1869, %gather3A_1854 : vector<16xf32>
      %add3A_1871 = arith.constant 3 : i32
      %add3A_1872 = arith.addi %add3A_1104, %add3A_1871 : i32
      %swap3A_1873 = arith.index_cast %add3A_1872 : i32 to index
      %swap3A_1874 = arith.constant 32 : index
      %swap3A_1875 = tpu.vector_load %arg8[%swap3A_1873, %swap3A_1874] {strides = array<i32>} : memref<256x128xf32, #tpu.memory_space<vmem>>, vector<16xf32>,
      tpu.vector_store %arg8[%swap3A_1873, %swap3A_1874], %mul3A_1870 {strides = array<i32>} : memref<256x128xf32, #tpu.memory_space<vmem>>, vector<16xf32>,
      %sub3A_1876 = arith.subf %get3A_1485, %mul3A_1597 : vector<16xf32>
      %mul3A_1877 = arith.mulf %sub3A_1876, %gather3A_1854 : vector<16xf32>
      %add3A_1878 = arith.constant 3 : i32
      %add3A_1879 = arith.addi %add3A_1104, %add3A_1878 : i32
      %swap3A_1880 = arith.index_cast %add3A_1879 : i32 to index
      %swap3A_1881 = arith.constant 48 : index
      %swap3A_1882 = tpu.vector_load %arg8[%swap3A_1880, %swap3A_1881] {strides = array<i32>} : memref<256x128xf32, #tpu.memory_space<vmem>>, vector<16xf32>,
      tpu.vector_store %arg8[%swap3A_1880, %swap3A_1881], %mul3A_1877 {strides = array<i32>} : memref<256x128xf32, #tpu.memory_space<vmem>>, vector<16xf32>,
      %sub3A_1883 = arith.subf %get3A_1490, %mul3A_1597 : vector<16xf32>
      %mul3A_1884 = arith.mulf %sub3A_1883, %gather3A_1854 : vector<16xf32>
      %add3A_1885 = arith.constant 3 : i32
      %add3A_1886 = arith.addi %add3A_1104, %add3A_1885 : i32
      %swap3A_1887 = arith.index_cast %add3A_1886 : i32 to index
      %swap3A_1888 = arith.constant 64 : index
      %swap3A_1889 = tpu.vector_load %arg8[%swap3A_1887, %swap3A_1888] {strides = array<i32>} : memref<256x128xf32, #tpu.memory_space<vmem>>, vector<16xf32>,
      tpu.vector_store %arg8[%swap3A_1887, %swap3A_1888], %mul3A_1884 {strides = array<i32>} : memref<256x128xf32, #tpu.memory_space<vmem>>, vector<16xf32>,
      %sub3A_1890 = arith.subf %get3A_1495, %mul3A_1597 : vector<16xf32>
      %mul3A_1891 = arith.mulf %sub3A_1890, %gather3A_1854 : vector<16xf32>
      %add3A_1892 = arith.constant 3 : i32
      %add3A_1893 = arith.addi %add3A_1104, %add3A_1892 : i32
      %swap3A_1894 = arith.index_cast %add3A_1893 : i32 to index
      %swap3A_1895 = arith.constant 80 : index
      %swap3A_1896 = tpu.vector_load %arg8[%swap3A_1894, %swap3A_1895] {strides = array<i32>} : memref<256x128xf32, #tpu.memory_space<vmem>>, vector<16xf32>,
      tpu.vector_store %arg8[%swap3A_1894, %swap3A_1895], %mul3A_1891 {strides = array<i32>} : memref<256x128xf32, #tpu.memory_space<vmem>>, vector<16xf32>,
      %sub3A_1897 = arith.subf %get3A_1500, %mul3A_1597 : vector<16xf32>
      %mul3A_1898 = arith.mulf %sub3A_1897, %gather3A_1854 : vector<16xf32>
      %add3A_1899 = arith.constant 3 : i32
      %add3A_1900 = arith.addi %add3A_1104, %add3A_1899 : i32
      %swap3A_1901 = arith.index_cast %add3A_1900 : i32 to index
      %swap3A_1902 = arith.constant 96 : index
      %swap3A_1903 = tpu.vector_load %arg8[%swap3A_1901, %swap3A_1902] {strides = array<i32>} : memref<256x128xf32, #tpu.memory_space<vmem>>, vector<16xf32>,
      tpu.vector_store %arg8[%swap3A_1901, %swap3A_1902], %mul3A_1898 {strides = array<i32>} : memref<256x128xf32, #tpu.memory_space<vmem>>, vector<16xf32>,
      %sub3A_1904 = arith.subf %get3A_1505, %mul3A_1597 : vector<16xf32>
      %mul3A_1905 = arith.mulf %sub3A_1904, %gather3A_1854 : vector<16xf32>
      %add3A_1906 = arith.constant 3 : i32
      %add3A_1907 = arith.addi %add3A_1104, %add3A_1906 : i32
      %swap3A_1908 = arith.index_cast %add3A_1907 : i32 to index
      %swap3A_1909 = arith.constant 112 : index
      %swap3A_1910 = tpu.vector_load %arg8[%swap3A_1908, %swap3A_1909] {strides = array<i32>} : memref<256x128xf32, #tpu.memory_space<vmem>>, vector<16xf32>,
      tpu.vector_store %arg8[%swap3A_1908, %swap3A_1909], %mul3A_1905 {strides = array<i32>} : memref<256x128xf32, #tpu.memory_space<vmem>>, vector<16xf32>,
    }
    %scan3A_1009 = arith.constant 16 : i32
    %add3A_1010 = arith.constant 192 : i32
    %add3A_1011 = arith.addi %mul3A_32, %add3A_1010 : i32
    %dma_start3A_1012 = arith.constant 192 : i32
    %dma_start3A_1013 = arith.constant 0 : i32
    %dma_start3A_1014 = tpu.memref_slice %arg8[%dma_start3A_1012, %dma_start3A_1013] : memref<256x128xf32, #tpu.memory_space<vmem>> -> memref<64x128xf32, #tpu.memory_space<vmem>>
    %dma_start3A_1015 = arith.constant 0 : i32
    %dma_start3A_1016 = tpu.memref_slice %arg6[%select_n3A, %add3A_1011, %dma_start3A_1015] : memref<4x2048x128xf32, #tpu.memory_space<hbm>> -> memref<1x64x128xf32, #tpu.memory_space<hbm>>
    %dma_start3A_1017 = tpu.memref_squeeze %dma_start3A_1016 : memref<1x64x128xf32, #tpu.memory_space<hbm>> -> memref<64x128xf32, #tpu.memory_space<hbm>>
    %dma_start3A_1018 = arith.constant 0 : i32
    %dma_start3A_1019 = tpu.memref_slice %arg6[%select_n3A, %add3A_1011, %dma_start3A_1018] : memref<4x2048x128xf32, #tpu.memory_space<hbm>> -> memref<1x64x128xf32, #tpu.memory_space<hbm>>
    %dma_start3A_1020 = tpu.memref_squeeze %dma_start3A_1019 : memref<1x64x128xf32, #tpu.memory_space<hbm>> -> memref<64x128xf32, #tpu.memory_space<hbm>>
    %dma_start3A_1021 = arith.constant 192 : i32
    %dma_start3A_1022 = arith.constant 0 : i32
    %dma_start3A_1023 = tpu.memref_slice %arg8[%dma_start3A_1021, %dma_start3A_1022] : memref<256x128xf32, #tpu.memory_space<vmem>> -> memref<64x128xf32, #tpu.memory_space<vmem>>
    tpu.enqueue_dma source(%dma_start3A_1023 : memref<64x128xf32, #tpu.memory_space<vmem>>) target(%dma_start3A_1020 : memref<64x128xf32, #tpu.memory_space<hbm>>) target_semaphore(%arg14 : memref<!tpu.dma_semaphore, #tpu.memory_space<semaphore_mem>>)
    %dma_wait3A_1024 = arith.constant 0 : i32
    %dma_wait3A_1025 = arith.constant 0 : i32
    %dma_wait3A_1026 = tpu.memref_slice %arg5[%dma_wait3A_1024, %mul3A_120, %dma_wait3A_1025] : memref<4x128x128xf32, #tpu.memory_space<hbm>> -> memref<1x4x128xf32, #tpu.memory_space<hbm>>
    %dma_wait3A_1027 = tpu.memref_squeeze %dma_wait3A_1026 : memref<1x4x128xf32, #tpu.memory_space<hbm>> -> memref<4x128xf32, #tpu.memory_space<hbm>>
    %dma_wait3A_1028 = arith.constant 0 : i32
    %dma_wait3A_1029 = tpu.memref_slice %arg5[%dma_wait3A_1024, %mul3A_120, %dma_wait3A_1028] : memref<4x128x128xf32, #tpu.memory_space<hbm>> -> memref<1x4x128xf32, #tpu.memory_space<hbm>>
    %dma_wait3A_1030 = tpu.memref_squeeze %dma_wait3A_1029 : memref<1x4x128xf32, #tpu.memory_space<hbm>> -> memref<4x128xf32, #tpu.memory_space<hbm>>
    tpu.wait_dma2 semaphore(%arg14 : memref<!tpu.dma_semaphore, #tpu.memory_space<semaphore_mem>>) src(%arg9 : memref<4x128xf32, #tpu.memory_space<vmem>>) dst(%dma_wait3A_1030 : memref<4x128xf32, #tpu.memory_space<hbm>>)
    %dma_wait3A_1031 = arith.constant 1 : i32
    %dma_wait3A_1032 = arith.constant 0 : i32
    %dma_wait3A_1033 = tpu.memref_slice %arg5[%dma_wait3A_1031, %mul3A_120, %dma_wait3A_1032] : memref<4x128x128xf32, #tpu.memory_space<hbm>> -> memref<1x4x128xf32, #tpu.memory_space<hbm>>
    %dma_wait3A_1034 = tpu.memref_squeeze %dma_wait3A_1033 : memref<1x4x128xf32, #tpu.memory_space<hbm>> -> memref<4x128xf32, #tpu.memory_space<hbm>>
    %dma_wait3A_1035 = arith.constant 0 : i32
    %dma_wait3A_1036 = tpu.memref_slice %arg5[%dma_wait3A_1031, %mul3A_120, %dma_wait3A_1035] : memref<4x128x128xf32, #tpu.memory_space<hbm>> -> memref<1x4x128xf32, #tpu.memory_space<hbm>>
    %dma_wait3A_1037 = tpu.memref_squeeze %dma_wait3A_1036 : memref<1x4x128xf32, #tpu.memory_space<hbm>> -> memref<4x128xf32, #tpu.memory_space<hbm>>
    tpu.wait_dma2 semaphore(%arg14 : memref<!tpu.dma_semaphore, #tpu.memory_space<semaphore_mem>>) src(%arg9 : memref<4x128xf32, #tpu.memory_space<vmem>>) dst(%dma_wait3A_1037 : memref<4x128xf32, #tpu.memory_space<hbm>>)
    %dma_wait3A_1038 = arith.constant 2 : i32
    %dma_wait3A_1039 = arith.constant 0 : i32
    %dma_wait3A_1040 = tpu.memref_slice %arg5[%dma_wait3A_1038, %mul3A_120, %dma_wait3A_1039] : memref<4x128x128xf32, #tpu.memory_space<hbm>> -> memref<1x4x128xf32, #tpu.memory_space<hbm>>
    %dma_wait3A_1041 = tpu.memref_squeeze %dma_wait3A_1040 : memref<1x4x128xf32, #tpu.memory_space<hbm>> -> memref<4x128xf32, #tpu.memory_space<hbm>>
    %dma_wait3A_1042 = arith.constant 0 : i32
    %dma_wait3A_1043 = tpu.memref_slice %arg5[%dma_wait3A_1038, %mul3A_120, %dma_wait3A_1042] : memref<4x128x128xf32, #tpu.memory_space<hbm>> -> memref<1x4x128xf32, #tpu.memory_space<hbm>>
    %dma_wait3A_1044 = tpu.memref_squeeze %dma_wait3A_1043 : memref<1x4x128xf32, #tpu.memory_space<hbm>> -> memref<4x128xf32, #tpu.memory_space<hbm>>
    tpu.wait_dma2 semaphore(%arg14 : memref<!tpu.dma_semaphore, #tpu.memory_space<semaphore_mem>>) src(%arg9 : memref<4x128xf32, #tpu.memory_space<vmem>>) dst(%dma_wait3A_1044 : memref<4x128xf32, #tpu.memory_space<hbm>>)
    %dma_wait3A_1045 = arith.constant 3 : i32
    %dma_wait3A_1046 = arith.constant 0 : i32
    %dma_wait3A_1047 = tpu.memref_slice %arg5[%dma_wait3A_1045, %mul3A_120, %dma_wait3A_1046] : memref<4x128x128xf32, #tpu.memory_space<hbm>> -> memref<1x4x128xf32, #tpu.memory_space<hbm>>
    %dma_wait3A_1048 = tpu.memref_squeeze %dma_wait3A_1047 : memref<1x4x128xf32, #tpu.memory_space<hbm>> -> memref<4x128xf32, #tpu.memory_space<hbm>>
    %dma_wait3A_1049 = arith.constant 0 : i32
    %dma_wait3A_1050 = tpu.memref_slice %arg5[%dma_wait3A_1045, %mul3A_120, %dma_wait3A_1049] : memref<4x128x128xf32, #tpu.memory_space<hbm>> -> memref<1x4x128xf32, #tpu.memory_space<hbm>>
    %dma_wait3A_1051 = tpu.memref_squeeze %dma_wait3A_1050 : memref<1x4x128xf32, #tpu.memory_space<hbm>> -> memref<4x128xf32, #tpu.memory_space<hbm>>
    tpu.wait_dma2 semaphore(%arg14 : memref<!tpu.dma_semaphore, #tpu.memory_space<semaphore_mem>>) src(%arg9 : memref<4x128xf32, #tpu.memory_space<vmem>>) dst(%dma_wait3A_1051 : memref<4x128xf32, #tpu.memory_space<hbm>>)
    %dma_wait3A_1052 = arith.constant 0 : i32
    %dma_wait3A_1053 = arith.constant 0 : i32
    %dma_wait3A_1054 = tpu.memref_slice %arg8[%dma_wait3A_1052, %dma_wait3A_1053] : memref<256x128xf32, #tpu.memory_space<vmem>> -> memref<64x128xf32, #tpu.memory_space<vmem>>
    %dma_wait3A_1055 = arith.constant 0 : i32
    %dma_wait3A_1056 = tpu.memref_slice %arg6[%select_n3A, %add3A_924, %dma_wait3A_1055] : memref<4x2048x128xf32, #tpu.memory_space<hbm>> -> memref<1x64x128xf32, #tpu.memory_space<hbm>>
    %dma_wait3A_1057 = tpu.memref_squeeze %dma_wait3A_1056 : memref<1x64x128xf32, #tpu.memory_space<hbm>> -> memref<64x128xf32, #tpu.memory_space<hbm>>
    %dma_wait3A_1058 = arith.constant 0 : i32
    %dma_wait3A_1059 = tpu.memref_slice %arg6[%select_n3A, %add3A_924, %dma_wait3A_1058] : memref<4x2048x128xf32, #tpu.memory_space<hbm>> -> memref<1x64x128xf32, #tpu.memory_space<hbm>>
    %dma_wait3A_1060 = tpu.memref_squeeze %dma_wait3A_1059 : memref<1x64x128xf32, #tpu.memory_space<hbm>> -> memref<64x128xf32, #tpu.memory_space<hbm>>
    %dma_wait3A_1061 = arith.constant 0 : i32
    %dma_wait3A_1062 = arith.constant 0 : i32
    %dma_wait3A_1063 = tpu.memref_slice %arg8[%dma_wait3A_1061, %dma_wait3A_1062] : memref<256x128xf32, #tpu.memory_space<vmem>> -> memref<64x128xf32, #tpu.memory_space<vmem>>
    tpu.wait_dma2 semaphore(%arg14 : memref<!tpu.dma_semaphore, #tpu.memory_space<semaphore_mem>>) src(%dma_wait3A_1063 : memref<64x128xf32, #tpu.memory_space<vmem>>) dst(%dma_wait3A_1060 : memref<64x128xf32, #tpu.memory_space<hbm>>)
    %dma_wait3A_1064 = arith.constant 64 : i32
    %dma_wait3A_1065 = arith.constant 0 : i32
    %dma_wait3A_1066 = tpu.memref_slice %arg8[%dma_wait3A_1064, %dma_wait3A_1065] : memref<256x128xf32, #tpu.memory_space<vmem>> -> memref<64x128xf32, #tpu.memory_space<vmem>>
    %dma_wait3A_1067 = arith.constant 0 : i32
    %dma_wait3A_1068 = tpu.memref_slice %arg6[%select_n3A, %add3A_953, %dma_wait3A_1067] : memref<4x2048x128xf32, #tpu.memory_space<hbm>> -> memref<1x64x128xf32, #tpu.memory_space<hbm>>
    %dma_wait3A_1069 = tpu.memref_squeeze %dma_wait3A_1068 : memref<1x64x128xf32, #tpu.memory_space<hbm>> -> memref<64x128xf32, #tpu.memory_space<hbm>>
    %dma_wait3A_1070 = arith.constant 0 : i32
    %dma_wait3A_1071 = tpu.memref_slice %arg6[%select_n3A, %add3A_953, %dma_wait3A_1070] : memref<4x2048x128xf32, #tpu.memory_space<hbm>> -> memref<1x64x128xf32, #tpu.memory_space<hbm>>
    %dma_wait3A_1072 = tpu.memref_squeeze %dma_wait3A_1071 : memref<1x64x128xf32, #tpu.memory_space<hbm>> -> memref<64x128xf32, #tpu.memory_space<hbm>>
    %dma_wait3A_1073 = arith.constant 64 : i32
    %dma_wait3A_1074 = arith.constant 0 : i32
    %dma_wait3A_1075 = tpu.memref_slice %arg8[%dma_wait3A_1073, %dma_wait3A_1074] : memref<256x128xf32, #tpu.memory_space<vmem>> -> memref<64x128xf32, #tpu.memory_space<vmem>>
    tpu.wait_dma2 semaphore(%arg14 : memref<!tpu.dma_semaphore, #tpu.memory_space<semaphore_mem>>) src(%dma_wait3A_1075 : memref<64x128xf32, #tpu.memory_space<vmem>>) dst(%dma_wait3A_1072 : memref<64x128xf32, #tpu.memory_space<hbm>>)
    %dma_wait3A_1076 = arith.constant 128 : i32
    %dma_wait3A_1077 = arith.constant 0 : i32
    %dma_wait3A_1078 = tpu.memref_slice %arg8[%dma_wait3A_1076, %dma_wait3A_1077] : memref<256x128xf32, #tpu.memory_space<vmem>> -> memref<64x128xf32, #tpu.memory_space<vmem>>
    %dma_wait3A_1079 = arith.constant 0 : i32
    %dma_wait3A_1080 = tpu.memref_slice %arg6[%select_n3A, %add3A_982, %dma_wait3A_1079] : memref<4x2048x128xf32, #tpu.memory_space<hbm>> -> memref<1x64x128xf32, #tpu.memory_space<hbm>>
    %dma_wait3A_1081 = tpu.memref_squeeze %dma_wait3A_1080 : memref<1x64x128xf32, #tpu.memory_space<hbm>> -> memref<64x128xf32, #tpu.memory_space<hbm>>
    %dma_wait3A_1082 = arith.constant 0 : i32
    %dma_wait3A_1083 = tpu.memref_slice %arg6[%select_n3A, %add3A_982, %dma_wait3A_1082] : memref<4x2048x128xf32, #tpu.memory_space<hbm>> -> memref<1x64x128xf32, #tpu.memory_space<hbm>>
    %dma_wait3A_1084 = tpu.memref_squeeze %dma_wait3A_1083 : memref<1x64x128xf32, #tpu.memory_space<hbm>> -> memref<64x128xf32, #tpu.memory_space<hbm>>
    %dma_wait3A_1085 = arith.constant 128 : i32
    %dma_wait3A_1086 = arith.constant 0 : i32
    %dma_wait3A_1087 = tpu.memref_slice %arg8[%dma_wait3A_1085, %dma_wait3A_1086] : memref<256x128xf32, #tpu.memory_space<vmem>> -> memref<64x128xf32, #tpu.memory_space<vmem>>
    tpu.wait_dma2 semaphore(%arg14 : memref<!tpu.dma_semaphore, #tpu.memory_space<semaphore_mem>>) src(%dma_wait3A_1087 : memref<64x128xf32, #tpu.memory_space<vmem>>) dst(%dma_wait3A_1084 : memref<64x128xf32, #tpu.memory_space<hbm>>)
    %dma_wait3A_1088 = arith.constant 192 : i32
    %dma_wait3A_1089 = arith.constant 0 : i32
    %dma_wait3A_1090 = tpu.memref_slice %arg8[%dma_wait3A_1088, %dma_wait3A_1089] : memref<256x128xf32, #tpu.memory_space<vmem>> -> memref<64x128xf32, #tpu.memory_space<vmem>>
    %dma_wait3A_1091 = arith.constant 0 : i32
    %dma_wait3A_1092 = tpu.memref_slice %arg6[%select_n3A, %add3A_1011, %dma_wait3A_1091] : memref<4x2048x128xf32, #tpu.memory_space<hbm>> -> memref<1x64x128xf32, #tpu.memory_space<hbm>>
    %dma_wait3A_1093 = tpu.memref_squeeze %dma_wait3A_1092 : memref<1x64x128xf32, #tpu.memory_space<hbm>> -> memref<64x128xf32, #tpu.memory_space<hbm>>
    %dma_wait3A_1094 = arith.constant 0 : i32
    %dma_wait3A_1095 = tpu.memref_slice %arg6[%select_n3A, %add3A_1011, %dma_wait3A_1094] : memref<4x2048x128xf32, #tpu.memory_space<hbm>> -> memref<1x64x128xf32, #tpu.memory_space<hbm>>
    %dma_wait3A_1096 = tpu.memref_squeeze %dma_wait3A_1095 : memref<1x64x128xf32, #tpu.memory_space<hbm>> -> memref<64x128xf32, #tpu.memory_space<hbm>>
    %dma_wait3A_1097 = arith.constant 192 : i32
    %dma_wait3A_1098 = arith.constant 0 : i32
    %dma_wait3A_1099 = tpu.memref_slice %arg8[%dma_wait3A_1097, %dma_wait3A_1098] : memref<256x128xf32, #tpu.memory_space<vmem>> -> memref<64x128xf32, #tpu.memory_space<vmem>>
    tpu.wait_dma2 semaphore(%arg14 : memref<!tpu.dma_semaphore, #tpu.memory_space<semaphore_mem>>) src(%dma_wait3A_1099 : memref<64x128xf32, #tpu.memory_space<vmem>>) dst(%dma_wait3A_1096 : memref<64x128xf32, #tpu.memory_space<hbm>>)
    return
  }
}

</mosaic_0001>

<sc_bundles>
// kernel: kernel.3.cloned.1.call-start
scs
__scs_entry_jumppad:
0x0: {  	(pc) =	sbr.rel $0x88, $3  }
0x1: {  	(tag) =	ssettag $0x0;
	lr =	simm.s32 $0x1  }
0x2: {  	[smem:$0x3F9E] =	sst lr;
	_ =	strace $0xD0000000  }
0x3: {  	_ = 	snop  }
0x4: {  	_ = 	snop  }
0x5: {  	_ = 	snop  }
0x6: {  	_ = 	snop  }
0x7: {  	_ = 	snop  }
__scs_overlays_trampoline_lowered:
0x8: {  	[smem:$0x3FAD] =	sst s0  }
0x9: {  	[smem:$0x3FAE] =	sst s1  }
0xa: {  	[smem:$0x3FAF] =	sst s2  }
0xb: {  	[smem:$0x3FB0] =	sst s3  }
0xc: {  	[smem:$0x3FB1] =	sst s4  }
0xd: {  	[smem:$0x3FB2] =	sst s5  }
0xe: {  	[smem:$0x3FB3] =	sst s6  }
0xf: {  	[smem:$0x3FB4] =	sst s7  }
0x10: {  	[smem:$0x3FB5] =	sst s8  }
0x11: {  	[smem:$0x3FB6] =	sst s9;
	s0 =	simm.s32 @!p0 $0x0  }
0x12: {  	s1 =	sld [smem:$0x3F9C];
	s0 =	simm.s32 @p0 $0x1  }
0x13: {  	[smem:$0x3FB7] =	sst s0;
	s0 =	simm.s32 @!p1 $0x0  }
0x14: {  	s2 =	sld [smem:$0x3F9B];
	s0 =	simm.s32 @p1 $0x1  }
0x15: {  	[smem:$0x3FB8] =	sst s0;
	s0 =	simm.s32 @!p2 $0x0  }
0x16: {  	s3 =	sld [smem:$0x3FDB];
	s0 =	simm.s32 @p2 $0x1  }
0x17: {  	s4 =	simm.s32 $0x1BF5;
	[smem:$0x3FBA] =	sst s0  }
0x18: {  	s0 =	sld [smem:$0x3F9D];
	_ =	swait.ge [sflag:s4], $0x0  }
0x19: {  	s7 =	sld [smem:$0x3F9E]  }
0x1a: {  	s8 =	sadd.s32 $0xFFFFE003, lr  }
0x1b: {  	s9 =	sadd.s32 $0xFFFFFEF7, lr;
	s5 =	simm.s32 $0xFFFFFFFF;
	p2 =	slt.u32 s8, $0xFFFFF086  }
0x1c: {  	p1 =	slt.u32 s9, $0xF7A;
	s5 =	simm.s32 @!p2 $0x0  }
0x1d: {  	s5 =	simm.s32 @p1 $0x1;
	p0 =	seq.s32 s7, s2  }
0x1e: {  	s7 =	smul.u32 @!p0 $0xF7A, s2;
	p2 =	seq.s32 @!p0 s5, $0x0  }
0x1f: {  	s9 =	smul.u32 $0xF7A, s1;
	s8 =	simm.s32 @!p0 $0x1BF5;
	p2 =	por !p2, p0  }
0x20: {  	[sflag:s8] =	ssyncset.s32 @!p0 $0xFFFFF086;
	s6 =	sadd.s32 @!p0 s3, s7;
	s7 =	simm.s32 @!p0 $0x108  }
0x21: {  	s3 =	sadd.s32 s3, s9;
	s6 =	sadd.s32 @!p0 $0x88, s6;
	s7 =	simm.s32 @p2 $0x1082  }
0x22: {  	[simem:s7], [sflag:s8] =	dma.local @!p0 [hbm:s6], $0xF7A  }
0x23: {  	s9 =	sor.u32 $0xD0000000, s2;
	s6 =	simm.s32 $0x108;
	_ =	swait.ge @!p0 [sflag:s8], $0x0  }
0x24: {  	s3 =	sadd.s32 $0x88, s3;
	s6 =	simm.s32 @!p1 $0x1082;
	[sflag:s4] =	ssyncset.s32 $0xFFFFF086  }
0x25: {  	[simem:s6], [sflag:s4] =	dma.local [hbm:s3], $0xF7A  }
0x26: {  	[smem:$0x3F9E] =	sst s1;
	(tag) =	ssettag s2;
	_ =	strace s9  }
0x27: {  	s1 =	sld [smem:$0x3FAE]  }
0x28: {  	s2 =	sld [smem:$0x3FAF]  }
0x29: {  	s4 =	sld [smem:$0x3FB1]  }
0x2a: {  	p0 =	seq.s32 s5, $0x0;
	s5 =	sld [smem:$0x3FB2]  }
0x2b: {  	s6 =	sld [smem:$0x3FB3]  }
0x2c: {  	s7 =	sld [smem:$0x3FB4]  }
0x2d: {  	s3 =	simm.s32 $0x108;
	s8 =	sld [smem:$0x3FB5]  }
0x2e: {  	s3 =	simm.s32 @!p0 $0x1082;
	s9 =	sld [smem:$0x3FB6]  }
0x2f: {  	lr =	sadd.s32 s0, s3;
	s0 =	sld [smem:$0x3FAD]  }
0x30: {  	s3 =	sld [smem:$0x3FB0]  }
0x31: {  	[smem:$0x3FB9] =	sst s10  }
0x32: {  	s10 =	sld [smem:$0x3FB7];
	_ =	sdelay $0x3  }
0x33: {  	p0 =	seq.s32 s10, $0x1;
	s10 =	sld [smem:$0x3FB9];
	_ =	sdelay $0x3  }
0x34: {  	[smem:$0x3FB9] =	sst s10  }
0x35: {  	s10 =	sld [smem:$0x3FB8];
	_ =	sdelay $0x3  }
0x36: {  	p1 =	seq.s32 s10, $0x1;
	s10 =	sld [smem:$0x3FB9];
	_ =	sdelay $0x3  }
0x37: {  	[smem:$0x3FB9] =	sst s10  }
0x38: {  	s10 =	sld [smem:$0x3FBA]  }
0x39: {  	_ = 	snop;
	(pc) =	sbr.ind lr, $3  }
0x3a: {  	_ = 	snop  }
0x3b: {  	_ = 	snop  }
0x3c: {  	p2 =	seq.s32 s10, $0x1;
	s10 =	sld [smem:$0x3FB9]  }
0x3d: {  	_ =	shalt  }
0x3e: {  	_ =	shalt  }
0x3f: {  	_ =	shalt  }
0x40: {  	_ =	shalt  }
0x41: {  	_ =	shalt  }
0x42: {  	_ =	shalt  }
0x43: {  	_ =	shalt  }
0x44: {  	_ =	shalt  }
0x45: {  	_ =	shalt  }
0x46: {  	_ =	shalt  }
0x47: {  	_ =	shalt  }
0x48: {  	_ =	shalt  }
0x49: {  	_ =	shalt  }
0x4a: {  	_ =	shalt  }
0x4b: {  	_ =	shalt  }
0x4c: {  	_ =	shalt  }
0x4d: {  	_ =	shalt  }
0x4e: {  	_ =	shalt  }
0x4f: {  	_ =	shalt  }
0x50: {  	_ =	shalt  }
0x51: {  	_ =	shalt  }
0x52: {  	_ =	shalt  }
0x53: {  	_ =	shalt  }
0x54: {  	_ =	shalt  }
0x55: {  	_ =	shalt  }
0x56: {  	_ =	shalt  }
0x57: {  	_ =	shalt  }
0x58: {  	_ =	shalt  }
0x59: {  	_ =	shalt  }
0x5a: {  	_ =	shalt  }
0x5b: {  	_ =	shalt  }
0x5c: {  	_ =	shalt  }
0x5d: {  	_ =	shalt  }
0x5e: {  	_ =	shalt  }
0x5f: {  	_ =	shalt  }
0x60: {  	_ =	shalt  }
0x61: {  	_ =	shalt  }
0x62: {  	_ =	shalt  }
0x63: {  	_ =	shalt  }
0x64: {  	_ =	shalt  }
0x65: {  	_ =	shalt  }
0x66: {  	_ =	shalt  }
0x67: {  	_ =	shalt  }
0x68: {  	_ =	shalt  }
0x69: {  	_ =	shalt  }
0x6a: {  	_ =	shalt  }
0x6b: {  	_ =	shalt  }
0x6c: {  	_ =	shalt  }
0x6d: {  	_ =	shalt  }
0x6e: {  	_ =	shalt  }
0x6f: {  	_ =	shalt  }
0x70: {  	_ =	shalt  }
0x71: {  	_ =	shalt  }
0x72: {  	_ =	shalt  }
0x73: {  	_ =	shalt  }
0x74: {  	_ =	shalt  }
0x75: {  	_ =	shalt  }
0x76: {  	_ =	shalt  }
0x77: {  	_ =	shalt  }
0x78: {  	_ =	shalt  }
0x79: {  	_ =	shalt  }
0x7a: {  	_ =	shalt  }
0x7b: {  	_ =	shalt  }
0x7c: {  	_ =	shalt  }
0x7d: {  	_ =	shalt  }
0x7e: {  	_ =	shalt  }
0x7f: {  	_ =	shalt  }
0x80: {  	_ =	shalt  }
0x81: {  	_ =	shalt  }
0x82: {  	_ =	shalt  }
0x83: {  	_ =	shalt  }
0x84: {  	_ =	shalt  }
0x85: {  	_ =	shalt  }
0x86: {  	_ =	shalt  }
0x87: {  	_ =	shalt  }
.Lfunc_end0:
.L_simem_size_0:
called_computation_lowered:
.L_overlay_start_0:
0x88: {  	s2 =	sld [smem:$0x3FD9]  }
0x89: {  	s3 =	sld [smem:$0x3FFE];
	_ =	sdelay $0x1  }
0x8a: {  	s1 =	srdreg.scid  }
0x8b: {  	s0 =	sand.u32 $0x1, s1  }
0x8c: {  	s15 =	sshll.u32 s0, $0xA;
	s2 =	sadd.s32 s3, s2  }
0x8d: {  	s2 =	sadd.s32 s2, s15  }
0x8e: {  	[smem:$0x3FC5] =	sst s2  }
0x8f: {  	_ = 	snop  }
0x90: {  	s2 =	sld [smem:$0x3FD0]  }
0x91: {  	s16 =	sld [smem:$0x3FC9]  }
0x92: {  	s4 =	sld [smem:$0x3FC8]  }
0x93: {  	s6 =	simm.s32 $0xA;
	s7 =	simm.s32 $0x10;
	s5 =	sld [smem:$0x3FC7]  }
0x94: {  	[smem:s7], [sflag:s6] =	dma.local [hbm:s2], $0x1  }
0x95: {  	_ =	swait.eq [sflag:s6], $0x1  }
0x96: {  	[sflag:s6] =	ssyncset.done $0x0  }
0x97: {  	s17 =	sld [smem:$0x10];
	[sflag:s6] =	ssyncadd.s32 $0xFFFFFFFF  }
0x98: {  	s18 =	sld [smem:$0x11];
	(tm) =	ssettm $0x1  }
0x99: {  	s19 =	sld [smem:$0x3FFB];
	_ =	sdelay $0x3  }
0x9a: {  	_ =	strace s19  }
0x9b: {  	s7 =	sld [smem:$0x3FFC];
	_ =	sdelay $0x3  }
0x9c: {  	_ =	strace s7  }
0x9d: {  	s7 =	sld [smem:$0x3FFD];
	_ =	sdelay $0x3  }
0x9e: {  	_ =	strace s7  }
0x9f: {  	_ =	strace $0x8FFFFFFF  }
0xa0: {  	s20 =	sld [smem:$0x3FDB];
	_ =	sdelay $0x1  }
0xa1: {  	s8 =	simm.s32 $_scs_section_size  }
0xa2: {  	s9 =	simm.s32 $_size__tile_overlayer_lowered;
	s10 =	simm.s32 $_tile_overlayer_lowered  }
0xa3: {  	s23 =	simm.s32 $0x1BFF;
	s22 =	sshll.u32 s10, $0x1;
	s7 =	sadd.s32 s8, s20  }
0xa4: {  	s11 =	simm.s32 $0x0;
	s21 =	sshll.u32 s9, $0x1;
	s9 =	sadd.s32 s22, s7  }
0xa5: {  	[timem:s11], [sflag:s23] =	dma.local [hbm:s9], s21  }
0xa6: {  	_ =	swait.ge [sflag:s23], s21  }
0xa7: {  	s8 =	ssub.s32 $0x0, s21;
	[sflag:s23] =	ssyncset.done $0x0  }
0xa8: {  	[sflag:s23] =	ssyncadd.s32 s8;
	_ =	sdelay $0x1  }
0xa9: {  	s24 =	simm.s32 $0x1B8B  }
0xaa: {  	_ =	swait.ge [sflag:s24], $0x1  }
0xab: {  	[sflag:s24] =	ssyncset.done $0x0  }
0xac: {  	s25 =	simm.s32 $0x1B8E;
	[sflag:s24] =	ssyncadd.s32 $0xFFFFFFFF  }
0xad: {  	s26 =	simm.s32 $execute0_lowered;
	[smem:$0x3FD2] =	sst s25  }
0xae: {  	s8 =	sshll.u32 s26, $0x1;
	_ =	strace $0x80000046;
	[dreg:$0x1] =	wrdreg $0xFFFFFFFF  }
0xaf: {  	s28 =	simm.s32 $_size_execute0_lowered;
	s7 =	sadd.s32 s7, s8;
	[dreg:$0x0] =	wrdreg $0x0  }
0xb0: {  	s8 =	sshll.u32 s28, $0x1;
	[dreg:$0x2] =	wrdreg s7  }
0xb1: {  	[dreg:$0x3] =	wrdreg s8  }
0xb2: {  	[dreg:$0x4] =	wrdreg $0xC0  }
0xb3: {  	_ =	task [dreg:s11], $0x5FFFF  }
0xb4: {  	[dreg:$0x1] =	wrdreg $0xFFFFFFFF  }
0xb5: {  	[dreg:$0x0] =	wrdreg $0x60  }
0xb6: {  	[dreg:$0x2] =	wrdreg s16  }
0xb7: {  	[dreg:$0x3] =	wrdreg s4  }
0xb8: {  	[dreg:$0x4] =	wrdreg s5  }
0xb9: {  	[dreg:$0x5] =	wrdreg s17  }
0xba: {  	[dreg:$0x6] =	wrdreg s18  }
0xbb: {  	[dreg:$0x7] =	wrdreg $0x9  }
0xbc: {  	_ =	task.clear_ibuf [dreg:s11], $0x8FFFF;
	_ =	strace $0x90000046  }
0xbd: {  	s29 =	simm.s32 $0x9;
	_ =	strace $0x80000048  }
0xbe: {  	_ =	swait.ge [sflag:s29], $0x1  }
0xbf: {  	[sflag:s29] =	ssyncadd.s32 $0xFFFFFFFF  }
0xc0: {  	_ =	strace $0x90000048  }
0xc1: {  	_ =	sfence  }
0xc2: {  	s30 =	sld [smem:$0x0];
	_ =	sdelay $0x2  }
0xc3: {  	s31 =	sshll.u32 s1, $0xD;
	s1 =	sshrl.u32 s1, $0x2  }
0xc4: {  	s3 =	sand.u32 $0x4000, s31;
	s1 =	sadd.s32 s1, s30  }
0xc5: {  	s0 =	sor.u32 s3, s0;
	s1 =	sshll.u32 s1, $0x11  }
0xc6: {  	s0 =	sor.u32 s1, s0  }
0xc7: {  	s0 =	sadd.s32 $0x8F2B, s0  }
0xc8: {  	[sflag:s0] =	ssyncadd.remote.s32 $0x1  }
0xc9: {  	_ =	sfence.sel $0xFFFF  }
0xca: {  	[dreg:$0x0] =	wrdreg $0xFFFFFFFF;
	(pc) =	sbr.abs _section_cstart, $3  }
0xcb: {  	[dreg:$0x1] =	wrdreg $0xFFFFFFFF  }
0xcc: {  	_ =	task.clear_ibuf [dreg:s11], $0x2FFFF;
	_ =	strace $0x9FFFFFFF  }
0xcd: {  	(tm) =	ssettm $0x7FFFFFFF  }
tec
execute0_lowered:
.L_overlay_start_1:
0x0: {  	(tag) =	ssettag $0x1  }
0x1: {  	s1 =	rddreg [dreg:$0x0]  }
0x2: {  	s6 =	rddreg [dreg:$0x1]  }
0x3: {  	s2 =	rddreg [dreg:$0x2]  }
0x4: {  	s7 =	rddreg [dreg:$0x3]  }
0x5: {  	s0 =	rddreg [dreg:$0x4]  }
0x6: {  	s16 =	stileid.u32;
	s4 =	srdreg.scid  }
0x7: {  	s3 =	simm.s32 $0x0;
	s28 =	simm.s32 $0x1;
	s29 =	simm.s32 $0x2  }
0x8: {  	s30 =	simm.s32 $0x5;
	s31 =	simm.s32 $0x0;
	s5 =	sshll.u32 s16, $0x1  }
0x9: {  	s8 =	sand.u32 $0x1, s4;
	[smem:$0x7FF] =	sst s3;
	s10 =	sshrl.u32 s16, $0x2  }
0xa: {  	s22 =	sshll.u32 s16, $0x7;
	s16 =	simm.s32 $0x80;
	s17 =	sand.u32 $0x6, s5  }
0xb: {  	_ =	strace $0x80000047;
	s11 =	sshll.u32 s10, $0x7;
	s19 =	ssub.s32 $0x2, s8  }
0xc: {  	v0 =	vimm.s32 $0xFEDCBA98;
	s21 =	sshll.u32 s8, $0x6;
	s23 =	sshll.u32 s10, $0x12;
	s9 =	sor.u32 s8, s17  }
0xd: {  	v1 =	vimm.s32 $0x76543210;
	v2 =	vimm.s32 $0xBA98FEDC;
	v3 =	vimm.s32 $0x32107654;
	s14 =	sshrl.u32 s19, $0x1;
	s17 =	simm.s32 $0x3;
	s4 =	sshll.u32 s9, $0x8  }
0xe: {  	v4 =	vimm.s32 $0xDCFE98BA;
	v5 =	vimm.s32 $0x54761032;
	s18 =	sshll.u32 s9, $0xA;
	s15 =	ssub.s32 s19, s14;
	s24 =	sshll.u32 s9, $0xF  }
0xf: {  	v6 =	vimm.s32 $0xEFCDAB89;
	v7 =	vimm.s32 $0x67452301;
	vm0 =	vcmask $0x310;
	s19 =	simm.s32 $0x100;
	s12 =	sor.u32 $0x80, s4;
	s5 =	sor.u32 s11, s18  }
0x10: {  	vm1 =	vcmask $0x710;
	vm2 =	vcmask $0xB10;
	v0 =	vunpack.c.l.s4.s8 v0;
	s25 =	sor.u32 s23, s24;
	s15 =	smax.u32 s15, $0x1;
	s18 =	simm.s32 $0x40  }
0x11: {  	v1 =	vunpack.c.l.s4.s8 v1;
	v2 =	vunpack.c.l.s4.s8 v2;
	v3 =	vunpack.c.l.s4.s8 v3;
	s24 =	simm.s32 $0x6100;
	s13 =	sshll.u32 s12, $0x2;
	s5 =	sshrl.u32 s5, $0x3  }
0x12: {  	v4 =	vunpack.c.l.s4.s8 v4;
	v5 =	vunpack.c.l.s4.s8 v5;
	v6 =	vunpack.c.l.s4.s8 v6;
	s12 =	sshll.u32 s12, $0x7;
	s11 =	sor.u32 s11, s13;
	s4 =	sadd.s32 s1, s5  }
0x13: {  	v7 =	vunpack.c.l.s4.s8 v7;
	v0 =	vunpack.c.0.s8.s32 v0;
	v2 =	vunpack.c.0.s8.s32 v2;
	s26 =	sor.u32 s23, s12;
	s23 =	simm.s32 $0xC0;
	s20 =	sshrl.u32 s11, $0x3  }
0x14: {  	v3 =	vunpack.c.0.s8.s32 v3;
	v4 =	vunpack.c.0.s8.s32 v4;
	v5 =	vunpack.c.0.s8.s32 v5;
	s5 =	sadd.s32 s1, s20;
	s1 =	sor.u32 s21, s22;
	s20 =	simm.s32 $0x2100  }
0x15: {  	v6 =	vunpack.c.0.s8.s32 v6;
	v7 =	vunpack.c.0.s8.s32 v7;
	v1 =	vunpack.c.0.s8.s32 v1;
	s21 =	simm.s32 $0x4;
	s22 =	simm.s32 $0x4100;
	s6 =	sadd.s32 s6, s1  }
0x16: {  	v2 =	vcombine.low v3, v2;
	v0 =	vand.u32 $0xF, v0;
	v3 =	vcombine.low v5, v4;
	s7 =	sadd.s32 s7, s1;
	s1 =	sshrl.u32 s25, $0x3;
	s25 =	simm.s32 $0x8100  }
0x17: {  	v4 =	vcombine.low v7, v6;
	v5 =	vimm.s32 $0x0;
	v6 =	vimm.s32 $0x2;
	s8 =	sadd.s32 $0x800, s7;
	s9 =	sadd.s32 $0x1000, s7;
	s10 =	sadd.s32 s0, s1  }
0x18: {  	v7 =	vimm.s32 $0x3;
	v0 =	vcombine.low v0, v1;
	v1 =	vand.u32 $0xF, v2;
	s11 =	sadd.s32 $0x1800, s7;
	s1 =	sshrl.u32 s26, $0x3;
	s26 =	simm.s32 $0x6  }
0x19: {  	v2 =	vand.u32 $0xF, v3;
	v3 =	vand.u32 $0xF, v4;
	v4 =	vimm.s32 $0x1;
	s12 =	sadd.s32 $0x400, s10;
	s13 =	sadd.s32 s0, s1;
	s14 =	sadd.s32 $0xC00, s10  }
.LBB2_1:
0x1a: {  	[tilespmem:s3], [sflag:$0x3] =	stream.linear.gather [hbm4b:s4+s3], $0x80, $0x38;
	[tilespmem:$0x8300] =	vst v63  }
0x1b: {  	_ = 	snop  }
0x1c: {  	[tilespmem:s16], [sflag:$0x4] =	stream.linear.gather [hbm4b:s5+s3], $0x80, $0x38;
	[tilespmem:$0x8300] =	vst v63  }
0x1d: {  	_ =	swait.ge [sflag:s17], $0x80  }
0x1e: {  	[sflag:s17] =	ssyncset.done $0x0  }
0x1f: {  	[sflag:s17] =	ssyncadd.s32 $0xFFFFFF80  }
0x20: {  	[tilespmem:s19], [sflag:$0x1] =	stream.indirect.gather [hbm4b:s2+s18], $0x80, s3, s18, $0xb8;
	[tilespmem:$0x8300] =	vst v63  }
0x21: {  	_ = 	snop  }
0x22: {  	[tilespmem:s20], [sflag:$0x2] =	stream.indirect.gather [hbm4b:s2+s18], $0x80, s18, s18, $0xb8;
	[tilespmem:$0x8300] =	vst v63  }
0x23: {  	_ =	swait.ge [sflag:s21], $0x80  }
0x24: {  	[sflag:s21] =	ssyncset.done $0x0  }
0x25: {  	[sflag:s21] =	ssyncadd.s32 $0xFFFFFF80  }
0x26: {  	[tilespmem:s22], [sflag:$0x3] =	stream.indirect.gather [hbm4b:s2+s18], $0x80, s16, s18, $0xb8;
	[tilespmem:$0x8300] =	vst v63  }
0x27: {  	_ = 	snop  }
0x28: {  	[tilespmem:s24], [sflag:$0x4] =	stream.indirect.gather [hbm4b:s2+s18], $0x80, s23, s18, $0xb8;
	[tilespmem:$0x8300] =	vst v63  }
0x29: {  	_ = 	snop  }
0x2a: {  	[tilespmem:s25], [sflag:$0x6] =	stream.linear.gather [hbm4b:s6+s3], $0x200, $0x38;
	[tilespmem:$0x8300] =	vst v63  }
0x2b: {  	_ =	swait.ge [sflag:s26], $0x200  }
0x2c: {  	[sflag:s26] =	ssyncset.done $0x0  }
0x2d: {  	[sflag:s26] =	ssyncadd.s32 $0xFFFFFE00  }
0x2e: {  	v8 =	vld [tilespmem:$0x8100]  }
0x2f: {  	v9 =	vld [tilespmem:$0x8110]  }
0x30: {  	v10 =	vld [tilespmem:$0x8120]  }
0x31: {  	v11 =	vld [tilespmem:$0x8130]  }
0x32: {  	v12 =	vld [tilespmem:$0x8140]  }
0x33: {  	v16 =	vld [tilespmem:$0x8150]  }
0x34: {  	v17 =	vld [tilespmem:$0x8160]  }
0x35: {  	v18 =	vld [tilespmem:$0x8170];
	_ =	sdelay $0x3  }
0x36: {  	v13 =	vadd.f32 v9, v8;
	v14 =	vadd.f32 v11, v10  }
0x37: {  	v15 =	vadd.f32 v16, v12;
	v19 =	vadd.f32 v18, v17;
	_ =	sdelay $0x1  }
0x38: {  	v63 =	vld [tilespmem:$0x8180];
	v13 =	vadd.f32 v14, v13;
	v62 =	vadd.f32 v19, v15  }
0x39: {  	v20 =	vld [tilespmem:$0x8190]  }
0x3a: {  	v21 =	vld [tilespmem:$0x81A0];
	v13 =	vadd.f32 v62, v13  }
0x3b: {  	v24 =	vld [tilespmem:$0x81B0]  }
0x3c: {  	v25 =	vld [tilespmem:$0x81C0];
	v14 =	vperm.xlane v13, v0  }
0x3d: {  	v26 =	vld [tilespmem:$0x81D0]  }
0x3e: {  	v27 =	vld [tilespmem:$0x81E0];
	v13 =	vadd.f32 v13, v14  }
0x3f: {  	v28 =	vld [tilespmem:$0x81F0]  }
0x40: {  	v14 =	vperm.xlane v13, v1;
	_ =	sdelay $0x1  }
0x41: {  	v13 =	vadd.f32 v13, v14  }
0x42: {  	v32 =	vld [tilespmem:$0x8220];
	v42 =	vadd.f32 v20, v63;
	v22 =	vadd.f32 v24, v21  }
0x43: {  	v34 =	vld [tilespmem:$0x8240];
	v23 =	vadd.f32 v26, v25;
	v29 =	vadd.f32 v28, v27;
	v14 =	vperm.xlane v13, v2  }
0x44: {  	v37 =	vld [tilespmem:$0x8250];
	v43 =	vadd.f32 v22, v42  }
0x45: {  	v39 =	vld [tilespmem:$0x8260];
	v44 =	vadd.f32 v29, v23;
	v13 =	vadd.f32 v13, v14  }
0x46: {  	v40 =	vld [tilespmem:$0x8270]  }
0x47: {  	v33 =	vld [tilespmem:$0x8230];
	v14 =	vadd.f32 v44, v43;
	v45 =	vperm.xlane v13, v3;
	_ =	sdelay $0x1  }
0x48: {  	v15 =	vperm.xlane v14, v0;
	v13 =	vadd.f32 v13, v45  }
0x49: {  	v58 =	vadd.f32 v37, v34  }
0x4a: {  	v59 =	vadd.f32 v40, v39;
	v46 =	vadd.f32 v14, v15;
	v22 =	vmul.f32 $7.812500000e-03, v13  }
0x4b: {  	v57 =	vadd.f32 v33, v32  }
0x4c: {  	v62 =	vadd.f32 v59, v58;
	v15 =	vsub.f32 v8, v22;
	v8 =	vperm.xlane v46, v1  }
0x4d: {  	v14 =	vsub.f32 v9, v22;
	v13 =	vsub.f32 v10, v22  }
0x4e: {  	v30 =	vld [tilespmem:$0x8210];
	v10 =	vsub.f32 v11, v22;
	v23 =	vadd.f32 v46, v8  }
0x4f: {  	v29 =	vld [tilespmem:$0x8200];
	v12 =	vsub.f32 v12, v22;
	v8 =	vsub.f32 v16, v22;
	v47 =	vmul.f32 v15, v15  }
0x50: {  	v11 =	vsub.f32 v17, v22;
	v48 =	vmul.f32 v14, v14;
	v31 =	vperm.xlane v23, v2  }
0x51: {  	v41 =	vld [tilespmem:$0x82A0];
	v9 =	vsub.f32 v18, v22;
	v35 =	vmul.f32 v12, v12;
	v36 =	vmul.f32 v8, v8  }
0x52: {  	v42 =	vld [tilespmem:$0x82B0];
	v49 =	vmul.f32 v13, v13;
	v50 =	vmul.f32 v10, v10;
	v23 =	vadd.f32 v23, v31  }
0x53: {  	v51 =	vmul.f32 v11, v11;
	v38 =	vmul.f32 v9, v9;
	v54 =	vadd.f32 v36, v35;
	v35 =	vld [tilespmem:$0x8280]  }
0x54: {  	v56 =	vadd.f32 v30, v29;
	v16 =	vadd.f32 v48, v47;
	v36 =	vld [tilespmem:$0x8290];
	v53 =	vperm.xlane v23, v3  }
0x55: {  	v52 =	vadd.f32 v50, v49;
	v31 =	vadd.f32 v38, v51  }
0x56: {  	v61 =	vadd.f32 v57, v56;
	v18 =	vadd.f32 v23, v53  }
0x57: {  	v16 =	vadd.f32 v52, v16;
	v55 =	vadd.f32 v31, v54  }
0x58: {  	v51 =	vadd.f32 v62, v61;
	v62 =	vadd.f32 v42, v41;
	v18 =	vmul.f32 $7.812500000e-03, v18  }
0x59: {  	v60 =	vadd.f32 v55, v16;
	v61 =	vadd.f32 v36, v35  }
0x5a: {  	v22 =	vsub.f32 v63, v18;
	v23 =	vsub.f32 v20, v18  }
0x5b: {  	v19 =	vsub.f32 v21, v18;
	v20 =	vsub.f32 v24, v18  }
0x5c: {  	v54 =	vperm.xlane v51, v0;
	v21 =	vsub.f32 v25, v18;
	v16 =	vsub.f32 v26, v18  }
0x5d: {  	v44 =	vld [tilespmem:$0x82C0];
	v17 =	vsub.f32 v27, v18;
	v52 =	vmul.f32 v22, v22;
	v53 =	vmul.f32 v23, v23  }
0x5e: {  	v47 =	vld [tilespmem:$0x82D0];
	v18 =	vsub.f32 v28, v18;
	v55 =	vmul.f32 v19, v19;
	v43 =	vmul.f32 v20, v20  }
0x5f: {  	v49 =	vld [tilespmem:$0x82E0];
	v24 =	vadd.f32 v51, v54;
	v45 =	vmul.f32 v21, v21;
	v46 =	vmul.f32 v16, v16  }
0x60: {  	v56 =	vmul.f32 v17, v17;
	v48 =	vmul.f32 v18, v18;
	v57 =	vadd.f32 v43, v55;
	v43 =	vld [tilespmem:$0x82F0]  }
0x61: {  	v63 =	vperm.xlane v60, v0;
	v58 =	vperm.xlane v24, v1;
	v25 =	vadd.f32 v53, v52  }
0x62: {  	v45 =	vadd.f32 v46, v45;
	v27 =	vadd.f32 v48, v56  }
0x63: {  	v31 =	vadd.f32 v60, v63;
	v24 =	vadd.f32 v24, v58  }
0x64: {  	v25 =	vadd.f32 v57, v25;
	v59 =	vadd.f32 v27, v45  }
0x65: {  	v63 =	vadd.f32 v47, v44;
	v60 =	vperm.xlane v24, v2;
	v48 =	vadd.f32 v43, v49  }
0x66: {  	v50 =	vadd.f32 v62, v61;
	v25 =	vadd.f32 v59, v25  }
0x67: {  	v24 =	vadd.f32 v24, v60;
	v51 =	vadd.f32 v48, v63  }
0x68: {  	v52 =	vperm.xlane v31, v1  }
0x69: {  	v53 =	vperm.xlane v25, v0;
	v54 =	vperm.xlane v24, v3;
	v26 =	vadd.f32 v51, v50  }
0x6a: {  	v55 =	vadd.f32 v31, v52  }
0x6b: {  	v25 =	vadd.f32 v25, v53;
	v24 =	vadd.f32 v24, v54;
	v56 =	vperm.xlane v26, v0  }
0x6c: {  	v31 =	vperm.xlane v55, v2  }
0x6d: {  	v38 =	vperm.xlane v25, v1;
	v45 =	vmul.f32 $7.812500000e-03, v24;
	v57 =	vadd.f32 v26, v56  }
0x6e: {  	v46 =	vadd.f32 v55, v31  }
0x6f: {  	v38 =	vadd.f32 v25, v38;
	v31 =	vsub.f32 v29, v45;
	v58 =	vperm.xlane v57, v1  }
0x70: {  	v30 =	vsub.f32 v30, v45;
	v29 =	vsub.f32 v32, v45  }
0x71: {  	v27 =	vsub.f32 v33, v45;
	v59 =	vadd.f32 v57, v58  }
0x72: {  	v28 =	vsub.f32 v34, v45;
	v24 =	vsub.f32 v37, v45;
	v60 =	vmul.f32 v31, v31  }
0x73: {  	v25 =	vsub.f32 v39, v45;
	v61 =	vmul.f32 v30, v30;
	v62 =	vperm.xlane v59, v2  }
0x74: {  	v26 =	vsub.f32 v40, v45;
	v63 =	vmul.f32 v29, v29;
	v52 =	vmul.f32 v27, v27  }
0x75: {  	v53 =	vmul.f32 v28, v28;
	v54 =	vmul.f32 v24, v24;
	v32 =	vadd.f32 v59, v62  }
0x76: {  	v55 =	vmul.f32 v25, v25;
	v50 =	vmul.f32 v26, v26  }
0x77: {  	v33 =	vadd.f32 v61, v60;
	v39 =	vadd.f32 v52, v63;
	v57 =	vperm.xlane v32, v3  }
0x78: {  	v45 =	vadd.f32 v54, v53;
	v37 =	vadd.f32 v50, v55  }
0x79: {  	v56 =	vperm.xlane v46, v3;
	v32 =	vadd.f32 v32, v57  }
0x7a: {  	v58 =	vperm.xlane v38, v2;
	v33 =	vadd.f32 v39, v33;
	v37 =	vadd.f32 v37, v45  }
0x7b: {  	v34 =	vadd.f32 v46, v56;
	v59 =	vmul.f32 $7.812500000e-03, v32  }
0x7c: {  	v40 =	vadd.f32 v38, v58;
	v60 =	vadd.f32 v37, v33  }
0x7d: {  	v39 =	vsub.f32 v35, v59;
	v37 =	vsub.f32 v36, v59  }
0x7e: {  	v46 =	vmul.f32 $7.874015710e-03, v34;
	v38 =	vsub.f32 v41, v59;
	v35 =	vsub.f32 v42, v59  }
0x7f: {  	v62 =	vperm.xlane v60, v0;
	v36 =	vsub.f32 v44, v59;
	v33 =	vsub.f32 v47, v59  }
0x80: {  	v32 =	vsub.f32 v49, v59;
	v63 =	vmul.f32 v39, v39;
	v52 =	vmul.f32 v37, v37  }
0x81: {  	v34 =	vsub.f32 v43, v59;
	v53 =	vmul.f32 v38, v38;
	v54 =	vmul.f32 v35, v35  }
0x82: {  	v55 =	vmul.f32 v36, v36;
	v56 =	vmul.f32 v33, v33  }
0x83: {  	v41 =	vadd.f32 v60, v62;
	v49 =	vmul.f32 v32, v32;
	v57 =	vmul.f32 v34, v34  }
0x84: {  	v61 =	vshra.s32 v46, $0x1;
	v42 =	vadd.f32 v52, v63;
	v43 =	vadd.f32 v54, v53  }
0x85: {  	v46 =	vmul.f32 $5.000000000e-01, v46;
	v47 =	vadd.f32 v56, v55;
	v44 =	vadd.f32 v57, v49  }
0x86: {  	v59 =	vsub.s32 $0x5F3759DF, v61;
	v61 =	vperm.xlane v40, v3;
	v58 =	vperm.xlane v41, v1  }
0x87: {  	v60 =	vmul.f32 v59, v46;
	v42 =	vadd.f32 v43, v42;
	v44 =	vadd.f32 v44, v47  }
0x88: {  	v40 =	vadd.f32 v40, v61;
	v41 =	vadd.f32 v41, v58  }
0x89: {  	v45 =	vmul.f32 v59, v60;
	v42 =	vadd.f32 v44, v42  }
0x8a: {  	v40 =	vmul.f32 $7.874015710e-03, v40;
	v62 =	vperm.xlane v41, v2  }
0x8b: {  	v63 =	vsub.f32 $1.500000000e+00, v45;
	v44 =	vperm.xlane v42, v0  }
0x8c: {  	v50 =	vshra.s32 v40, $0x1;
	v40 =	vmul.f32 $5.000000000e-01, v40;
	v41 =	vadd.f32 v41, v62  }
0x8d: {  	v43 =	vmul.f32 v59, v63;
	v52 =	vsub.s32 $0x5F3759DF, v50;
	v42 =	vadd.f32 v42, v44  }
0x8e: {  	v53 =	vmul.f32 v52, v40;
	v49 =	vperm.xlane v41, v3  }
0x8f: {  	v51 =	vmul.f32 v43, v46;
	v54 =	vperm.xlane v42, v1  }
0x90: {  	v45 =	vmul.f32 v52, v53;
	v41 =	vadd.f32 v41, v49  }
0x91: {  	v44 =	vmul.f32 v51, v43;
	v42 =	vadd.f32 v42, v54  }
0x92: {  	v45 =	vsub.f32 $1.500000000e+00, v45;
	v41 =	vmul.f32 $7.874015710e-03, v41  }
0x93: {  	v44 =	vsub.f32 $1.500000000e+00, v44;
	v56 =	vperm.xlane v42, v2  }
0x94: {  	v45 =	vmul.f32 v52, v45;
	v55 =	vshra.s32 v41, $0x1;
	v41 =	vmul.f32 $5.000000000e-01, v41  }
0x95: {  	v43 =	vmul.f32 v44, v43;
	v47 =	vsub.s32 $0x5F3759DF, v55;
	v42 =	vadd.f32 v42, v56  }
0x96: {  	v40 =	vmul.f32 v45, v40;
	v57 =	vmul.f32 v47, v41  }
0x97: {  	v15 =	vmul.f32 v43, v15;
	v58 =	vperm.xlane v42, v3  }
0x98: {  	v14 =	vmul.f32 v43, v14;
	v40 =	vmul.f32 v40, v45  }
0x99: {  	v13 =	vmul.f32 v43, v13;
	v44 =	vmul.f32 v47, v57;
	[tilespmem:$0x8100] =	vst v15;
	v59 =	vadd.f32 v42, v58  }
0x9a: {  	v10 =	vmul.f32 v43, v10;
	v12 =	vmul.f32 v43, v12;
	[tilespmem:$0x8110] =	vst v14;
	v61 =	vsub.f32 $1.500000000e+00, v40  }
0x9b: {  	v8 =	vmul.f32 v43, v8;
	[tilespmem:$0x8120] =	vst v13;
	v44 =	vsub.f32 $1.500000000e+00, v44;
	v15 =	vmul.f32 $7.874015710e-03, v59  }
0x9c: {  	v62 =	vmul.f32 v43, v11;
	[tilespmem:$0x8130] =	vst v10;
	v63 =	vmul.f32 v61, v45  }
0x9d: {  	[tilespmem:$0x8140] =	vst v12;
	v60 =	vmul.f32 v47, v44;
	v40 =	vshra.s32 v15, $0x1;
	v42 =	vmul.f32 $5.000000000e-01, v15  }
0x9e: {  	[tilespmem:$0x8150] =	vst v8;
	v8 =	vmul.f32 v43, v9;
	v45 =	vmul.f32 v63, v22;
	v12 =	vsub.s32 $0x5F3759DF, v40  }
0x9f: {  	[tilespmem:$0x8160] =	vst v62;
	v44 =	vmul.f32 v60, v41;
	v15 =	vmul.f32 v12, v42  }
0xa0: {  	[tilespmem:$0x8170] =	vst v8;
	v8 =	vmul.f32 v63, v23;
	v46 =	vmul.f32 v63, v19  }
0xa1: {  	[tilespmem:$0x8180] =	vst v45;
	v9 =	vmul.f32 v44, v60;
	v15 =	vmul.f32 v12, v15  }
0xa2: {  	v47 =	vmul.f32 v63, v21;
	[tilespmem:$0x8190] =	vst v8  }
0xa3: {  	v8 =	vmul.f32 v63, v20;
	[tilespmem:$0x81A0] =	vst v46;
	v9 =	vsub.f32 $1.500000000e+00, v9;
	v15 =	vsub.f32 $1.500000000e+00, v15  }
0xa4: {  	v48 =	vmul.f32 v63, v16;
	v50 =	vmul.f32 v63, v17;
	[tilespmem:$0x81C0] =	vst v47  }
0xa5: {  	[tilespmem:$0x81B0] =	vst v8;
	v8 =	vmul.f32 v9, v60;
	v49 =	vmul.f32 v12, v15  }
0xa6: {  	v51 =	vmul.f32 v63, v18;
	[tilespmem:$0x81D0] =	vst v48  }
0xa7: {  	[tilespmem:$0x81E0] =	vst v50;
	v52 =	vmul.f32 v8, v31;
	v53 =	vmul.f32 v49, v42  }
0xa8: {  	[tilespmem:$0x81F0] =	vst v51;
	v54 =	vmul.f32 v8, v30  }
0xa9: {  	v55 =	vmul.f32 v8, v29;
	[tilespmem:$0x8200] =	vst v52;
	v12 =	vmul.f32 v53, v49  }
0xaa: {  	v56 =	vmul.f32 v8, v27;
	[tilespmem:$0x8210] =	vst v54  }
0xab: {  	v57 =	vmul.f32 v8, v28;
	[tilespmem:$0x8220] =	vst v55;
	v12 =	vsub.f32 $1.500000000e+00, v12  }
0xac: {  	v58 =	vmul.f32 v8, v24;
	[tilespmem:$0x8230] =	vst v56  }
0xad: {  	v59 =	vmul.f32 v8, v25;
	[tilespmem:$0x8240] =	vst v57;
	v10 =	vmul.f32 v12, v49  }
0xae: {  	v8 =	vmul.f32 v8, v26;
	[tilespmem:$0x8250] =	vst v58  }
0xaf: {  	[tilespmem:$0x8260] =	vst v59;
	v60 =	vmul.f32 v10, v39  }
0xb0: {  	[tilespmem:$0x8270] =	vst v8;
	v8 =	vmul.f32 v10, v37  }
0xb1: {  	v61 =	vmul.f32 v10, v38;
	[tilespmem:$0x8280] =	vst v60  }
0xb2: {  	[tilespmem:$0x8290] =	vst v8;
	v8 =	vmul.f32 v10, v35  }
0xb3: {  	v62 =	vmul.f32 v10, v36;
	[tilespmem:$0x82A0] =	vst v61  }
0xb4: {  	[tilespmem:$0x82B0] =	vst v8;
	v8 =	vmul.f32 v10, v33  }
0xb5: {  	v63 =	vmul.f32 v10, v32;
	[tilespmem:$0x82C0] =	vst v62  }
0xb6: {  	[tilespmem:$0x82D0] =	vst v8;
	v8 =	vmul.f32 v10, v34  }
0xb7: {  	[tilespmem:$0x82E0] =	vst v63  }
0xb8: {  	[tilespmem:$0x82F0] =	vst v8  }
0xb9: {  	[hbm4b:s7+s3] =	stream.linear.scatter [tilespmem:s25], [sflag:$0x5], $0x200, $0x38;
	[tilespmem:$0x8300] =	vst v63  }
0xba: {  	_ = 	snop  }
0xbb: {  	[hbm4b:s8+s3] =	stream.linear.scatter [tilespmem:s25], [sflag:$0x5], $0x200, $0x38;
	[tilespmem:$0x8300] =	vst v63  }
0xbc: {  	_ = 	snop  }
0xbd: {  	[hbm4b:s9+s3] =	stream.linear.scatter [tilespmem:s25], [sflag:$0x5], $0x200, $0x38;
	[tilespmem:$0x8300] =	vst v63  }
0xbe: {  	_ = 	snop  }
0xbf: {  	[hbm4b:s11+s3] =	stream.linear.scatter [tilespmem:s25], [sflag:$0x5], $0x200, $0x38;
	[tilespmem:$0x8300] =	vst v63  }
0xc0: {  	_ =	swait.ge [sflag:s28], $0x2000  }
0xc1: {  	[sflag:s28] =	ssyncset.done $0x0  }
0xc2: {  	s0 =	simm.s32 $0x0;
	[sflag:s28] =	ssyncadd.s32 $0xFFFFE000  }
.LBB2_2:
0xc3: {  	s1 =	sshra.s32 s0, $0x2  }
0xc4: {  	v14 =	vld [tilespmem:s1+$0x100]  }
0xc5: {  	v15 =	vld [tilespmem:s1+$0x110]  }
0xc6: {  	v13 =	vld [tilespmem:s1+$0x120]  }
0xc7: {  	v12 =	vld [tilespmem:s1+$0x130]  }
0xc8: {  	v11 =	vld [tilespmem:s1+$0x140]  }
0xc9: {  	v10 =	vld [tilespmem:s1+$0x150]  }
0xca: {  	v9 =	vld [tilespmem:s1+$0x160]  }
0xcb: {  	v8 =	vld [tilespmem:s1+$0x170];
	_ =	sdelay $0x3  }
0xcc: {  	v16 =	vadd.f32 v15, v14;
	v17 =	vadd.f32 v12, v13  }
0xcd: {  	v18 =	vadd.f32 v10, v11;
	v19 =	vadd.f32 v8, v9;
	_ =	sdelay $0x1  }
0xce: {  	v32 =	vld [tilespmem:s1+$0x1B0];
	v37 =	vmul.f32 v14, v14;
	v16 =	vadd.f32 v17, v16;
	v36 =	vadd.f32 v19, v18  }
0xcf: {  	v33 =	vld [tilespmem:s1+$0x1C0];
	v38 =	vmul.f32 v15, v15;
	v20 =	vmul.f32 v13, v13  }
0xd0: {  	v26 =	vld [tilespmem:s1+$0x1D0];
	v21 =	vmul.f32 v12, v12;
	v22 =	vmul.f32 v11, v11;
	v16 =	vadd.f32 v36, v16  }
0xd1: {  	v27 =	vld [tilespmem:s1+$0x240];
	v23 =	vmul.f32 v10, v10;
	v39 =	vmul.f32 v9, v9  }
0xd2: {  	v24 =	vmul.f32 v8, v8;
	v18 =	vadd.f32 v38, v37;
	v37 =	vld [tilespmem:s1+$0x1A0];
	v17 =	vperm.xlane v16, v0  }
0xd3: {  	v40 =	vadd.f32 v21, v20;
	v41 =	vadd.f32 v23, v22;
	v20 =	vld [tilespmem:s1+$0x1E0]  }
0xd4: {  	v19 =	vld [tilespmem:s1+$0x220];
	v16 =	vadd.f32 v16, v17;
	v17 =	vadd.f32 v24, v39  }
0xd5: {  	v36 =	vld [tilespmem:s1+$0x190]  }
0xd6: {  	v18 =	vadd.f32 v40, v18;
	v39 =	vld [tilespmem:s1+$0x180];
	v17 =	vadd.f32 v17, v41  }
0xd7: {  	v21 =	vld [tilespmem:s1+$0x230];
	v42 =	vperm.xlane v16, v1  }
0xd8: {  	v30 =	vmul.f32 v32, v32;
	v31 =	vadd.f32 v26, v33;
	v22 =	vld [tilespmem:s1+$0x260];
	v17 =	vadd.f32 v17, v18  }
0xd9: {  	v34 =	vmul.f32 v33, v33;
	v28 =	vmul.f32 v37, v37;
	v24 =	vld [tilespmem:s1+$0x290];
	v16 =	vadd.f32 v16, v42  }
0xda: {  	v35 =	vmul.f32 v26, v26;
	v23 =	vld [tilespmem:s1+$0x280];
	v29 =	vadd.f32 v32, v37;
	v44 =	vperm.xlane v17, v0  }
0xdb: {  	v30 =	vadd.f32 v30, v28;
	v28 =	vld [tilespmem:s1+$0x250];
	v49 =	vadd.f32 v36, v39;
	v43 =	vperm.xlane v16, v2  }
0xdc: {  	v34 =	vadd.f32 v35, v34;
	v25 =	vmul.f32 v36, v36;
	v45 =	vadd.f32 v44, v17;
	v17 =	vld [tilespmem:s1+$0x1F0]  }
0xdd: {  	v41 =	vmul.f32 v20, v20;
	v53 =	vadd.f32 v29, v49;
	v29 =	vld [tilespmem:s1+$0x270];
	v16 =	vadd.f32 v16, v43  }
0xde: {  	v56 =	vadd.f32 v21, v19;
	v50 =	vmul.f32 v39, v39;
	v60 =	vmul.f32 v24, v24  }
0xdf: {  	v18 =	vld [tilespmem:s1+$0x210];
	v59 =	vadd.f32 v24, v23;
	v46 =	vperm.xlane v16, v3;
	v47 =	vperm.xlane v45, v1  }
0xe0: {  	v57 =	vadd.f32 v28, v27;
	v25 =	vadd.f32 v25, v50;
	v49 =	vmul.f32 v21, v21  }
0xe1: {  	v40 =	vadd.f32 v16, v46;
	v48 =	vadd.f32 v47, v45;
	v16 =	vld [tilespmem:s1+$0x200];
	v42 =	vmul.f32 v17, v17  }
0xe2: {  	v50 =	vmul.f32 v27, v27;
	v45 =	vadd.f32 v29, v22;
	v38 =	vadd.f32 v17, v20  }
0xe3: {  	v35 =	vld [tilespmem:s1+$0x2E0];
	v25 =	vadd.f32 v30, v25;
	v52 =	vperm.xlane v48, v2;
	v51 =	vadd.f32 v42, v41  }
0xe4: {  	v30 =	vld [tilespmem:s1+$0x2B0];
	v46 =	vmul.f32 v18, v18;
	v45 =	vadd.f32 v45, v57;
	v31 =	vadd.f32 v38, v31  }
0xe5: {  	v47 =	vmul.f32 v19, v19;
	v38 =	vld [tilespmem:s1+$0x2F0];
	v41 =	vadd.f32 v52, v48;
	v54 =	vadd.f32 v51, v34  }
0xe6: {  	v52 =	vmul.f32 v22, v22;
	v42 =	vadd.f32 v31, v53;
	v55 =	vadd.f32 v18, v16;
	v31 =	vld [tilespmem:s1+$0x2C0]  }
0xe7: {  	v58 =	vadd.f32 v49, v47;
	v44 =	vmul.f32 v16, v16;
	v34 =	vld [tilespmem:s1+$0x2D0];
	v51 =	vmul.f32 v28, v28  }
0xe8: {  	v53 =	vmul.f32 v29, v29;
	v43 =	vadd.f32 v54, v25;
	v25 =	vld [tilespmem:s1+$0x2A0];
	v48 =	vadd.f32 v56, v55  }
0xe9: {  	v44 =	vadd.f32 v46, v44;
	v47 =	vadd.f32 v51, v50;
	v51 =	vmul.f32 v23, v23  }
0xea: {  	v55 =	vmul.f32 v30, v30;
	v61 =	vadd.f32 v38, v35;
	v45 =	vadd.f32 v45, v48  }
0xeb: {  	v57 =	vmul.f32 v38, v38;
	v48 =	vadd.f32 v53, v52;
	v44 =	vadd.f32 v58, v44  }
0xec: {  	v51 =	vadd.f32 v60, v51;
	v63 =	vadd.f32 v34, v31;
	v56 =	vmul.f32 v34, v34  }
0xed: {  	v47 =	vadd.f32 v48, v47;
	v62 =	vadd.f32 v30, v25;
	v54 =	vmul.f32 v25, v25  }
0xee: {  	v50 =	vadd.f32 v61, v63;
	v63 =	vmul.f32 v35, v35;
	v61 =	vperm.xlane v45, v0  }
0xef: {  	v44 =	vadd.f32 v47, v44;
	v46 =	vadd.f32 v62, v59;
	v62 =	vmul.f32 v31, v31  }
0xf0: {  	v58 =	vadd.f32 v55, v54;
	v53 =	vadd.f32 v57, v63  }
0xf1: {  	v59 =	vperm.xlane v42, v0;
	v45 =	vadd.f32 v45, v61;
	v49 =	vadd.f32 v56, v62  }
0xf2: {  	v46 =	vadd.f32 v50, v46;
	v60 =	vadd.f32 v58, v51;
	v62 =	vperm.xlane v43, v0  }
0xf3: {  	v42 =	vadd.f32 v42, v59;
	v56 =	vperm.xlane v44, v0;
	v58 =	vperm.xlane v45, v1  }
0xf4: {  	v49 =	vadd.f32 v53, v49;
	v63 =	vperm.xlane v46, v0;
	v43 =	vadd.f32 v62, v43  }
0xf5: {  	v55 =	vperm.xlane v42, v1;
	v44 =	vadd.f32 v56, v44;
	v45 =	vadd.f32 v45, v58  }
0xf6: {  	v49 =	vadd.f32 v49, v60;
	v46 =	vadd.f32 v46, v63;
	v59 =	vperm.xlane v43, v1  }
0xf7: {  	v42 =	vadd.f32 v42, v55;
	v61 =	vperm.xlane v44, v1;
	v63 =	vperm.xlane v45, v2  }
0xf8: {  	v57 =	vperm.xlane v49, v0;
	v52 =	vperm.xlane v46, v1;
	v43 =	vadd.f32 v59, v43  }
0xf9: {  	v60 =	vperm.xlane v42, v2;
	v44 =	vadd.f32 v61, v44;
	v45 =	vadd.f32 v45, v63  }
0xfa: {  	v48 =	vperm.xlane v41, v3;
	v47 =	vadd.f32 v57, v49;
	v46 =	vadd.f32 v46, v52  }
0xfb: {  	v63 =	vmul.f32 v40, v40;
	v42 =	vadd.f32 v42, v60;
	v56 =	vperm.xlane v43, v2  }
0xfc: {  	v62 =	vperm.xlane v47, v1;
	v52 =	vperm.xlane v46, v2  }
0xfd: {  	v58 =	vperm.xlane v44, v2;
	v57 =	vperm.xlane v42, v3;
	v43 =	vadd.f32 v56, v43  }
0xfe: {  	v60 =	vperm.xlane v45, v3;
	v47 =	vadd.f32 v62, v47;
	v46 =	vadd.f32 v46, v52  }
0xff: {  	v44 =	vadd.f32 v58, v44;
	v58 =	vmul.f32 $-7.812500000e-03, v63;
	v42 =	vadd.f32 v42, v57  }
0x100: {  	v59 =	vperm.xlane v47, v2;
	v52 =	vperm.xlane v46, v3  }
0x101: {  	v45 =	vadd.f32 v45, v60;
	v61 =	vperm.xlane v43, v3;
	v57 =	vmul.f32 v42, v42  }
0x102: {  	v62 =	vperm.xlane v44, v3;
	v47 =	vadd.f32 v59, v47;
	v46 =	vadd.f32 v46, v52  }
0x103: {  	v41 =	vadd.f32 v48, v41;
	v59 =	vmul.f32 v45, v45;
	v60 =	vmul.f32 $-7.812500000e-03, v57  }
0x104: {  	v43 =	vadd.f32 v61, v43;
	v56 =	vperm.xlane v47, v3;
	v61 =	vmul.f32 v46, v46  }
0x105: {  	v41 =	vadd.f32 v58, v41;
	v44 =	vadd.f32 v62, v44;
	v62 =	vmul.f32 $-7.812500000e-03, v59  }
0x106: {  	v43 =	vadd.f32 v60, v43;
	v47 =	vadd.f32 v56, v47;
	v63 =	vmul.f32 $-7.812500000e-03, v61  }
0x107: {  	v44 =	vadd.f32 v62, v44  }
0x108: {  	v41 =	vsel vm0, v41, v43;
	v47 =	vadd.f32 v63, v47  }
0x109: {  	v41 =	vsel vm1, v41, v44  }
0x10a: {  	v41 =	vsel vm2, v41, v47  }
0x10b: {  	v41 =	vmul.f32 $7.874015710e-03, v41;
	_ =	sdelay $0x1  }
0x10c: {  	v50 =	vshra.s32 v41, $0x1;
	v41 =	vmul.f32 $5.000000000e-01, v41  }
0x10d: {  	v43 =	vsub.s32 $0x5F3759DF, v50  }
0x10e: {  	v51 =	vmul.f32 v43, v41;
	_ =	sdelay $0x1  }
0x10f: {  	v44 =	vmul.f32 v43, v51;
	_ =	sdelay $0x1  }
0x110: {  	v44 =	vsub.f32 $1.500000000e+00, v44;
	_ =	sdelay $0x1  }
0x111: {  	v43 =	vmul.f32 v43, v44;
	_ =	sdelay $0x1  }
0x112: {  	v41 =	vmul.f32 v43, v41;
	_ =	sdelay $0x1  }
0x113: {  	v41 =	vmul.f32 v41, v43;
	_ =	sdelay $0x1  }
0x114: {  	v41 =	vsub.f32 $1.500000000e+00, v41;
	_ =	sdelay $0x1  }
0x115: {  	v40 =	vmul.f32 $7.812500000e-03, v40;
	v41 =	vmul.f32 v41, v43;
	_ =	sdelay $0x1  }
0x116: {  	v14 =	vsub.f32 v14, v40;
	v43 =	vperm.xlane v41, v5  }
0x117: {  	v15 =	vsub.f32 v15, v40  }
0x118: {  	v13 =	vsub.f32 v13, v40;
	v14 =	vmul.f32 v43, v14  }
0x119: {  	v12 =	vsub.f32 v12, v40;
	v15 =	vmul.f32 v43, v15  }
0x11a: {  	v11 =	vsub.f32 v11, v40;
	v13 =	vmul.f32 v43, v13;
	[tilespmem:s1+$0x100] =	vst v14  }
0x11b: {  	v10 =	vsub.f32 v10, v40;
	v12 =	vmul.f32 v43, v12;
	[tilespmem:s1+$0x110] =	vst v15  }
0x11c: {  	v9 =	vsub.f32 v9, v40;
	v52 =	vmul.f32 $7.812500000e-03, v42;
	v11 =	vmul.f32 v43, v11;
	[tilespmem:s1+$0x120] =	vst v13  }
0x11d: {  	v8 =	vsub.f32 v8, v40;
	v10 =	vmul.f32 v43, v10;
	[tilespmem:s1+$0x130] =	vst v12  }
0x11e: {  	v54 =	vsub.f32 v39, v52;
	v53 =	vperm.xlane v41, v4;
	v9 =	vmul.f32 v43, v9;
	[tilespmem:s1+$0x140] =	vst v11  }
0x11f: {  	v55 =	vsub.f32 v36, v52;
	v8 =	vmul.f32 v43, v8;
	[tilespmem:s1+$0x150] =	vst v10  }
0x120: {  	v57 =	vsub.f32 v37, v52;
	v56 =	vmul.f32 v53, v54;
	[tilespmem:s1+$0x160] =	vst v9  }
0x121: {  	v58 =	vsub.f32 v32, v52;
	[tilespmem:s1+$0x170] =	vst v8;
	v8 =	vmul.f32 v53, v55  }
0x122: {  	v60 =	vsub.f32 v33, v52;
	v59 =	vmul.f32 v53, v57;
	[tilespmem:s1+$0x180] =	vst v56  }
0x123: {  	v61 =	vsub.f32 v26, v52;
	[tilespmem:s1+$0x190] =	vst v8;
	v8 =	vmul.f32 v53, v58  }
0x124: {  	v20 =	vsub.f32 v20, v52;
	v62 =	vmul.f32 $7.812500000e-03, v45;
	v63 =	vmul.f32 v53, v60;
	[tilespmem:s1+$0x1A0] =	vst v59  }
0x125: {  	v26 =	vsub.f32 v17, v52;
	[tilespmem:s1+$0x1B0] =	vst v8;
	v8 =	vmul.f32 v53, v61  }
0x126: {  	v36 =	vsub.f32 v16, v62;
	v33 =	vperm.xlane v41, v6;
	v32 =	vmul.f32 v53, v20;
	[tilespmem:s1+$0x1C0] =	vst v63  }
0x127: {  	v37 =	vsub.f32 v18, v62;
	[tilespmem:s1+$0x1D0] =	vst v8;
	v8 =	vmul.f32 v53, v26  }
0x128: {  	v40 =	vsub.f32 v19, v62;
	v39 =	vmul.f32 v33, v36;
	[tilespmem:s1+$0x1E0] =	vst v32  }
0x129: {  	v42 =	vsub.f32 v21, v62;
	[tilespmem:s1+$0x1F0] =	vst v8;
	v8 =	vmul.f32 v33, v37  }
0x12a: {  	v44 =	vsub.f32 v27, v62;
	v43 =	vmul.f32 v33, v40;
	[tilespmem:s1+$0x200] =	vst v39  }
0x12b: {  	v45 =	vsub.f32 v28, v62;
	[tilespmem:s1+$0x210] =	vst v8;
	v8 =	vmul.f32 v33, v42  }
0x12c: {  	v46 =	vmul.f32 $7.812500000e-03, v46;
	v48 =	vsub.f32 v22, v62;
	v47 =	vmul.f32 v33, v44;
	[tilespmem:s1+$0x220] =	vst v43  }
0x12d: {  	v49 =	vsub.f32 v29, v62;
	[tilespmem:s1+$0x230] =	vst v8;
	v8 =	vmul.f32 v33, v45  }
0x12e: {  	v52 =	vsub.f32 v23, v46;
	v51 =	vperm.xlane v41, v7;
	v50 =	vmul.f32 v33, v48;
	[tilespmem:s1+$0x240] =	vst v47  }
0x12f: {  	v53 =	vsub.f32 v24, v46;
	[tilespmem:s1+$0x250] =	vst v8;
	v8 =	vmul.f32 v33, v49  }
0x130: {  	v54 =	vmul.f32 v51, v52;
	[tilespmem:s1+$0x260] =	vst v50;
	v55 =	vsub.f32 v25, v46  }
0x131: {  	v56 =	vsub.f32 v30, v46;
	[tilespmem:s1+$0x270] =	vst v8;
	v8 =	vmul.f32 v51, v53  }
0x132: {  	[tilespmem:s1+$0x280] =	vst v54;
	v57 =	vmul.f32 v51, v55;
	v58 =	vsub.f32 v31, v46  }
0x133: {  	v59 =	vsub.f32 v34, v46;
	[tilespmem:s1+$0x290] =	vst v8;
	v8 =	vmul.f32 v51, v56  }
0x134: {  	p0 =	sne.s32 s0, $0x7800;
	[tilespmem:s1+$0x2A0] =	vst v57;
	v60 =	vmul.f32 v51, v58;
	v61 =	vsub.f32 v35, v46  }
.Ltmp0:
0x135: {  	v62 =	vsub.f32 v38, v46;
	[tilespmem:s1+$0x2B0] =	vst v8;
	v8 =	vmul.f32 v51, v59;
	(pc) =	sbr.rel @p0 .LBB2_2-.Ltmp0, $4  }
0x136: {  	[tilespmem:s1+$0x2C0] =	vst v60;
	v63 =	vmul.f32 v51, v61  }
0x137: {  	[tilespmem:s1+$0x2D0] =	vst v8;
	v8 =	vmul.f32 v51, v62  }
0x138: {  	[tilespmem:s1+$0x2E0] =	vst v63  }
0x139: {  	s0 =	sadd.s32 $0x800, s0;
	[tilespmem:s1+$0x2F0] =	vst v8  }
0x13a: {  	s0 =	simm.s32 $0x0  }
0x13b: {  	[hbm4b:s10+s0] =	stream.linear.scatter [tilespmem:s19], [sflag:$0x5], $0x2000, $0x38;
	[tilespmem:$0x8300] =	vst v63  }
0x13c: {  	_ =	swait.ge [sflag:s29], $0x2000  }
0x13d: {  	[sflag:s29] =	ssyncset.done $0x0  }
0x13e: {  	[sflag:s29] =	ssyncadd.s32 $0xFFFFE000  }
.LBB2_4:
0x13f: {  	s1 =	sshra.s32 s0, $0x2  }
0x140: {  	v14 =	vld [tilespmem:s1+$0x2100]  }
0x141: {  	v15 =	vld [tilespmem:s1+$0x2110]  }
0x142: {  	v13 =	vld [tilespmem:s1+$0x2120]  }
0x143: {  	v12 =	vld [tilespmem:s1+$0x2130]  }
0x144: {  	v11 =	vld [tilespmem:s1+$0x2140]  }
0x145: {  	v10 =	vld [tilespmem:s1+$0x2150]  }
0x146: {  	v9 =	vld [tilespmem:s1+$0x2160]  }
0x147: {  	v8 =	vld [tilespmem:s1+$0x2170];
	_ =	sdelay $0x3  }
0x148: {  	v16 =	vadd.f32 v15, v14;
	v17 =	vadd.f32 v12, v13  }
0x149: {  	v18 =	vadd.f32 v10, v11;
	v19 =	vadd.f32 v8, v9;
	_ =	sdelay $0x1  }
0x14a: {  	v32 =	vld [tilespmem:s1+$0x21B0];
	v37 =	vmul.f32 v14, v14;
	v16 =	vadd.f32 v17, v16;
	v36 =	vadd.f32 v19, v18  }
0x14b: {  	v33 =	vld [tilespmem:s1+$0x21C0];
	v38 =	vmul.f32 v15, v15;
	v20 =	vmul.f32 v13, v13  }
0x14c: {  	v26 =	vld [tilespmem:s1+$0x21D0];
	v21 =	vmul.f32 v12, v12;
	v22 =	vmul.f32 v11, v11;
	v16 =	vadd.f32 v36, v16  }
0x14d: {  	v27 =	vld [tilespmem:s1+$0x2240];
	v23 =	vmul.f32 v10, v10;
	v39 =	vmul.f32 v9, v9  }
0x14e: {  	v24 =	vmul.f32 v8, v8;
	v18 =	vadd.f32 v38, v37;
	v37 =	vld [tilespmem:s1+$0x21A0];
	v17 =	vperm.xlane v16, v0  }
0x14f: {  	v40 =	vadd.f32 v21, v20;
	v41 =	vadd.f32 v23, v22;
	v20 =	vld [tilespmem:s1+$0x21E0]  }
0x150: {  	v19 =	vld [tilespmem:s1+$0x2220];
	v16 =	vadd.f32 v16, v17;
	v17 =	vadd.f32 v24, v39  }
0x151: {  	v36 =	vld [tilespmem:s1+$0x2190]  }
0x152: {  	v18 =	vadd.f32 v40, v18;
	v39 =	vld [tilespmem:s1+$0x2180];
	v17 =	vadd.f32 v17, v41  }
0x153: {  	v21 =	vld [tilespmem:s1+$0x2230];
	v42 =	vperm.xlane v16, v1  }
0x154: {  	v30 =	vmul.f32 v32, v32;
	v31 =	vadd.f32 v26, v33;
	v22 =	vld [tilespmem:s1+$0x2260];
	v17 =	vadd.f32 v17, v18  }
0x155: {  	v34 =	vmul.f32 v33, v33;
	v28 =	vmul.f32 v37, v37;
	v24 =	vld [tilespmem:s1+$0x2290];
	v16 =	vadd.f32 v16, v42  }
0x156: {  	v35 =	vmul.f32 v26, v26;
	v23 =	vld [tilespmem:s1+$0x2280];
	v29 =	vadd.f32 v32, v37;
	v44 =	vperm.xlane v17, v0  }
0x157: {  	v30 =	vadd.f32 v30, v28;
	v28 =	vld [tilespmem:s1+$0x2250];
	v49 =	vadd.f32 v36, v39;
	v43 =	vperm.xlane v16, v2  }
0x158: {  	v34 =	vadd.f32 v35, v34;
	v25 =	vmul.f32 v36, v36;
	v45 =	vadd.f32 v44, v17;
	v17 =	vld [tilespmem:s1+$0x21F0]  }
0x159: {  	v41 =	vmul.f32 v20, v20;
	v53 =	vadd.f32 v29, v49;
	v29 =	vld [tilespmem:s1+$0x2270];
	v16 =	vadd.f32 v16, v43  }
0x15a: {  	v56 =	vadd.f32 v21, v19;
	v50 =	vmul.f32 v39, v39;
	v60 =	vmul.f32 v24, v24  }
0x15b: {  	v18 =	vld [tilespmem:s1+$0x2210];
	v59 =	vadd.f32 v24, v23;
	v46 =	vperm.xlane v16, v3;
	v47 =	vperm.xlane v45, v1  }
0x15c: {  	v57 =	vadd.f32 v28, v27;
	v25 =	vadd.f32 v25, v50;
	v49 =	vmul.f32 v21, v21  }
0x15d: {  	v40 =	vadd.f32 v16, v46;
	v48 =	vadd.f32 v47, v45;
	v16 =	vld [tilespmem:s1+$0x2200];
	v42 =	vmul.f32 v17, v17  }
0x15e: {  	v50 =	vmul.f32 v27, v27;
	v45 =	vadd.f32 v29, v22;
	v38 =	vadd.f32 v17, v20  }
0x15f: {  	v35 =	vld [tilespmem:s1+$0x22E0];
	v25 =	vadd.f32 v30, v25;
	v52 =	vperm.xlane v48, v2;
	v51 =	vadd.f32 v42, v41  }
0x160: {  	v30 =	vld [tilespmem:s1+$0x22B0];
	v46 =	vmul.f32 v18, v18;
	v45 =	vadd.f32 v45, v57;
	v31 =	vadd.f32 v38, v31  }
0x161: {  	v47 =	vmul.f32 v19, v19;
	v38 =	vld [tilespmem:s1+$0x22F0];
	v41 =	vadd.f32 v52, v48;
	v54 =	vadd.f32 v51, v34  }
0x162: {  	v52 =	vmul.f32 v22, v22;
	v42 =	vadd.f32 v31, v53;
	v55 =	vadd.f32 v18, v16;
	v31 =	vld [tilespmem:s1+$0x22C0]  }
0x163: {  	v58 =	vadd.f32 v49, v47;
	v44 =	vmul.f32 v16, v16;
	v34 =	vld [tilespmem:s1+$0x22D0];
	v51 =	vmul.f32 v28, v28  }
0x164: {  	v53 =	vmul.f32 v29, v29;
	v43 =	vadd.f32 v54, v25;
	v25 =	vld [tilespmem:s1+$0x22A0];
	v48 =	vadd.f32 v56, v55  }
0x165: {  	v44 =	vadd.f32 v46, v44;
	v47 =	vadd.f32 v51, v50;
	v51 =	vmul.f32 v23, v23  }
0x166: {  	v55 =	vmul.f32 v30, v30;
	v61 =	vadd.f32 v38, v35;
	v45 =	vadd.f32 v45, v48  }
0x167: {  	v57 =	vmul.f32 v38, v38;
	v48 =	vadd.f32 v53, v52;
	v44 =	vadd.f32 v58, v44  }
0x168: {  	v51 =	vadd.f32 v60, v51;
	v63 =	vadd.f32 v34, v31;
	v56 =	vmul.f32 v34, v34  }
0x169: {  	v47 =	vadd.f32 v48, v47;
	v62 =	vadd.f32 v30, v25;
	v54 =	vmul.f32 v25, v25  }
0x16a: {  	v50 =	vadd.f32 v61, v63;
	v63 =	vmul.f32 v35, v35;
	v61 =	vperm.xlane v45, v0  }
0x16b: {  	v44 =	vadd.f32 v47, v44;
	v46 =	vadd.f32 v62, v59;
	v62 =	vmul.f32 v31, v31  }
0x16c: {  	v58 =	vadd.f32 v55, v54;
	v53 =	vadd.f32 v57, v63  }
0x16d: {  	v59 =	vperm.xlane v42, v0;
	v45 =	vadd.f32 v45, v61;
	v49 =	vadd.f32 v56, v62  }
0x16e: {  	v46 =	vadd.f32 v50, v46;
	v60 =	vadd.f32 v58, v51;
	v62 =	vperm.xlane v43, v0  }
0x16f: {  	v42 =	vadd.f32 v42, v59;
	v56 =	vperm.xlane v44, v0;
	v58 =	vperm.xlane v45, v1  }
0x170: {  	v49 =	vadd.f32 v53, v49;
	v63 =	vperm.xlane v46, v0;
	v43 =	vadd.f32 v62, v43  }
0x171: {  	v55 =	vperm.xlane v42, v1;
	v44 =	vadd.f32 v56, v44;
	v45 =	vadd.f32 v45, v58  }
0x172: {  	v49 =	vadd.f32 v49, v60;
	v46 =	vadd.f32 v46, v63;
	v59 =	vperm.xlane v43, v1  }
0x173: {  	v42 =	vadd.f32 v42, v55;
	v61 =	vperm.xlane v44, v1;
	v63 =	vperm.xlane v45, v2  }
0x174: {  	v57 =	vperm.xlane v49, v0;
	v52 =	vperm.xlane v46, v1;
	v43 =	vadd.f32 v59, v43  }
0x175: {  	v60 =	vperm.xlane v42, v2;
	v44 =	vadd.f32 v61, v44;
	v45 =	vadd.f32 v45, v63  }
0x176: {  	v48 =	vperm.xlane v41, v3;
	v47 =	vadd.f32 v57, v49;
	v46 =	vadd.f32 v46, v52  }
0x177: {  	v63 =	vmul.f32 v40, v40;
	v42 =	vadd.f32 v42, v60;
	v56 =	vperm.xlane v43, v2  }
0x178: {  	v62 =	vperm.xlane v47, v1;
	v52 =	vperm.xlane v46, v2  }
0x179: {  	v58 =	vperm.xlane v44, v2;
	v57 =	vperm.xlane v42, v3;
	v43 =	vadd.f32 v56, v43  }
0x17a: {  	v60 =	vperm.xlane v45, v3;
	v47 =	vadd.f32 v62, v47;
	v46 =	vadd.f32 v46, v52  }
0x17b: {  	v44 =	vadd.f32 v58, v44;
	v58 =	vmul.f32 $-7.812500000e-03, v63;
	v42 =	vadd.f32 v42, v57  }
0x17c: {  	v59 =	vperm.xlane v47, v2;
	v52 =	vperm.xlane v46, v3  }
0x17d: {  	v45 =	vadd.f32 v45, v60;
	v61 =	vperm.xlane v43, v3;
	v57 =	vmul.f32 v42, v42  }
0x17e: {  	v62 =	vperm.xlane v44, v3;
	v47 =	vadd.f32 v59, v47;
	v46 =	vadd.f32 v46, v52  }
0x17f: {  	v41 =	vadd.f32 v48, v41;
	v59 =	vmul.f32 v45, v45;
	v60 =	vmul.f32 $-7.812500000e-03, v57  }
0x180: {  	v43 =	vadd.f32 v61, v43;
	v56 =	vperm.xlane v47, v3;
	v61 =	vmul.f32 v46, v46  }
0x181: {  	v41 =	vadd.f32 v58, v41;
	v44 =	vadd.f32 v62, v44;
	v62 =	vmul.f32 $-7.812500000e-03, v59  }
0x182: {  	v43 =	vadd.f32 v60, v43;
	v47 =	vadd.f32 v56, v47;
	v63 =	vmul.f32 $-7.812500000e-03, v61  }
0x183: {  	v44 =	vadd.f32 v62, v44  }
0x184: {  	v41 =	vsel vm0, v41, v43;
	v47 =	vadd.f32 v63, v47  }
0x185: {  	v41 =	vsel vm1, v41, v44  }
0x186: {  	v41 =	vsel vm2, v41, v47  }
0x187: {  	v41 =	vmul.f32 $7.874015710e-03, v41;
	_ =	sdelay $0x1  }
0x188: {  	v50 =	vshra.s32 v41, $0x1;
	v41 =	vmul.f32 $5.000000000e-01, v41  }
0x189: {  	v43 =	vsub.s32 $0x5F3759DF, v50  }
0x18a: {  	v51 =	vmul.f32 v43, v41;
	_ =	sdelay $0x1  }
0x18b: {  	v44 =	vmul.f32 v43, v51;
	_ =	sdelay $0x1  }
0x18c: {  	v44 =	vsub.f32 $1.500000000e+00, v44;
	_ =	sdelay $0x1  }
0x18d: {  	v43 =	vmul.f32 v43, v44;
	_ =	sdelay $0x1  }
0x18e: {  	v41 =	vmul.f32 v43, v41;
	_ =	sdelay $0x1  }
0x18f: {  	v41 =	vmul.f32 v41, v43;
	_ =	sdelay $0x1  }
0x190: {  	v41 =	vsub.f32 $1.500000000e+00, v41;
	_ =	sdelay $0x1  }
0x191: {  	v40 =	vmul.f32 $7.812500000e-03, v40;
	v41 =	vmul.f32 v41, v43;
	_ =	sdelay $0x1  }
0x192: {  	v14 =	vsub.f32 v14, v40;
	v43 =	vperm.xlane v41, v5  }
0x193: {  	v15 =	vsub.f32 v15, v40  }
0x194: {  	v13 =	vsub.f32 v13, v40;
	v14 =	vmul.f32 v43, v14  }
0x195: {  	v12 =	vsub.f32 v12, v40;
	v15 =	vmul.f32 v43, v15  }
0x196: {  	v11 =	vsub.f32 v11, v40;
	v13 =	vmul.f32 v43, v13;
	[tilespmem:s1+$0x2100] =	vst v14  }
0x197: {  	v10 =	vsub.f32 v10, v40;
	v12 =	vmul.f32 v43, v12;
	[tilespmem:s1+$0x2110] =	vst v15  }
0x198: {  	v9 =	vsub.f32 v9, v40;
	v52 =	vmul.f32 $7.812500000e-03, v42;
	v11 =	vmul.f32 v43, v11;
	[tilespmem:s1+$0x2120] =	vst v13  }
0x199: {  	v8 =	vsub.f32 v8, v40;
	v10 =	vmul.f32 v43, v10;
	[tilespmem:s1+$0x2130] =	vst v12  }
0x19a: {  	v54 =	vsub.f32 v39, v52;
	v53 =	vperm.xlane v41, v4;
	v9 =	vmul.f32 v43, v9;
	[tilespmem:s1+$0x2140] =	vst v11  }
0x19b: {  	v55 =	vsub.f32 v36, v52;
	v8 =	vmul.f32 v43, v8;
	[tilespmem:s1+$0x2150] =	vst v10  }
0x19c: {  	v57 =	vsub.f32 v37, v52;
	v56 =	vmul.f32 v53, v54;
	[tilespmem:s1+$0x2160] =	vst v9  }
0x19d: {  	v58 =	vsub.f32 v32, v52;
	[tilespmem:s1+$0x2170] =	vst v8;
	v8 =	vmul.f32 v53, v55  }
0x19e: {  	v60 =	vsub.f32 v33, v52;
	v59 =	vmul.f32 v53, v57;
	[tilespmem:s1+$0x2180] =	vst v56  }
0x19f: {  	v61 =	vsub.f32 v26, v52;
	[tilespmem:s1+$0x2190] =	vst v8;
	v8 =	vmul.f32 v53, v58  }
0x1a0: {  	v20 =	vsub.f32 v20, v52;
	v62 =	vmul.f32 $7.812500000e-03, v45;
	v63 =	vmul.f32 v53, v60;
	[tilespmem:s1+$0x21A0] =	vst v59  }
0x1a1: {  	v26 =	vsub.f32 v17, v52;
	[tilespmem:s1+$0x21B0] =	vst v8;
	v8 =	vmul.f32 v53, v61  }
0x1a2: {  	v36 =	vsub.f32 v16, v62;
	v33 =	vperm.xlane v41, v6;
	v32 =	vmul.f32 v53, v20;
	[tilespmem:s1+$0x21C0] =	vst v63  }
0x1a3: {  	v37 =	vsub.f32 v18, v62;
	[tilespmem:s1+$0x21D0] =	vst v8;
	v8 =	vmul.f32 v53, v26  }
0x1a4: {  	v40 =	vsub.f32 v19, v62;
	v39 =	vmul.f32 v33, v36;
	[tilespmem:s1+$0x21E0] =	vst v32  }
0x1a5: {  	v42 =	vsub.f32 v21, v62;
	[tilespmem:s1+$0x21F0] =	vst v8;
	v8 =	vmul.f32 v33, v37  }
0x1a6: {  	v44 =	vsub.f32 v27, v62;
	v43 =	vmul.f32 v33, v40;
	[tilespmem:s1+$0x2200] =	vst v39  }
0x1a7: {  	v45 =	vsub.f32 v28, v62;
	[tilespmem:s1+$0x2210] =	vst v8;
	v8 =	vmul.f32 v33, v42  }
0x1a8: {  	v46 =	vmul.f32 $7.812500000e-03, v46;
	v48 =	vsub.f32 v22, v62;
	v47 =	vmul.f32 v33, v44;
	[tilespmem:s1+$0x2220] =	vst v43  }
0x1a9: {  	v49 =	vsub.f32 v29, v62;
	[tilespmem:s1+$0x2230] =	vst v8;
	v8 =	vmul.f32 v33, v45  }
0x1aa: {  	v52 =	vsub.f32 v23, v46;
	v51 =	vperm.xlane v41, v7;
	v50 =	vmul.f32 v33, v48;
	[tilespmem:s1+$0x2240] =	vst v47  }
0x1ab: {  	v53 =	vsub.f32 v24, v46;
	[tilespmem:s1+$0x2250] =	vst v8;
	v8 =	vmul.f32 v33, v49  }
0x1ac: {  	v54 =	vmul.f32 v51, v52;
	[tilespmem:s1+$0x2260] =	vst v50;
	v55 =	vsub.f32 v25, v46  }
0x1ad: {  	v56 =	vsub.f32 v30, v46;
	[tilespmem:s1+$0x2270] =	vst v8;
	v8 =	vmul.f32 v51, v53  }
0x1ae: {  	[tilespmem:s1+$0x2280] =	vst v54;
	v57 =	vmul.f32 v51, v55;
	v58 =	vsub.f32 v31, v46  }
0x1af: {  	v59 =	vsub.f32 v34, v46;
	[tilespmem:s1+$0x2290] =	vst v8;
	v8 =	vmul.f32 v51, v56  }
0x1b0: {  	p0 =	sne.s32 s0, $0x7800;
	[tilespmem:s1+$0x22A0] =	vst v57;
	v60 =	vmul.f32 v51, v58;
	v61 =	vsub.f32 v35, v46  }
.Ltmp1:
0x1b1: {  	v62 =	vsub.f32 v38, v46;
	[tilespmem:s1+$0x22B0] =	vst v8;
	v8 =	vmul.f32 v51, v59;
	(pc) =	sbr.rel @p0 .LBB2_4-.Ltmp1, $4  }
0x1b2: {  	[tilespmem:s1+$0x22C0] =	vst v60;
	v63 =	vmul.f32 v51, v61  }
0x1b3: {  	[tilespmem:s1+$0x22D0] =	vst v8;
	v8 =	vmul.f32 v51, v62  }
0x1b4: {  	[tilespmem:s1+$0x22E0] =	vst v63  }
0x1b5: {  	s0 =	sadd.s32 $0x800, s0;
	[tilespmem:s1+$0x22F0] =	vst v8  }
0x1b6: {  	s0 =	simm.s32 $0x0  }
0x1b7: {  	[hbm4b:s12+s0] =	stream.linear.scatter [tilespmem:s20], [sflag:$0x5], $0x2000, $0x38;
	[tilespmem:$0x8300] =	vst v63  }
0x1b8: {  	_ =	swait.ge [sflag:s17], $0x2000  }
0x1b9: {  	[sflag:s17] =	ssyncset.done $0x0  }
0x1ba: {  	[sflag:s17] =	ssyncadd.s32 $0xFFFFE000  }
.LBB2_6:
0x1bb: {  	s1 =	sshra.s32 s0, $0x2  }
0x1bc: {  	v14 =	vld [tilespmem:s1+$0x4100]  }
0x1bd: {  	v15 =	vld [tilespmem:s1+$0x4110]  }
0x1be: {  	v13 =	vld [tilespmem:s1+$0x4120]  }
0x1bf: {  	v12 =	vld [tilespmem:s1+$0x4130]  }
0x1c0: {  	v11 =	vld [tilespmem:s1+$0x4140]  }
0x1c1: {  	v10 =	vld [tilespmem:s1+$0x4150]  }
0x1c2: {  	v9 =	vld [tilespmem:s1+$0x4160]  }
0x1c3: {  	v8 =	vld [tilespmem:s1+$0x4170];
	_ =	sdelay $0x3  }
0x1c4: {  	v16 =	vadd.f32 v15, v14;
	v17 =	vadd.f32 v12, v13  }
0x1c5: {  	v18 =	vadd.f32 v10, v11;
	v19 =	vadd.f32 v8, v9;
	_ =	sdelay $0x1  }
0x1c6: {  	v32 =	vld [tilespmem:s1+$0x41B0];
	v37 =	vmul.f32 v14, v14;
	v16 =	vadd.f32 v17, v16;
	v36 =	vadd.f32 v19, v18  }
0x1c7: {  	v33 =	vld [tilespmem:s1+$0x41C0];
	v38 =	vmul.f32 v15, v15;
	v20 =	vmul.f32 v13, v13  }
0x1c8: {  	v26 =	vld [tilespmem:s1+$0x41D0];
	v21 =	vmul.f32 v12, v12;
	v22 =	vmul.f32 v11, v11;
	v16 =	vadd.f32 v36, v16  }
0x1c9: {  	v27 =	vld [tilespmem:s1+$0x4240];
	v23 =	vmul.f32 v10, v10;
	v39 =	vmul.f32 v9, v9  }
0x1ca: {  	v24 =	vmul.f32 v8, v8;
	v18 =	vadd.f32 v38, v37;
	v37 =	vld [tilespmem:s1+$0x41A0];
	v17 =	vperm.xlane v16, v0  }
0x1cb: {  	v40 =	vadd.f32 v21, v20;
	v41 =	vadd.f32 v23, v22;
	v20 =	vld [tilespmem:s1+$0x41E0]  }
0x1cc: {  	v19 =	vld [tilespmem:s1+$0x4220];
	v16 =	vadd.f32 v16, v17;
	v17 =	vadd.f32 v24, v39  }
0x1cd: {  	v36 =	vld [tilespmem:s1+$0x4190]  }
0x1ce: {  	v18 =	vadd.f32 v40, v18;
	v39 =	vld [tilespmem:s1+$0x4180];
	v17 =	vadd.f32 v17, v41  }
0x1cf: {  	v21 =	vld [tilespmem:s1+$0x4230];
	v42 =	vperm.xlane v16, v1  }
0x1d0: {  	v30 =	vmul.f32 v32, v32;
	v31 =	vadd.f32 v26, v33;
	v22 =	vld [tilespmem:s1+$0x4260];
	v17 =	vadd.f32 v17, v18  }
0x1d1: {  	v34 =	vmul.f32 v33, v33;
	v28 =	vmul.f32 v37, v37;
	v24 =	vld [tilespmem:s1+$0x4290];
	v16 =	vadd.f32 v16, v42  }
0x1d2: {  	v35 =	vmul.f32 v26, v26;
	v23 =	vld [tilespmem:s1+$0x4280];
	v29 =	vadd.f32 v32, v37;
	v44 =	vperm.xlane v17, v0  }
0x1d3: {  	v30 =	vadd.f32 v30, v28;
	v28 =	vld [tilespmem:s1+$0x4250];
	v49 =	vadd.f32 v36, v39;
	v43 =	vperm.xlane v16, v2  }
0x1d4: {  	v34 =	vadd.f32 v35, v34;
	v25 =	vmul.f32 v36, v36;
	v45 =	vadd.f32 v44, v17;
	v17 =	vld [tilespmem:s1+$0x41F0]  }
0x1d5: {  	v41 =	vmul.f32 v20, v20;
	v53 =	vadd.f32 v29, v49;
	v29 =	vld [tilespmem:s1+$0x4270];
	v16 =	vadd.f32 v16, v43  }
0x1d6: {  	v56 =	vadd.f32 v21, v19;
	v50 =	vmul.f32 v39, v39;
	v60 =	vmul.f32 v24, v24  }
0x1d7: {  	v18 =	vld [tilespmem:s1+$0x4210];
	v59 =	vadd.f32 v24, v23;
	v46 =	vperm.xlane v16, v3;
	v47 =	vperm.xlane v45, v1  }
0x1d8: {  	v57 =	vadd.f32 v28, v27;
	v25 =	vadd.f32 v25, v50;
	v49 =	vmul.f32 v21, v21  }
0x1d9: {  	v40 =	vadd.f32 v16, v46;
	v48 =	vadd.f32 v47, v45;
	v16 =	vld [tilespmem:s1+$0x4200];
	v42 =	vmul.f32 v17, v17  }
0x1da: {  	v50 =	vmul.f32 v27, v27;
	v45 =	vadd.f32 v29, v22;
	v38 =	vadd.f32 v17, v20  }
0x1db: {  	v35 =	vld [tilespmem:s1+$0x42E0];
	v25 =	vadd.f32 v30, v25;
	v52 =	vperm.xlane v48, v2;
	v51 =	vadd.f32 v42, v41  }
0x1dc: {  	v30 =	vld [tilespmem:s1+$0x42B0];
	v46 =	vmul.f32 v18, v18;
	v45 =	vadd.f32 v45, v57;
	v31 =	vadd.f32 v38, v31  }
0x1dd: {  	v47 =	vmul.f32 v19, v19;
	v38 =	vld [tilespmem:s1+$0x42F0];
	v41 =	vadd.f32 v52, v48;
	v54 =	vadd.f32 v51, v34  }
0x1de: {  	v52 =	vmul.f32 v22, v22;
	v42 =	vadd.f32 v31, v53;
	v55 =	vadd.f32 v18, v16;
	v31 =	vld [tilespmem:s1+$0x42C0]  }
0x1df: {  	v58 =	vadd.f32 v49, v47;
	v44 =	vmul.f32 v16, v16;
	v34 =	vld [tilespmem:s1+$0x42D0];
	v51 =	vmul.f32 v28, v28  }
0x1e0: {  	v53 =	vmul.f32 v29, v29;
	v43 =	vadd.f32 v54, v25;
	v25 =	vld [tilespmem:s1+$0x42A0];
	v48 =	vadd.f32 v56, v55  }
0x1e1: {  	v44 =	vadd.f32 v46, v44;
	v47 =	vadd.f32 v51, v50;
	v51 =	vmul.f32 v23, v23  }
0x1e2: {  	v55 =	vmul.f32 v30, v30;
	v61 =	vadd.f32 v38, v35;
	v45 =	vadd.f32 v45, v48  }
0x1e3: {  	v57 =	vmul.f32 v38, v38;
	v48 =	vadd.f32 v53, v52;
	v44 =	vadd.f32 v58, v44  }
0x1e4: {  	v51 =	vadd.f32 v60, v51;
	v63 =	vadd.f32 v34, v31;
	v56 =	vmul.f32 v34, v34  }
0x1e5: {  	v47 =	vadd.f32 v48, v47;
	v62 =	vadd.f32 v30, v25;
	v54 =	vmul.f32 v25, v25  }
0x1e6: {  	v50 =	vadd.f32 v61, v63;
	v63 =	vmul.f32 v35, v35;
	v61 =	vperm.xlane v45, v0  }
0x1e7: {  	v44 =	vadd.f32 v47, v44;
	v46 =	vadd.f32 v62, v59;
	v62 =	vmul.f32 v31, v31  }
0x1e8: {  	v58 =	vadd.f32 v55, v54;
	v53 =	vadd.f32 v57, v63  }
0x1e9: {  	v59 =	vperm.xlane v42, v0;
	v45 =	vadd.f32 v45, v61;
	v49 =	vadd.f32 v56, v62  }
0x1ea: {  	v46 =	vadd.f32 v50, v46;
	v60 =	vadd.f32 v58, v51;
	v62 =	vperm.xlane v43, v0  }
0x1eb: {  	v42 =	vadd.f32 v42, v59;
	v56 =	vperm.xlane v44, v0;
	v58 =	vperm.xlane v45, v1  }
0x1ec: {  	v49 =	vadd.f32 v53, v49;
	v63 =	vperm.xlane v46, v0;
	v43 =	vadd.f32 v62, v43  }
0x1ed: {  	v55 =	vperm.xlane v42, v1;
	v44 =	vadd.f32 v56, v44;
	v45 =	vadd.f32 v45, v58  }
0x1ee: {  	v49 =	vadd.f32 v49, v60;
	v46 =	vadd.f32 v46, v63;
	v59 =	vperm.xlane v43, v1  }
0x1ef: {  	v42 =	vadd.f32 v42, v55;
	v61 =	vperm.xlane v44, v1;
	v63 =	vperm.xlane v45, v2  }
0x1f0: {  	v57 =	vperm.xlane v49, v0;
	v52 =	vperm.xlane v46, v1;
	v43 =	vadd.f32 v59, v43  }
0x1f1: {  	v60 =	vperm.xlane v42, v2;
	v44 =	vadd.f32 v61, v44;
	v45 =	vadd.f32 v45, v63  }
0x1f2: {  	v48 =	vperm.xlane v41, v3;
	v47 =	vadd.f32 v57, v49;
	v46 =	vadd.f32 v46, v52  }
0x1f3: {  	v63 =	vmul.f32 v40, v40;
	v42 =	vadd.f32 v42, v60;
	v56 =	vperm.xlane v43, v2  }
0x1f4: {  	v62 =	vperm.xlane v47, v1;
	v52 =	vperm.xlane v46, v2  }
0x1f5: {  	v58 =	vperm.xlane v44, v2;
	v57 =	vperm.xlane v42, v3;
	v43 =	vadd.f32 v56, v43  }
0x1f6: {  	v60 =	vperm.xlane v45, v3;
	v47 =	vadd.f32 v62, v47;
	v46 =	vadd.f32 v46, v52  }
0x1f7: {  	v44 =	vadd.f32 v58, v44;
	v58 =	vmul.f32 $-7.812500000e-03, v63;
	v42 =	vadd.f32 v42, v57  }
0x1f8: {  	v59 =	vperm.xlane v47, v2;
	v52 =	vperm.xlane v46, v3  }
0x1f9: {  	v45 =	vadd.f32 v45, v60;
	v61 =	vperm.xlane v43, v3;
	v57 =	vmul.f32 v42, v42  }
0x1fa: {  	v62 =	vperm.xlane v44, v3;
	v47 =	vadd.f32 v59, v47;
	v46 =	vadd.f32 v46, v52  }
0x1fb: {  	v41 =	vadd.f32 v48, v41;
	v59 =	vmul.f32 v45, v45;
	v60 =	vmul.f32 $-7.812500000e-03, v57  }
0x1fc: {  	v43 =	vadd.f32 v61, v43;
	v56 =	vperm.xlane v47, v3;
	v61 =	vmul.f32 v46, v46  }
0x1fd: {  	v41 =	vadd.f32 v58, v41;
	v44 =	vadd.f32 v62, v44;
	v62 =	vmul.f32 $-7.812500000e-03, v59  }
0x1fe: {  	v43 =	vadd.f32 v60, v43;
	v47 =	vadd.f32 v56, v47;
	v63 =	vmul.f32 $-7.812500000e-03, v61  }
0x1ff: {  	v44 =	vadd.f32 v62, v44  }
0x200: {  	v41 =	vsel vm0, v41, v43;
	v47 =	vadd.f32 v63, v47  }
0x201: {  	v41 =	vsel vm1, v41, v44  }
0x202: {  	v41 =	vsel vm2, v41, v47  }
0x203: {  	v41 =	vmul.f32 $7.874015710e-03, v41;
	_ =	sdelay $0x1  }
0x204: {  	v50 =	vshra.s32 v41, $0x1;
	v41 =	vmul.f32 $5.000000000e-01, v41  }
0x205: {  	v43 =	vsub.s32 $0x5F3759DF, v50  }
0x206: {  	v51 =	vmul.f32 v43, v41;
	_ =	sdelay $0x1  }
0x207: {  	v44 =	vmul.f32 v43, v51;
	_ =	sdelay $0x1  }
0x208: {  	v44 =	vsub.f32 $1.500000000e+00, v44;
	_ =	sdelay $0x1  }
0x209: {  	v43 =	vmul.f32 v43, v44;
	_ =	sdelay $0x1  }
0x20a: {  	v41 =	vmul.f32 v43, v41;
	_ =	sdelay $0x1  }
0x20b: {  	v41 =	vmul.f32 v41, v43;
	_ =	sdelay $0x1  }
0x20c: {  	v41 =	vsub.f32 $1.500000000e+00, v41;
	_ =	sdelay $0x1  }
0x20d: {  	v40 =	vmul.f32 $7.812500000e-03, v40;
	v41 =	vmul.f32 v41, v43;
	_ =	sdelay $0x1  }
0x20e: {  	v14 =	vsub.f32 v14, v40;
	v43 =	vperm.xlane v41, v5  }
0x20f: {  	v15 =	vsub.f32 v15, v40  }
0x210: {  	v13 =	vsub.f32 v13, v40;
	v14 =	vmul.f32 v43, v14  }
0x211: {  	v12 =	vsub.f32 v12, v40;
	v15 =	vmul.f32 v43, v15  }
0x212: {  	v11 =	vsub.f32 v11, v40;
	v13 =	vmul.f32 v43, v13;
	[tilespmem:s1+$0x4100] =	vst v14  }
0x213: {  	v10 =	vsub.f32 v10, v40;
	v12 =	vmul.f32 v43, v12;
	[tilespmem:s1+$0x4110] =	vst v15  }
0x214: {  	v9 =	vsub.f32 v9, v40;
	v52 =	vmul.f32 $7.812500000e-03, v42;
	v11 =	vmul.f32 v43, v11;
	[tilespmem:s1+$0x4120] =	vst v13  }
0x215: {  	v8 =	vsub.f32 v8, v40;
	v10 =	vmul.f32 v43, v10;
	[tilespmem:s1+$0x4130] =	vst v12  }
0x216: {  	v54 =	vsub.f32 v39, v52;
	v53 =	vperm.xlane v41, v4;
	v9 =	vmul.f32 v43, v9;
	[tilespmem:s1+$0x4140] =	vst v11  }
0x217: {  	v55 =	vsub.f32 v36, v52;
	v8 =	vmul.f32 v43, v8;
	[tilespmem:s1+$0x4150] =	vst v10  }
0x218: {  	v57 =	vsub.f32 v37, v52;
	v56 =	vmul.f32 v53, v54;
	[tilespmem:s1+$0x4160] =	vst v9  }
0x219: {  	v58 =	vsub.f32 v32, v52;
	[tilespmem:s1+$0x4170] =	vst v8;
	v8 =	vmul.f32 v53, v55  }
0x21a: {  	v60 =	vsub.f32 v33, v52;
	v59 =	vmul.f32 v53, v57;
	[tilespmem:s1+$0x4180] =	vst v56  }
0x21b: {  	v61 =	vsub.f32 v26, v52;
	[tilespmem:s1+$0x4190] =	vst v8;
	v8 =	vmul.f32 v53, v58  }
0x21c: {  	v20 =	vsub.f32 v20, v52;
	v62 =	vmul.f32 $7.812500000e-03, v45;
	v63 =	vmul.f32 v53, v60;
	[tilespmem:s1+$0x41A0] =	vst v59  }
0x21d: {  	v26 =	vsub.f32 v17, v52;
	[tilespmem:s1+$0x41B0] =	vst v8;
	v8 =	vmul.f32 v53, v61  }
0x21e: {  	v36 =	vsub.f32 v16, v62;
	v33 =	vperm.xlane v41, v6;
	v32 =	vmul.f32 v53, v20;
	[tilespmem:s1+$0x41C0] =	vst v63  }
0x21f: {  	v37 =	vsub.f32 v18, v62;
	[tilespmem:s1+$0x41D0] =	vst v8;
	v8 =	vmul.f32 v53, v26  }
0x220: {  	v40 =	vsub.f32 v19, v62;
	v39 =	vmul.f32 v33, v36;
	[tilespmem:s1+$0x41E0] =	vst v32  }
0x221: {  	v42 =	vsub.f32 v21, v62;
	[tilespmem:s1+$0x41F0] =	vst v8;
	v8 =	vmul.f32 v33, v37  }
0x222: {  	v44 =	vsub.f32 v27, v62;
	v43 =	vmul.f32 v33, v40;
	[tilespmem:s1+$0x4200] =	vst v39  }
0x223: {  	v45 =	vsub.f32 v28, v62;
	[tilespmem:s1+$0x4210] =	vst v8;
	v8 =	vmul.f32 v33, v42  }
0x224: {  	v46 =	vmul.f32 $7.812500000e-03, v46;
	v48 =	vsub.f32 v22, v62;
	v47 =	vmul.f32 v33, v44;
	[tilespmem:s1+$0x4220] =	vst v43  }
0x225: {  	v49 =	vsub.f32 v29, v62;
	[tilespmem:s1+$0x4230] =	vst v8;
	v8 =	vmul.f32 v33, v45  }
0x226: {  	v52 =	vsub.f32 v23, v46;
	v51 =	vperm.xlane v41, v7;
	v50 =	vmul.f32 v33, v48;
	[tilespmem:s1+$0x4240] =	vst v47  }
0x227: {  	v53 =	vsub.f32 v24, v46;
	[tilespmem:s1+$0x4250] =	vst v8;
	v8 =	vmul.f32 v33, v49  }
0x228: {  	v54 =	vmul.f32 v51, v52;
	[tilespmem:s1+$0x4260] =	vst v50;
	v55 =	vsub.f32 v25, v46  }
0x229: {  	v56 =	vsub.f32 v30, v46;
	[tilespmem:s1+$0x4270] =	vst v8;
	v8 =	vmul.f32 v51, v53  }
0x22a: {  	[tilespmem:s1+$0x4280] =	vst v54;
	v57 =	vmul.f32 v51, v55;
	v58 =	vsub.f32 v31, v46  }
0x22b: {  	v59 =	vsub.f32 v34, v46;
	[tilespmem:s1+$0x4290] =	vst v8;
	v8 =	vmul.f32 v51, v56  }
0x22c: {  	p0 =	sne.s32 s0, $0x7800;
	[tilespmem:s1+$0x42A0] =	vst v57;
	v60 =	vmul.f32 v51, v58;
	v61 =	vsub.f32 v35, v46  }
.Ltmp2:
0x22d: {  	v62 =	vsub.f32 v38, v46;
	[tilespmem:s1+$0x42B0] =	vst v8;
	v8 =	vmul.f32 v51, v59;
	(pc) =	sbr.rel @p0 .LBB2_6-.Ltmp2, $4  }
0x22e: {  	[tilespmem:s1+$0x42C0] =	vst v60;
	v63 =	vmul.f32 v51, v61  }
0x22f: {  	[tilespmem:s1+$0x42D0] =	vst v8;
	v8 =	vmul.f32 v51, v62  }
0x230: {  	[tilespmem:s1+$0x42E0] =	vst v63  }
0x231: {  	s0 =	sadd.s32 $0x800, s0;
	[tilespmem:s1+$0x42F0] =	vst v8  }
0x232: {  	s0 =	simm.s32 $0x0  }
0x233: {  	[hbm4b:s13+s0] =	stream.linear.scatter [tilespmem:s22], [sflag:$0x5], $0x2000, $0x38;
	[tilespmem:$0x8300] =	vst v63  }
0x234: {  	_ =	swait.ge [sflag:s21], $0x2000  }
0x235: {  	[sflag:s21] =	ssyncset.done $0x0  }
0x236: {  	[sflag:s21] =	ssyncadd.s32 $0xFFFFE000  }
.LBB2_8:
0x237: {  	s1 =	sshra.s32 s0, $0x2  }
0x238: {  	v14 =	vld [tilespmem:s1+$0x6100]  }
0x239: {  	v15 =	vld [tilespmem:s1+$0x6110]  }
0x23a: {  	v13 =	vld [tilespmem:s1+$0x6120]  }
0x23b: {  	v12 =	vld [tilespmem:s1+$0x6130]  }
0x23c: {  	v11 =	vld [tilespmem:s1+$0x6140]  }
0x23d: {  	v10 =	vld [tilespmem:s1+$0x6150]  }
0x23e: {  	v9 =	vld [tilespmem:s1+$0x6160]  }
0x23f: {  	v8 =	vld [tilespmem:s1+$0x6170];
	_ =	sdelay $0x3  }
0x240: {  	v16 =	vadd.f32 v15, v14;
	v17 =	vadd.f32 v12, v13  }
0x241: {  	v18 =	vadd.f32 v10, v11;
	v19 =	vadd.f32 v8, v9;
	_ =	sdelay $0x1  }
0x242: {  	v32 =	vld [tilespmem:s1+$0x61B0];
	v37 =	vmul.f32 v14, v14;
	v16 =	vadd.f32 v17, v16;
	v36 =	vadd.f32 v19, v18  }
0x243: {  	v33 =	vld [tilespmem:s1+$0x61C0];
	v38 =	vmul.f32 v15, v15;
	v20 =	vmul.f32 v13, v13  }
0x244: {  	v26 =	vld [tilespmem:s1+$0x61D0];
	v21 =	vmul.f32 v12, v12;
	v22 =	vmul.f32 v11, v11;
	v16 =	vadd.f32 v36, v16  }
0x245: {  	v27 =	vld [tilespmem:s1+$0x6240];
	v23 =	vmul.f32 v10, v10;
	v39 =	vmul.f32 v9, v9  }
0x246: {  	v24 =	vmul.f32 v8, v8;
	v18 =	vadd.f32 v38, v37;
	v37 =	vld [tilespmem:s1+$0x61A0];
	v17 =	vperm.xlane v16, v0  }
0x247: {  	v40 =	vadd.f32 v21, v20;
	v41 =	vadd.f32 v23, v22;
	v20 =	vld [tilespmem:s1+$0x61E0]  }
0x248: {  	v19 =	vld [tilespmem:s1+$0x6220];
	v16 =	vadd.f32 v16, v17;
	v17 =	vadd.f32 v24, v39  }
0x249: {  	v36 =	vld [tilespmem:s1+$0x6190]  }
0x24a: {  	v18 =	vadd.f32 v40, v18;
	v39 =	vld [tilespmem:s1+$0x6180];
	v17 =	vadd.f32 v17, v41  }
0x24b: {  	v21 =	vld [tilespmem:s1+$0x6230];
	v42 =	vperm.xlane v16, v1  }
0x24c: {  	v30 =	vmul.f32 v32, v32;
	v31 =	vadd.f32 v26, v33;
	v22 =	vld [tilespmem:s1+$0x6260];
	v17 =	vadd.f32 v17, v18  }
0x24d: {  	v34 =	vmul.f32 v33, v33;
	v28 =	vmul.f32 v37, v37;
	v24 =	vld [tilespmem:s1+$0x6290];
	v16 =	vadd.f32 v16, v42  }
0x24e: {  	v35 =	vmul.f32 v26, v26;
	v23 =	vld [tilespmem:s1+$0x6280];
	v29 =	vadd.f32 v32, v37;
	v44 =	vperm.xlane v17, v0  }
0x24f: {  	v30 =	vadd.f32 v30, v28;
	v28 =	vld [tilespmem:s1+$0x6250];
	v49 =	vadd.f32 v36, v39;
	v43 =	vperm.xlane v16, v2  }
0x250: {  	v34 =	vadd.f32 v35, v34;
	v25 =	vmul.f32 v36, v36;
	v45 =	vadd.f32 v44, v17;
	v17 =	vld [tilespmem:s1+$0x61F0]  }
0x251: {  	v41 =	vmul.f32 v20, v20;
	v53 =	vadd.f32 v29, v49;
	v29 =	vld [tilespmem:s1+$0x6270];
	v16 =	vadd.f32 v16, v43  }
0x252: {  	v56 =	vadd.f32 v21, v19;
	v50 =	vmul.f32 v39, v39;
	v60 =	vmul.f32 v24, v24  }
0x253: {  	v18 =	vld [tilespmem:s1+$0x6210];
	v59 =	vadd.f32 v24, v23;
	v46 =	vperm.xlane v16, v3;
	v47 =	vperm.xlane v45, v1  }
0x254: {  	v57 =	vadd.f32 v28, v27;
	v25 =	vadd.f32 v25, v50;
	v49 =	vmul.f32 v21, v21  }
0x255: {  	v40 =	vadd.f32 v16, v46;
	v48 =	vadd.f32 v47, v45;
	v16 =	vld [tilespmem:s1+$0x6200];
	v42 =	vmul.f32 v17, v17  }
0x256: {  	v50 =	vmul.f32 v27, v27;
	v45 =	vadd.f32 v29, v22;
	v38 =	vadd.f32 v17, v20  }
0x257: {  	v35 =	vld [tilespmem:s1+$0x62E0];
	v25 =	vadd.f32 v30, v25;
	v52 =	vperm.xlane v48, v2;
	v51 =	vadd.f32 v42, v41  }
0x258: {  	v30 =	vld [tilespmem:s1+$0x62B0];
	v46 =	vmul.f32 v18, v18;
	v45 =	vadd.f32 v45, v57;
	v31 =	vadd.f32 v38, v31  }
0x259: {  	v47 =	vmul.f32 v19, v19;
	v38 =	vld [tilespmem:s1+$0x62F0];
	v41 =	vadd.f32 v52, v48;
	v54 =	vadd.f32 v51, v34  }
0x25a: {  	v52 =	vmul.f32 v22, v22;
	v42 =	vadd.f32 v31, v53;
	v55 =	vadd.f32 v18, v16;
	v31 =	vld [tilespmem:s1+$0x62C0]  }
0x25b: {  	v58 =	vadd.f32 v49, v47;
	v44 =	vmul.f32 v16, v16;
	v34 =	vld [tilespmem:s1+$0x62D0];
	v51 =	vmul.f32 v28, v28  }
0x25c: {  	v53 =	vmul.f32 v29, v29;
	v43 =	vadd.f32 v54, v25;
	v25 =	vld [tilespmem:s1+$0x62A0];
	v48 =	vadd.f32 v56, v55  }
0x25d: {  	v44 =	vadd.f32 v46, v44;
	v47 =	vadd.f32 v51, v50;
	v51 =	vmul.f32 v23, v23  }
0x25e: {  	v55 =	vmul.f32 v30, v30;
	v61 =	vadd.f32 v38, v35;
	v45 =	vadd.f32 v45, v48  }
0x25f: {  	v57 =	vmul.f32 v38, v38;
	v48 =	vadd.f32 v53, v52;
	v44 =	vadd.f32 v58, v44  }
0x260: {  	v51 =	vadd.f32 v60, v51;
	v63 =	vadd.f32 v34, v31;
	v56 =	vmul.f32 v34, v34  }
0x261: {  	v47 =	vadd.f32 v48, v47;
	v62 =	vadd.f32 v30, v25;
	v54 =	vmul.f32 v25, v25  }
0x262: {  	v50 =	vadd.f32 v61, v63;
	v63 =	vmul.f32 v35, v35;
	v61 =	vperm.xlane v45, v0  }
0x263: {  	v44 =	vadd.f32 v47, v44;
	v46 =	vadd.f32 v62, v59;
	v62 =	vmul.f32 v31, v31  }
0x264: {  	v58 =	vadd.f32 v55, v54;
	v53 =	vadd.f32 v57, v63  }
0x265: {  	v59 =	vperm.xlane v42, v0;
	v45 =	vadd.f32 v45, v61;
	v49 =	vadd.f32 v56, v62  }
0x266: {  	v46 =	vadd.f32 v50, v46;
	v60 =	vadd.f32 v58, v51;
	v62 =	vperm.xlane v43, v0  }
0x267: {  	v42 =	vadd.f32 v42, v59;
	v56 =	vperm.xlane v44, v0;
	v58 =	vperm.xlane v45, v1  }
0x268: {  	v49 =	vadd.f32 v53, v49;
	v63 =	vperm.xlane v46, v0;
	v43 =	vadd.f32 v62, v43  }
0x269: {  	v55 =	vperm.xlane v42, v1;
	v44 =	vadd.f32 v56, v44;
	v45 =	vadd.f32 v45, v58  }
0x26a: {  	v49 =	vadd.f32 v49, v60;
	v46 =	vadd.f32 v46, v63;
	v59 =	vperm.xlane v43, v1  }
0x26b: {  	v42 =	vadd.f32 v42, v55;
	v61 =	vperm.xlane v44, v1;
	v63 =	vperm.xlane v45, v2  }
0x26c: {  	v57 =	vperm.xlane v49, v0;
	v52 =	vperm.xlane v46, v1;
	v43 =	vadd.f32 v59, v43  }
0x26d: {  	v60 =	vperm.xlane v42, v2;
	v44 =	vadd.f32 v61, v44;
	v45 =	vadd.f32 v45, v63  }
0x26e: {  	v48 =	vperm.xlane v41, v3;
	v47 =	vadd.f32 v57, v49;
	v46 =	vadd.f32 v46, v52  }
0x26f: {  	v63 =	vmul.f32 v40, v40;
	v42 =	vadd.f32 v42, v60;
	v56 =	vperm.xlane v43, v2  }
0x270: {  	v62 =	vperm.xlane v47, v1;
	v52 =	vperm.xlane v46, v2  }
0x271: {  	v58 =	vperm.xlane v44, v2;
	v57 =	vperm.xlane v42, v3;
	v43 =	vadd.f32 v56, v43  }
0x272: {  	v60 =	vperm.xlane v45, v3;
	v47 =	vadd.f32 v62, v47;
	v46 =	vadd.f32 v46, v52  }
0x273: {  	v44 =	vadd.f32 v58, v44;
	v58 =	vmul.f32 $-7.812500000e-03, v63;
	v42 =	vadd.f32 v42, v57  }
0x274: {  	v59 =	vperm.xlane v47, v2;
	v52 =	vperm.xlane v46, v3  }
0x275: {  	v45 =	vadd.f32 v45, v60;
	v61 =	vperm.xlane v43, v3;
	v57 =	vmul.f32 v42, v42  }
0x276: {  	v62 =	vperm.xlane v44, v3;
	v47 =	vadd.f32 v59, v47;
	v46 =	vadd.f32 v46, v52  }
0x277: {  	v41 =	vadd.f32 v48, v41;
	v59 =	vmul.f32 v45, v45;
	v60 =	vmul.f32 $-7.812500000e-03, v57  }
0x278: {  	v43 =	vadd.f32 v61, v43;
	v56 =	vperm.xlane v47, v3;
	v61 =	vmul.f32 v46, v46  }
0x279: {  	v41 =	vadd.f32 v58, v41;
	v44 =	vadd.f32 v62, v44;
	v62 =	vmul.f32 $-7.812500000e-03, v59  }
0x27a: {  	v43 =	vadd.f32 v60, v43;
	v47 =	vadd.f32 v56, v47;
	v63 =	vmul.f32 $-7.812500000e-03, v61  }
0x27b: {  	v44 =	vadd.f32 v62, v44  }
0x27c: {  	v41 =	vsel vm0, v41, v43;
	v47 =	vadd.f32 v63, v47  }
0x27d: {  	v41 =	vsel vm1, v41, v44  }
0x27e: {  	v41 =	vsel vm2, v41, v47  }
0x27f: {  	v41 =	vmul.f32 $7.874015710e-03, v41;
	_ =	sdelay $0x1  }
0x280: {  	v50 =	vshra.s32 v41, $0x1;
	v41 =	vmul.f32 $5.000000000e-01, v41  }
0x281: {  	v43 =	vsub.s32 $0x5F3759DF, v50  }
0x282: {  	v51 =	vmul.f32 v43, v41;
	_ =	sdelay $0x1  }
0x283: {  	v44 =	vmul.f32 v43, v51;
	_ =	sdelay $0x1  }
0x284: {  	v44 =	vsub.f32 $1.500000000e+00, v44;
	_ =	sdelay $0x1  }
0x285: {  	v43 =	vmul.f32 v43, v44;
	_ =	sdelay $0x1  }
0x286: {  	v41 =	vmul.f32 v43, v41;
	_ =	sdelay $0x1  }
0x287: {  	v41 =	vmul.f32 v41, v43;
	_ =	sdelay $0x1  }
0x288: {  	v41 =	vsub.f32 $1.500000000e+00, v41;
	_ =	sdelay $0x1  }
0x289: {  	v40 =	vmul.f32 $7.812500000e-03, v40;
	v41 =	vmul.f32 v41, v43;
	_ =	sdelay $0x1  }
0x28a: {  	v14 =	vsub.f32 v14, v40;
	v43 =	vperm.xlane v41, v5  }
0x28b: {  	v15 =	vsub.f32 v15, v40  }
0x28c: {  	v13 =	vsub.f32 v13, v40;
	v14 =	vmul.f32 v43, v14  }
0x28d: {  	v12 =	vsub.f32 v12, v40;
	v15 =	vmul.f32 v43, v15  }
0x28e: {  	v11 =	vsub.f32 v11, v40;
	v13 =	vmul.f32 v43, v13;
	[tilespmem:s1+$0x6100] =	vst v14  }
0x28f: {  	v10 =	vsub.f32 v10, v40;
	v12 =	vmul.f32 v43, v12;
	[tilespmem:s1+$0x6110] =	vst v15  }
0x290: {  	v9 =	vsub.f32 v9, v40;
	v52 =	vmul.f32 $7.812500000e-03, v42;
	v11 =	vmul.f32 v43, v11;
	[tilespmem:s1+$0x6120] =	vst v13  }
0x291: {  	v8 =	vsub.f32 v8, v40;
	v10 =	vmul.f32 v43, v10;
	[tilespmem:s1+$0x6130] =	vst v12  }
0x292: {  	v54 =	vsub.f32 v39, v52;
	v53 =	vperm.xlane v41, v4;
	v9 =	vmul.f32 v43, v9;
	[tilespmem:s1+$0x6140] =	vst v11  }
0x293: {  	v55 =	vsub.f32 v36, v52;
	v8 =	vmul.f32 v43, v8;
	[tilespmem:s1+$0x6150] =	vst v10  }
0x294: {  	v57 =	vsub.f32 v37, v52;
	v56 =	vmul.f32 v53, v54;
	[tilespmem:s1+$0x6160] =	vst v9  }
0x295: {  	v58 =	vsub.f32 v32, v52;
	[tilespmem:s1+$0x6170] =	vst v8;
	v8 =	vmul.f32 v53, v55  }
0x296: {  	v60 =	vsub.f32 v33, v52;
	v59 =	vmul.f32 v53, v57;
	[tilespmem:s1+$0x6180] =	vst v56  }
0x297: {  	v61 =	vsub.f32 v26, v52;
	[tilespmem:s1+$0x6190] =	vst v8;
	v8 =	vmul.f32 v53, v58  }
0x298: {  	v20 =	vsub.f32 v20, v52;
	v62 =	vmul.f32 $7.812500000e-03, v45;
	v63 =	vmul.f32 v53, v60;
	[tilespmem:s1+$0x61A0] =	vst v59  }
0x299: {  	v26 =	vsub.f32 v17, v52;
	[tilespmem:s1+$0x61B0] =	vst v8;
	v8 =	vmul.f32 v53, v61  }
0x29a: {  	v36 =	vsub.f32 v16, v62;
	v33 =	vperm.xlane v41, v6;
	v32 =	vmul.f32 v53, v20;
	[tilespmem:s1+$0x61C0] =	vst v63  }
0x29b: {  	v37 =	vsub.f32 v18, v62;
	[tilespmem:s1+$0x61D0] =	vst v8;
	v8 =	vmul.f32 v53, v26  }
0x29c: {  	v40 =	vsub.f32 v19, v62;
	v39 =	vmul.f32 v33, v36;
	[tilespmem:s1+$0x61E0] =	vst v32  }
0x29d: {  	v42 =	vsub.f32 v21, v62;
	[tilespmem:s1+$0x61F0] =	vst v8;
	v8 =	vmul.f32 v33, v37  }
0x29e: {  	v44 =	vsub.f32 v27, v62;
	v43 =	vmul.f32 v33, v40;
	[tilespmem:s1+$0x6200] =	vst v39  }
0x29f: {  	v45 =	vsub.f32 v28, v62;
	[tilespmem:s1+$0x6210] =	vst v8;
	v8 =	vmul.f32 v33, v42  }
0x2a0: {  	v46 =	vmul.f32 $7.812500000e-03, v46;
	v48 =	vsub.f32 v22, v62;
	v47 =	vmul.f32 v33, v44;
	[tilespmem:s1+$0x6220] =	vst v43  }
0x2a1: {  	v49 =	vsub.f32 v29, v62;
	[tilespmem:s1+$0x6230] =	vst v8;
	v8 =	vmul.f32 v33, v45  }
0x2a2: {  	v52 =	vsub.f32 v23, v46;
	v51 =	vperm.xlane v41, v7;
	v50 =	vmul.f32 v33, v48;
	[tilespmem:s1+$0x6240] =	vst v47  }
0x2a3: {  	v53 =	vsub.f32 v24, v46;
	[tilespmem:s1+$0x6250] =	vst v8;
	v8 =	vmul.f32 v33, v49  }
0x2a4: {  	v54 =	vmul.f32 v51, v52;
	[tilespmem:s1+$0x6260] =	vst v50;
	v55 =	vsub.f32 v25, v46  }
0x2a5: {  	v56 =	vsub.f32 v30, v46;
	[tilespmem:s1+$0x6270] =	vst v8;
	v8 =	vmul.f32 v51, v53  }
0x2a6: {  	[tilespmem:s1+$0x6280] =	vst v54;
	v57 =	vmul.f32 v51, v55;
	v58 =	vsub.f32 v31, v46  }
0x2a7: {  	v59 =	vsub.f32 v34, v46;
	[tilespmem:s1+$0x6290] =	vst v8;
	v8 =	vmul.f32 v51, v56  }
0x2a8: {  	p0 =	sne.s32 s0, $0x7800;
	[tilespmem:s1+$0x62A0] =	vst v57;
	v60 =	vmul.f32 v51, v58;
	v61 =	vsub.f32 v35, v46  }
.Ltmp3:
0x2a9: {  	v62 =	vsub.f32 v38, v46;
	[tilespmem:s1+$0x62B0] =	vst v8;
	v8 =	vmul.f32 v51, v59;
	(pc) =	sbr.rel @p0 .LBB2_8-.Ltmp3, $4  }
0x2aa: {  	[tilespmem:s1+$0x62C0] =	vst v60;
	v63 =	vmul.f32 v51, v61  }
0x2ab: {  	[tilespmem:s1+$0x62D0] =	vst v8;
	v8 =	vmul.f32 v51, v62  }
0x2ac: {  	[tilespmem:s1+$0x62E0] =	vst v63  }
0x2ad: {  	s0 =	sadd.s32 $0x800, s0;
	[tilespmem:s1+$0x62F0] =	vst v8  }
0x2ae: {  	[hbm4b:s14+s3] =	stream.linear.scatter [tilespmem:s24], [sflag:$0x5], $0x2000, $0x38;
	[tilespmem:$0x8300] =	vst v63  }
0x2af: {  	_ =	swait.ge [sflag:s30], $0x200  }
0x2b0: {  	[sflag:s30] =	ssyncset.done $0x0  }
0x2b1: {  	[sflag:s30] =	ssyncadd.s32 $0xFFFFFE00  }
0x2b2: {  	_ =	swait.ge [sflag:s30], $0x200  }
0x2b3: {  	[sflag:s30] =	ssyncset.done $0x0  }
0x2b4: {  	[sflag:s30] =	ssyncadd.s32 $0xFFFFFE00  }
0x2b5: {  	_ =	swait.ge [sflag:s30], $0x200  }
0x2b6: {  	[sflag:s30] =	ssyncset.done $0x0  }
0x2b7: {  	[sflag:s30] =	ssyncadd.s32 $0xFFFFFE00  }
0x2b8: {  	_ =	swait.ge [sflag:s30], $0x200  }
0x2b9: {  	[sflag:s30] =	ssyncset.done $0x0  }
0x2ba: {  	[sflag:s30] =	ssyncadd.s32 $0xFFFFFE00  }
0x2bb: {  	_ =	swait.ge [sflag:s30], $0x2000  }
0x2bc: {  	[sflag:s30] =	ssyncset.done $0x0  }
0x2bd: {  	[sflag:s30] =	ssyncadd.s32 $0xFFFFE000  }
0x2be: {  	_ =	swait.ge [sflag:s30], $0x2000  }
0x2bf: {  	[sflag:s30] =	ssyncset.done $0x0  }
0x2c0: {  	s31 =	sadd.s32 $0x1, s31;
	[sflag:s30] =	ssyncadd.s32 $0xFFFFE000  }
0x2c1: {  	p0 =	sne.s32 s31, s15;
	_ =	swait.ge [sflag:s30], $0x2000  }
.Ltmp4:
0x2c2: {  	[sflag:s30] =	ssyncset.done $0x0;
	(pc) =	sbr.rel @p0 .LBB2_1-.Ltmp4, $4  }
0x2c3: {  	[sflag:s30] =	ssyncadd.s32 $0xFFFFE000  }
0x2c4: {  	_ =	swait.ge [sflag:s30], $0x2000  }
0x2c5: {  	[sflag:s30] =	ssyncset.done $0x0  }
0x2c6: {  	[sflag:s30] =	ssyncadd.s32 $0xFFFFE000  }
0x2c7: {  	_ =	sfence.sel $0x180000  }
0x2c8: {  	[bflag:$0x0] =	sbarrier.arrive $0xFFFF  }
0x2c9: {  	_ =	strace $0x90000047  }
0x2ca: {  	s0 =	stileid.u32;
	[bflag:$0x2] =	sbarrier.arrive $0xFFFF  }
0x2cb: {  	p0 =	sne.s32 s0, $0x0;
	s0 =	rddreg [dreg:$0x5]  }
0x2cc: {  	s0 =	sadd.s32 @!p0 $0x100000, s0  }
0x2cd: {  	[sflag:s0] =	ssyncadd.tile.s32 @!p0 $0x1;
	_ =	shalt  }
.Lfunc_end2:
_tile_overlayer_lowered:
.L_overlay_start_2:
0x2ce: {  	(tag) =	ssettag $0x2  }
0x2cf: {  	s0 =	rddreg [dreg:$0x0];
	s2 =	stileid.u32  }
0x2d0: {  	s1 =	rddreg [dreg:$0x1];
	p0 =	sne.s32 s2, $0x0  }
0x2d1: {  	s3 =	rddreg [dreg:$0x2];
	[bflag:$0x3] =	sbarrier.arrive $0xFFFF;
	s2 =	simm.s32 @!p0 $0x1C06  }
0x2d2: {  	[timem:s3], [sflag:s2] =	dma.local @!p0 [hbm:s0], s1  }
0x2d3: {  	s0 =	simm.s32 @!p0 $0x6  }
0x2d4: {  	_ =	swait.ge @!p0 [sflag:s0], s1  }
0x2d5: {  	s1 =	ssub.s32 @!p0 $0x0, s1;
	[sflag:s0] =	ssyncset.done @!p0 $0x0  }
0x2d6: {  	[sflag:s0] =	ssyncadd.s32 @!p0 s1  }
0x2d7: {  	[bflag:$0x3] =	sbarrier.arrive $0xFFFF  }
0x2d8: {  	_ =	shalt  }

</sc_bundles>
